<compile_context>
chip_gen: v7x
topology: tpu7x:2x2x1
jax: 0.10.2.dev20260603
libtpu: 0.0.44.dev20260713+nightly
codegen_flags: <defaults>
</compile_context>

<pallas_src>
import functools

import jax
import jax.numpy as jnp
from jax import lax
from jax.experimental import pallas as pl
from jax.experimental.pallas import tpu as pltpu
from jax.experimental.pallas import tpu_sc as plsc

_VOCAB = 100000
_D = 768
_BATCH = 4
_SEQ = 2048
_NC = 2
_NS = 16
_NW = _NC * _NS
_POS_W = _SEQ // _NW
_PSUB = 8
_NSUB = _POS_W // _PSUB
_ROWS = _BATCH * _PSUB
_NBUF = 4
_LANES = 16
_VECS = _D // _LANES


def _emb_body(ids_hbm, tok_hbm, pos_hbm, out_hbm,
              ids_stage, idx_v,
              tv0, tv1, tv2, tv3, pv0, pv1, pv2, pv3,
              si0, si1, si2, si3, so0, so1, so2, so3):
    wid = lax.axis_index("c") * _NS + lax.axis_index("s")
    pos0 = wid * _POS_W

    tv = (tv0, tv1, tv2, tv3)
    pv = (pv0, pv1, pv2, pv3)
    s_in = (si0, si1, si2, si3)
    s_out = (so0, so1, so2, so3)

    stage_h = [
        pltpu.async_copy(ids_hbm.at[bat, pl.ds(pos0, _POS_W)],
                         ids_stage.at[pl.ds(bat * _POS_W, _POS_W)], si0)
        for bat in range(_BATCH)
    ]
    for hnd in stage_h:
        hnd.wait()
    for h in range(_NSUB):
        for bat in range(_BATCH):
            idx_v[pl.ds((h * _BATCH + bat) * _PSUB, _PSUB)] = (
                ids_stage[pl.ds(bat * _POS_W + h * _PSUB, _PSUB)])

    def fire(h, b):
        g = pltpu.async_copy(tok_hbm.at[idx_v.at[pl.ds(h * _ROWS, _ROWS)]],
                             tv[b], s_in[b])
        p = pltpu.async_copy(pos_hbm.at[pl.ds(pos0 + h * _PSUB, _PSUB)],
                             pv[b], s_in[b])
        return (g, p)

    in_h = [None] * _NBUF
    out_h = [[] for _ in range(_NBUF)]
    for h in range(_NBUF - 1):
        in_h[h] = fire(h, h)

    for h in range(_NSUB):
        b = h % _NBUF
        nxt = h + _NBUF - 1
        if nxt < _NSUB:
            nb = nxt % _NBUF
            for hnd in out_h[nb]:
                hnd.wait()
            out_h[nb] = []
            in_h[nb] = fire(nxt, nb)
        in_h[b][0].wait()
        in_h[b][1].wait()

        tvb, pvb = tv[b], pv[b]

        @plsc.parallel_loop(0, _PSUB * _VECS, 1, unroll=2)
        def _add(k):
            p = k & (_PSUB - 1)
            j = k >> 3
            s = pl.ds(j * _LANES, _LANES)
            pvec = pvb[p, s]
            for bat in range(_BATCH):
                r = bat * _PSUB + p
                tvb[r, s] = tvb[r, s] + pvec

        for bat in range(_BATCH):
            out_h[b].append(pltpu.async_copy(
                tvb.at[pl.ds(bat * _PSUB, _PSUB)],
                out_hbm.at[bat, pl.ds(pos0 + h * _PSUB, _PSUB)],
                s_out[b]))

    for hnds in out_h:
        for hnd in hnds:
            hnd.wait()


@jax.jit
def _emb(input_ids, token_table, pos_table):
    mesh = plsc.VectorSubcoreMesh(core_axis_name="c", subcore_axis_name="s")
    run = functools.partial(
        pl.kernel,
        mesh=mesh,
        out_type=jax.ShapeDtypeStruct((_BATCH, _SEQ, _D), jnp.float32),
        scratch_types=[
            pltpu.VMEM((_BATCH * _POS_W,), jnp.int32),
            pltpu.VMEM((_BATCH * _POS_W,), jnp.int32),
            pltpu.VMEM((_ROWS, _D), jnp.float32),
            pltpu.VMEM((_ROWS, _D), jnp.float32),
            pltpu.VMEM((_ROWS, _D), jnp.float32),
            pltpu.VMEM((_ROWS, _D), jnp.float32),
            pltpu.VMEM((_PSUB, _D), jnp.float32),
            pltpu.VMEM((_PSUB, _D), jnp.float32),
            pltpu.VMEM((_PSUB, _D), jnp.float32),
            pltpu.VMEM((_PSUB, _D), jnp.float32),
            pltpu.SemaphoreType.DMA,
            pltpu.SemaphoreType.DMA,
            pltpu.SemaphoreType.DMA,
            pltpu.SemaphoreType.DMA,
            pltpu.SemaphoreType.DMA,
            pltpu.SemaphoreType.DMA,
            pltpu.SemaphoreType.DMA,
            pltpu.SemaphoreType.DMA,
        ],
    )(_emb_body)
    return run(input_ids, token_table, pos_table)


def kernel(input_ids, token_table, pos_table):
    return _emb(input_ids.astype(jnp.int32), token_table, pos_table)

# --- scband reference (transcript-rebuilt; emitter-appended) ---
"""Pipeline reference for scband-embeddings-34127810134454 (READ-ONLY COPY).

The authoritative reference and input builder live on the scoring server;
editing this copy changes nothing except your own understanding.
"""

import jax, jax.numpy as jnp
import numpy as np

VOCAB = 100000
MAX_POS = 2048
D_MODEL = 768
BATCH = 4
SEQ = 2048

def setup_inputs(seed: int = 0) -> dict:
    key = jax.random.key(seed)
    k1, k2, k3 = jax.random.split(key, 3)
    input_ids = jax.random.randint(k1, (BATCH, SEQ), 0, VOCAB, dtype=jnp.int64) if jax.config.jax_enable_x64 else jax.random.randint(k1, (BATCH, SEQ), 0, VOCAB, dtype=jnp.int32)
    token_table = jax.random.normal(k2, (VOCAB, D_MODEL), dtype=jnp.float32) * 0.02
    pos_table = jax.random.normal(k3, (MAX_POS, D_MODEL), dtype=jnp.float32) * 0.02
    return {"input_ids": input_ids, "token_table": token_table, "pos_table": pos_table}

def reference(input_ids, token_table, pos_table):
    batch_size, seq_length = input_ids.shape
    positions = jnp.arange(0, seq_length)
    positions = jnp.broadcast_to(positions[None, :], (batch_size, seq_length))
    token_emb = jnp.take(token_table, input_ids, axis=0)
    pos_emb = jnp.take(pos_table, positions, axis=0)
    # dropout with p=0.0 (eval / identity)
    return token_emb + pos_emb

if __name__ == "__main__":
    import jax
    _d = setup_inputs()
    print(jax.jit(kernel)(*tuple(_d.values())))

</pallas_src>

<mosaic_0001>
#map = affine_map<(d0, d1) -> (0, 0)>
#map1 = affine_map<(d0, d1) -> (0, 0, 0)>
module attributes {stable_mosaic.version = 14 : i64} {
  func.func @_emb_body(%arg0: i32, %arg1: i32, %arg2: memref<4x2048xi32, #tpu.memory_space<hbm>>, %arg3: memref<100000x768xf32, #tpu.memory_space<hbm>>, %arg4: memref<2048x768xf32, #tpu.memory_space<hbm>>, %arg5: memref<4x2048x768xf32, #tpu.memory_space<hbm>>, %arg6: memref<256xi32, #tpu.memory_space<vmem>>, %arg7: memref<256xi32, #tpu.memory_space<vmem>>, %arg8: memref<32x768xf32, #tpu.memory_space<vmem>>, %arg9: memref<32x768xf32, #tpu.memory_space<vmem>>, %arg10: memref<32x768xf32, #tpu.memory_space<vmem>>, %arg11: memref<32x768xf32, #tpu.memory_space<vmem>>, %arg12: memref<8x768xf32, #tpu.memory_space<vmem>>, %arg13: memref<8x768xf32, #tpu.memory_space<vmem>>, %arg14: memref<8x768xf32, #tpu.memory_space<vmem>>, %arg15: memref<8x768xf32, #tpu.memory_space<vmem>>, %arg16: memref<!tpu.dma_semaphore, #tpu.memory_space<semaphore_mem>>, %arg17: memref<!tpu.dma_semaphore, #tpu.memory_space<semaphore_mem>>, %arg18: memref<!tpu.dma_semaphore, #tpu.memory_space<semaphore_mem>>, %arg19: memref<!tpu.dma_semaphore, #tpu.memory_space<semaphore_mem>>, %arg20: memref<!tpu.dma_semaphore, #tpu.memory_space<semaphore_mem>>, %arg21: memref<!tpu.dma_semaphore, #tpu.memory_space<semaphore_mem>>, %arg22: memref<!tpu.dma_semaphore, #tpu.memory_space<semaphore_mem>>, %arg23: memref<!tpu.dma_semaphore, #tpu.memory_space<semaphore_mem>>) attributes {dimension_semantics = [#tpu.dimension_semantics<core_parallel>, #tpu.dimension_semantics<subcore_parallel>], iteration_bounds = array<i64: 2, 16>, scalar_prefetch = 0 : i64, scratch_operands = 18 : i64, tpu.core_type = #tpu.core_type<sc_vector_subcore>, window_params = [{transform_indices = #map}, {transform_indices = #map}, {transform_indices = #map}, {transform_indices = #map1}]} {
    %mul3A = arith.constant 16 : i32
    %mul3A_0 = arith.muli %arg0, %mul3A : i32
    %add3A = arith.addi %mul3A_0, %arg1 : i32
    %mul3A_1 = arith.constant 64 : i32
    %mul3A_2 = arith.muli %add3A, %mul3A_1 : i32
    %dma_start3A = arith.constant 0 : i32
    %dma_start3A_3 = arith.constant 0 : i32
    %dma_start3A_4 = tpu.memref_slice %arg6[%dma_start3A_3] : memref<256xi32, #tpu.memory_space<vmem>> -> memref<64xi32, #tpu.memory_space<vmem>>
    %dma_start3A_5 = tpu.memref_slice %arg2[%dma_start3A, %mul3A_2] : memref<4x2048xi32, #tpu.memory_space<hbm>> -> memref<1x64xi32, #tpu.memory_space<hbm>>
    %dma_start3A_6 = tpu.memref_squeeze %dma_start3A_5 : memref<1x64xi32, #tpu.memory_space<hbm>> -> memref<64xi32, #tpu.memory_space<hbm>>
    %dma_start3A_7 = arith.constant 0 : i32
    %dma_start3A_8 = tpu.memref_slice %arg6[%dma_start3A_7] : memref<256xi32, #tpu.memory_space<vmem>> -> memref<64xi32, #tpu.memory_space<vmem>>
    %dma_start3A_9 = tpu.memref_slice %arg2[%dma_start3A, %mul3A_2] : memref<4x2048xi32, #tpu.memory_space<hbm>> -> memref<1x64xi32, #tpu.memory_space<hbm>>
    %dma_start3A_10 = tpu.memref_squeeze %dma_start3A_9 : memref<1x64xi32, #tpu.memory_space<hbm>> -> memref<64xi32, #tpu.memory_space<hbm>>
    tpu.enqueue_dma source(%dma_start3A_10 : memref<64xi32, #tpu.memory_space<hbm>>) target(%dma_start3A_8 : memref<64xi32, #tpu.memory_space<vmem>>) target_semaphore(%arg16 : memref<!tpu.dma_semaphore, #tpu.memory_space<semaphore_mem>>)
    %dma_start3A_11 = arith.constant 1 : i32
    %dma_start3A_12 = arith.constant 64 : i32
    %dma_start3A_13 = tpu.memref_slice %arg6[%dma_start3A_12] : memref<256xi32, #tpu.memory_space<vmem>> -> memref<64xi32, #tpu.memory_space<vmem>>
    %dma_start3A_14 = tpu.memref_slice %arg2[%dma_start3A_11, %mul3A_2] : memref<4x2048xi32, #tpu.memory_space<hbm>> -> memref<1x64xi32, #tpu.memory_space<hbm>>
    %dma_start3A_15 = tpu.memref_squeeze %dma_start3A_14 : memref<1x64xi32, #tpu.memory_space<hbm>> -> memref<64xi32, #tpu.memory_space<hbm>>
    %dma_start3A_16 = arith.constant 64 : i32
    %dma_start3A_17 = tpu.memref_slice %arg6[%dma_start3A_16] : memref<256xi32, #tpu.memory_space<vmem>> -> memref<64xi32, #tpu.memory_space<vmem>>
    %dma_start3A_18 = tpu.memref_slice %arg2[%dma_start3A_11, %mul3A_2] : memref<4x2048xi32, #tpu.memory_space<hbm>> -> memref<1x64xi32, #tpu.memory_space<hbm>>
    %dma_start3A_19 = tpu.memref_squeeze %dma_start3A_18 : memref<1x64xi32, #tpu.memory_space<hbm>> -> memref<64xi32, #tpu.memory_space<hbm>>
    tpu.enqueue_dma source(%dma_start3A_19 : memref<64xi32, #tpu.memory_space<hbm>>) target(%dma_start3A_17 : memref<64xi32, #tpu.memory_space<vmem>>) target_semaphore(%arg16 : memref<!tpu.dma_semaphore, #tpu.memory_space<semaphore_mem>>)
    %dma_start3A_20 = arith.constant 2 : i32
    %dma_start3A_21 = arith.constant 128 : i32
    %dma_start3A_22 = tpu.memref_slice %arg6[%dma_start3A_21] : memref<256xi32, #tpu.memory_space<vmem>> -> memref<64xi32, #tpu.memory_space<vmem>>
    %dma_start3A_23 = tpu.memref_slice %arg2[%dma_start3A_20, %mul3A_2] : memref<4x2048xi32, #tpu.memory_space<hbm>> -> memref<1x64xi32, #tpu.memory_space<hbm>>
    %dma_start3A_24 = tpu.memref_squeeze %dma_start3A_23 : memref<1x64xi32, #tpu.memory_space<hbm>> -> memref<64xi32, #tpu.memory_space<hbm>>
    %dma_start3A_25 = arith.constant 128 : i32
    %dma_start3A_26 = tpu.memref_slice %arg6[%dma_start3A_25] : memref<256xi32, #tpu.memory_space<vmem>> -> memref<64xi32, #tpu.memory_space<vmem>>
    %dma_start3A_27 = tpu.memref_slice %arg2[%dma_start3A_20, %mul3A_2] : memref<4x2048xi32, #tpu.memory_space<hbm>> -> memref<1x64xi32, #tpu.memory_space<hbm>>
    %dma_start3A_28 = tpu.memref_squeeze %dma_start3A_27 : memref<1x64xi32, #tpu.memory_space<hbm>> -> memref<64xi32, #tpu.memory_space<hbm>>
    tpu.enqueue_dma source(%dma_start3A_28 : memref<64xi32, #tpu.memory_space<hbm>>) target(%dma_start3A_26 : memref<64xi32, #tpu.memory_space<vmem>>) target_semaphore(%arg16 : memref<!tpu.dma_semaphore, #tpu.memory_space<semaphore_mem>>)
    %dma_start3A_29 = arith.constant 3 : i32
    %dma_start3A_30 = arith.constant 192 : i32
    %dma_start3A_31 = tpu.memref_slice %arg6[%dma_start3A_30] : memref<256xi32, #tpu.memory_space<vmem>> -> memref<64xi32, #tpu.memory_space<vmem>>
    %dma_start3A_32 = tpu.memref_slice %arg2[%dma_start3A_29, %mul3A_2] : memref<4x2048xi32, #tpu.memory_space<hbm>> -> memref<1x64xi32, #tpu.memory_space<hbm>>
    %dma_start3A_33 = tpu.memref_squeeze %dma_start3A_32 : memref<1x64xi32, #tpu.memory_space<hbm>> -> memref<64xi32, #tpu.memory_space<hbm>>
    %dma_start3A_34 = arith.constant 192 : i32
    %dma_start3A_35 = tpu.memref_slice %arg6[%dma_start3A_34] : memref<256xi32, #tpu.memory_space<vmem>> -> memref<64xi32, #tpu.memory_space<vmem>>
    %dma_start3A_36 = tpu.memref_slice %arg2[%dma_start3A_29, %mul3A_2] : memref<4x2048xi32, #tpu.memory_space<hbm>> -> memref<1x64xi32, #tpu.memory_space<hbm>>
    %dma_start3A_37 = tpu.memref_squeeze %dma_start3A_36 : memref<1x64xi32, #tpu.memory_space<hbm>> -> memref<64xi32, #tpu.memory_space<hbm>>
    tpu.enqueue_dma source(%dma_start3A_37 : memref<64xi32, #tpu.memory_space<hbm>>) target(%dma_start3A_35 : memref<64xi32, #tpu.memory_space<vmem>>) target_semaphore(%arg16 : memref<!tpu.dma_semaphore, #tpu.memory_space<semaphore_mem>>)
    %dma_wait3A = arith.constant 0 : i32
    %dma_wait3A_38 = arith.constant 0 : i32
    %dma_wait3A_39 = tpu.memref_slice %arg6[%dma_wait3A_38] : memref<256xi32, #tpu.memory_space<vmem>> -> memref<64xi32, #tpu.memory_space<vmem>>
    %dma_wait3A_40 = tpu.memref_slice %arg2[%dma_wait3A, %mul3A_2] : memref<4x2048xi32, #tpu.memory_space<hbm>> -> memref<1x64xi32, #tpu.memory_space<hbm>>
    %dma_wait3A_41 = tpu.memref_squeeze %dma_wait3A_40 : memref<1x64xi32, #tpu.memory_space<hbm>> -> memref<64xi32, #tpu.memory_space<hbm>>
    %dma_wait3A_42 = arith.constant 0 : i32
    %dma_wait3A_43 = tpu.memref_slice %arg6[%dma_wait3A_42] : memref<256xi32, #tpu.memory_space<vmem>> -> memref<64xi32, #tpu.memory_space<vmem>>
    %dma_wait3A_44 = tpu.memref_slice %arg2[%dma_wait3A, %mul3A_2] : memref<4x2048xi32, #tpu.memory_space<hbm>> -> memref<1x64xi32, #tpu.memory_space<hbm>>
    %dma_wait3A_45 = tpu.memref_squeeze %dma_wait3A_44 : memref<1x64xi32, #tpu.memory_space<hbm>> -> memref<64xi32, #tpu.memory_space<hbm>>
    tpu.wait_dma2 semaphore(%arg16 : memref<!tpu.dma_semaphore, #tpu.memory_space<semaphore_mem>>) src(%dma_wait3A_45 : memref<64xi32, #tpu.memory_space<hbm>>) dst(%dma_wait3A_43 : memref<64xi32, #tpu.memory_space<vmem>>)
    %dma_wait3A_46 = arith.constant 1 : i32
    %dma_wait3A_47 = arith.constant 64 : i32
    %dma_wait3A_48 = tpu.memref_slice %arg6[%dma_wait3A_47] : memref<256xi32, #tpu.memory_space<vmem>> -> memref<64xi32, #tpu.memory_space<vmem>>
    %dma_wait3A_49 = tpu.memref_slice %arg2[%dma_wait3A_46, %mul3A_2] : memref<4x2048xi32, #tpu.memory_space<hbm>> -> memref<1x64xi32, #tpu.memory_space<hbm>>
    %dma_wait3A_50 = tpu.memref_squeeze %dma_wait3A_49 : memref<1x64xi32, #tpu.memory_space<hbm>> -> memref<64xi32, #tpu.memory_space<hbm>>
    %dma_wait3A_51 = arith.constant 64 : i32
    %dma_wait3A_52 = tpu.memref_slice %arg6[%dma_wait3A_51] : memref<256xi32, #tpu.memory_space<vmem>> -> memref<64xi32, #tpu.memory_space<vmem>>
    %dma_wait3A_53 = tpu.memref_slice %arg2[%dma_wait3A_46, %mul3A_2] : memref<4x2048xi32, #tpu.memory_space<hbm>> -> memref<1x64xi32, #tpu.memory_space<hbm>>
    %dma_wait3A_54 = tpu.memref_squeeze %dma_wait3A_53 : memref<1x64xi32, #tpu.memory_space<hbm>> -> memref<64xi32, #tpu.memory_space<hbm>>
    tpu.wait_dma2 semaphore(%arg16 : memref<!tpu.dma_semaphore, #tpu.memory_space<semaphore_mem>>) src(%dma_wait3A_54 : memref<64xi32, #tpu.memory_space<hbm>>) dst(%dma_wait3A_52 : memref<64xi32, #tpu.memory_space<vmem>>)
    %dma_wait3A_55 = arith.constant 2 : i32
    %dma_wait3A_56 = arith.constant 128 : i32
    %dma_wait3A_57 = tpu.memref_slice %arg6[%dma_wait3A_56] : memref<256xi32, #tpu.memory_space<vmem>> -> memref<64xi32, #tpu.memory_space<vmem>>
    %dma_wait3A_58 = tpu.memref_slice %arg2[%dma_wait3A_55, %mul3A_2] : memref<4x2048xi32, #tpu.memory_space<hbm>> -> memref<1x64xi32, #tpu.memory_space<hbm>>
    %dma_wait3A_59 = tpu.memref_squeeze %dma_wait3A_58 : memref<1x64xi32, #tpu.memory_space<hbm>> -> memref<64xi32, #tpu.memory_space<hbm>>
    %dma_wait3A_60 = arith.constant 128 : i32
    %dma_wait3A_61 = tpu.memref_slice %arg6[%dma_wait3A_60] : memref<256xi32, #tpu.memory_space<vmem>> -> memref<64xi32, #tpu.memory_space<vmem>>
    %dma_wait3A_62 = tpu.memref_slice %arg2[%dma_wait3A_55, %mul3A_2] : memref<4x2048xi32, #tpu.memory_space<hbm>> -> memref<1x64xi32, #tpu.memory_space<hbm>>
    %dma_wait3A_63 = tpu.memref_squeeze %dma_wait3A_62 : memref<1x64xi32, #tpu.memory_space<hbm>> -> memref<64xi32, #tpu.memory_space<hbm>>
    tpu.wait_dma2 semaphore(%arg16 : memref<!tpu.dma_semaphore, #tpu.memory_space<semaphore_mem>>) src(%dma_wait3A_63 : memref<64xi32, #tpu.memory_space<hbm>>) dst(%dma_wait3A_61 : memref<64xi32, #tpu.memory_space<vmem>>)
    %dma_wait3A_64 = arith.constant 3 : i32
    %dma_wait3A_65 = arith.constant 192 : i32
    %dma_wait3A_66 = tpu.memref_slice %arg6[%dma_wait3A_65] : memref<256xi32, #tpu.memory_space<vmem>> -> memref<64xi32, #tpu.memory_space<vmem>>
    %dma_wait3A_67 = tpu.memref_slice %arg2[%dma_wait3A_64, %mul3A_2] : memref<4x2048xi32, #tpu.memory_space<hbm>> -> memref<1x64xi32, #tpu.memory_space<hbm>>
    %dma_wait3A_68 = tpu.memref_squeeze %dma_wait3A_67 : memref<1x64xi32, #tpu.memory_space<hbm>> -> memref<64xi32, #tpu.memory_space<hbm>>
    %dma_wait3A_69 = arith.constant 192 : i32
    %dma_wait3A_70 = tpu.memref_slice %arg6[%dma_wait3A_69] : memref<256xi32, #tpu.memory_space<vmem>> -> memref<64xi32, #tpu.memory_space<vmem>>
    %dma_wait3A_71 = tpu.memref_slice %arg2[%dma_wait3A_64, %mul3A_2] : memref<4x2048xi32, #tpu.memory_space<hbm>> -> memref<1x64xi32, #tpu.memory_space<hbm>>
    %dma_wait3A_72 = tpu.memref_squeeze %dma_wait3A_71 : memref<1x64xi32, #tpu.memory_space<hbm>> -> memref<64xi32, #tpu.memory_space<hbm>>
    tpu.wait_dma2 semaphore(%arg16 : memref<!tpu.dma_semaphore, #tpu.memory_space<semaphore_mem>>) src(%dma_wait3A_72 : memref<64xi32, #tpu.memory_space<hbm>>) dst(%dma_wait3A_70 : memref<64xi32, #tpu.memory_space<vmem>>)
    %get3A = arith.constant 0 : index
    %get3A_73 = tpu.vector_load %arg6[%get3A] {strides = array<i32>} : memref<256xi32, #tpu.memory_space<vmem>>, vector<8xi32>,
    %get3A_74 = vector.shape_cast %get3A_73 : vector<8xi32> to vector<8xi32>
    %swap3A = arith.constant 0 : index
    %swap3A_75 = tpu.vector_load %arg7[%swap3A] {strides = array<i32>} : memref<256xi32, #tpu.memory_space<vmem>>, vector<8xi32>,
    %swap3A_76 = vector.shape_cast %swap3A_75 : vector<8xi32> to vector<8xi32>
    %swap3A_77 = vector.shape_cast %get3A_74 : vector<8xi32> to vector<8xi32>
    tpu.vector_store %arg7[%swap3A], %swap3A_77 {strides = array<i32>} : memref<256xi32, #tpu.memory_space<vmem>>, vector<8xi32>,
    %get3A_78 = arith.constant 64 : index
    %get3A_79 = tpu.vector_load %arg6[%get3A_78] {strides = array<i32>} : memref<256xi32, #tpu.memory_space<vmem>>, vector<8xi32>,
    %get3A_80 = vector.shape_cast %get3A_79 : vector<8xi32> to vector<8xi32>
    %swap3A_81 = arith.constant 8 : index
    %swap3A_82 = tpu.vector_load %arg7[%swap3A_81] {strides = array<i32>} : memref<256xi32, #tpu.memory_space<vmem>>, vector<8xi32>,
    %swap3A_83 = vector.shape_cast %swap3A_82 : vector<8xi32> to vector<8xi32>
    %swap3A_84 = vector.shape_cast %get3A_80 : vector<8xi32> to vector<8xi32>
    tpu.vector_store %arg7[%swap3A_81], %swap3A_84 {strides = array<i32>} : memref<256xi32, #tpu.memory_space<vmem>>, vector<8xi32>,
    %get3A_85 = arith.constant 128 : index
    %get3A_86 = tpu.vector_load %arg6[%get3A_85] {strides = array<i32>} : memref<256xi32, #tpu.memory_space<vmem>>, vector<8xi32>,
    %get3A_87 = vector.shape_cast %get3A_86 : vector<8xi32> to vector<8xi32>
    %swap3A_88 = arith.constant 16 : index
    %swap3A_89 = tpu.vector_load %arg7[%swap3A_88] {strides = array<i32>} : memref<256xi32, #tpu.memory_space<vmem>>, vector<8xi32>,
    %swap3A_90 = vector.shape_cast %swap3A_89 : vector<8xi32> to vector<8xi32>
    %swap3A_91 = vector.shape_cast %get3A_87 : vector<8xi32> to vector<8xi32>
    tpu.vector_store %arg7[%swap3A_88], %swap3A_91 {strides = array<i32>} : memref<256xi32, #tpu.memory_space<vmem>>, vector<8xi32>,
    %get3A_92 = arith.constant 192 : index
    %get3A_93 = tpu.vector_load %arg6[%get3A_92] {strides = array<i32>} : memref<256xi32, #tpu.memory_space<vmem>>, vector<8xi32>,
    %get3A_94 = vector.shape_cast %get3A_93 : vector<8xi32> to vector<8xi32>
    %swap3A_95 = arith.constant 24 : index
    %swap3A_96 = tpu.vector_load %arg7[%swap3A_95] {strides = array<i32>} : memref<256xi32, #tpu.memory_space<vmem>>, vector<8xi32>,
    %swap3A_97 = vector.shape_cast %swap3A_96 : vector<8xi32> to vector<8xi32>
    %swap3A_98 = vector.shape_cast %get3A_94 : vector<8xi32> to vector<8xi32>
    tpu.vector_store %arg7[%swap3A_95], %swap3A_98 {strides = array<i32>} : memref<256xi32, #tpu.memory_space<vmem>>, vector<8xi32>,
    %get3A_99 = arith.constant 8 : index
    %get3A_100 = tpu.vector_load %arg6[%get3A_99] {strides = array<i32>} : memref<256xi32, #tpu.memory_space<vmem>>, vector<8xi32>,
    %get3A_101 = vector.shape_cast %get3A_100 : vector<8xi32> to vector<8xi32>
    %swap3A_102 = arith.constant 32 : index
    %swap3A_103 = tpu.vector_load %arg7[%swap3A_102] {strides = array<i32>} : memref<256xi32, #tpu.memory_space<vmem>>, vector<8xi32>,
    %swap3A_104 = vector.shape_cast %swap3A_103 : vector<8xi32> to vector<8xi32>
    %swap3A_105 = vector.shape_cast %get3A_101 : vector<8xi32> to vector<8xi32>
    tpu.vector_store %arg7[%swap3A_102], %swap3A_105 {strides = array<i32>} : memref<256xi32, #tpu.memory_space<vmem>>, vector<8xi32>,
    %get3A_106 = arith.constant 72 : index
    %get3A_107 = tpu.vector_load %arg6[%get3A_106] {strides = array<i32>} : memref<256xi32, #tpu.memory_space<vmem>>, vector<8xi32>,
    %get3A_108 = vector.shape_cast %get3A_107 : vector<8xi32> to vector<8xi32>
    %swap3A_109 = arith.constant 40 : index
    %swap3A_110 = tpu.vector_load %arg7[%swap3A_109] {strides = array<i32>} : memref<256xi32, #tpu.memory_space<vmem>>, vector<8xi32>,
    %swap3A_111 = vector.shape_cast %swap3A_110 : vector<8xi32> to vector<8xi32>
    %swap3A_112 = vector.shape_cast %get3A_108 : vector<8xi32> to vector<8xi32>
    tpu.vector_store %arg7[%swap3A_109], %swap3A_112 {strides = array<i32>} : memref<256xi32, #tpu.memory_space<vmem>>, vector<8xi32>,
    %get3A_113 = arith.constant 136 : index
    %get3A_114 = tpu.vector_load %arg6[%get3A_113] {strides = array<i32>} : memref<256xi32, #tpu.memory_space<vmem>>, vector<8xi32>,
    %get3A_115 = vector.shape_cast %get3A_114 : vector<8xi32> to vector<8xi32>
    %swap3A_116 = arith.constant 48 : index
    %swap3A_117 = tpu.vector_load %arg7[%swap3A_116] {strides = array<i32>} : memref<256xi32, #tpu.memory_space<vmem>>, vector<8xi32>,
    %swap3A_118 = vector.shape_cast %swap3A_117 : vector<8xi32> to vector<8xi32>
    %swap3A_119 = vector.shape_cast %get3A_115 : vector<8xi32> to vector<8xi32>
    tpu.vector_store %arg7[%swap3A_116], %swap3A_119 {strides = array<i32>} : memref<256xi32, #tpu.memory_space<vmem>>, vector<8xi32>,
    %get3A_120 = arith.constant 200 : index
    %get3A_121 = tpu.vector_load %arg6[%get3A_120] {strides = array<i32>} : memref<256xi32, #tpu.memory_space<vmem>>, vector<8xi32>,
    %get3A_122 = vector.shape_cast %get3A_121 : vector<8xi32> to vector<8xi32>
    %swap3A_123 = arith.constant 56 : index
    %swap3A_124 = tpu.vector_load %arg7[%swap3A_123] {strides = array<i32>} : memref<256xi32, #tpu.memory_space<vmem>>, vector<8xi32>,
    %swap3A_125 = vector.shape_cast %swap3A_124 : vector<8xi32> to vector<8xi32>
    %swap3A_126 = vector.shape_cast %get3A_122 : vector<8xi32> to vector<8xi32>
    tpu.vector_store %arg7[%swap3A_123], %swap3A_126 {strides = array<i32>} : memref<256xi32, #tpu.memory_space<vmem>>, vector<8xi32>,
    %get3A_127 = arith.constant 16 : index
    %get3A_128 = tpu.vector_load %arg6[%get3A_127] {strides = array<i32>} : memref<256xi32, #tpu.memory_space<vmem>>, vector<8xi32>,
    %get3A_129 = vector.shape_cast %get3A_128 : vector<8xi32> to vector<8xi32>
    %swap3A_130 = arith.constant 64 : index
    %swap3A_131 = tpu.vector_load %arg7[%swap3A_130] {strides = array<i32>} : memref<256xi32, #tpu.memory_space<vmem>>, vector<8xi32>,
    %swap3A_132 = vector.shape_cast %swap3A_131 : vector<8xi32> to vector<8xi32>
    %swap3A_133 = vector.shape_cast %get3A_129 : vector<8xi32> to vector<8xi32>
    tpu.vector_store %arg7[%swap3A_130], %swap3A_133 {strides = array<i32>} : memref<256xi32, #tpu.memory_space<vmem>>, vector<8xi32>,
    %get3A_134 = arith.constant 80 : index
    %get3A_135 = tpu.vector_load %arg6[%get3A_134] {strides = array<i32>} : memref<256xi32, #tpu.memory_space<vmem>>, vector<8xi32>,
    %get3A_136 = vector.shape_cast %get3A_135 : vector<8xi32> to vector<8xi32>
    %swap3A_137 = arith.constant 72 : index
    %swap3A_138 = tpu.vector_load %arg7[%swap3A_137] {strides = array<i32>} : memref<256xi32, #tpu.memory_space<vmem>>, vector<8xi32>,
    %swap3A_139 = vector.shape_cast %swap3A_138 : vector<8xi32> to vector<8xi32>
    %swap3A_140 = vector.shape_cast %get3A_136 : vector<8xi32> to vector<8xi32>
    tpu.vector_store %arg7[%swap3A_137], %swap3A_140 {strides = array<i32>} : memref<256xi32, #tpu.memory_space<vmem>>, vector<8xi32>,
    %get3A_141 = arith.constant 144 : index
    %get3A_142 = tpu.vector_load %arg6[%get3A_141] {strides = array<i32>} : memref<256xi32, #tpu.memory_space<vmem>>, vector<8xi32>,
    %get3A_143 = vector.shape_cast %get3A_142 : vector<8xi32> to vector<8xi32>
    %swap3A_144 = arith.constant 80 : index
    %swap3A_145 = tpu.vector_load %arg7[%swap3A_144] {strides = array<i32>} : memref<256xi32, #tpu.memory_space<vmem>>, vector<8xi32>,
    %swap3A_146 = vector.shape_cast %swap3A_145 : vector<8xi32> to vector<8xi32>
    %swap3A_147 = vector.shape_cast %get3A_143 : vector<8xi32> to vector<8xi32>
    tpu.vector_store %arg7[%swap3A_144], %swap3A_147 {strides = array<i32>} : memref<256xi32, #tpu.memory_space<vmem>>, vector<8xi32>,
    %get3A_148 = arith.constant 208 : index
    %get3A_149 = tpu.vector_load %arg6[%get3A_148] {strides = array<i32>} : memref<256xi32, #tpu.memory_space<vmem>>, vector<8xi32>,
    %get3A_150 = vector.shape_cast %get3A_149 : vector<8xi32> to vector<8xi32>
    %swap3A_151 = arith.constant 88 : index
    %swap3A_152 = tpu.vector_load %arg7[%swap3A_151] {strides = array<i32>} : memref<256xi32, #tpu.memory_space<vmem>>, vector<8xi32>,
    %swap3A_153 = vector.shape_cast %swap3A_152 : vector<8xi32> to vector<8xi32>
    %swap3A_154 = vector.shape_cast %get3A_150 : vector<8xi32> to vector<8xi32>
    tpu.vector_store %arg7[%swap3A_151], %swap3A_154 {strides = array<i32>} : memref<256xi32, #tpu.memory_space<vmem>>, vector<8xi32>,
    %get3A_155 = arith.constant 24 : index
    %get3A_156 = tpu.vector_load %arg6[%get3A_155] {strides = array<i32>} : memref<256xi32, #tpu.memory_space<vmem>>, vector<8xi32>,
    %get3A_157 = vector.shape_cast %get3A_156 : vector<8xi32> to vector<8xi32>
    %swap3A_158 = arith.constant 96 : index
    %swap3A_159 = tpu.vector_load %arg7[%swap3A_158] {strides = array<i32>} : memref<256xi32, #tpu.memory_space<vmem>>, vector<8xi32>,
    %swap3A_160 = vector.shape_cast %swap3A_159 : vector<8xi32> to vector<8xi32>
    %swap3A_161 = vector.shape_cast %get3A_157 : vector<8xi32> to vector<8xi32>
    tpu.vector_store %arg7[%swap3A_158], %swap3A_161 {strides = array<i32>} : memref<256xi32, #tpu.memory_space<vmem>>, vector<8xi32>,
    %get3A_162 = arith.constant 88 : index
    %get3A_163 = tpu.vector_load %arg6[%get3A_162] {strides = array<i32>} : memref<256xi32, #tpu.memory_space<vmem>>, vector<8xi32>,
    %get3A_164 = vector.shape_cast %get3A_163 : vector<8xi32> to vector<8xi32>
    %swap3A_165 = arith.constant 104 : index
    %swap3A_166 = tpu.vector_load %arg7[%swap3A_165] {strides = array<i32>} : memref<256xi32, #tpu.memory_space<vmem>>, vector<8xi32>,
    %swap3A_167 = vector.shape_cast %swap3A_166 : vector<8xi32> to vector<8xi32>
    %swap3A_168 = vector.shape_cast %get3A_164 : vector<8xi32> to vector<8xi32>
    tpu.vector_store %arg7[%swap3A_165], %swap3A_168 {strides = array<i32>} : memref<256xi32, #tpu.memory_space<vmem>>, vector<8xi32>,
    %get3A_169 = arith.constant 152 : index
    %get3A_170 = tpu.vector_load %arg6[%get3A_169] {strides = array<i32>} : memref<256xi32, #tpu.memory_space<vmem>>, vector<8xi32>,
    %get3A_171 = vector.shape_cast %get3A_170 : vector<8xi32> to vector<8xi32>
    %swap3A_172 = arith.constant 112 : index
    %swap3A_173 = tpu.vector_load %arg7[%swap3A_172] {strides = array<i32>} : memref<256xi32, #tpu.memory_space<vmem>>, vector<8xi32>,
    %swap3A_174 = vector.shape_cast %swap3A_173 : vector<8xi32> to vector<8xi32>
    %swap3A_175 = vector.shape_cast %get3A_171 : vector<8xi32> to vector<8xi32>
    tpu.vector_store %arg7[%swap3A_172], %swap3A_175 {strides = array<i32>} : memref<256xi32, #tpu.memory_space<vmem>>, vector<8xi32>,
    %get3A_176 = arith.constant 216 : index
    %get3A_177 = tpu.vector_load %arg6[%get3A_176] {strides = array<i32>} : memref<256xi32, #tpu.memory_space<vmem>>, vector<8xi32>,
    %get3A_178 = vector.shape_cast %get3A_177 : vector<8xi32> to vector<8xi32>
    %swap3A_179 = arith.constant 120 : index
    %swap3A_180 = tpu.vector_load %arg7[%swap3A_179] {strides = array<i32>} : memref<256xi32, #tpu.memory_space<vmem>>, vector<8xi32>,
    %swap3A_181 = vector.shape_cast %swap3A_180 : vector<8xi32> to vector<8xi32>
    %swap3A_182 = vector.shape_cast %get3A_178 : vector<8xi32> to vector<8xi32>
    tpu.vector_store %arg7[%swap3A_179], %swap3A_182 {strides = array<i32>} : memref<256xi32, #tpu.memory_space<vmem>>, vector<8xi32>,
    %get3A_183 = arith.constant 32 : index
    %get3A_184 = tpu.vector_load %arg6[%get3A_183] {strides = array<i32>} : memref<256xi32, #tpu.memory_space<vmem>>, vector<8xi32>,
    %get3A_185 = vector.shape_cast %get3A_184 : vector<8xi32> to vector<8xi32>
    %swap3A_186 = arith.constant 128 : index
    %swap3A_187 = tpu.vector_load %arg7[%swap3A_186] {strides = array<i32>} : memref<256xi32, #tpu.memory_space<vmem>>, vector<8xi32>,
    %swap3A_188 = vector.shape_cast %swap3A_187 : vector<8xi32> to vector<8xi32>
    %swap3A_189 = vector.shape_cast %get3A_185 : vector<8xi32> to vector<8xi32>
    tpu.vector_store %arg7[%swap3A_186], %swap3A_189 {strides = array<i32>} : memref<256xi32, #tpu.memory_space<vmem>>, vector<8xi32>,
    %get3A_190 = arith.constant 96 : index
    %get3A_191 = tpu.vector_load %arg6[%get3A_190] {strides = array<i32>} : memref<256xi32, #tpu.memory_space<vmem>>, vector<8xi32>,
    %get3A_192 = vector.shape_cast %get3A_191 : vector<8xi32> to vector<8xi32>
    %swap3A_193 = arith.constant 136 : index
    %swap3A_194 = tpu.vector_load %arg7[%swap3A_193] {strides = array<i32>} : memref<256xi32, #tpu.memory_space<vmem>>, vector<8xi32>,
    %swap3A_195 = vector.shape_cast %swap3A_194 : vector<8xi32> to vector<8xi32>
    %swap3A_196 = vector.shape_cast %get3A_192 : vector<8xi32> to vector<8xi32>
    tpu.vector_store %arg7[%swap3A_193], %swap3A_196 {strides = array<i32>} : memref<256xi32, #tpu.memory_space<vmem>>, vector<8xi32>,
    %get3A_197 = arith.constant 160 : index
    %get3A_198 = tpu.vector_load %arg6[%get3A_197] {strides = array<i32>} : memref<256xi32, #tpu.memory_space<vmem>>, vector<8xi32>,
    %get3A_199 = vector.shape_cast %get3A_198 : vector<8xi32> to vector<8xi32>
    %swap3A_200 = arith.constant 144 : index
    %swap3A_201 = tpu.vector_load %arg7[%swap3A_200] {strides = array<i32>} : memref<256xi32, #tpu.memory_space<vmem>>, vector<8xi32>,
    %swap3A_202 = vector.shape_cast %swap3A_201 : vector<8xi32> to vector<8xi32>
    %swap3A_203 = vector.shape_cast %get3A_199 : vector<8xi32> to vector<8xi32>
    tpu.vector_store %arg7[%swap3A_200], %swap3A_203 {strides = array<i32>} : memref<256xi32, #tpu.memory_space<vmem>>, vector<8xi32>,
    %get3A_204 = arith.constant 224 : index
    %get3A_205 = tpu.vector_load %arg6[%get3A_204] {strides = array<i32>} : memref<256xi32, #tpu.memory_space<vmem>>, vector<8xi32>,
    %get3A_206 = vector.shape_cast %get3A_205 : vector<8xi32> to vector<8xi32>
    %swap3A_207 = arith.constant 152 : index
    %swap3A_208 = tpu.vector_load %arg7[%swap3A_207] {strides = array<i32>} : memref<256xi32, #tpu.memory_space<vmem>>, vector<8xi32>,
    %swap3A_209 = vector.shape_cast %swap3A_208 : vector<8xi32> to vector<8xi32>
    %swap3A_210 = vector.shape_cast %get3A_206 : vector<8xi32> to vector<8xi32>
    tpu.vector_store %arg7[%swap3A_207], %swap3A_210 {strides = array<i32>} : memref<256xi32, #tpu.memory_space<vmem>>, vector<8xi32>,
    %get3A_211 = arith.constant 40 : index
    %get3A_212 = tpu.vector_load %arg6[%get3A_211] {strides = array<i32>} : memref<256xi32, #tpu.memory_space<vmem>>, vector<8xi32>,
    %get3A_213 = vector.shape_cast %get3A_212 : vector<8xi32> to vector<8xi32>
    %swap3A_214 = arith.constant 160 : index
    %swap3A_215 = tpu.vector_load %arg7[%swap3A_214] {strides = array<i32>} : memref<256xi32, #tpu.memory_space<vmem>>, vector<8xi32>,
    %swap3A_216 = vector.shape_cast %swap3A_215 : vector<8xi32> to vector<8xi32>
    %swap3A_217 = vector.shape_cast %get3A_213 : vector<8xi32> to vector<8xi32>
    tpu.vector_store %arg7[%swap3A_214], %swap3A_217 {strides = array<i32>} : memref<256xi32, #tpu.memory_space<vmem>>, vector<8xi32>,
    %get3A_218 = arith.constant 104 : index
    %get3A_219 = tpu.vector_load %arg6[%get3A_218] {strides = array<i32>} : memref<256xi32, #tpu.memory_space<vmem>>, vector<8xi32>,
    %get3A_220 = vector.shape_cast %get3A_219 : vector<8xi32> to vector<8xi32>
    %swap3A_221 = arith.constant 168 : index
    %swap3A_222 = tpu.vector_load %arg7[%swap3A_221] {strides = array<i32>} : memref<256xi32, #tpu.memory_space<vmem>>, vector<8xi32>,
    %swap3A_223 = vector.shape_cast %swap3A_222 : vector<8xi32> to vector<8xi32>
    %swap3A_224 = vector.shape_cast %get3A_220 : vector<8xi32> to vector<8xi32>
    tpu.vector_store %arg7[%swap3A_221], %swap3A_224 {strides = array<i32>} : memref<256xi32, #tpu.memory_space<vmem>>, vector<8xi32>,
    %get3A_225 = arith.constant 168 : index
    %get3A_226 = tpu.vector_load %arg6[%get3A_225] {strides = array<i32>} : memref<256xi32, #tpu.memory_space<vmem>>, vector<8xi32>,
    %get3A_227 = vector.shape_cast %get3A_226 : vector<8xi32> to vector<8xi32>
    %swap3A_228 = arith.constant 176 : index
    %swap3A_229 = tpu.vector_load %arg7[%swap3A_228] {strides = array<i32>} : memref<256xi32, #tpu.memory_space<vmem>>, vector<8xi32>,
    %swap3A_230 = vector.shape_cast %swap3A_229 : vector<8xi32> to vector<8xi32>
    %swap3A_231 = vector.shape_cast %get3A_227 : vector<8xi32> to vector<8xi32>
    tpu.vector_store %arg7[%swap3A_228], %swap3A_231 {strides = array<i32>} : memref<256xi32, #tpu.memory_space<vmem>>, vector<8xi32>,
    %get3A_232 = arith.constant 232 : index
    %get3A_233 = tpu.vector_load %arg6[%get3A_232] {strides = array<i32>} : memref<256xi32, #tpu.memory_space<vmem>>, vector<8xi32>,
    %get3A_234 = vector.shape_cast %get3A_233 : vector<8xi32> to vector<8xi32>
    %swap3A_235 = arith.constant 184 : index
    %swap3A_236 = tpu.vector_load %arg7[%swap3A_235] {strides = array<i32>} : memref<256xi32, #tpu.memory_space<vmem>>, vector<8xi32>,
    %swap3A_237 = vector.shape_cast %swap3A_236 : vector<8xi32> to vector<8xi32>
    %swap3A_238 = vector.shape_cast %get3A_234 : vector<8xi32> to vector<8xi32>
    tpu.vector_store %arg7[%swap3A_235], %swap3A_238 {strides = array<i32>} : memref<256xi32, #tpu.memory_space<vmem>>, vector<8xi32>,
    %get3A_239 = arith.constant 48 : index
    %get3A_240 = tpu.vector_load %arg6[%get3A_239] {strides = array<i32>} : memref<256xi32, #tpu.memory_space<vmem>>, vector<8xi32>,
    %get3A_241 = vector.shape_cast %get3A_240 : vector<8xi32> to vector<8xi32>
    %swap3A_242 = arith.constant 192 : index
    %swap3A_243 = tpu.vector_load %arg7[%swap3A_242] {strides = array<i32>} : memref<256xi32, #tpu.memory_space<vmem>>, vector<8xi32>,
    %swap3A_244 = vector.shape_cast %swap3A_243 : vector<8xi32> to vector<8xi32>
    %swap3A_245 = vector.shape_cast %get3A_241 : vector<8xi32> to vector<8xi32>
    tpu.vector_store %arg7[%swap3A_242], %swap3A_245 {strides = array<i32>} : memref<256xi32, #tpu.memory_space<vmem>>, vector<8xi32>,
    %get3A_246 = arith.constant 112 : index
    %get3A_247 = tpu.vector_load %arg6[%get3A_246] {strides = array<i32>} : memref<256xi32, #tpu.memory_space<vmem>>, vector<8xi32>,
    %get3A_248 = vector.shape_cast %get3A_247 : vector<8xi32> to vector<8xi32>
    %swap3A_249 = arith.constant 200 : index
    %swap3A_250 = tpu.vector_load %arg7[%swap3A_249] {strides = array<i32>} : memref<256xi32, #tpu.memory_space<vmem>>, vector<8xi32>,
    %swap3A_251 = vector.shape_cast %swap3A_250 : vector<8xi32> to vector<8xi32>
    %swap3A_252 = vector.shape_cast %get3A_248 : vector<8xi32> to vector<8xi32>
    tpu.vector_store %arg7[%swap3A_249], %swap3A_252 {strides = array<i32>} : memref<256xi32, #tpu.memory_space<vmem>>, vector<8xi32>,
    %get3A_253 = arith.constant 176 : index
    %get3A_254 = tpu.vector_load %arg6[%get3A_253] {strides = array<i32>} : memref<256xi32, #tpu.memory_space<vmem>>, vector<8xi32>,
    %get3A_255 = vector.shape_cast %get3A_254 : vector<8xi32> to vector<8xi32>
    %swap3A_256 = arith.constant 208 : index
    %swap3A_257 = tpu.vector_load %arg7[%swap3A_256] {strides = array<i32>} : memref<256xi32, #tpu.memory_space<vmem>>, vector<8xi32>,
    %swap3A_258 = vector.shape_cast %swap3A_257 : vector<8xi32> to vector<8xi32>
    %swap3A_259 = vector.shape_cast %get3A_255 : vector<8xi32> to vector<8xi32>
    tpu.vector_store %arg7[%swap3A_256], %swap3A_259 {strides = array<i32>} : memref<256xi32, #tpu.memory_space<vmem>>, vector<8xi32>,
    %get3A_260 = arith.constant 240 : index
    %get3A_261 = tpu.vector_load %arg6[%get3A_260] {strides = array<i32>} : memref<256xi32, #tpu.memory_space<vmem>>, vector<8xi32>,
    %get3A_262 = vector.shape_cast %get3A_261 : vector<8xi32> to vector<8xi32>
    %swap3A_263 = arith.constant 216 : index
    %swap3A_264 = tpu.vector_load %arg7[%swap3A_263] {strides = array<i32>} : memref<256xi32, #tpu.memory_space<vmem>>, vector<8xi32>,
    %swap3A_265 = vector.shape_cast %swap3A_264 : vector<8xi32> to vector<8xi32>
    %swap3A_266 = vector.shape_cast %get3A_262 : vector<8xi32> to vector<8xi32>
    tpu.vector_store %arg7[%swap3A_263], %swap3A_266 {strides = array<i32>} : memref<256xi32, #tpu.memory_space<vmem>>, vector<8xi32>,
    %get3A_267 = arith.constant 56 : index
    %get3A_268 = tpu.vector_load %arg6[%get3A_267] {strides = array<i32>} : memref<256xi32, #tpu.memory_space<vmem>>, vector<8xi32>,
    %get3A_269 = vector.shape_cast %get3A_268 : vector<8xi32> to vector<8xi32>
    %swap3A_270 = arith.constant 224 : index
    %swap3A_271 = tpu.vector_load %arg7[%swap3A_270] {strides = array<i32>} : memref<256xi32, #tpu.memory_space<vmem>>, vector<8xi32>,
    %swap3A_272 = vector.shape_cast %swap3A_271 : vector<8xi32> to vector<8xi32>
    %swap3A_273 = vector.shape_cast %get3A_269 : vector<8xi32> to vector<8xi32>
    tpu.vector_store %arg7[%swap3A_270], %swap3A_273 {strides = array<i32>} : memref<256xi32, #tpu.memory_space<vmem>>, vector<8xi32>,
    %get3A_274 = arith.constant 120 : index
    %get3A_275 = tpu.vector_load %arg6[%get3A_274] {strides = array<i32>} : memref<256xi32, #tpu.memory_space<vmem>>, vector<8xi32>,
    %get3A_276 = vector.shape_cast %get3A_275 : vector<8xi32> to vector<8xi32>
    %swap3A_277 = arith.constant 232 : index
    %swap3A_278 = tpu.vector_load %arg7[%swap3A_277] {strides = array<i32>} : memref<256xi32, #tpu.memory_space<vmem>>, vector<8xi32>,
    %swap3A_279 = vector.shape_cast %swap3A_278 : vector<8xi32> to vector<8xi32>
    %swap3A_280 = vector.shape_cast %get3A_276 : vector<8xi32> to vector<8xi32>
    tpu.vector_store %arg7[%swap3A_277], %swap3A_280 {strides = array<i32>} : memref<256xi32, #tpu.memory_space<vmem>>, vector<8xi32>,
    %get3A_281 = arith.constant 184 : index
    %get3A_282 = tpu.vector_load %arg6[%get3A_281] {strides = array<i32>} : memref<256xi32, #tpu.memory_space<vmem>>, vector<8xi32>,
    %get3A_283 = vector.shape_cast %get3A_282 : vector<8xi32> to vector<8xi32>
    %swap3A_284 = arith.constant 240 : index
    %swap3A_285 = tpu.vector_load %arg7[%swap3A_284] {strides = array<i32>} : memref<256xi32, #tpu.memory_space<vmem>>, vector<8xi32>,
    %swap3A_286 = vector.shape_cast %swap3A_285 : vector<8xi32> to vector<8xi32>
    %swap3A_287 = vector.shape_cast %get3A_283 : vector<8xi32> to vector<8xi32>
    tpu.vector_store %arg7[%swap3A_284], %swap3A_287 {strides = array<i32>} : memref<256xi32, #tpu.memory_space<vmem>>, vector<8xi32>,
    %get3A_288 = arith.constant 248 : index
    %get3A_289 = tpu.vector_load %arg6[%get3A_288] {strides = array<i32>} : memref<256xi32, #tpu.memory_space<vmem>>, vector<8xi32>,
    %get3A_290 = vector.shape_cast %get3A_289 : vector<8xi32> to vector<8xi32>
    %swap3A_291 = arith.constant 248 : index
    %swap3A_292 = tpu.vector_load %arg7[%swap3A_291] {strides = array<i32>} : memref<256xi32, #tpu.memory_space<vmem>>, vector<8xi32>,
    %swap3A_293 = vector.shape_cast %swap3A_292 : vector<8xi32> to vector<8xi32>
    %swap3A_294 = vector.shape_cast %get3A_290 : vector<8xi32> to vector<8xi32>
    tpu.vector_store %arg7[%swap3A_291], %swap3A_294 {strides = array<i32>} : memref<256xi32, #tpu.memory_space<vmem>>, vector<8xi32>,
    %dma_start3A_295 = arith.constant 0 : i32
    %dma_start3A_296 = tpu.memref_slice %arg7[%dma_start3A_295] : memref<256xi32, #tpu.memory_space<vmem>> -> memref<32xi32, #tpu.memory_space<vmem>>
    %dma_start3A_297 = arith.constant 0 : i32
    %dma_start3A_298 = arith.constant 0 : i32
    %dma_start3A_299 = tpu.memref_slice %arg3[%dma_start3A_297, %dma_start3A_298] : memref<100000x768xf32, #tpu.memory_space<hbm>> -> memref<100000x768xf32, #tpu.memory_space<hbm>>
    tpu.enqueue_indirect_dma source(%dma_start3A_299 : memref<100000x768xf32, #tpu.memory_space<hbm>>) target(%arg8 : memref<32x768xf32, #tpu.memory_space<vmem>>) offsets(%dma_start3A_296 : memref<32xi32, #tpu.memory_space<vmem>>) semaphore(%arg16 : memref<!tpu.dma_semaphore, #tpu.memory_space<semaphore_mem>>)
    %add3A_300 = arith.constant 0 : i32
    %add3A_301 = arith.addi %mul3A_2, %add3A_300 : i32
    %dma_start3A_302 = arith.constant 0 : i32
    %dma_start3A_303 = tpu.memref_slice %arg4[%add3A_301, %dma_start3A_302] : memref<2048x768xf32, #tpu.memory_space<hbm>> -> memref<8x768xf32, #tpu.memory_space<hbm>>
    %dma_start3A_304 = arith.constant 0 : i32
    %dma_start3A_305 = tpu.memref_slice %arg4[%add3A_301, %dma_start3A_304] : memref<2048x768xf32, #tpu.memory_space<hbm>> -> memref<8x768xf32, #tpu.memory_space<hbm>>
    tpu.enqueue_dma source(%dma_start3A_305 : memref<8x768xf32, #tpu.memory_space<hbm>>) target(%arg12 : memref<8x768xf32, #tpu.memory_space<vmem>>) target_semaphore(%arg16 : memref<!tpu.dma_semaphore, #tpu.memory_space<semaphore_mem>>)
    %dma_start3A_306 = arith.constant 32 : i32
    %dma_start3A_307 = tpu.memref_slice %arg7[%dma_start3A_306] : memref<256xi32, #tpu.memory_space<vmem>> -> memref<32xi32, #tpu.memory_space<vmem>>
    %dma_start3A_308 = arith.constant 0 : i32
    %dma_start3A_309 = arith.constant 0 : i32
    %dma_start3A_310 = tpu.memref_slice %arg3[%dma_start3A_308, %dma_start3A_309] : memref<100000x768xf32, #tpu.memory_space<hbm>> -> memref<100000x768xf32, #tpu.memory_space<hbm>>
    tpu.enqueue_indirect_dma source(%dma_start3A_310 : memref<100000x768xf32, #tpu.memory_space<hbm>>) target(%arg9 : memref<32x768xf32, #tpu.memory_space<vmem>>) offsets(%dma_start3A_307 : memref<32xi32, #tpu.memory_space<vmem>>) semaphore(%arg17 : memref<!tpu.dma_semaphore, #tpu.memory_space<semaphore_mem>>)
    %add3A_311 = arith.constant 8 : i32
    %add3A_312 = arith.addi %mul3A_2, %add3A_311 : i32
    %dma_start3A_313 = arith.constant 0 : i32
    %dma_start3A_314 = tpu.memref_slice %arg4[%add3A_312, %dma_start3A_313] : memref<2048x768xf32, #tpu.memory_space<hbm>> -> memref<8x768xf32, #tpu.memory_space<hbm>>
    %dma_start3A_315 = arith.constant 0 : i32
    %dma_start3A_316 = tpu.memref_slice %arg4[%add3A_312, %dma_start3A_315] : memref<2048x768xf32, #tpu.memory_space<hbm>> -> memref<8x768xf32, #tpu.memory_space<hbm>>
    tpu.enqueue_dma source(%dma_start3A_316 : memref<8x768xf32, #tpu.memory_space<hbm>>) target(%arg13 : memref<8x768xf32, #tpu.memory_space<vmem>>) target_semaphore(%arg17 : memref<!tpu.dma_semaphore, #tpu.memory_space<semaphore_mem>>)
    %dma_start3A_317 = arith.constant 64 : i32
    %dma_start3A_318 = tpu.memref_slice %arg7[%dma_start3A_317] : memref<256xi32, #tpu.memory_space<vmem>> -> memref<32xi32, #tpu.memory_space<vmem>>
    %dma_start3A_319 = arith.constant 0 : i32
    %dma_start3A_320 = arith.constant 0 : i32
    %dma_start3A_321 = tpu.memref_slice %arg3[%dma_start3A_319, %dma_start3A_320] : memref<100000x768xf32, #tpu.memory_space<hbm>> -> memref<100000x768xf32, #tpu.memory_space<hbm>>
    tpu.enqueue_indirect_dma source(%dma_start3A_321 : memref<100000x768xf32, #tpu.memory_space<hbm>>) target(%arg10 : memref<32x768xf32, #tpu.memory_space<vmem>>) offsets(%dma_start3A_318 : memref<32xi32, #tpu.memory_space<vmem>>) semaphore(%arg18 : memref<!tpu.dma_semaphore, #tpu.memory_space<semaphore_mem>>)
    %add3A_322 = arith.constant 16 : i32
    %add3A_323 = arith.addi %mul3A_2, %add3A_322 : i32
    %dma_start3A_324 = arith.constant 0 : i32
    %dma_start3A_325 = tpu.memref_slice %arg4[%add3A_323, %dma_start3A_324] : memref<2048x768xf32, #tpu.memory_space<hbm>> -> memref<8x768xf32, #tpu.memory_space<hbm>>
    %dma_start3A_326 = arith.constant 0 : i32
    %dma_start3A_327 = tpu.memref_slice %arg4[%add3A_323, %dma_start3A_326] : memref<2048x768xf32, #tpu.memory_space<hbm>> -> memref<8x768xf32, #tpu.memory_space<hbm>>
    tpu.enqueue_dma source(%dma_start3A_327 : memref<8x768xf32, #tpu.memory_space<hbm>>) target(%arg14 : memref<8x768xf32, #tpu.memory_space<vmem>>) target_semaphore(%arg18 : memref<!tpu.dma_semaphore, #tpu.memory_space<semaphore_mem>>)
    %dma_start3A_328 = arith.constant 96 : i32
    %dma_start3A_329 = tpu.memref_slice %arg7[%dma_start3A_328] : memref<256xi32, #tpu.memory_space<vmem>> -> memref<32xi32, #tpu.memory_space<vmem>>
    %dma_start3A_330 = arith.constant 0 : i32
    %dma_start3A_331 = arith.constant 0 : i32
    %dma_start3A_332 = tpu.memref_slice %arg3[%dma_start3A_330, %dma_start3A_331] : memref<100000x768xf32, #tpu.memory_space<hbm>> -> memref<100000x768xf32, #tpu.memory_space<hbm>>
    tpu.enqueue_indirect_dma source(%dma_start3A_332 : memref<100000x768xf32, #tpu.memory_space<hbm>>) target(%arg11 : memref<32x768xf32, #tpu.memory_space<vmem>>) offsets(%dma_start3A_329 : memref<32xi32, #tpu.memory_space<vmem>>) semaphore(%arg19 : memref<!tpu.dma_semaphore, #tpu.memory_space<semaphore_mem>>)
    %add3A_333 = arith.constant 24 : i32
    %add3A_334 = arith.addi %mul3A_2, %add3A_333 : i32
    %dma_start3A_335 = arith.constant 0 : i32
    %dma_start3A_336 = tpu.memref_slice %arg4[%add3A_334, %dma_start3A_335] : memref<2048x768xf32, #tpu.memory_space<hbm>> -> memref<8x768xf32, #tpu.memory_space<hbm>>
    %dma_start3A_337 = arith.constant 0 : i32
    %dma_start3A_338 = tpu.memref_slice %arg4[%add3A_334, %dma_start3A_337] : memref<2048x768xf32, #tpu.memory_space<hbm>> -> memref<8x768xf32, #tpu.memory_space<hbm>>
    tpu.enqueue_dma source(%dma_start3A_338 : memref<8x768xf32, #tpu.memory_space<hbm>>) target(%arg15 : memref<8x768xf32, #tpu.memory_space<vmem>>) target_semaphore(%arg19 : memref<!tpu.dma_semaphore, #tpu.memory_space<semaphore_mem>>)
    %dma_wait3A_339 = arith.constant 0 : i32
    %dma_wait3A_340 = tpu.memref_slice %arg7[%dma_wait3A_339] : memref<256xi32, #tpu.memory_space<vmem>> -> memref<32xi32, #tpu.memory_space<vmem>>
    %dma_wait3A_341 = arith.constant 0 : i32
    %dma_wait3A_342 = arith.constant 0 : i32
    %dma_wait3A_343 = tpu.memref_slice %arg3[%dma_wait3A_341, %dma_wait3A_342] : memref<100000x768xf32, #tpu.memory_space<hbm>> -> memref<100000x768xf32, #tpu.memory_space<hbm>>
    tpu.wait_indirect_dma semaphore(%arg16 : memref<!tpu.dma_semaphore, #tpu.memory_space<semaphore_mem>>) src(%dma_wait3A_343 : memref<100000x768xf32, #tpu.memory_space<hbm>>) dst(%arg8 : memref<32x768xf32, #tpu.memory_space<vmem>>)
    %dma_wait3A_344 = arith.constant 0 : i32
    %dma_wait3A_345 = tpu.memref_slice %arg4[%add3A_301, %dma_wait3A_344] : memref<2048x768xf32, #tpu.memory_space<hbm>> -> memref<8x768xf32, #tpu.memory_space<hbm>>
    %dma_wait3A_346 = arith.constant 0 : i32
    %dma_wait3A_347 = tpu.memref_slice %arg4[%add3A_301, %dma_wait3A_346] : memref<2048x768xf32, #tpu.memory_space<hbm>> -> memref<8x768xf32, #tpu.memory_space<hbm>>
    tpu.wait_dma2 semaphore(%arg16 : memref<!tpu.dma_semaphore, #tpu.memory_space<semaphore_mem>>) src(%dma_wait3A_347 : memref<8x768xf32, #tpu.memory_space<hbm>>) dst(%arg12 : memref<8x768xf32, #tpu.memory_space<vmem>>)
    %parallel_loop3A = arith.constant 0 : i32
    %parallel_loop3A_348 = arith.constant 384 : i32
    %parallel_loop3A_349 = arith.constant 1 : i32
    scf.for %parallel_loop3A_1374 = %parallel_loop3A to %parallel_loop3A_348 step %parallel_loop3A_349  : i32 {
      %parallel_loop3A_1375 = arith.constant 7 : i32
      %parallel_loop3A_1376 = arith.andi %parallel_loop3A_1374, %parallel_loop3A_1375 : i32
      %parallel_loop3A_1377 = arith.constant 3 : i32
      %parallel_loop3A_1378 = arith.shrsi %parallel_loop3A_1374, %parallel_loop3A_1377 : i32
      %parallel_loop3A_1379 = arith.constant 16 : i32
      %parallel_loop3A_1380 = arith.muli %parallel_loop3A_1378, %parallel_loop3A_1379 : i32
      %parallel_loop3A_1381 = arith.index_cast %parallel_loop3A_1376 : i32 to index
      %parallel_loop3A_1382 = arith.index_cast %parallel_loop3A_1380 : i32 to index
      %parallel_loop3A_1383 = tpu.vector_load %arg12[%parallel_loop3A_1381, %parallel_loop3A_1382] {strides = array<i32>} : memref<8x768xf32, #tpu.memory_space<vmem>>, vector<1x16xf32>,
      %parallel_loop3A_1384 = vector.shape_cast %parallel_loop3A_1383 : vector<1x16xf32> to vector<16xf32>
      %parallel_loop3A_1385 = arith.constant 0 : i32
      %parallel_loop3A_1386 = arith.addi %parallel_loop3A_1385, %parallel_loop3A_1376 : i32
      %parallel_loop3A_1387 = arith.index_cast %parallel_loop3A_1386 : i32 to index
      %parallel_loop3A_1388 = arith.index_cast %parallel_loop3A_1380 : i32 to index
      %parallel_loop3A_1389 = tpu.vector_load %arg8[%parallel_loop3A_1387, %parallel_loop3A_1388] {strides = array<i32>} : memref<32x768xf32, #tpu.memory_space<vmem>>, vector<1x16xf32>,
      %parallel_loop3A_1390 = vector.shape_cast %parallel_loop3A_1389 : vector<1x16xf32> to vector<16xf32>
      %parallel_loop3A_1391 = arith.addf %parallel_loop3A_1390, %parallel_loop3A_1384 : vector<16xf32>
      %parallel_loop3A_1392 = arith.index_cast %parallel_loop3A_1386 : i32 to index
      %parallel_loop3A_1393 = arith.index_cast %parallel_loop3A_1380 : i32 to index
      %parallel_loop3A_1394 = tpu.vector_load %arg8[%parallel_loop3A_1392, %parallel_loop3A_1393] {strides = array<i32>} : memref<32x768xf32, #tpu.memory_space<vmem>>, vector<1x16xf32>,
      %parallel_loop3A_1395 = vector.shape_cast %parallel_loop3A_1394 : vector<1x16xf32> to vector<16xf32>
      %parallel_loop3A_1396 = vector.shape_cast %parallel_loop3A_1391 : vector<16xf32> to vector<1x16xf32>
      tpu.vector_store %arg8[%parallel_loop3A_1392, %parallel_loop3A_1393], %parallel_loop3A_1396 {strides = array<i32>} : memref<32x768xf32, #tpu.memory_space<vmem>>, vector<1x16xf32>,
      %parallel_loop3A_1397 = arith.constant 8 : i32
      %parallel_loop3A_1398 = arith.addi %parallel_loop3A_1397, %parallel_loop3A_1376 : i32
      %parallel_loop3A_1399 = arith.index_cast %parallel_loop3A_1398 : i32 to index
      %parallel_loop3A_1400 = arith.index_cast %parallel_loop3A_1380 : i32 to index
      %parallel_loop3A_1401 = tpu.vector_load %arg8[%parallel_loop3A_1399, %parallel_loop3A_1400] {strides = array<i32>} : memref<32x768xf32, #tpu.memory_space<vmem>>, vector<1x16xf32>,
      %parallel_loop3A_1402 = vector.shape_cast %parallel_loop3A_1401 : vector<1x16xf32> to vector<16xf32>
      %parallel_loop3A_1403 = arith.addf %parallel_loop3A_1402, %parallel_loop3A_1384 : vector<16xf32>
      %parallel_loop3A_1404 = arith.index_cast %parallel_loop3A_1398 : i32 to index
      %parallel_loop3A_1405 = arith.index_cast %parallel_loop3A_1380 : i32 to index
      %parallel_loop3A_1406 = tpu.vector_load %arg8[%parallel_loop3A_1404, %parallel_loop3A_1405] {strides = array<i32>} : memref<32x768xf32, #tpu.memory_space<vmem>>, vector<1x16xf32>,
      %parallel_loop3A_1407 = vector.shape_cast %parallel_loop3A_1406 : vector<1x16xf32> to vector<16xf32>
      %parallel_loop3A_1408 = vector.shape_cast %parallel_loop3A_1403 : vector<16xf32> to vector<1x16xf32>
      tpu.vector_store %arg8[%parallel_loop3A_1404, %parallel_loop3A_1405], %parallel_loop3A_1408 {strides = array<i32>} : memref<32x768xf32, #tpu.memory_space<vmem>>, vector<1x16xf32>,
      %parallel_loop3A_1409 = arith.constant 16 : i32
      %parallel_loop3A_1410 = arith.addi %parallel_loop3A_1409, %parallel_loop3A_1376 : i32
      %parallel_loop3A_1411 = arith.index_cast %parallel_loop3A_1410 : i32 to index
      %parallel_loop3A_1412 = arith.index_cast %parallel_loop3A_1380 : i32 to index
      %parallel_loop3A_1413 = tpu.vector_load %arg8[%parallel_loop3A_1411, %parallel_loop3A_1412] {strides = array<i32>} : memref<32x768xf32, #tpu.memory_space<vmem>>, vector<1x16xf32>,
      %parallel_loop3A_1414 = vector.shape_cast %parallel_loop3A_1413 : vector<1x16xf32> to vector<16xf32>
      %parallel_loop3A_1415 = arith.addf %parallel_loop3A_1414, %parallel_loop3A_1384 : vector<16xf32>
      %parallel_loop3A_1416 = arith.index_cast %parallel_loop3A_1410 : i32 to index
      %parallel_loop3A_1417 = arith.index_cast %parallel_loop3A_1380 : i32 to index
      %parallel_loop3A_1418 = tpu.vector_load %arg8[%parallel_loop3A_1416, %parallel_loop3A_1417] {strides = array<i32>} : memref<32x768xf32, #tpu.memory_space<vmem>>, vector<1x16xf32>,
      %parallel_loop3A_1419 = vector.shape_cast %parallel_loop3A_1418 : vector<1x16xf32> to vector<16xf32>
      %parallel_loop3A_1420 = vector.shape_cast %parallel_loop3A_1415 : vector<16xf32> to vector<1x16xf32>
      tpu.vector_store %arg8[%parallel_loop3A_1416, %parallel_loop3A_1417], %parallel_loop3A_1420 {strides = array<i32>} : memref<32x768xf32, #tpu.memory_space<vmem>>, vector<1x16xf32>,
      %parallel_loop3A_1421 = arith.constant 24 : i32
      %parallel_loop3A_1422 = arith.addi %parallel_loop3A_1421, %parallel_loop3A_1376 : i32
      %parallel_loop3A_1423 = arith.index_cast %parallel_loop3A_1422 : i32 to index
      %parallel_loop3A_1424 = arith.index_cast %parallel_loop3A_1380 : i32 to index
      %parallel_loop3A_1425 = tpu.vector_load %arg8[%parallel_loop3A_1423, %parallel_loop3A_1424] {strides = array<i32>} : memref<32x768xf32, #tpu.memory_space<vmem>>, vector<1x16xf32>,
      %parallel_loop3A_1426 = vector.shape_cast %parallel_loop3A_1425 : vector<1x16xf32> to vector<16xf32>
      %parallel_loop3A_1427 = arith.addf %parallel_loop3A_1426, %parallel_loop3A_1384 : vector<16xf32>
      %parallel_loop3A_1428 = arith.index_cast %parallel_loop3A_1422 : i32 to index
      %parallel_loop3A_1429 = arith.index_cast %parallel_loop3A_1380 : i32 to index
      %parallel_loop3A_1430 = tpu.vector_load %arg8[%parallel_loop3A_1428, %parallel_loop3A_1429] {strides = array<i32>} : memref<32x768xf32, #tpu.memory_space<vmem>>, vector<1x16xf32>,
      %parallel_loop3A_1431 = vector.shape_cast %parallel_loop3A_1430 : vector<1x16xf32> to vector<16xf32>
      %parallel_loop3A_1432 = vector.shape_cast %parallel_loop3A_1427 : vector<16xf32> to vector<1x16xf32>
      tpu.vector_store %arg8[%parallel_loop3A_1428, %parallel_loop3A_1429], %parallel_loop3A_1432 {strides = array<i32>} : memref<32x768xf32, #tpu.memory_space<vmem>>, vector<1x16xf32>,
    } {sc.loop_unroll_factor = 2 : i64, sc.parallel_access}
    %add3A_350 = arith.constant 0 : i32
    %add3A_351 = arith.addi %mul3A_2, %add3A_350 : i32
    %dma_start3A_352 = arith.constant 0 : i32
    %dma_start3A_353 = arith.constant 0 : i32
    %dma_start3A_354 = arith.constant 0 : i32
    %dma_start3A_355 = tpu.memref_slice %arg8[%dma_start3A_353, %dma_start3A_354] : memref<32x768xf32, #tpu.memory_space<vmem>> -> memref<8x768xf32, #tpu.memory_space<vmem>>
    %dma_start3A_356 = arith.constant 0 : i32
    %dma_start3A_357 = tpu.memref_slice %arg5[%dma_start3A_352, %add3A_351, %dma_start3A_356] : memref<4x2048x768xf32, #tpu.memory_space<hbm>> -> memref<1x8x768xf32, #tpu.memory_space<hbm>>
    %dma_start3A_358 = tpu.memref_squeeze %dma_start3A_357 : memref<1x8x768xf32, #tpu.memory_space<hbm>> -> memref<8x768xf32, #tpu.memory_space<hbm>>
    %dma_start3A_359 = arith.constant 0 : i32
    %dma_start3A_360 = tpu.memref_slice %arg5[%dma_start3A_352, %add3A_351, %dma_start3A_359] : memref<4x2048x768xf32, #tpu.memory_space<hbm>> -> memref<1x8x768xf32, #tpu.memory_space<hbm>>
    %dma_start3A_361 = tpu.memref_squeeze %dma_start3A_360 : memref<1x8x768xf32, #tpu.memory_space<hbm>> -> memref<8x768xf32, #tpu.memory_space<hbm>>
    %dma_start3A_362 = arith.constant 0 : i32
    %dma_start3A_363 = arith.constant 0 : i32
    %dma_start3A_364 = tpu.memref_slice %arg8[%dma_start3A_362, %dma_start3A_363] : memref<32x768xf32, #tpu.memory_space<vmem>> -> memref<8x768xf32, #tpu.memory_space<vmem>>
    tpu.enqueue_dma source(%dma_start3A_364 : memref<8x768xf32, #tpu.memory_space<vmem>>) target(%dma_start3A_361 : memref<8x768xf32, #tpu.memory_space<hbm>>) target_semaphore(%arg20 : memref<!tpu.dma_semaphore, #tpu.memory_space<semaphore_mem>>)
    %add3A_365 = arith.constant 0 : i32
    %add3A_366 = arith.addi %mul3A_2, %add3A_365 : i32
    %dma_start3A_367 = arith.constant 1 : i32
    %dma_start3A_368 = arith.constant 8 : i32
    %dma_start3A_369 = arith.constant 0 : i32
    %dma_start3A_370 = tpu.memref_slice %arg8[%dma_start3A_368, %dma_start3A_369] : memref<32x768xf32, #tpu.memory_space<vmem>> -> memref<8x768xf32, #tpu.memory_space<vmem>>
    %dma_start3A_371 = arith.constant 0 : i32
    %dma_start3A_372 = tpu.memref_slice %arg5[%dma_start3A_367, %add3A_366, %dma_start3A_371] : memref<4x2048x768xf32, #tpu.memory_space<hbm>> -> memref<1x8x768xf32, #tpu.memory_space<hbm>>
    %dma_start3A_373 = tpu.memref_squeeze %dma_start3A_372 : memref<1x8x768xf32, #tpu.memory_space<hbm>> -> memref<8x768xf32, #tpu.memory_space<hbm>>
    %dma_start3A_374 = arith.constant 0 : i32
    %dma_start3A_375 = tpu.memref_slice %arg5[%dma_start3A_367, %add3A_366, %dma_start3A_374] : memref<4x2048x768xf32, #tpu.memory_space<hbm>> -> memref<1x8x768xf32, #tpu.memory_space<hbm>>
    %dma_start3A_376 = tpu.memref_squeeze %dma_start3A_375 : memref<1x8x768xf32, #tpu.memory_space<hbm>> -> memref<8x768xf32, #tpu.memory_space<hbm>>
    %dma_start3A_377 = arith.constant 8 : i32
    %dma_start3A_378 = arith.constant 0 : i32
    %dma_start3A_379 = tpu.memref_slice %arg8[%dma_start3A_377, %dma_start3A_378] : memref<32x768xf32, #tpu.memory_space<vmem>> -> memref<8x768xf32, #tpu.memory_space<vmem>>
    tpu.enqueue_dma source(%dma_start3A_379 : memref<8x768xf32, #tpu.memory_space<vmem>>) target(%dma_start3A_376 : memref<8x768xf32, #tpu.memory_space<hbm>>) target_semaphore(%arg20 : memref<!tpu.dma_semaphore, #tpu.memory_space<semaphore_mem>>)
    %add3A_380 = arith.constant 0 : i32
    %add3A_381 = arith.addi %mul3A_2, %add3A_380 : i32
    %dma_start3A_382 = arith.constant 2 : i32
    %dma_start3A_383 = arith.constant 16 : i32
    %dma_start3A_384 = arith.constant 0 : i32
    %dma_start3A_385 = tpu.memref_slice %arg8[%dma_start3A_383, %dma_start3A_384] : memref<32x768xf32, #tpu.memory_space<vmem>> -> memref<8x768xf32, #tpu.memory_space<vmem>>
    %dma_start3A_386 = arith.constant 0 : i32
    %dma_start3A_387 = tpu.memref_slice %arg5[%dma_start3A_382, %add3A_381, %dma_start3A_386] : memref<4x2048x768xf32, #tpu.memory_space<hbm>> -> memref<1x8x768xf32, #tpu.memory_space<hbm>>
    %dma_start3A_388 = tpu.memref_squeeze %dma_start3A_387 : memref<1x8x768xf32, #tpu.memory_space<hbm>> -> memref<8x768xf32, #tpu.memory_space<hbm>>
    %dma_start3A_389 = arith.constant 0 : i32
    %dma_start3A_390 = tpu.memref_slice %arg5[%dma_start3A_382, %add3A_381, %dma_start3A_389] : memref<4x2048x768xf32, #tpu.memory_space<hbm>> -> memref<1x8x768xf32, #tpu.memory_space<hbm>>
    %dma_start3A_391 = tpu.memref_squeeze %dma_start3A_390 : memref<1x8x768xf32, #tpu.memory_space<hbm>> -> memref<8x768xf32, #tpu.memory_space<hbm>>
    %dma_start3A_392 = arith.constant 16 : i32
    %dma_start3A_393 = arith.constant 0 : i32
    %dma_start3A_394 = tpu.memref_slice %arg8[%dma_start3A_392, %dma_start3A_393] : memref<32x768xf32, #tpu.memory_space<vmem>> -> memref<8x768xf32, #tpu.memory_space<vmem>>
    tpu.enqueue_dma source(%dma_start3A_394 : memref<8x768xf32, #tpu.memory_space<vmem>>) target(%dma_start3A_391 : memref<8x768xf32, #tpu.memory_space<hbm>>) target_semaphore(%arg20 : memref<!tpu.dma_semaphore, #tpu.memory_space<semaphore_mem>>)
    %add3A_395 = arith.constant 0 : i32
    %add3A_396 = arith.addi %mul3A_2, %add3A_395 : i32
    %dma_start3A_397 = arith.constant 3 : i32
    %dma_start3A_398 = arith.constant 24 : i32
    %dma_start3A_399 = arith.constant 0 : i32
    %dma_start3A_400 = tpu.memref_slice %arg8[%dma_start3A_398, %dma_start3A_399] : memref<32x768xf32, #tpu.memory_space<vmem>> -> memref<8x768xf32, #tpu.memory_space<vmem>>
    %dma_start3A_401 = arith.constant 0 : i32
    %dma_start3A_402 = tpu.memref_slice %arg5[%dma_start3A_397, %add3A_396, %dma_start3A_401] : memref<4x2048x768xf32, #tpu.memory_space<hbm>> -> memref<1x8x768xf32, #tpu.memory_space<hbm>>
    %dma_start3A_403 = tpu.memref_squeeze %dma_start3A_402 : memref<1x8x768xf32, #tpu.memory_space<hbm>> -> memref<8x768xf32, #tpu.memory_space<hbm>>
    %dma_start3A_404 = arith.constant 0 : i32
    %dma_start3A_405 = tpu.memref_slice %arg5[%dma_start3A_397, %add3A_396, %dma_start3A_404] : memref<4x2048x768xf32, #tpu.memory_space<hbm>> -> memref<1x8x768xf32, #tpu.memory_space<hbm>>
    %dma_start3A_406 = tpu.memref_squeeze %dma_start3A_405 : memref<1x8x768xf32, #tpu.memory_space<hbm>> -> memref<8x768xf32, #tpu.memory_space<hbm>>
    %dma_start3A_407 = arith.constant 24 : i32
    %dma_start3A_408 = arith.constant 0 : i32
    %dma_start3A_409 = tpu.memref_slice %arg8[%dma_start3A_407, %dma_start3A_408] : memref<32x768xf32, #tpu.memory_space<vmem>> -> memref<8x768xf32, #tpu.memory_space<vmem>>
    tpu.enqueue_dma source(%dma_start3A_409 : memref<8x768xf32, #tpu.memory_space<vmem>>) target(%dma_start3A_406 : memref<8x768xf32, #tpu.memory_space<hbm>>) target_semaphore(%arg20 : memref<!tpu.dma_semaphore, #tpu.memory_space<semaphore_mem>>)
    %dma_wait3A_410 = arith.constant 0 : i32
    %dma_wait3A_411 = arith.constant 0 : i32
    %dma_wait3A_412 = arith.constant 0 : i32
    %dma_wait3A_413 = tpu.memref_slice %arg8[%dma_wait3A_411, %dma_wait3A_412] : memref<32x768xf32, #tpu.memory_space<vmem>> -> memref<8x768xf32, #tpu.memory_space<vmem>>
    %dma_wait3A_414 = arith.constant 0 : i32
    %dma_wait3A_415 = tpu.memref_slice %arg5[%dma_wait3A_410, %add3A_351, %dma_wait3A_414] : memref<4x2048x768xf32, #tpu.memory_space<hbm>> -> memref<1x8x768xf32, #tpu.memory_space<hbm>>
    %dma_wait3A_416 = tpu.memref_squeeze %dma_wait3A_415 : memref<1x8x768xf32, #tpu.memory_space<hbm>> -> memref<8x768xf32, #tpu.memory_space<hbm>>
    %dma_wait3A_417 = arith.constant 0 : i32
    %dma_wait3A_418 = tpu.memref_slice %arg5[%dma_wait3A_410, %add3A_351, %dma_wait3A_417] : memref<4x2048x768xf32, #tpu.memory_space<hbm>> -> memref<1x8x768xf32, #tpu.memory_space<hbm>>
    %dma_wait3A_419 = tpu.memref_squeeze %dma_wait3A_418 : memref<1x8x768xf32, #tpu.memory_space<hbm>> -> memref<8x768xf32, #tpu.memory_space<hbm>>
    %dma_wait3A_420 = arith.constant 0 : i32
    %dma_wait3A_421 = arith.constant 0 : i32
    %dma_wait3A_422 = tpu.memref_slice %arg8[%dma_wait3A_420, %dma_wait3A_421] : memref<32x768xf32, #tpu.memory_space<vmem>> -> memref<8x768xf32, #tpu.memory_space<vmem>>
    tpu.wait_dma2 semaphore(%arg20 : memref<!tpu.dma_semaphore, #tpu.memory_space<semaphore_mem>>) src(%dma_wait3A_422 : memref<8x768xf32, #tpu.memory_space<vmem>>) dst(%dma_wait3A_419 : memref<8x768xf32, #tpu.memory_space<hbm>>)
    %dma_wait3A_423 = arith.constant 1 : i32
    %dma_wait3A_424 = arith.constant 8 : i32
    %dma_wait3A_425 = arith.constant 0 : i32
    %dma_wait3A_426 = tpu.memref_slice %arg8[%dma_wait3A_424, %dma_wait3A_425] : memref<32x768xf32, #tpu.memory_space<vmem>> -> memref<8x768xf32, #tpu.memory_space<vmem>>
    %dma_wait3A_427 = arith.constant 0 : i32
    %dma_wait3A_428 = tpu.memref_slice %arg5[%dma_wait3A_423, %add3A_366, %dma_wait3A_427] : memref<4x2048x768xf32, #tpu.memory_space<hbm>> -> memref<1x8x768xf32, #tpu.memory_space<hbm>>
    %dma_wait3A_429 = tpu.memref_squeeze %dma_wait3A_428 : memref<1x8x768xf32, #tpu.memory_space<hbm>> -> memref<8x768xf32, #tpu.memory_space<hbm>>
    %dma_wait3A_430 = arith.constant 0 : i32
    %dma_wait3A_431 = tpu.memref_slice %arg5[%dma_wait3A_423, %add3A_366, %dma_wait3A_430] : memref<4x2048x768xf32, #tpu.memory_space<hbm>> -> memref<1x8x768xf32, #tpu.memory_space<hbm>>
    %dma_wait3A_432 = tpu.memref_squeeze %dma_wait3A_431 : memref<1x8x768xf32, #tpu.memory_space<hbm>> -> memref<8x768xf32, #tpu.memory_space<hbm>>
    %dma_wait3A_433 = arith.constant 8 : i32
    %dma_wait3A_434 = arith.constant 0 : i32
    %dma_wait3A_435 = tpu.memref_slice %arg8[%dma_wait3A_433, %dma_wait3A_434] : memref<32x768xf32, #tpu.memory_space<vmem>> -> memref<8x768xf32, #tpu.memory_space<vmem>>
    tpu.wait_dma2 semaphore(%arg20 : memref<!tpu.dma_semaphore, #tpu.memory_space<semaphore_mem>>) src(%dma_wait3A_435 : memref<8x768xf32, #tpu.memory_space<vmem>>) dst(%dma_wait3A_432 : memref<8x768xf32, #tpu.memory_space<hbm>>)
    %dma_wait3A_436 = arith.constant 2 : i32
    %dma_wait3A_437 = arith.constant 16 : i32
    %dma_wait3A_438 = arith.constant 0 : i32
    %dma_wait3A_439 = tpu.memref_slice %arg8[%dma_wait3A_437, %dma_wait3A_438] : memref<32x768xf32, #tpu.memory_space<vmem>> -> memref<8x768xf32, #tpu.memory_space<vmem>>
    %dma_wait3A_440 = arith.constant 0 : i32
    %dma_wait3A_441 = tpu.memref_slice %arg5[%dma_wait3A_436, %add3A_381, %dma_wait3A_440] : memref<4x2048x768xf32, #tpu.memory_space<hbm>> -> memref<1x8x768xf32, #tpu.memory_space<hbm>>
    %dma_wait3A_442 = tpu.memref_squeeze %dma_wait3A_441 : memref<1x8x768xf32, #tpu.memory_space<hbm>> -> memref<8x768xf32, #tpu.memory_space<hbm>>
    %dma_wait3A_443 = arith.constant 0 : i32
    %dma_wait3A_444 = tpu.memref_slice %arg5[%dma_wait3A_436, %add3A_381, %dma_wait3A_443] : memref<4x2048x768xf32, #tpu.memory_space<hbm>> -> memref<1x8x768xf32, #tpu.memory_space<hbm>>
    %dma_wait3A_445 = tpu.memref_squeeze %dma_wait3A_444 : memref<1x8x768xf32, #tpu.memory_space<hbm>> -> memref<8x768xf32, #tpu.memory_space<hbm>>
    %dma_wait3A_446 = arith.constant 16 : i32
    %dma_wait3A_447 = arith.constant 0 : i32
    %dma_wait3A_448 = tpu.memref_slice %arg8[%dma_wait3A_446, %dma_wait3A_447] : memref<32x768xf32, #tpu.memory_space<vmem>> -> memref<8x768xf32, #tpu.memory_space<vmem>>
    tpu.wait_dma2 semaphore(%arg20 : memref<!tpu.dma_semaphore, #tpu.memory_space<semaphore_mem>>) src(%dma_wait3A_448 : memref<8x768xf32, #tpu.memory_space<vmem>>) dst(%dma_wait3A_445 : memref<8x768xf32, #tpu.memory_space<hbm>>)
    %dma_wait3A_449 = arith.constant 3 : i32
    %dma_wait3A_450 = arith.constant 24 : i32
    %dma_wait3A_451 = arith.constant 0 : i32
    %dma_wait3A_452 = tpu.memref_slice %arg8[%dma_wait3A_450, %dma_wait3A_451] : memref<32x768xf32, #tpu.memory_space<vmem>> -> memref<8x768xf32, #tpu.memory_space<vmem>>
    %dma_wait3A_453 = arith.constant 0 : i32
    %dma_wait3A_454 = tpu.memref_slice %arg5[%dma_wait3A_449, %add3A_396, %dma_wait3A_453] : memref<4x2048x768xf32, #tpu.memory_space<hbm>> -> memref<1x8x768xf32, #tpu.memory_space<hbm>>
    %dma_wait3A_455 = tpu.memref_squeeze %dma_wait3A_454 : memref<1x8x768xf32, #tpu.memory_space<hbm>> -> memref<8x768xf32, #tpu.memory_space<hbm>>
    %dma_wait3A_456 = arith.constant 0 : i32
    %dma_wait3A_457 = tpu.memref_slice %arg5[%dma_wait3A_449, %add3A_396, %dma_wait3A_456] : memref<4x2048x768xf32, #tpu.memory_space<hbm>> -> memref<1x8x768xf32, #tpu.memory_space<hbm>>
    %dma_wait3A_458 = tpu.memref_squeeze %dma_wait3A_457 : memref<1x8x768xf32, #tpu.memory_space<hbm>> -> memref<8x768xf32, #tpu.memory_space<hbm>>
    %dma_wait3A_459 = arith.constant 24 : i32
    %dma_wait3A_460 = arith.constant 0 : i32
    %dma_wait3A_461 = tpu.memref_slice %arg8[%dma_wait3A_459, %dma_wait3A_460] : memref<32x768xf32, #tpu.memory_space<vmem>> -> memref<8x768xf32, #tpu.memory_space<vmem>>
    tpu.wait_dma2 semaphore(%arg20 : memref<!tpu.dma_semaphore, #tpu.memory_space<semaphore_mem>>) src(%dma_wait3A_461 : memref<8x768xf32, #tpu.memory_space<vmem>>) dst(%dma_wait3A_458 : memref<8x768xf32, #tpu.memory_space<hbm>>)
    %dma_start3A_462 = arith.constant 128 : i32
    %dma_start3A_463 = tpu.memref_slice %arg7[%dma_start3A_462] : memref<256xi32, #tpu.memory_space<vmem>> -> memref<32xi32, #tpu.memory_space<vmem>>
    %dma_start3A_464 = arith.constant 0 : i32
    %dma_start3A_465 = arith.constant 0 : i32
    %dma_start3A_466 = tpu.memref_slice %arg3[%dma_start3A_464, %dma_start3A_465] : memref<100000x768xf32, #tpu.memory_space<hbm>> -> memref<100000x768xf32, #tpu.memory_space<hbm>>
    tpu.enqueue_indirect_dma source(%dma_start3A_466 : memref<100000x768xf32, #tpu.memory_space<hbm>>) target(%arg8 : memref<32x768xf32, #tpu.memory_space<vmem>>) offsets(%dma_start3A_463 : memref<32xi32, #tpu.memory_space<vmem>>) semaphore(%arg16 : memref<!tpu.dma_semaphore, #tpu.memory_space<semaphore_mem>>)
    %add3A_467 = arith.constant 32 : i32
    %add3A_468 = arith.addi %mul3A_2, %add3A_467 : i32
    %dma_start3A_469 = arith.constant 0 : i32
    %dma_start3A_470 = tpu.memref_slice %arg4[%add3A_468, %dma_start3A_469] : memref<2048x768xf32, #tpu.memory_space<hbm>> -> memref<8x768xf32, #tpu.memory_space<hbm>>
    %dma_start3A_471 = arith.constant 0 : i32
    %dma_start3A_472 = tpu.memref_slice %arg4[%add3A_468, %dma_start3A_471] : memref<2048x768xf32, #tpu.memory_space<hbm>> -> memref<8x768xf32, #tpu.memory_space<hbm>>
    tpu.enqueue_dma source(%dma_start3A_472 : memref<8x768xf32, #tpu.memory_space<hbm>>) target(%arg12 : memref<8x768xf32, #tpu.memory_space<vmem>>) target_semaphore(%arg16 : memref<!tpu.dma_semaphore, #tpu.memory_space<semaphore_mem>>)
    %dma_wait3A_473 = arith.constant 32 : i32
    %dma_wait3A_474 = tpu.memref_slice %arg7[%dma_wait3A_473] : memref<256xi32, #tpu.memory_space<vmem>> -> memref<32xi32, #tpu.memory_space<vmem>>
    %dma_wait3A_475 = arith.constant 0 : i32
    %dma_wait3A_476 = arith.constant 0 : i32
    %dma_wait3A_477 = tpu.memref_slice %arg3[%dma_wait3A_475, %dma_wait3A_476] : memref<100000x768xf32, #tpu.memory_space<hbm>> -> memref<100000x768xf32, #tpu.memory_space<hbm>>
    tpu.wait_indirect_dma semaphore(%arg17 : memref<!tpu.dma_semaphore, #tpu.memory_space<semaphore_mem>>) src(%dma_wait3A_477 : memref<100000x768xf32, #tpu.memory_space<hbm>>) dst(%arg9 : memref<32x768xf32, #tpu.memory_space<vmem>>)
    %dma_wait3A_478 = arith.constant 0 : i32
    %dma_wait3A_479 = tpu.memref_slice %arg4[%add3A_312, %dma_wait3A_478] : memref<2048x768xf32, #tpu.memory_space<hbm>> -> memref<8x768xf32, #tpu.memory_space<hbm>>
    %dma_wait3A_480 = arith.constant 0 : i32
    %dma_wait3A_481 = tpu.memref_slice %arg4[%add3A_312, %dma_wait3A_480] : memref<2048x768xf32, #tpu.memory_space<hbm>> -> memref<8x768xf32, #tpu.memory_space<hbm>>
    tpu.wait_dma2 semaphore(%arg17 : memref<!tpu.dma_semaphore, #tpu.memory_space<semaphore_mem>>) src(%dma_wait3A_481 : memref<8x768xf32, #tpu.memory_space<hbm>>) dst(%arg13 : memref<8x768xf32, #tpu.memory_space<vmem>>)
    %parallel_loop3A_482 = arith.constant 0 : i32
    %parallel_loop3A_483 = arith.constant 384 : i32
    %parallel_loop3A_484 = arith.constant 1 : i32
    scf.for %parallel_loop3A_1374 = %parallel_loop3A_482 to %parallel_loop3A_483 step %parallel_loop3A_484  : i32 {
      %parallel_loop3A_1375 = arith.constant 7 : i32
      %parallel_loop3A_1376 = arith.andi %parallel_loop3A_1374, %parallel_loop3A_1375 : i32
      %parallel_loop3A_1377 = arith.constant 3 : i32
      %parallel_loop3A_1378 = arith.shrsi %parallel_loop3A_1374, %parallel_loop3A_1377 : i32
      %parallel_loop3A_1379 = arith.constant 16 : i32
      %parallel_loop3A_1380 = arith.muli %parallel_loop3A_1378, %parallel_loop3A_1379 : i32
      %parallel_loop3A_1381 = arith.index_cast %parallel_loop3A_1376 : i32 to index
      %parallel_loop3A_1382 = arith.index_cast %parallel_loop3A_1380 : i32 to index
      %parallel_loop3A_1383 = tpu.vector_load %arg13[%parallel_loop3A_1381, %parallel_loop3A_1382] {strides = array<i32>} : memref<8x768xf32, #tpu.memory_space<vmem>>, vector<1x16xf32>,
      %parallel_loop3A_1384 = vector.shape_cast %parallel_loop3A_1383 : vector<1x16xf32> to vector<16xf32>
      %parallel_loop3A_1385 = arith.constant 0 : i32
      %parallel_loop3A_1386 = arith.addi %parallel_loop3A_1385, %parallel_loop3A_1376 : i32
      %parallel_loop3A_1387 = arith.index_cast %parallel_loop3A_1386 : i32 to index
      %parallel_loop3A_1388 = arith.index_cast %parallel_loop3A_1380 : i32 to index
      %parallel_loop3A_1389 = tpu.vector_load %arg9[%parallel_loop3A_1387, %parallel_loop3A_1388] {strides = array<i32>} : memref<32x768xf32, #tpu.memory_space<vmem>>, vector<1x16xf32>,
      %parallel_loop3A_1390 = vector.shape_cast %parallel_loop3A_1389 : vector<1x16xf32> to vector<16xf32>
      %parallel_loop3A_1391 = arith.addf %parallel_loop3A_1390, %parallel_loop3A_1384 : vector<16xf32>
      %parallel_loop3A_1392 = arith.index_cast %parallel_loop3A_1386 : i32 to index
      %parallel_loop3A_1393 = arith.index_cast %parallel_loop3A_1380 : i32 to index
      %parallel_loop3A_1394 = tpu.vector_load %arg9[%parallel_loop3A_1392, %parallel_loop3A_1393] {strides = array<i32>} : memref<32x768xf32, #tpu.memory_space<vmem>>, vector<1x16xf32>,
      %parallel_loop3A_1395 = vector.shape_cast %parallel_loop3A_1394 : vector<1x16xf32> to vector<16xf32>
      %parallel_loop3A_1396 = vector.shape_cast %parallel_loop3A_1391 : vector<16xf32> to vector<1x16xf32>
      tpu.vector_store %arg9[%parallel_loop3A_1392, %parallel_loop3A_1393], %parallel_loop3A_1396 {strides = array<i32>} : memref<32x768xf32, #tpu.memory_space<vmem>>, vector<1x16xf32>,
      %parallel_loop3A_1397 = arith.constant 8 : i32
      %parallel_loop3A_1398 = arith.addi %parallel_loop3A_1397, %parallel_loop3A_1376 : i32
      %parallel_loop3A_1399 = arith.index_cast %parallel_loop3A_1398 : i32 to index
      %parallel_loop3A_1400 = arith.index_cast %parallel_loop3A_1380 : i32 to index
      %parallel_loop3A_1401 = tpu.vector_load %arg9[%parallel_loop3A_1399, %parallel_loop3A_1400] {strides = array<i32>} : memref<32x768xf32, #tpu.memory_space<vmem>>, vector<1x16xf32>,
      %parallel_loop3A_1402 = vector.shape_cast %parallel_loop3A_1401 : vector<1x16xf32> to vector<16xf32>
      %parallel_loop3A_1403 = arith.addf %parallel_loop3A_1402, %parallel_loop3A_1384 : vector<16xf32>
      %parallel_loop3A_1404 = arith.index_cast %parallel_loop3A_1398 : i32 to index
      %parallel_loop3A_1405 = arith.index_cast %parallel_loop3A_1380 : i32 to index
      %parallel_loop3A_1406 = tpu.vector_load %arg9[%parallel_loop3A_1404, %parallel_loop3A_1405] {strides = array<i32>} : memref<32x768xf32, #tpu.memory_space<vmem>>, vector<1x16xf32>,
      %parallel_loop3A_1407 = vector.shape_cast %parallel_loop3A_1406 : vector<1x16xf32> to vector<16xf32>
      %parallel_loop3A_1408 = vector.shape_cast %parallel_loop3A_1403 : vector<16xf32> to vector<1x16xf32>
      tpu.vector_store %arg9[%parallel_loop3A_1404, %parallel_loop3A_1405], %parallel_loop3A_1408 {strides = array<i32>} : memref<32x768xf32, #tpu.memory_space<vmem>>, vector<1x16xf32>,
      %parallel_loop3A_1409 = arith.constant 16 : i32
      %parallel_loop3A_1410 = arith.addi %parallel_loop3A_1409, %parallel_loop3A_1376 : i32
      %parallel_loop3A_1411 = arith.index_cast %parallel_loop3A_1410 : i32 to index
      %parallel_loop3A_1412 = arith.index_cast %parallel_loop3A_1380 : i32 to index
      %parallel_loop3A_1413 = tpu.vector_load %arg9[%parallel_loop3A_1411, %parallel_loop3A_1412] {strides = array<i32>} : memref<32x768xf32, #tpu.memory_space<vmem>>, vector<1x16xf32>,
      %parallel_loop3A_1414 = vector.shape_cast %parallel_loop3A_1413 : vector<1x16xf32> to vector<16xf32>
      %parallel_loop3A_1415 = arith.addf %parallel_loop3A_1414, %parallel_loop3A_1384 : vector<16xf32>
      %parallel_loop3A_1416 = arith.index_cast %parallel_loop3A_1410 : i32 to index
      %parallel_loop3A_1417 = arith.index_cast %parallel_loop3A_1380 : i32 to index
      %parallel_loop3A_1418 = tpu.vector_load %arg9[%parallel_loop3A_1416, %parallel_loop3A_1417] {strides = array<i32>} : memref<32x768xf32, #tpu.memory_space<vmem>>, vector<1x16xf32>,
      %parallel_loop3A_1419 = vector.shape_cast %parallel_loop3A_1418 : vector<1x16xf32> to vector<16xf32>
      %parallel_loop3A_1420 = vector.shape_cast %parallel_loop3A_1415 : vector<16xf32> to vector<1x16xf32>
      tpu.vector_store %arg9[%parallel_loop3A_1416, %parallel_loop3A_1417], %parallel_loop3A_1420 {strides = array<i32>} : memref<32x768xf32, #tpu.memory_space<vmem>>, vector<1x16xf32>,
      %parallel_loop3A_1421 = arith.constant 24 : i32
      %parallel_loop3A_1422 = arith.addi %parallel_loop3A_1421, %parallel_loop3A_1376 : i32
      %parallel_loop3A_1423 = arith.index_cast %parallel_loop3A_1422 : i32 to index
      %parallel_loop3A_1424 = arith.index_cast %parallel_loop3A_1380 : i32 to index
      %parallel_loop3A_1425 = tpu.vector_load %arg9[%parallel_loop3A_1423, %parallel_loop3A_1424] {strides = array<i32>} : memref<32x768xf32, #tpu.memory_space<vmem>>, vector<1x16xf32>,
      %parallel_loop3A_1426 = vector.shape_cast %parallel_loop3A_1425 : vector<1x16xf32> to vector<16xf32>
      %parallel_loop3A_1427 = arith.addf %parallel_loop3A_1426, %parallel_loop3A_1384 : vector<16xf32>
      %parallel_loop3A_1428 = arith.index_cast %parallel_loop3A_1422 : i32 to index
      %parallel_loop3A_1429 = arith.index_cast %parallel_loop3A_1380 : i32 to index
      %parallel_loop3A_1430 = tpu.vector_load %arg9[%parallel_loop3A_1428, %parallel_loop3A_1429] {strides = array<i32>} : memref<32x768xf32, #tpu.memory_space<vmem>>, vector<1x16xf32>,
      %parallel_loop3A_1431 = vector.shape_cast %parallel_loop3A_1430 : vector<1x16xf32> to vector<16xf32>
      %parallel_loop3A_1432 = vector.shape_cast %parallel_loop3A_1427 : vector<16xf32> to vector<1x16xf32>
      tpu.vector_store %arg9[%parallel_loop3A_1428, %parallel_loop3A_1429], %parallel_loop3A_1432 {strides = array<i32>} : memref<32x768xf32, #tpu.memory_space<vmem>>, vector<1x16xf32>,
    } {sc.loop_unroll_factor = 2 : i64, sc.parallel_access}
    %add3A_485 = arith.constant 8 : i32
    %add3A_486 = arith.addi %mul3A_2, %add3A_485 : i32
    %dma_start3A_487 = arith.constant 0 : i32
    %dma_start3A_488 = arith.constant 0 : i32
    %dma_start3A_489 = arith.constant 0 : i32
    %dma_start3A_490 = tpu.memref_slice %arg9[%dma_start3A_488, %dma_start3A_489] : memref<32x768xf32, #tpu.memory_space<vmem>> -> memref<8x768xf32, #tpu.memory_space<vmem>>
    %dma_start3A_491 = arith.constant 0 : i32
    %dma_start3A_492 = tpu.memref_slice %arg5[%dma_start3A_487, %add3A_486, %dma_start3A_491] : memref<4x2048x768xf32, #tpu.memory_space<hbm>> -> memref<1x8x768xf32, #tpu.memory_space<hbm>>
    %dma_start3A_493 = tpu.memref_squeeze %dma_start3A_492 : memref<1x8x768xf32, #tpu.memory_space<hbm>> -> memref<8x768xf32, #tpu.memory_space<hbm>>
    %dma_start3A_494 = arith.constant 0 : i32
    %dma_start3A_495 = tpu.memref_slice %arg5[%dma_start3A_487, %add3A_486, %dma_start3A_494] : memref<4x2048x768xf32, #tpu.memory_space<hbm>> -> memref<1x8x768xf32, #tpu.memory_space<hbm>>
    %dma_start3A_496 = tpu.memref_squeeze %dma_start3A_495 : memref<1x8x768xf32, #tpu.memory_space<hbm>> -> memref<8x768xf32, #tpu.memory_space<hbm>>
    %dma_start3A_497 = arith.constant 0 : i32
    %dma_start3A_498 = arith.constant 0 : i32
    %dma_start3A_499 = tpu.memref_slice %arg9[%dma_start3A_497, %dma_start3A_498] : memref<32x768xf32, #tpu.memory_space<vmem>> -> memref<8x768xf32, #tpu.memory_space<vmem>>
    tpu.enqueue_dma source(%dma_start3A_499 : memref<8x768xf32, #tpu.memory_space<vmem>>) target(%dma_start3A_496 : memref<8x768xf32, #tpu.memory_space<hbm>>) target_semaphore(%arg21 : memref<!tpu.dma_semaphore, #tpu.memory_space<semaphore_mem>>)
    %add3A_500 = arith.constant 8 : i32
    %add3A_501 = arith.addi %mul3A_2, %add3A_500 : i32
    %dma_start3A_502 = arith.constant 1 : i32
    %dma_start3A_503 = arith.constant 8 : i32
    %dma_start3A_504 = arith.constant 0 : i32
    %dma_start3A_505 = tpu.memref_slice %arg9[%dma_start3A_503, %dma_start3A_504] : memref<32x768xf32, #tpu.memory_space<vmem>> -> memref<8x768xf32, #tpu.memory_space<vmem>>
    %dma_start3A_506 = arith.constant 0 : i32
    %dma_start3A_507 = tpu.memref_slice %arg5[%dma_start3A_502, %add3A_501, %dma_start3A_506] : memref<4x2048x768xf32, #tpu.memory_space<hbm>> -> memref<1x8x768xf32, #tpu.memory_space<hbm>>
    %dma_start3A_508 = tpu.memref_squeeze %dma_start3A_507 : memref<1x8x768xf32, #tpu.memory_space<hbm>> -> memref<8x768xf32, #tpu.memory_space<hbm>>
    %dma_start3A_509 = arith.constant 0 : i32
    %dma_start3A_510 = tpu.memref_slice %arg5[%dma_start3A_502, %add3A_501, %dma_start3A_509] : memref<4x2048x768xf32, #tpu.memory_space<hbm>> -> memref<1x8x768xf32, #tpu.memory_space<hbm>>
    %dma_start3A_511 = tpu.memref_squeeze %dma_start3A_510 : memref<1x8x768xf32, #tpu.memory_space<hbm>> -> memref<8x768xf32, #tpu.memory_space<hbm>>
    %dma_start3A_512 = arith.constant 8 : i32
    %dma_start3A_513 = arith.constant 0 : i32
    %dma_start3A_514 = tpu.memref_slice %arg9[%dma_start3A_512, %dma_start3A_513] : memref<32x768xf32, #tpu.memory_space<vmem>> -> memref<8x768xf32, #tpu.memory_space<vmem>>
    tpu.enqueue_dma source(%dma_start3A_514 : memref<8x768xf32, #tpu.memory_space<vmem>>) target(%dma_start3A_511 : memref<8x768xf32, #tpu.memory_space<hbm>>) target_semaphore(%arg21 : memref<!tpu.dma_semaphore, #tpu.memory_space<semaphore_mem>>)
    %add3A_515 = arith.constant 8 : i32
    %add3A_516 = arith.addi %mul3A_2, %add3A_515 : i32
    %dma_start3A_517 = arith.constant 2 : i32
    %dma_start3A_518 = arith.constant 16 : i32
    %dma_start3A_519 = arith.constant 0 : i32
    %dma_start3A_520 = tpu.memref_slice %arg9[%dma_start3A_518, %dma_start3A_519] : memref<32x768xf32, #tpu.memory_space<vmem>> -> memref<8x768xf32, #tpu.memory_space<vmem>>
    %dma_start3A_521 = arith.constant 0 : i32
    %dma_start3A_522 = tpu.memref_slice %arg5[%dma_start3A_517, %add3A_516, %dma_start3A_521] : memref<4x2048x768xf32, #tpu.memory_space<hbm>> -> memref<1x8x768xf32, #tpu.memory_space<hbm>>
    %dma_start3A_523 = tpu.memref_squeeze %dma_start3A_522 : memref<1x8x768xf32, #tpu.memory_space<hbm>> -> memref<8x768xf32, #tpu.memory_space<hbm>>
    %dma_start3A_524 = arith.constant 0 : i32
    %dma_start3A_525 = tpu.memref_slice %arg5[%dma_start3A_517, %add3A_516, %dma_start3A_524] : memref<4x2048x768xf32, #tpu.memory_space<hbm>> -> memref<1x8x768xf32, #tpu.memory_space<hbm>>
    %dma_start3A_526 = tpu.memref_squeeze %dma_start3A_525 : memref<1x8x768xf32, #tpu.memory_space<hbm>> -> memref<8x768xf32, #tpu.memory_space<hbm>>
    %dma_start3A_527 = arith.constant 16 : i32
    %dma_start3A_528 = arith.constant 0 : i32
    %dma_start3A_529 = tpu.memref_slice %arg9[%dma_start3A_527, %dma_start3A_528] : memref<32x768xf32, #tpu.memory_space<vmem>> -> memref<8x768xf32, #tpu.memory_space<vmem>>
    tpu.enqueue_dma source(%dma_start3A_529 : memref<8x768xf32, #tpu.memory_space<vmem>>) target(%dma_start3A_526 : memref<8x768xf32, #tpu.memory_space<hbm>>) target_semaphore(%arg21 : memref<!tpu.dma_semaphore, #tpu.memory_space<semaphore_mem>>)
    %add3A_530 = arith.constant 8 : i32
    %add3A_531 = arith.addi %mul3A_2, %add3A_530 : i32
    %dma_start3A_532 = arith.constant 3 : i32
    %dma_start3A_533 = arith.constant 24 : i32
    %dma_start3A_534 = arith.constant 0 : i32
    %dma_start3A_535 = tpu.memref_slice %arg9[%dma_start3A_533, %dma_start3A_534] : memref<32x768xf32, #tpu.memory_space<vmem>> -> memref<8x768xf32, #tpu.memory_space<vmem>>
    %dma_start3A_536 = arith.constant 0 : i32
    %dma_start3A_537 = tpu.memref_slice %arg5[%dma_start3A_532, %add3A_531, %dma_start3A_536] : memref<4x2048x768xf32, #tpu.memory_space<hbm>> -> memref<1x8x768xf32, #tpu.memory_space<hbm>>
    %dma_start3A_538 = tpu.memref_squeeze %dma_start3A_537 : memref<1x8x768xf32, #tpu.memory_space<hbm>> -> memref<8x768xf32, #tpu.memory_space<hbm>>
    %dma_start3A_539 = arith.constant 0 : i32
    %dma_start3A_540 = tpu.memref_slice %arg5[%dma_start3A_532, %add3A_531, %dma_start3A_539] : memref<4x2048x768xf32, #tpu.memory_space<hbm>> -> memref<1x8x768xf32, #tpu.memory_space<hbm>>
    %dma_start3A_541 = tpu.memref_squeeze %dma_start3A_540 : memref<1x8x768xf32, #tpu.memory_space<hbm>> -> memref<8x768xf32, #tpu.memory_space<hbm>>
    %dma_start3A_542 = arith.constant 24 : i32
    %dma_start3A_543 = arith.constant 0 : i32
    %dma_start3A_544 = tpu.memref_slice %arg9[%dma_start3A_542, %dma_start3A_543] : memref<32x768xf32, #tpu.memory_space<vmem>> -> memref<8x768xf32, #tpu.memory_space<vmem>>
    tpu.enqueue_dma source(%dma_start3A_544 : memref<8x768xf32, #tpu.memory_space<vmem>>) target(%dma_start3A_541 : memref<8x768xf32, #tpu.memory_space<hbm>>) target_semaphore(%arg21 : memref<!tpu.dma_semaphore, #tpu.memory_space<semaphore_mem>>)
    %dma_wait3A_545 = arith.constant 0 : i32
    %dma_wait3A_546 = arith.constant 0 : i32
    %dma_wait3A_547 = arith.constant 0 : i32
    %dma_wait3A_548 = tpu.memref_slice %arg9[%dma_wait3A_546, %dma_wait3A_547] : memref<32x768xf32, #tpu.memory_space<vmem>> -> memref<8x768xf32, #tpu.memory_space<vmem>>
    %dma_wait3A_549 = arith.constant 0 : i32
    %dma_wait3A_550 = tpu.memref_slice %arg5[%dma_wait3A_545, %add3A_486, %dma_wait3A_549] : memref<4x2048x768xf32, #tpu.memory_space<hbm>> -> memref<1x8x768xf32, #tpu.memory_space<hbm>>
    %dma_wait3A_551 = tpu.memref_squeeze %dma_wait3A_550 : memref<1x8x768xf32, #tpu.memory_space<hbm>> -> memref<8x768xf32, #tpu.memory_space<hbm>>
    %dma_wait3A_552 = arith.constant 0 : i32
    %dma_wait3A_553 = tpu.memref_slice %arg5[%dma_wait3A_545, %add3A_486, %dma_wait3A_552] : memref<4x2048x768xf32, #tpu.memory_space<hbm>> -> memref<1x8x768xf32, #tpu.memory_space<hbm>>
    %dma_wait3A_554 = tpu.memref_squeeze %dma_wait3A_553 : memref<1x8x768xf32, #tpu.memory_space<hbm>> -> memref<8x768xf32, #tpu.memory_space<hbm>>
    %dma_wait3A_555 = arith.constant 0 : i32
    %dma_wait3A_556 = arith.constant 0 : i32
    %dma_wait3A_557 = tpu.memref_slice %arg9[%dma_wait3A_555, %dma_wait3A_556] : memref<32x768xf32, #tpu.memory_space<vmem>> -> memref<8x768xf32, #tpu.memory_space<vmem>>
    tpu.wait_dma2 semaphore(%arg21 : memref<!tpu.dma_semaphore, #tpu.memory_space<semaphore_mem>>) src(%dma_wait3A_557 : memref<8x768xf32, #tpu.memory_space<vmem>>) dst(%dma_wait3A_554 : memref<8x768xf32, #tpu.memory_space<hbm>>)
    %dma_wait3A_558 = arith.constant 1 : i32
    %dma_wait3A_559 = arith.constant 8 : i32
    %dma_wait3A_560 = arith.constant 0 : i32
    %dma_wait3A_561 = tpu.memref_slice %arg9[%dma_wait3A_559, %dma_wait3A_560] : memref<32x768xf32, #tpu.memory_space<vmem>> -> memref<8x768xf32, #tpu.memory_space<vmem>>
    %dma_wait3A_562 = arith.constant 0 : i32
    %dma_wait3A_563 = tpu.memref_slice %arg5[%dma_wait3A_558, %add3A_501, %dma_wait3A_562] : memref<4x2048x768xf32, #tpu.memory_space<hbm>> -> memref<1x8x768xf32, #tpu.memory_space<hbm>>
    %dma_wait3A_564 = tpu.memref_squeeze %dma_wait3A_563 : memref<1x8x768xf32, #tpu.memory_space<hbm>> -> memref<8x768xf32, #tpu.memory_space<hbm>>
    %dma_wait3A_565 = arith.constant 0 : i32
    %dma_wait3A_566 = tpu.memref_slice %arg5[%dma_wait3A_558, %add3A_501, %dma_wait3A_565] : memref<4x2048x768xf32, #tpu.memory_space<hbm>> -> memref<1x8x768xf32, #tpu.memory_space<hbm>>
    %dma_wait3A_567 = tpu.memref_squeeze %dma_wait3A_566 : memref<1x8x768xf32, #tpu.memory_space<hbm>> -> memref<8x768xf32, #tpu.memory_space<hbm>>
    %dma_wait3A_568 = arith.constant 8 : i32
    %dma_wait3A_569 = arith.constant 0 : i32
    %dma_wait3A_570 = tpu.memref_slice %arg9[%dma_wait3A_568, %dma_wait3A_569] : memref<32x768xf32, #tpu.memory_space<vmem>> -> memref<8x768xf32, #tpu.memory_space<vmem>>
    tpu.wait_dma2 semaphore(%arg21 : memref<!tpu.dma_semaphore, #tpu.memory_space<semaphore_mem>>) src(%dma_wait3A_570 : memref<8x768xf32, #tpu.memory_space<vmem>>) dst(%dma_wait3A_567 : memref<8x768xf32, #tpu.memory_space<hbm>>)
    %dma_wait3A_571 = arith.constant 2 : i32
    %dma_wait3A_572 = arith.constant 16 : i32
    %dma_wait3A_573 = arith.constant 0 : i32
    %dma_wait3A_574 = tpu.memref_slice %arg9[%dma_wait3A_572, %dma_wait3A_573] : memref<32x768xf32, #tpu.memory_space<vmem>> -> memref<8x768xf32, #tpu.memory_space<vmem>>
    %dma_wait3A_575 = arith.constant 0 : i32
    %dma_wait3A_576 = tpu.memref_slice %arg5[%dma_wait3A_571, %add3A_516, %dma_wait3A_575] : memref<4x2048x768xf32, #tpu.memory_space<hbm>> -> memref<1x8x768xf32, #tpu.memory_space<hbm>>
    %dma_wait3A_577 = tpu.memref_squeeze %dma_wait3A_576 : memref<1x8x768xf32, #tpu.memory_space<hbm>> -> memref<8x768xf32, #tpu.memory_space<hbm>>
    %dma_wait3A_578 = arith.constant 0 : i32
    %dma_wait3A_579 = tpu.memref_slice %arg5[%dma_wait3A_571, %add3A_516, %dma_wait3A_578] : memref<4x2048x768xf32, #tpu.memory_space<hbm>> -> memref<1x8x768xf32, #tpu.memory_space<hbm>>
    %dma_wait3A_580 = tpu.memref_squeeze %dma_wait3A_579 : memref<1x8x768xf32, #tpu.memory_space<hbm>> -> memref<8x768xf32, #tpu.memory_space<hbm>>
    %dma_wait3A_581 = arith.constant 16 : i32
    %dma_wait3A_582 = arith.constant 0 : i32
    %dma_wait3A_583 = tpu.memref_slice %arg9[%dma_wait3A_581, %dma_wait3A_582] : memref<32x768xf32, #tpu.memory_space<vmem>> -> memref<8x768xf32, #tpu.memory_space<vmem>>
    tpu.wait_dma2 semaphore(%arg21 : memref<!tpu.dma_semaphore, #tpu.memory_space<semaphore_mem>>) src(%dma_wait3A_583 : memref<8x768xf32, #tpu.memory_space<vmem>>) dst(%dma_wait3A_580 : memref<8x768xf32, #tpu.memory_space<hbm>>)
    %dma_wait3A_584 = arith.constant 3 : i32
    %dma_wait3A_585 = arith.constant 24 : i32
    %dma_wait3A_586 = arith.constant 0 : i32
    %dma_wait3A_587 = tpu.memref_slice %arg9[%dma_wait3A_585, %dma_wait3A_586] : memref<32x768xf32, #tpu.memory_space<vmem>> -> memref<8x768xf32, #tpu.memory_space<vmem>>
    %dma_wait3A_588 = arith.constant 0 : i32
    %dma_wait3A_589 = tpu.memref_slice %arg5[%dma_wait3A_584, %add3A_531, %dma_wait3A_588] : memref<4x2048x768xf32, #tpu.memory_space<hbm>> -> memref<1x8x768xf32, #tpu.memory_space<hbm>>
    %dma_wait3A_590 = tpu.memref_squeeze %dma_wait3A_589 : memref<1x8x768xf32, #tpu.memory_space<hbm>> -> memref<8x768xf32, #tpu.memory_space<hbm>>
    %dma_wait3A_591 = arith.constant 0 : i32
    %dma_wait3A_592 = tpu.memref_slice %arg5[%dma_wait3A_584, %add3A_531, %dma_wait3A_591] : memref<4x2048x768xf32, #tpu.memory_space<hbm>> -> memref<1x8x768xf32, #tpu.memory_space<hbm>>
    %dma_wait3A_593 = tpu.memref_squeeze %dma_wait3A_592 : memref<1x8x768xf32, #tpu.memory_space<hbm>> -> memref<8x768xf32, #tpu.memory_space<hbm>>
    %dma_wait3A_594 = arith.constant 24 : i32
    %dma_wait3A_595 = arith.constant 0 : i32
    %dma_wait3A_596 = tpu.memref_slice %arg9[%dma_wait3A_594, %dma_wait3A_595] : memref<32x768xf32, #tpu.memory_space<vmem>> -> memref<8x768xf32, #tpu.memory_space<vmem>>
    tpu.wait_dma2 semaphore(%arg21 : memref<!tpu.dma_semaphore, #tpu.memory_space<semaphore_mem>>) src(%dma_wait3A_596 : memref<8x768xf32, #tpu.memory_space<vmem>>) dst(%dma_wait3A_593 : memref<8x768xf32, #tpu.memory_space<hbm>>)
    %dma_start3A_597 = arith.constant 160 : i32
    %dma_start3A_598 = tpu.memref_slice %arg7[%dma_start3A_597] : memref<256xi32, #tpu.memory_space<vmem>> -> memref<32xi32, #tpu.memory_space<vmem>>
    %dma_start3A_599 = arith.constant 0 : i32
    %dma_start3A_600 = arith.constant 0 : i32
    %dma_start3A_601 = tpu.memref_slice %arg3[%dma_start3A_599, %dma_start3A_600] : memref<100000x768xf32, #tpu.memory_space<hbm>> -> memref<100000x768xf32, #tpu.memory_space<hbm>>
    tpu.enqueue_indirect_dma source(%dma_start3A_601 : memref<100000x768xf32, #tpu.memory_space<hbm>>) target(%arg9 : memref<32x768xf32, #tpu.memory_space<vmem>>) offsets(%dma_start3A_598 : memref<32xi32, #tpu.memory_space<vmem>>) semaphore(%arg17 : memref<!tpu.dma_semaphore, #tpu.memory_space<semaphore_mem>>)
    %add3A_602 = arith.constant 40 : i32
    %add3A_603 = arith.addi %mul3A_2, %add3A_602 : i32
    %dma_start3A_604 = arith.constant 0 : i32
    %dma_start3A_605 = tpu.memref_slice %arg4[%add3A_603, %dma_start3A_604] : memref<2048x768xf32, #tpu.memory_space<hbm>> -> memref<8x768xf32, #tpu.memory_space<hbm>>
    %dma_start3A_606 = arith.constant 0 : i32
    %dma_start3A_607 = tpu.memref_slice %arg4[%add3A_603, %dma_start3A_606] : memref<2048x768xf32, #tpu.memory_space<hbm>> -> memref<8x768xf32, #tpu.memory_space<hbm>>
    tpu.enqueue_dma source(%dma_start3A_607 : memref<8x768xf32, #tpu.memory_space<hbm>>) target(%arg13 : memref<8x768xf32, #tpu.memory_space<vmem>>) target_semaphore(%arg17 : memref<!tpu.dma_semaphore, #tpu.memory_space<semaphore_mem>>)
    %dma_wait3A_608 = arith.constant 64 : i32
    %dma_wait3A_609 = tpu.memref_slice %arg7[%dma_wait3A_608] : memref<256xi32, #tpu.memory_space<vmem>> -> memref<32xi32, #tpu.memory_space<vmem>>
    %dma_wait3A_610 = arith.constant 0 : i32
    %dma_wait3A_611 = arith.constant 0 : i32
    %dma_wait3A_612 = tpu.memref_slice %arg3[%dma_wait3A_610, %dma_wait3A_611] : memref<100000x768xf32, #tpu.memory_space<hbm>> -> memref<100000x768xf32, #tpu.memory_space<hbm>>
    tpu.wait_indirect_dma semaphore(%arg18 : memref<!tpu.dma_semaphore, #tpu.memory_space<semaphore_mem>>) src(%dma_wait3A_612 : memref<100000x768xf32, #tpu.memory_space<hbm>>) dst(%arg10 : memref<32x768xf32, #tpu.memory_space<vmem>>)
    %dma_wait3A_613 = arith.constant 0 : i32
    %dma_wait3A_614 = tpu.memref_slice %arg4[%add3A_323, %dma_wait3A_613] : memref<2048x768xf32, #tpu.memory_space<hbm>> -> memref<8x768xf32, #tpu.memory_space<hbm>>
    %dma_wait3A_615 = arith.constant 0 : i32
    %dma_wait3A_616 = tpu.memref_slice %arg4[%add3A_323, %dma_wait3A_615] : memref<2048x768xf32, #tpu.memory_space<hbm>> -> memref<8x768xf32, #tpu.memory_space<hbm>>
    tpu.wait_dma2 semaphore(%arg18 : memref<!tpu.dma_semaphore, #tpu.memory_space<semaphore_mem>>) src(%dma_wait3A_616 : memref<8x768xf32, #tpu.memory_space<hbm>>) dst(%arg14 : memref<8x768xf32, #tpu.memory_space<vmem>>)
    %parallel_loop3A_617 = arith.constant 0 : i32
    %parallel_loop3A_618 = arith.constant 384 : i32
    %parallel_loop3A_619 = arith.constant 1 : i32
    scf.for %parallel_loop3A_1374 = %parallel_loop3A_617 to %parallel_loop3A_618 step %parallel_loop3A_619  : i32 {
      %parallel_loop3A_1375 = arith.constant 7 : i32
      %parallel_loop3A_1376 = arith.andi %parallel_loop3A_1374, %parallel_loop3A_1375 : i32
      %parallel_loop3A_1377 = arith.constant 3 : i32
      %parallel_loop3A_1378 = arith.shrsi %parallel_loop3A_1374, %parallel_loop3A_1377 : i32
      %parallel_loop3A_1379 = arith.constant 16 : i32
      %parallel_loop3A_1380 = arith.muli %parallel_loop3A_1378, %parallel_loop3A_1379 : i32
      %parallel_loop3A_1381 = arith.index_cast %parallel_loop3A_1376 : i32 to index
      %parallel_loop3A_1382 = arith.index_cast %parallel_loop3A_1380 : i32 to index
      %parallel_loop3A_1383 = tpu.vector_load %arg14[%parallel_loop3A_1381, %parallel_loop3A_1382] {strides = array<i32>} : memref<8x768xf32, #tpu.memory_space<vmem>>, vector<1x16xf32>,
      %parallel_loop3A_1384 = vector.shape_cast %parallel_loop3A_1383 : vector<1x16xf32> to vector<16xf32>
      %parallel_loop3A_1385 = arith.constant 0 : i32
      %parallel_loop3A_1386 = arith.addi %parallel_loop3A_1385, %parallel_loop3A_1376 : i32
      %parallel_loop3A_1387 = arith.index_cast %parallel_loop3A_1386 : i32 to index
      %parallel_loop3A_1388 = arith.index_cast %parallel_loop3A_1380 : i32 to index
      %parallel_loop3A_1389 = tpu.vector_load %arg10[%parallel_loop3A_1387, %parallel_loop3A_1388] {strides = array<i32>} : memref<32x768xf32, #tpu.memory_space<vmem>>, vector<1x16xf32>,
      %parallel_loop3A_1390 = vector.shape_cast %parallel_loop3A_1389 : vector<1x16xf32> to vector<16xf32>
      %parallel_loop3A_1391 = arith.addf %parallel_loop3A_1390, %parallel_loop3A_1384 : vector<16xf32>
      %parallel_loop3A_1392 = arith.index_cast %parallel_loop3A_1386 : i32 to index
      %parallel_loop3A_1393 = arith.index_cast %parallel_loop3A_1380 : i32 to index
      %parallel_loop3A_1394 = tpu.vector_load %arg10[%parallel_loop3A_1392, %parallel_loop3A_1393] {strides = array<i32>} : memref<32x768xf32, #tpu.memory_space<vmem>>, vector<1x16xf32>,
      %parallel_loop3A_1395 = vector.shape_cast %parallel_loop3A_1394 : vector<1x16xf32> to vector<16xf32>
      %parallel_loop3A_1396 = vector.shape_cast %parallel_loop3A_1391 : vector<16xf32> to vector<1x16xf32>
      tpu.vector_store %arg10[%parallel_loop3A_1392, %parallel_loop3A_1393], %parallel_loop3A_1396 {strides = array<i32>} : memref<32x768xf32, #tpu.memory_space<vmem>>, vector<1x16xf32>,
      %parallel_loop3A_1397 = arith.constant 8 : i32
      %parallel_loop3A_1398 = arith.addi %parallel_loop3A_1397, %parallel_loop3A_1376 : i32
      %parallel_loop3A_1399 = arith.index_cast %parallel_loop3A_1398 : i32 to index
      %parallel_loop3A_1400 = arith.index_cast %parallel_loop3A_1380 : i32 to index
      %parallel_loop3A_1401 = tpu.vector_load %arg10[%parallel_loop3A_1399, %parallel_loop3A_1400] {strides = array<i32>} : memref<32x768xf32, #tpu.memory_space<vmem>>, vector<1x16xf32>,
      %parallel_loop3A_1402 = vector.shape_cast %parallel_loop3A_1401 : vector<1x16xf32> to vector<16xf32>
      %parallel_loop3A_1403 = arith.addf %parallel_loop3A_1402, %parallel_loop3A_1384 : vector<16xf32>
      %parallel_loop3A_1404 = arith.index_cast %parallel_loop3A_1398 : i32 to index
      %parallel_loop3A_1405 = arith.index_cast %parallel_loop3A_1380 : i32 to index
      %parallel_loop3A_1406 = tpu.vector_load %arg10[%parallel_loop3A_1404, %parallel_loop3A_1405] {strides = array<i32>} : memref<32x768xf32, #tpu.memory_space<vmem>>, vector<1x16xf32>,
      %parallel_loop3A_1407 = vector.shape_cast %parallel_loop3A_1406 : vector<1x16xf32> to vector<16xf32>
      %parallel_loop3A_1408 = vector.shape_cast %parallel_loop3A_1403 : vector<16xf32> to vector<1x16xf32>
      tpu.vector_store %arg10[%parallel_loop3A_1404, %parallel_loop3A_1405], %parallel_loop3A_1408 {strides = array<i32>} : memref<32x768xf32, #tpu.memory_space<vmem>>, vector<1x16xf32>,
      %parallel_loop3A_1409 = arith.constant 16 : i32
      %parallel_loop3A_1410 = arith.addi %parallel_loop3A_1409, %parallel_loop3A_1376 : i32
      %parallel_loop3A_1411 = arith.index_cast %parallel_loop3A_1410 : i32 to index
      %parallel_loop3A_1412 = arith.index_cast %parallel_loop3A_1380 : i32 to index
      %parallel_loop3A_1413 = tpu.vector_load %arg10[%parallel_loop3A_1411, %parallel_loop3A_1412] {strides = array<i32>} : memref<32x768xf32, #tpu.memory_space<vmem>>, vector<1x16xf32>,
      %parallel_loop3A_1414 = vector.shape_cast %parallel_loop3A_1413 : vector<1x16xf32> to vector<16xf32>
      %parallel_loop3A_1415 = arith.addf %parallel_loop3A_1414, %parallel_loop3A_1384 : vector<16xf32>
      %parallel_loop3A_1416 = arith.index_cast %parallel_loop3A_1410 : i32 to index
      %parallel_loop3A_1417 = arith.index_cast %parallel_loop3A_1380 : i32 to index
      %parallel_loop3A_1418 = tpu.vector_load %arg10[%parallel_loop3A_1416, %parallel_loop3A_1417] {strides = array<i32>} : memref<32x768xf32, #tpu.memory_space<vmem>>, vector<1x16xf32>,
      %parallel_loop3A_1419 = vector.shape_cast %parallel_loop3A_1418 : vector<1x16xf32> to vector<16xf32>
      %parallel_loop3A_1420 = vector.shape_cast %parallel_loop3A_1415 : vector<16xf32> to vector<1x16xf32>
      tpu.vector_store %arg10[%parallel_loop3A_1416, %parallel_loop3A_1417], %parallel_loop3A_1420 {strides = array<i32>} : memref<32x768xf32, #tpu.memory_space<vmem>>, vector<1x16xf32>,
      %parallel_loop3A_1421 = arith.constant 24 : i32
      %parallel_loop3A_1422 = arith.addi %parallel_loop3A_1421, %parallel_loop3A_1376 : i32
      %parallel_loop3A_1423 = arith.index_cast %parallel_loop3A_1422 : i32 to index
      %parallel_loop3A_1424 = arith.index_cast %parallel_loop3A_1380 : i32 to index
      %parallel_loop3A_1425 = tpu.vector_load %arg10[%parallel_loop3A_1423, %parallel_loop3A_1424] {strides = array<i32>} : memref<32x768xf32, #tpu.memory_space<vmem>>, vector<1x16xf32>,
      %parallel_loop3A_1426 = vector.shape_cast %parallel_loop3A_1425 : vector<1x16xf32> to vector<16xf32>
      %parallel_loop3A_1427 = arith.addf %parallel_loop3A_1426, %parallel_loop3A_1384 : vector<16xf32>
      %parallel_loop3A_1428 = arith.index_cast %parallel_loop3A_1422 : i32 to index
      %parallel_loop3A_1429 = arith.index_cast %parallel_loop3A_1380 : i32 to index
      %parallel_loop3A_1430 = tpu.vector_load %arg10[%parallel_loop3A_1428, %parallel_loop3A_1429] {strides = array<i32>} : memref<32x768xf32, #tpu.memory_space<vmem>>, vector<1x16xf32>,
      %parallel_loop3A_1431 = vector.shape_cast %parallel_loop3A_1430 : vector<1x16xf32> to vector<16xf32>
      %parallel_loop3A_1432 = vector.shape_cast %parallel_loop3A_1427 : vector<16xf32> to vector<1x16xf32>
      tpu.vector_store %arg10[%parallel_loop3A_1428, %parallel_loop3A_1429], %parallel_loop3A_1432 {strides = array<i32>} : memref<32x768xf32, #tpu.memory_space<vmem>>, vector<1x16xf32>,
    } {sc.loop_unroll_factor = 2 : i64, sc.parallel_access}
    %add3A_620 = arith.constant 16 : i32
    %add3A_621 = arith.addi %mul3A_2, %add3A_620 : i32
    %dma_start3A_622 = arith.constant 0 : i32
    %dma_start3A_623 = arith.constant 0 : i32
    %dma_start3A_624 = arith.constant 0 : i32
    %dma_start3A_625 = tpu.memref_slice %arg10[%dma_start3A_623, %dma_start3A_624] : memref<32x768xf32, #tpu.memory_space<vmem>> -> memref<8x768xf32, #tpu.memory_space<vmem>>
    %dma_start3A_626 = arith.constant 0 : i32
    %dma_start3A_627 = tpu.memref_slice %arg5[%dma_start3A_622, %add3A_621, %dma_start3A_626] : memref<4x2048x768xf32, #tpu.memory_space<hbm>> -> memref<1x8x768xf32, #tpu.memory_space<hbm>>
    %dma_start3A_628 = tpu.memref_squeeze %dma_start3A_627 : memref<1x8x768xf32, #tpu.memory_space<hbm>> -> memref<8x768xf32, #tpu.memory_space<hbm>>
    %dma_start3A_629 = arith.constant 0 : i32
    %dma_start3A_630 = tpu.memref_slice %arg5[%dma_start3A_622, %add3A_621, %dma_start3A_629] : memref<4x2048x768xf32, #tpu.memory_space<hbm>> -> memref<1x8x768xf32, #tpu.memory_space<hbm>>
    %dma_start3A_631 = tpu.memref_squeeze %dma_start3A_630 : memref<1x8x768xf32, #tpu.memory_space<hbm>> -> memref<8x768xf32, #tpu.memory_space<hbm>>
    %dma_start3A_632 = arith.constant 0 : i32
    %dma_start3A_633 = arith.constant 0 : i32
    %dma_start3A_634 = tpu.memref_slice %arg10[%dma_start3A_632, %dma_start3A_633] : memref<32x768xf32, #tpu.memory_space<vmem>> -> memref<8x768xf32, #tpu.memory_space<vmem>>
    tpu.enqueue_dma source(%dma_start3A_634 : memref<8x768xf32, #tpu.memory_space<vmem>>) target(%dma_start3A_631 : memref<8x768xf32, #tpu.memory_space<hbm>>) target_semaphore(%arg22 : memref<!tpu.dma_semaphore, #tpu.memory_space<semaphore_mem>>)
    %add3A_635 = arith.constant 16 : i32
    %add3A_636 = arith.addi %mul3A_2, %add3A_635 : i32
    %dma_start3A_637 = arith.constant 1 : i32
    %dma_start3A_638 = arith.constant 8 : i32
    %dma_start3A_639 = arith.constant 0 : i32
    %dma_start3A_640 = tpu.memref_slice %arg10[%dma_start3A_638, %dma_start3A_639] : memref<32x768xf32, #tpu.memory_space<vmem>> -> memref<8x768xf32, #tpu.memory_space<vmem>>
    %dma_start3A_641 = arith.constant 0 : i32
    %dma_start3A_642 = tpu.memref_slice %arg5[%dma_start3A_637, %add3A_636, %dma_start3A_641] : memref<4x2048x768xf32, #tpu.memory_space<hbm>> -> memref<1x8x768xf32, #tpu.memory_space<hbm>>
    %dma_start3A_643 = tpu.memref_squeeze %dma_start3A_642 : memref<1x8x768xf32, #tpu.memory_space<hbm>> -> memref<8x768xf32, #tpu.memory_space<hbm>>
    %dma_start3A_644 = arith.constant 0 : i32
    %dma_start3A_645 = tpu.memref_slice %arg5[%dma_start3A_637, %add3A_636, %dma_start3A_644] : memref<4x2048x768xf32, #tpu.memory_space<hbm>> -> memref<1x8x768xf32, #tpu.memory_space<hbm>>
    %dma_start3A_646 = tpu.memref_squeeze %dma_start3A_645 : memref<1x8x768xf32, #tpu.memory_space<hbm>> -> memref<8x768xf32, #tpu.memory_space<hbm>>
    %dma_start3A_647 = arith.constant 8 : i32
    %dma_start3A_648 = arith.constant 0 : i32
    %dma_start3A_649 = tpu.memref_slice %arg10[%dma_start3A_647, %dma_start3A_648] : memref<32x768xf32, #tpu.memory_space<vmem>> -> memref<8x768xf32, #tpu.memory_space<vmem>>
    tpu.enqueue_dma source(%dma_start3A_649 : memref<8x768xf32, #tpu.memory_space<vmem>>) target(%dma_start3A_646 : memref<8x768xf32, #tpu.memory_space<hbm>>) target_semaphore(%arg22 : memref<!tpu.dma_semaphore, #tpu.memory_space<semaphore_mem>>)
    %add3A_650 = arith.constant 16 : i32
    %add3A_651 = arith.addi %mul3A_2, %add3A_650 : i32
    %dma_start3A_652 = arith.constant 2 : i32
    %dma_start3A_653 = arith.constant 16 : i32
    %dma_start3A_654 = arith.constant 0 : i32
    %dma_start3A_655 = tpu.memref_slice %arg10[%dma_start3A_653, %dma_start3A_654] : memref<32x768xf32, #tpu.memory_space<vmem>> -> memref<8x768xf32, #tpu.memory_space<vmem>>
    %dma_start3A_656 = arith.constant 0 : i32
    %dma_start3A_657 = tpu.memref_slice %arg5[%dma_start3A_652, %add3A_651, %dma_start3A_656] : memref<4x2048x768xf32, #tpu.memory_space<hbm>> -> memref<1x8x768xf32, #tpu.memory_space<hbm>>
    %dma_start3A_658 = tpu.memref_squeeze %dma_start3A_657 : memref<1x8x768xf32, #tpu.memory_space<hbm>> -> memref<8x768xf32, #tpu.memory_space<hbm>>
    %dma_start3A_659 = arith.constant 0 : i32
    %dma_start3A_660 = tpu.memref_slice %arg5[%dma_start3A_652, %add3A_651, %dma_start3A_659] : memref<4x2048x768xf32, #tpu.memory_space<hbm>> -> memref<1x8x768xf32, #tpu.memory_space<hbm>>
    %dma_start3A_661 = tpu.memref_squeeze %dma_start3A_660 : memref<1x8x768xf32, #tpu.memory_space<hbm>> -> memref<8x768xf32, #tpu.memory_space<hbm>>
    %dma_start3A_662 = arith.constant 16 : i32
    %dma_start3A_663 = arith.constant 0 : i32
    %dma_start3A_664 = tpu.memref_slice %arg10[%dma_start3A_662, %dma_start3A_663] : memref<32x768xf32, #tpu.memory_space<vmem>> -> memref<8x768xf32, #tpu.memory_space<vmem>>
    tpu.enqueue_dma source(%dma_start3A_664 : memref<8x768xf32, #tpu.memory_space<vmem>>) target(%dma_start3A_661 : memref<8x768xf32, #tpu.memory_space<hbm>>) target_semaphore(%arg22 : memref<!tpu.dma_semaphore, #tpu.memory_space<semaphore_mem>>)
    %add3A_665 = arith.constant 16 : i32
    %add3A_666 = arith.addi %mul3A_2, %add3A_665 : i32
    %dma_start3A_667 = arith.constant 3 : i32
    %dma_start3A_668 = arith.constant 24 : i32
    %dma_start3A_669 = arith.constant 0 : i32
    %dma_start3A_670 = tpu.memref_slice %arg10[%dma_start3A_668, %dma_start3A_669] : memref<32x768xf32, #tpu.memory_space<vmem>> -> memref<8x768xf32, #tpu.memory_space<vmem>>
    %dma_start3A_671 = arith.constant 0 : i32
    %dma_start3A_672 = tpu.memref_slice %arg5[%dma_start3A_667, %add3A_666, %dma_start3A_671] : memref<4x2048x768xf32, #tpu.memory_space<hbm>> -> memref<1x8x768xf32, #tpu.memory_space<hbm>>
    %dma_start3A_673 = tpu.memref_squeeze %dma_start3A_672 : memref<1x8x768xf32, #tpu.memory_space<hbm>> -> memref<8x768xf32, #tpu.memory_space<hbm>>
    %dma_start3A_674 = arith.constant 0 : i32
    %dma_start3A_675 = tpu.memref_slice %arg5[%dma_start3A_667, %add3A_666, %dma_start3A_674] : memref<4x2048x768xf32, #tpu.memory_space<hbm>> -> memref<1x8x768xf32, #tpu.memory_space<hbm>>
    %dma_start3A_676 = tpu.memref_squeeze %dma_start3A_675 : memref<1x8x768xf32, #tpu.memory_space<hbm>> -> memref<8x768xf32, #tpu.memory_space<hbm>>
    %dma_start3A_677 = arith.constant 24 : i32
    %dma_start3A_678 = arith.constant 0 : i32
    %dma_start3A_679 = tpu.memref_slice %arg10[%dma_start3A_677, %dma_start3A_678] : memref<32x768xf32, #tpu.memory_space<vmem>> -> memref<8x768xf32, #tpu.memory_space<vmem>>
    tpu.enqueue_dma source(%dma_start3A_679 : memref<8x768xf32, #tpu.memory_space<vmem>>) target(%dma_start3A_676 : memref<8x768xf32, #tpu.memory_space<hbm>>) target_semaphore(%arg22 : memref<!tpu.dma_semaphore, #tpu.memory_space<semaphore_mem>>)
    %dma_wait3A_680 = arith.constant 0 : i32
    %dma_wait3A_681 = arith.constant 0 : i32
    %dma_wait3A_682 = arith.constant 0 : i32
    %dma_wait3A_683 = tpu.memref_slice %arg10[%dma_wait3A_681, %dma_wait3A_682] : memref<32x768xf32, #tpu.memory_space<vmem>> -> memref<8x768xf32, #tpu.memory_space<vmem>>
    %dma_wait3A_684 = arith.constant 0 : i32
    %dma_wait3A_685 = tpu.memref_slice %arg5[%dma_wait3A_680, %add3A_621, %dma_wait3A_684] : memref<4x2048x768xf32, #tpu.memory_space<hbm>> -> memref<1x8x768xf32, #tpu.memory_space<hbm>>
    %dma_wait3A_686 = tpu.memref_squeeze %dma_wait3A_685 : memref<1x8x768xf32, #tpu.memory_space<hbm>> -> memref<8x768xf32, #tpu.memory_space<hbm>>
    %dma_wait3A_687 = arith.constant 0 : i32
    %dma_wait3A_688 = tpu.memref_slice %arg5[%dma_wait3A_680, %add3A_621, %dma_wait3A_687] : memref<4x2048x768xf32, #tpu.memory_space<hbm>> -> memref<1x8x768xf32, #tpu.memory_space<hbm>>
    %dma_wait3A_689 = tpu.memref_squeeze %dma_wait3A_688 : memref<1x8x768xf32, #tpu.memory_space<hbm>> -> memref<8x768xf32, #tpu.memory_space<hbm>>
    %dma_wait3A_690 = arith.constant 0 : i32
    %dma_wait3A_691 = arith.constant 0 : i32
    %dma_wait3A_692 = tpu.memref_slice %arg10[%dma_wait3A_690, %dma_wait3A_691] : memref<32x768xf32, #tpu.memory_space<vmem>> -> memref<8x768xf32, #tpu.memory_space<vmem>>
    tpu.wait_dma2 semaphore(%arg22 : memref<!tpu.dma_semaphore, #tpu.memory_space<semaphore_mem>>) src(%dma_wait3A_692 : memref<8x768xf32, #tpu.memory_space<vmem>>) dst(%dma_wait3A_689 : memref<8x768xf32, #tpu.memory_space<hbm>>)
    %dma_wait3A_693 = arith.constant 1 : i32
    %dma_wait3A_694 = arith.constant 8 : i32
    %dma_wait3A_695 = arith.constant 0 : i32
    %dma_wait3A_696 = tpu.memref_slice %arg10[%dma_wait3A_694, %dma_wait3A_695] : memref<32x768xf32, #tpu.memory_space<vmem>> -> memref<8x768xf32, #tpu.memory_space<vmem>>
    %dma_wait3A_697 = arith.constant 0 : i32
    %dma_wait3A_698 = tpu.memref_slice %arg5[%dma_wait3A_693, %add3A_636, %dma_wait3A_697] : memref<4x2048x768xf32, #tpu.memory_space<hbm>> -> memref<1x8x768xf32, #tpu.memory_space<hbm>>
    %dma_wait3A_699 = tpu.memref_squeeze %dma_wait3A_698 : memref<1x8x768xf32, #tpu.memory_space<hbm>> -> memref<8x768xf32, #tpu.memory_space<hbm>>
    %dma_wait3A_700 = arith.constant 0 : i32
    %dma_wait3A_701 = tpu.memref_slice %arg5[%dma_wait3A_693, %add3A_636, %dma_wait3A_700] : memref<4x2048x768xf32, #tpu.memory_space<hbm>> -> memref<1x8x768xf32, #tpu.memory_space<hbm>>
    %dma_wait3A_702 = tpu.memref_squeeze %dma_wait3A_701 : memref<1x8x768xf32, #tpu.memory_space<hbm>> -> memref<8x768xf32, #tpu.memory_space<hbm>>
    %dma_wait3A_703 = arith.constant 8 : i32
    %dma_wait3A_704 = arith.constant 0 : i32
    %dma_wait3A_705 = tpu.memref_slice %arg10[%dma_wait3A_703, %dma_wait3A_704] : memref<32x768xf32, #tpu.memory_space<vmem>> -> memref<8x768xf32, #tpu.memory_space<vmem>>
    tpu.wait_dma2 semaphore(%arg22 : memref<!tpu.dma_semaphore, #tpu.memory_space<semaphore_mem>>) src(%dma_wait3A_705 : memref<8x768xf32, #tpu.memory_space<vmem>>) dst(%dma_wait3A_702 : memref<8x768xf32, #tpu.memory_space<hbm>>)
    %dma_wait3A_706 = arith.constant 2 : i32
    %dma_wait3A_707 = arith.constant 16 : i32
    %dma_wait3A_708 = arith.constant 0 : i32
    %dma_wait3A_709 = tpu.memref_slice %arg10[%dma_wait3A_707, %dma_wait3A_708] : memref<32x768xf32, #tpu.memory_space<vmem>> -> memref<8x768xf32, #tpu.memory_space<vmem>>
    %dma_wait3A_710 = arith.constant 0 : i32
    %dma_wait3A_711 = tpu.memref_slice %arg5[%dma_wait3A_706, %add3A_651, %dma_wait3A_710] : memref<4x2048x768xf32, #tpu.memory_space<hbm>> -> memref<1x8x768xf32, #tpu.memory_space<hbm>>
    %dma_wait3A_712 = tpu.memref_squeeze %dma_wait3A_711 : memref<1x8x768xf32, #tpu.memory_space<hbm>> -> memref<8x768xf32, #tpu.memory_space<hbm>>
    %dma_wait3A_713 = arith.constant 0 : i32
    %dma_wait3A_714 = tpu.memref_slice %arg5[%dma_wait3A_706, %add3A_651, %dma_wait3A_713] : memref<4x2048x768xf32, #tpu.memory_space<hbm>> -> memref<1x8x768xf32, #tpu.memory_space<hbm>>
    %dma_wait3A_715 = tpu.memref_squeeze %dma_wait3A_714 : memref<1x8x768xf32, #tpu.memory_space<hbm>> -> memref<8x768xf32, #tpu.memory_space<hbm>>
    %dma_wait3A_716 = arith.constant 16 : i32
    %dma_wait3A_717 = arith.constant 0 : i32
    %dma_wait3A_718 = tpu.memref_slice %arg10[%dma_wait3A_716, %dma_wait3A_717] : memref<32x768xf32, #tpu.memory_space<vmem>> -> memref<8x768xf32, #tpu.memory_space<vmem>>
    tpu.wait_dma2 semaphore(%arg22 : memref<!tpu.dma_semaphore, #tpu.memory_space<semaphore_mem>>) src(%dma_wait3A_718 : memref<8x768xf32, #tpu.memory_space<vmem>>) dst(%dma_wait3A_715 : memref<8x768xf32, #tpu.memory_space<hbm>>)
    %dma_wait3A_719 = arith.constant 3 : i32
    %dma_wait3A_720 = arith.constant 24 : i32
    %dma_wait3A_721 = arith.constant 0 : i32
    %dma_wait3A_722 = tpu.memref_slice %arg10[%dma_wait3A_720, %dma_wait3A_721] : memref<32x768xf32, #tpu.memory_space<vmem>> -> memref<8x768xf32, #tpu.memory_space<vmem>>
    %dma_wait3A_723 = arith.constant 0 : i32
    %dma_wait3A_724 = tpu.memref_slice %arg5[%dma_wait3A_719, %add3A_666, %dma_wait3A_723] : memref<4x2048x768xf32, #tpu.memory_space<hbm>> -> memref<1x8x768xf32, #tpu.memory_space<hbm>>
    %dma_wait3A_725 = tpu.memref_squeeze %dma_wait3A_724 : memref<1x8x768xf32, #tpu.memory_space<hbm>> -> memref<8x768xf32, #tpu.memory_space<hbm>>
    %dma_wait3A_726 = arith.constant 0 : i32
    %dma_wait3A_727 = tpu.memref_slice %arg5[%dma_wait3A_719, %add3A_666, %dma_wait3A_726] : memref<4x2048x768xf32, #tpu.memory_space<hbm>> -> memref<1x8x768xf32, #tpu.memory_space<hbm>>
    %dma_wait3A_728 = tpu.memref_squeeze %dma_wait3A_727 : memref<1x8x768xf32, #tpu.memory_space<hbm>> -> memref<8x768xf32, #tpu.memory_space<hbm>>
    %dma_wait3A_729 = arith.constant 24 : i32
    %dma_wait3A_730 = arith.constant 0 : i32
    %dma_wait3A_731 = tpu.memref_slice %arg10[%dma_wait3A_729, %dma_wait3A_730] : memref<32x768xf32, #tpu.memory_space<vmem>> -> memref<8x768xf32, #tpu.memory_space<vmem>>
    tpu.wait_dma2 semaphore(%arg22 : memref<!tpu.dma_semaphore, #tpu.memory_space<semaphore_mem>>) src(%dma_wait3A_731 : memref<8x768xf32, #tpu.memory_space<vmem>>) dst(%dma_wait3A_728 : memref<8x768xf32, #tpu.memory_space<hbm>>)
    %dma_start3A_732 = arith.constant 192 : i32
    %dma_start3A_733 = tpu.memref_slice %arg7[%dma_start3A_732] : memref<256xi32, #tpu.memory_space<vmem>> -> memref<32xi32, #tpu.memory_space<vmem>>
    %dma_start3A_734 = arith.constant 0 : i32
    %dma_start3A_735 = arith.constant 0 : i32
    %dma_start3A_736 = tpu.memref_slice %arg3[%dma_start3A_734, %dma_start3A_735] : memref<100000x768xf32, #tpu.memory_space<hbm>> -> memref<100000x768xf32, #tpu.memory_space<hbm>>
    tpu.enqueue_indirect_dma source(%dma_start3A_736 : memref<100000x768xf32, #tpu.memory_space<hbm>>) target(%arg10 : memref<32x768xf32, #tpu.memory_space<vmem>>) offsets(%dma_start3A_733 : memref<32xi32, #tpu.memory_space<vmem>>) semaphore(%arg18 : memref<!tpu.dma_semaphore, #tpu.memory_space<semaphore_mem>>)
    %add3A_737 = arith.constant 48 : i32
    %add3A_738 = arith.addi %mul3A_2, %add3A_737 : i32
    %dma_start3A_739 = arith.constant 0 : i32
    %dma_start3A_740 = tpu.memref_slice %arg4[%add3A_738, %dma_start3A_739] : memref<2048x768xf32, #tpu.memory_space<hbm>> -> memref<8x768xf32, #tpu.memory_space<hbm>>
    %dma_start3A_741 = arith.constant 0 : i32
    %dma_start3A_742 = tpu.memref_slice %arg4[%add3A_738, %dma_start3A_741] : memref<2048x768xf32, #tpu.memory_space<hbm>> -> memref<8x768xf32, #tpu.memory_space<hbm>>
    tpu.enqueue_dma source(%dma_start3A_742 : memref<8x768xf32, #tpu.memory_space<hbm>>) target(%arg14 : memref<8x768xf32, #tpu.memory_space<vmem>>) target_semaphore(%arg18 : memref<!tpu.dma_semaphore, #tpu.memory_space<semaphore_mem>>)
    %dma_wait3A_743 = arith.constant 96 : i32
    %dma_wait3A_744 = tpu.memref_slice %arg7[%dma_wait3A_743] : memref<256xi32, #tpu.memory_space<vmem>> -> memref<32xi32, #tpu.memory_space<vmem>>
    %dma_wait3A_745 = arith.constant 0 : i32
    %dma_wait3A_746 = arith.constant 0 : i32
    %dma_wait3A_747 = tpu.memref_slice %arg3[%dma_wait3A_745, %dma_wait3A_746] : memref<100000x768xf32, #tpu.memory_space<hbm>> -> memref<100000x768xf32, #tpu.memory_space<hbm>>
    tpu.wait_indirect_dma semaphore(%arg19 : memref<!tpu.dma_semaphore, #tpu.memory_space<semaphore_mem>>) src(%dma_wait3A_747 : memref<100000x768xf32, #tpu.memory_space<hbm>>) dst(%arg11 : memref<32x768xf32, #tpu.memory_space<vmem>>)
    %dma_wait3A_748 = arith.constant 0 : i32
    %dma_wait3A_749 = tpu.memref_slice %arg4[%add3A_334, %dma_wait3A_748] : memref<2048x768xf32, #tpu.memory_space<hbm>> -> memref<8x768xf32, #tpu.memory_space<hbm>>
    %dma_wait3A_750 = arith.constant 0 : i32
    %dma_wait3A_751 = tpu.memref_slice %arg4[%add3A_334, %dma_wait3A_750] : memref<2048x768xf32, #tpu.memory_space<hbm>> -> memref<8x768xf32, #tpu.memory_space<hbm>>
    tpu.wait_dma2 semaphore(%arg19 : memref<!tpu.dma_semaphore, #tpu.memory_space<semaphore_mem>>) src(%dma_wait3A_751 : memref<8x768xf32, #tpu.memory_space<hbm>>) dst(%arg15 : memref<8x768xf32, #tpu.memory_space<vmem>>)
    %parallel_loop3A_752 = arith.constant 0 : i32
    %parallel_loop3A_753 = arith.constant 384 : i32
    %parallel_loop3A_754 = arith.constant 1 : i32
    scf.for %parallel_loop3A_1374 = %parallel_loop3A_752 to %parallel_loop3A_753 step %parallel_loop3A_754  : i32 {
      %parallel_loop3A_1375 = arith.constant 7 : i32
      %parallel_loop3A_1376 = arith.andi %parallel_loop3A_1374, %parallel_loop3A_1375 : i32
      %parallel_loop3A_1377 = arith.constant 3 : i32
      %parallel_loop3A_1378 = arith.shrsi %parallel_loop3A_1374, %parallel_loop3A_1377 : i32
      %parallel_loop3A_1379 = arith.constant 16 : i32
      %parallel_loop3A_1380 = arith.muli %parallel_loop3A_1378, %parallel_loop3A_1379 : i32
      %parallel_loop3A_1381 = arith.index_cast %parallel_loop3A_1376 : i32 to index
      %parallel_loop3A_1382 = arith.index_cast %parallel_loop3A_1380 : i32 to index
      %parallel_loop3A_1383 = tpu.vector_load %arg15[%parallel_loop3A_1381, %parallel_loop3A_1382] {strides = array<i32>} : memref<8x768xf32, #tpu.memory_space<vmem>>, vector<1x16xf32>,
      %parallel_loop3A_1384 = vector.shape_cast %parallel_loop3A_1383 : vector<1x16xf32> to vector<16xf32>
      %parallel_loop3A_1385 = arith.constant 0 : i32
      %parallel_loop3A_1386 = arith.addi %parallel_loop3A_1385, %parallel_loop3A_1376 : i32
      %parallel_loop3A_1387 = arith.index_cast %parallel_loop3A_1386 : i32 to index
      %parallel_loop3A_1388 = arith.index_cast %parallel_loop3A_1380 : i32 to index
      %parallel_loop3A_1389 = tpu.vector_load %arg11[%parallel_loop3A_1387, %parallel_loop3A_1388] {strides = array<i32>} : memref<32x768xf32, #tpu.memory_space<vmem>>, vector<1x16xf32>,
      %parallel_loop3A_1390 = vector.shape_cast %parallel_loop3A_1389 : vector<1x16xf32> to vector<16xf32>
      %parallel_loop3A_1391 = arith.addf %parallel_loop3A_1390, %parallel_loop3A_1384 : vector<16xf32>
      %parallel_loop3A_1392 = arith.index_cast %parallel_loop3A_1386 : i32 to index
      %parallel_loop3A_1393 = arith.index_cast %parallel_loop3A_1380 : i32 to index
      %parallel_loop3A_1394 = tpu.vector_load %arg11[%parallel_loop3A_1392, %parallel_loop3A_1393] {strides = array<i32>} : memref<32x768xf32, #tpu.memory_space<vmem>>, vector<1x16xf32>,
      %parallel_loop3A_1395 = vector.shape_cast %parallel_loop3A_1394 : vector<1x16xf32> to vector<16xf32>
      %parallel_loop3A_1396 = vector.shape_cast %parallel_loop3A_1391 : vector<16xf32> to vector<1x16xf32>
      tpu.vector_store %arg11[%parallel_loop3A_1392, %parallel_loop3A_1393], %parallel_loop3A_1396 {strides = array<i32>} : memref<32x768xf32, #tpu.memory_space<vmem>>, vector<1x16xf32>,
      %parallel_loop3A_1397 = arith.constant 8 : i32
      %parallel_loop3A_1398 = arith.addi %parallel_loop3A_1397, %parallel_loop3A_1376 : i32
      %parallel_loop3A_1399 = arith.index_cast %parallel_loop3A_1398 : i32 to index
      %parallel_loop3A_1400 = arith.index_cast %parallel_loop3A_1380 : i32 to index
      %parallel_loop3A_1401 = tpu.vector_load %arg11[%parallel_loop3A_1399, %parallel_loop3A_1400] {strides = array<i32>} : memref<32x768xf32, #tpu.memory_space<vmem>>, vector<1x16xf32>,
      %parallel_loop3A_1402 = vector.shape_cast %parallel_loop3A_1401 : vector<1x16xf32> to vector<16xf32>
      %parallel_loop3A_1403 = arith.addf %parallel_loop3A_1402, %parallel_loop3A_1384 : vector<16xf32>
      %parallel_loop3A_1404 = arith.index_cast %parallel_loop3A_1398 : i32 to index
      %parallel_loop3A_1405 = arith.index_cast %parallel_loop3A_1380 : i32 to index
      %parallel_loop3A_1406 = tpu.vector_load %arg11[%parallel_loop3A_1404, %parallel_loop3A_1405] {strides = array<i32>} : memref<32x768xf32, #tpu.memory_space<vmem>>, vector<1x16xf32>,
      %parallel_loop3A_1407 = vector.shape_cast %parallel_loop3A_1406 : vector<1x16xf32> to vector<16xf32>
      %parallel_loop3A_1408 = vector.shape_cast %parallel_loop3A_1403 : vector<16xf32> to vector<1x16xf32>
      tpu.vector_store %arg11[%parallel_loop3A_1404, %parallel_loop3A_1405], %parallel_loop3A_1408 {strides = array<i32>} : memref<32x768xf32, #tpu.memory_space<vmem>>, vector<1x16xf32>,
      %parallel_loop3A_1409 = arith.constant 16 : i32
      %parallel_loop3A_1410 = arith.addi %parallel_loop3A_1409, %parallel_loop3A_1376 : i32
      %parallel_loop3A_1411 = arith.index_cast %parallel_loop3A_1410 : i32 to index
      %parallel_loop3A_1412 = arith.index_cast %parallel_loop3A_1380 : i32 to index
      %parallel_loop3A_1413 = tpu.vector_load %arg11[%parallel_loop3A_1411, %parallel_loop3A_1412] {strides = array<i32>} : memref<32x768xf32, #tpu.memory_space<vmem>>, vector<1x16xf32>,
      %parallel_loop3A_1414 = vector.shape_cast %parallel_loop3A_1413 : vector<1x16xf32> to vector<16xf32>
      %parallel_loop3A_1415 = arith.addf %parallel_loop3A_1414, %parallel_loop3A_1384 : vector<16xf32>
      %parallel_loop3A_1416 = arith.index_cast %parallel_loop3A_1410 : i32 to index
      %parallel_loop3A_1417 = arith.index_cast %parallel_loop3A_1380 : i32 to index
      %parallel_loop3A_1418 = tpu.vector_load %arg11[%parallel_loop3A_1416, %parallel_loop3A_1417] {strides = array<i32>} : memref<32x768xf32, #tpu.memory_space<vmem>>, vector<1x16xf32>,
      %parallel_loop3A_1419 = vector.shape_cast %parallel_loop3A_1418 : vector<1x16xf32> to vector<16xf32>
      %parallel_loop3A_1420 = vector.shape_cast %parallel_loop3A_1415 : vector<16xf32> to vector<1x16xf32>
      tpu.vector_store %arg11[%parallel_loop3A_1416, %parallel_loop3A_1417], %parallel_loop3A_1420 {strides = array<i32>} : memref<32x768xf32, #tpu.memory_space<vmem>>, vector<1x16xf32>,
      %parallel_loop3A_1421 = arith.constant 24 : i32
      %parallel_loop3A_1422 = arith.addi %parallel_loop3A_1421, %parallel_loop3A_1376 : i32
      %parallel_loop3A_1423 = arith.index_cast %parallel_loop3A_1422 : i32 to index
      %parallel_loop3A_1424 = arith.index_cast %parallel_loop3A_1380 : i32 to index
      %parallel_loop3A_1425 = tpu.vector_load %arg11[%parallel_loop3A_1423, %parallel_loop3A_1424] {strides = array<i32>} : memref<32x768xf32, #tpu.memory_space<vmem>>, vector<1x16xf32>,
      %parallel_loop3A_1426 = vector.shape_cast %parallel_loop3A_1425 : vector<1x16xf32> to vector<16xf32>
      %parallel_loop3A_1427 = arith.addf %parallel_loop3A_1426, %parallel_loop3A_1384 : vector<16xf32>
      %parallel_loop3A_1428 = arith.index_cast %parallel_loop3A_1422 : i32 to index
      %parallel_loop3A_1429 = arith.index_cast %parallel_loop3A_1380 : i32 to index
      %parallel_loop3A_1430 = tpu.vector_load %arg11[%parallel_loop3A_1428, %parallel_loop3A_1429] {strides = array<i32>} : memref<32x768xf32, #tpu.memory_space<vmem>>, vector<1x16xf32>,
      %parallel_loop3A_1431 = vector.shape_cast %parallel_loop3A_1430 : vector<1x16xf32> to vector<16xf32>
      %parallel_loop3A_1432 = vector.shape_cast %parallel_loop3A_1427 : vector<16xf32> to vector<1x16xf32>
      tpu.vector_store %arg11[%parallel_loop3A_1428, %parallel_loop3A_1429], %parallel_loop3A_1432 {strides = array<i32>} : memref<32x768xf32, #tpu.memory_space<vmem>>, vector<1x16xf32>,
    } {sc.loop_unroll_factor = 2 : i64, sc.parallel_access}
    %add3A_755 = arith.constant 24 : i32
    %add3A_756 = arith.addi %mul3A_2, %add3A_755 : i32
    %dma_start3A_757 = arith.constant 0 : i32
    %dma_start3A_758 = arith.constant 0 : i32
    %dma_start3A_759 = arith.constant 0 : i32
    %dma_start3A_760 = tpu.memref_slice %arg11[%dma_start3A_758, %dma_start3A_759] : memref<32x768xf32, #tpu.memory_space<vmem>> -> memref<8x768xf32, #tpu.memory_space<vmem>>
    %dma_start3A_761 = arith.constant 0 : i32
    %dma_start3A_762 = tpu.memref_slice %arg5[%dma_start3A_757, %add3A_756, %dma_start3A_761] : memref<4x2048x768xf32, #tpu.memory_space<hbm>> -> memref<1x8x768xf32, #tpu.memory_space<hbm>>
    %dma_start3A_763 = tpu.memref_squeeze %dma_start3A_762 : memref<1x8x768xf32, #tpu.memory_space<hbm>> -> memref<8x768xf32, #tpu.memory_space<hbm>>
    %dma_start3A_764 = arith.constant 0 : i32
    %dma_start3A_765 = tpu.memref_slice %arg5[%dma_start3A_757, %add3A_756, %dma_start3A_764] : memref<4x2048x768xf32, #tpu.memory_space<hbm>> -> memref<1x8x768xf32, #tpu.memory_space<hbm>>
    %dma_start3A_766 = tpu.memref_squeeze %dma_start3A_765 : memref<1x8x768xf32, #tpu.memory_space<hbm>> -> memref<8x768xf32, #tpu.memory_space<hbm>>
    %dma_start3A_767 = arith.constant 0 : i32
    %dma_start3A_768 = arith.constant 0 : i32
    %dma_start3A_769 = tpu.memref_slice %arg11[%dma_start3A_767, %dma_start3A_768] : memref<32x768xf32, #tpu.memory_space<vmem>> -> memref<8x768xf32, #tpu.memory_space<vmem>>
    tpu.enqueue_dma source(%dma_start3A_769 : memref<8x768xf32, #tpu.memory_space<vmem>>) target(%dma_start3A_766 : memref<8x768xf32, #tpu.memory_space<hbm>>) target_semaphore(%arg23 : memref<!tpu.dma_semaphore, #tpu.memory_space<semaphore_mem>>)
    %add3A_770 = arith.constant 24 : i32
    %add3A_771 = arith.addi %mul3A_2, %add3A_770 : i32
    %dma_start3A_772 = arith.constant 1 : i32
    %dma_start3A_773 = arith.constant 8 : i32
    %dma_start3A_774 = arith.constant 0 : i32
    %dma_start3A_775 = tpu.memref_slice %arg11[%dma_start3A_773, %dma_start3A_774] : memref<32x768xf32, #tpu.memory_space<vmem>> -> memref<8x768xf32, #tpu.memory_space<vmem>>
    %dma_start3A_776 = arith.constant 0 : i32
    %dma_start3A_777 = tpu.memref_slice %arg5[%dma_start3A_772, %add3A_771, %dma_start3A_776] : memref<4x2048x768xf32, #tpu.memory_space<hbm>> -> memref<1x8x768xf32, #tpu.memory_space<hbm>>
    %dma_start3A_778 = tpu.memref_squeeze %dma_start3A_777 : memref<1x8x768xf32, #tpu.memory_space<hbm>> -> memref<8x768xf32, #tpu.memory_space<hbm>>
    %dma_start3A_779 = arith.constant 0 : i32
    %dma_start3A_780 = tpu.memref_slice %arg5[%dma_start3A_772, %add3A_771, %dma_start3A_779] : memref<4x2048x768xf32, #tpu.memory_space<hbm>> -> memref<1x8x768xf32, #tpu.memory_space<hbm>>
    %dma_start3A_781 = tpu.memref_squeeze %dma_start3A_780 : memref<1x8x768xf32, #tpu.memory_space<hbm>> -> memref<8x768xf32, #tpu.memory_space<hbm>>
    %dma_start3A_782 = arith.constant 8 : i32
    %dma_start3A_783 = arith.constant 0 : i32
    %dma_start3A_784 = tpu.memref_slice %arg11[%dma_start3A_782, %dma_start3A_783] : memref<32x768xf32, #tpu.memory_space<vmem>> -> memref<8x768xf32, #tpu.memory_space<vmem>>
    tpu.enqueue_dma source(%dma_start3A_784 : memref<8x768xf32, #tpu.memory_space<vmem>>) target(%dma_start3A_781 : memref<8x768xf32, #tpu.memory_space<hbm>>) target_semaphore(%arg23 : memref<!tpu.dma_semaphore, #tpu.memory_space<semaphore_mem>>)
    %add3A_785 = arith.constant 24 : i32
    %add3A_786 = arith.addi %mul3A_2, %add3A_785 : i32
    %dma_start3A_787 = arith.constant 2 : i32
    %dma_start3A_788 = arith.constant 16 : i32
    %dma_start3A_789 = arith.constant 0 : i32
    %dma_start3A_790 = tpu.memref_slice %arg11[%dma_start3A_788, %dma_start3A_789] : memref<32x768xf32, #tpu.memory_space<vmem>> -> memref<8x768xf32, #tpu.memory_space<vmem>>
    %dma_start3A_791 = arith.constant 0 : i32
    %dma_start3A_792 = tpu.memref_slice %arg5[%dma_start3A_787, %add3A_786, %dma_start3A_791] : memref<4x2048x768xf32, #tpu.memory_space<hbm>> -> memref<1x8x768xf32, #tpu.memory_space<hbm>>
    %dma_start3A_793 = tpu.memref_squeeze %dma_start3A_792 : memref<1x8x768xf32, #tpu.memory_space<hbm>> -> memref<8x768xf32, #tpu.memory_space<hbm>>
    %dma_start3A_794 = arith.constant 0 : i32
    %dma_start3A_795 = tpu.memref_slice %arg5[%dma_start3A_787, %add3A_786, %dma_start3A_794] : memref<4x2048x768xf32, #tpu.memory_space<hbm>> -> memref<1x8x768xf32, #tpu.memory_space<hbm>>
    %dma_start3A_796 = tpu.memref_squeeze %dma_start3A_795 : memref<1x8x768xf32, #tpu.memory_space<hbm>> -> memref<8x768xf32, #tpu.memory_space<hbm>>
    %dma_start3A_797 = arith.constant 16 : i32
    %dma_start3A_798 = arith.constant 0 : i32
    %dma_start3A_799 = tpu.memref_slice %arg11[%dma_start3A_797, %dma_start3A_798] : memref<32x768xf32, #tpu.memory_space<vmem>> -> memref<8x768xf32, #tpu.memory_space<vmem>>
    tpu.enqueue_dma source(%dma_start3A_799 : memref<8x768xf32, #tpu.memory_space<vmem>>) target(%dma_start3A_796 : memref<8x768xf32, #tpu.memory_space<hbm>>) target_semaphore(%arg23 : memref<!tpu.dma_semaphore, #tpu.memory_space<semaphore_mem>>)
    %add3A_800 = arith.constant 24 : i32
    %add3A_801 = arith.addi %mul3A_2, %add3A_800 : i32
    %dma_start3A_802 = arith.constant 3 : i32
    %dma_start3A_803 = arith.constant 24 : i32
    %dma_start3A_804 = arith.constant 0 : i32
    %dma_start3A_805 = tpu.memref_slice %arg11[%dma_start3A_803, %dma_start3A_804] : memref<32x768xf32, #tpu.memory_space<vmem>> -> memref<8x768xf32, #tpu.memory_space<vmem>>
    %dma_start3A_806 = arith.constant 0 : i32
    %dma_start3A_807 = tpu.memref_slice %arg5[%dma_start3A_802, %add3A_801, %dma_start3A_806] : memref<4x2048x768xf32, #tpu.memory_space<hbm>> -> memref<1x8x768xf32, #tpu.memory_space<hbm>>
    %dma_start3A_808 = tpu.memref_squeeze %dma_start3A_807 : memref<1x8x768xf32, #tpu.memory_space<hbm>> -> memref<8x768xf32, #tpu.memory_space<hbm>>
    %dma_start3A_809 = arith.constant 0 : i32
    %dma_start3A_810 = tpu.memref_slice %arg5[%dma_start3A_802, %add3A_801, %dma_start3A_809] : memref<4x2048x768xf32, #tpu.memory_space<hbm>> -> memref<1x8x768xf32, #tpu.memory_space<hbm>>
    %dma_start3A_811 = tpu.memref_squeeze %dma_start3A_810 : memref<1x8x768xf32, #tpu.memory_space<hbm>> -> memref<8x768xf32, #tpu.memory_space<hbm>>
    %dma_start3A_812 = arith.constant 24 : i32
    %dma_start3A_813 = arith.constant 0 : i32
    %dma_start3A_814 = tpu.memref_slice %arg11[%dma_start3A_812, %dma_start3A_813] : memref<32x768xf32, #tpu.memory_space<vmem>> -> memref<8x768xf32, #tpu.memory_space<vmem>>
    tpu.enqueue_dma source(%dma_start3A_814 : memref<8x768xf32, #tpu.memory_space<vmem>>) target(%dma_start3A_811 : memref<8x768xf32, #tpu.memory_space<hbm>>) target_semaphore(%arg23 : memref<!tpu.dma_semaphore, #tpu.memory_space<semaphore_mem>>)
    %dma_wait3A_815 = arith.constant 0 : i32
    %dma_wait3A_816 = arith.constant 0 : i32
    %dma_wait3A_817 = arith.constant 0 : i32
    %dma_wait3A_818 = tpu.memref_slice %arg11[%dma_wait3A_816, %dma_wait3A_817] : memref<32x768xf32, #tpu.memory_space<vmem>> -> memref<8x768xf32, #tpu.memory_space<vmem>>
    %dma_wait3A_819 = arith.constant 0 : i32
    %dma_wait3A_820 = tpu.memref_slice %arg5[%dma_wait3A_815, %add3A_756, %dma_wait3A_819] : memref<4x2048x768xf32, #tpu.memory_space<hbm>> -> memref<1x8x768xf32, #tpu.memory_space<hbm>>
    %dma_wait3A_821 = tpu.memref_squeeze %dma_wait3A_820 : memref<1x8x768xf32, #tpu.memory_space<hbm>> -> memref<8x768xf32, #tpu.memory_space<hbm>>
    %dma_wait3A_822 = arith.constant 0 : i32
    %dma_wait3A_823 = tpu.memref_slice %arg5[%dma_wait3A_815, %add3A_756, %dma_wait3A_822] : memref<4x2048x768xf32, #tpu.memory_space<hbm>> -> memref<1x8x768xf32, #tpu.memory_space<hbm>>
    %dma_wait3A_824 = tpu.memref_squeeze %dma_wait3A_823 : memref<1x8x768xf32, #tpu.memory_space<hbm>> -> memref<8x768xf32, #tpu.memory_space<hbm>>
    %dma_wait3A_825 = arith.constant 0 : i32
    %dma_wait3A_826 = arith.constant 0 : i32
    %dma_wait3A_827 = tpu.memref_slice %arg11[%dma_wait3A_825, %dma_wait3A_826] : memref<32x768xf32, #tpu.memory_space<vmem>> -> memref<8x768xf32, #tpu.memory_space<vmem>>
    tpu.wait_dma2 semaphore(%arg23 : memref<!tpu.dma_semaphore, #tpu.memory_space<semaphore_mem>>) src(%dma_wait3A_827 : memref<8x768xf32, #tpu.memory_space<vmem>>) dst(%dma_wait3A_824 : memref<8x768xf32, #tpu.memory_space<hbm>>)
    %dma_wait3A_828 = arith.constant 1 : i32
    %dma_wait3A_829 = arith.constant 8 : i32
    %dma_wait3A_830 = arith.constant 0 : i32
    %dma_wait3A_831 = tpu.memref_slice %arg11[%dma_wait3A_829, %dma_wait3A_830] : memref<32x768xf32, #tpu.memory_space<vmem>> -> memref<8x768xf32, #tpu.memory_space<vmem>>
    %dma_wait3A_832 = arith.constant 0 : i32
    %dma_wait3A_833 = tpu.memref_slice %arg5[%dma_wait3A_828, %add3A_771, %dma_wait3A_832] : memref<4x2048x768xf32, #tpu.memory_space<hbm>> -> memref<1x8x768xf32, #tpu.memory_space<hbm>>
    %dma_wait3A_834 = tpu.memref_squeeze %dma_wait3A_833 : memref<1x8x768xf32, #tpu.memory_space<hbm>> -> memref<8x768xf32, #tpu.memory_space<hbm>>
    %dma_wait3A_835 = arith.constant 0 : i32
    %dma_wait3A_836 = tpu.memref_slice %arg5[%dma_wait3A_828, %add3A_771, %dma_wait3A_835] : memref<4x2048x768xf32, #tpu.memory_space<hbm>> -> memref<1x8x768xf32, #tpu.memory_space<hbm>>
    %dma_wait3A_837 = tpu.memref_squeeze %dma_wait3A_836 : memref<1x8x768xf32, #tpu.memory_space<hbm>> -> memref<8x768xf32, #tpu.memory_space<hbm>>
    %dma_wait3A_838 = arith.constant 8 : i32
    %dma_wait3A_839 = arith.constant 0 : i32
    %dma_wait3A_840 = tpu.memref_slice %arg11[%dma_wait3A_838, %dma_wait3A_839] : memref<32x768xf32, #tpu.memory_space<vmem>> -> memref<8x768xf32, #tpu.memory_space<vmem>>
    tpu.wait_dma2 semaphore(%arg23 : memref<!tpu.dma_semaphore, #tpu.memory_space<semaphore_mem>>) src(%dma_wait3A_840 : memref<8x768xf32, #tpu.memory_space<vmem>>) dst(%dma_wait3A_837 : memref<8x768xf32, #tpu.memory_space<hbm>>)
    %dma_wait3A_841 = arith.constant 2 : i32
    %dma_wait3A_842 = arith.constant 16 : i32
    %dma_wait3A_843 = arith.constant 0 : i32
    %dma_wait3A_844 = tpu.memref_slice %arg11[%dma_wait3A_842, %dma_wait3A_843] : memref<32x768xf32, #tpu.memory_space<vmem>> -> memref<8x768xf32, #tpu.memory_space<vmem>>
    %dma_wait3A_845 = arith.constant 0 : i32
    %dma_wait3A_846 = tpu.memref_slice %arg5[%dma_wait3A_841, %add3A_786, %dma_wait3A_845] : memref<4x2048x768xf32, #tpu.memory_space<hbm>> -> memref<1x8x768xf32, #tpu.memory_space<hbm>>
    %dma_wait3A_847 = tpu.memref_squeeze %dma_wait3A_846 : memref<1x8x768xf32, #tpu.memory_space<hbm>> -> memref<8x768xf32, #tpu.memory_space<hbm>>
    %dma_wait3A_848 = arith.constant 0 : i32
    %dma_wait3A_849 = tpu.memref_slice %arg5[%dma_wait3A_841, %add3A_786, %dma_wait3A_848] : memref<4x2048x768xf32, #tpu.memory_space<hbm>> -> memref<1x8x768xf32, #tpu.memory_space<hbm>>
    %dma_wait3A_850 = tpu.memref_squeeze %dma_wait3A_849 : memref<1x8x768xf32, #tpu.memory_space<hbm>> -> memref<8x768xf32, #tpu.memory_space<hbm>>
    %dma_wait3A_851 = arith.constant 16 : i32
    %dma_wait3A_852 = arith.constant 0 : i32
    %dma_wait3A_853 = tpu.memref_slice %arg11[%dma_wait3A_851, %dma_wait3A_852] : memref<32x768xf32, #tpu.memory_space<vmem>> -> memref<8x768xf32, #tpu.memory_space<vmem>>
    tpu.wait_dma2 semaphore(%arg23 : memref<!tpu.dma_semaphore, #tpu.memory_space<semaphore_mem>>) src(%dma_wait3A_853 : memref<8x768xf32, #tpu.memory_space<vmem>>) dst(%dma_wait3A_850 : memref<8x768xf32, #tpu.memory_space<hbm>>)
    %dma_wait3A_854 = arith.constant 3 : i32
    %dma_wait3A_855 = arith.constant 24 : i32
    %dma_wait3A_856 = arith.constant 0 : i32
    %dma_wait3A_857 = tpu.memref_slice %arg11[%dma_wait3A_855, %dma_wait3A_856] : memref<32x768xf32, #tpu.memory_space<vmem>> -> memref<8x768xf32, #tpu.memory_space<vmem>>
    %dma_wait3A_858 = arith.constant 0 : i32
    %dma_wait3A_859 = tpu.memref_slice %arg5[%dma_wait3A_854, %add3A_801, %dma_wait3A_858] : memref<4x2048x768xf32, #tpu.memory_space<hbm>> -> memref<1x8x768xf32, #tpu.memory_space<hbm>>
    %dma_wait3A_860 = tpu.memref_squeeze %dma_wait3A_859 : memref<1x8x768xf32, #tpu.memory_space<hbm>> -> memref<8x768xf32, #tpu.memory_space<hbm>>
    %dma_wait3A_861 = arith.constant 0 : i32
    %dma_wait3A_862 = tpu.memref_slice %arg5[%dma_wait3A_854, %add3A_801, %dma_wait3A_861] : memref<4x2048x768xf32, #tpu.memory_space<hbm>> -> memref<1x8x768xf32, #tpu.memory_space<hbm>>
    %dma_wait3A_863 = tpu.memref_squeeze %dma_wait3A_862 : memref<1x8x768xf32, #tpu.memory_space<hbm>> -> memref<8x768xf32, #tpu.memory_space<hbm>>
    %dma_wait3A_864 = arith.constant 24 : i32
    %dma_wait3A_865 = arith.constant 0 : i32
    %dma_wait3A_866 = tpu.memref_slice %arg11[%dma_wait3A_864, %dma_wait3A_865] : memref<32x768xf32, #tpu.memory_space<vmem>> -> memref<8x768xf32, #tpu.memory_space<vmem>>
    tpu.wait_dma2 semaphore(%arg23 : memref<!tpu.dma_semaphore, #tpu.memory_space<semaphore_mem>>) src(%dma_wait3A_866 : memref<8x768xf32, #tpu.memory_space<vmem>>) dst(%dma_wait3A_863 : memref<8x768xf32, #tpu.memory_space<hbm>>)
    %dma_start3A_867 = arith.constant 224 : i32
    %dma_start3A_868 = tpu.memref_slice %arg7[%dma_start3A_867] : memref<256xi32, #tpu.memory_space<vmem>> -> memref<32xi32, #tpu.memory_space<vmem>>
    %dma_start3A_869 = arith.constant 0 : i32
    %dma_start3A_870 = arith.constant 0 : i32
    %dma_start3A_871 = tpu.memref_slice %arg3[%dma_start3A_869, %dma_start3A_870] : memref<100000x768xf32, #tpu.memory_space<hbm>> -> memref<100000x768xf32, #tpu.memory_space<hbm>>
    tpu.enqueue_indirect_dma source(%dma_start3A_871 : memref<100000x768xf32, #tpu.memory_space<hbm>>) target(%arg11 : memref<32x768xf32, #tpu.memory_space<vmem>>) offsets(%dma_start3A_868 : memref<32xi32, #tpu.memory_space<vmem>>) semaphore(%arg19 : memref<!tpu.dma_semaphore, #tpu.memory_space<semaphore_mem>>)
    %add3A_872 = arith.constant 56 : i32
    %add3A_873 = arith.addi %mul3A_2, %add3A_872 : i32
    %dma_start3A_874 = arith.constant 0 : i32
    %dma_start3A_875 = tpu.memref_slice %arg4[%add3A_873, %dma_start3A_874] : memref<2048x768xf32, #tpu.memory_space<hbm>> -> memref<8x768xf32, #tpu.memory_space<hbm>>
    %dma_start3A_876 = arith.constant 0 : i32
    %dma_start3A_877 = tpu.memref_slice %arg4[%add3A_873, %dma_start3A_876] : memref<2048x768xf32, #tpu.memory_space<hbm>> -> memref<8x768xf32, #tpu.memory_space<hbm>>
    tpu.enqueue_dma source(%dma_start3A_877 : memref<8x768xf32, #tpu.memory_space<hbm>>) target(%arg15 : memref<8x768xf32, #tpu.memory_space<vmem>>) target_semaphore(%arg19 : memref<!tpu.dma_semaphore, #tpu.memory_space<semaphore_mem>>)
    %dma_wait3A_878 = arith.constant 128 : i32
    %dma_wait3A_879 = tpu.memref_slice %arg7[%dma_wait3A_878] : memref<256xi32, #tpu.memory_space<vmem>> -> memref<32xi32, #tpu.memory_space<vmem>>
    %dma_wait3A_880 = arith.constant 0 : i32
    %dma_wait3A_881 = arith.constant 0 : i32
    %dma_wait3A_882 = tpu.memref_slice %arg3[%dma_wait3A_880, %dma_wait3A_881] : memref<100000x768xf32, #tpu.memory_space<hbm>> -> memref<100000x768xf32, #tpu.memory_space<hbm>>
    tpu.wait_indirect_dma semaphore(%arg16 : memref<!tpu.dma_semaphore, #tpu.memory_space<semaphore_mem>>) src(%dma_wait3A_882 : memref<100000x768xf32, #tpu.memory_space<hbm>>) dst(%arg8 : memref<32x768xf32, #tpu.memory_space<vmem>>)
    %dma_wait3A_883 = arith.constant 0 : i32
    %dma_wait3A_884 = tpu.memref_slice %arg4[%add3A_468, %dma_wait3A_883] : memref<2048x768xf32, #tpu.memory_space<hbm>> -> memref<8x768xf32, #tpu.memory_space<hbm>>
    %dma_wait3A_885 = arith.constant 0 : i32
    %dma_wait3A_886 = tpu.memref_slice %arg4[%add3A_468, %dma_wait3A_885] : memref<2048x768xf32, #tpu.memory_space<hbm>> -> memref<8x768xf32, #tpu.memory_space<hbm>>
    tpu.wait_dma2 semaphore(%arg16 : memref<!tpu.dma_semaphore, #tpu.memory_space<semaphore_mem>>) src(%dma_wait3A_886 : memref<8x768xf32, #tpu.memory_space<hbm>>) dst(%arg12 : memref<8x768xf32, #tpu.memory_space<vmem>>)
    %parallel_loop3A_887 = arith.constant 0 : i32
    %parallel_loop3A_888 = arith.constant 384 : i32
    %parallel_loop3A_889 = arith.constant 1 : i32
    scf.for %parallel_loop3A_1374 = %parallel_loop3A_887 to %parallel_loop3A_888 step %parallel_loop3A_889  : i32 {
      %parallel_loop3A_1375 = arith.constant 7 : i32
      %parallel_loop3A_1376 = arith.andi %parallel_loop3A_1374, %parallel_loop3A_1375 : i32
      %parallel_loop3A_1377 = arith.constant 3 : i32
      %parallel_loop3A_1378 = arith.shrsi %parallel_loop3A_1374, %parallel_loop3A_1377 : i32
      %parallel_loop3A_1379 = arith.constant 16 : i32
      %parallel_loop3A_1380 = arith.muli %parallel_loop3A_1378, %parallel_loop3A_1379 : i32
      %parallel_loop3A_1381 = arith.index_cast %parallel_loop3A_1376 : i32 to index
      %parallel_loop3A_1382 = arith.index_cast %parallel_loop3A_1380 : i32 to index
      %parallel_loop3A_1383 = tpu.vector_load %arg12[%parallel_loop3A_1381, %parallel_loop3A_1382] {strides = array<i32>} : memref<8x768xf32, #tpu.memory_space<vmem>>, vector<1x16xf32>,
      %parallel_loop3A_1384 = vector.shape_cast %parallel_loop3A_1383 : vector<1x16xf32> to vector<16xf32>
      %parallel_loop3A_1385 = arith.constant 0 : i32
      %parallel_loop3A_1386 = arith.addi %parallel_loop3A_1385, %parallel_loop3A_1376 : i32
      %parallel_loop3A_1387 = arith.index_cast %parallel_loop3A_1386 : i32 to index
      %parallel_loop3A_1388 = arith.index_cast %parallel_loop3A_1380 : i32 to index
      %parallel_loop3A_1389 = tpu.vector_load %arg8[%parallel_loop3A_1387, %parallel_loop3A_1388] {strides = array<i32>} : memref<32x768xf32, #tpu.memory_space<vmem>>, vector<1x16xf32>,
      %parallel_loop3A_1390 = vector.shape_cast %parallel_loop3A_1389 : vector<1x16xf32> to vector<16xf32>
      %parallel_loop3A_1391 = arith.addf %parallel_loop3A_1390, %parallel_loop3A_1384 : vector<16xf32>
      %parallel_loop3A_1392 = arith.index_cast %parallel_loop3A_1386 : i32 to index
      %parallel_loop3A_1393 = arith.index_cast %parallel_loop3A_1380 : i32 to index
      %parallel_loop3A_1394 = tpu.vector_load %arg8[%parallel_loop3A_1392, %parallel_loop3A_1393] {strides = array<i32>} : memref<32x768xf32, #tpu.memory_space<vmem>>, vector<1x16xf32>,
      %parallel_loop3A_1395 = vector.shape_cast %parallel_loop3A_1394 : vector<1x16xf32> to vector<16xf32>
      %parallel_loop3A_1396 = vector.shape_cast %parallel_loop3A_1391 : vector<16xf32> to vector<1x16xf32>
      tpu.vector_store %arg8[%parallel_loop3A_1392, %parallel_loop3A_1393], %parallel_loop3A_1396 {strides = array<i32>} : memref<32x768xf32, #tpu.memory_space<vmem>>, vector<1x16xf32>,
      %parallel_loop3A_1397 = arith.constant 8 : i32
      %parallel_loop3A_1398 = arith.addi %parallel_loop3A_1397, %parallel_loop3A_1376 : i32
      %parallel_loop3A_1399 = arith.index_cast %parallel_loop3A_1398 : i32 to index
      %parallel_loop3A_1400 = arith.index_cast %parallel_loop3A_1380 : i32 to index
      %parallel_loop3A_1401 = tpu.vector_load %arg8[%parallel_loop3A_1399, %parallel_loop3A_1400] {strides = array<i32>} : memref<32x768xf32, #tpu.memory_space<vmem>>, vector<1x16xf32>,
      %parallel_loop3A_1402 = vector.shape_cast %parallel_loop3A_1401 : vector<1x16xf32> to vector<16xf32>
      %parallel_loop3A_1403 = arith.addf %parallel_loop3A_1402, %parallel_loop3A_1384 : vector<16xf32>
      %parallel_loop3A_1404 = arith.index_cast %parallel_loop3A_1398 : i32 to index
      %parallel_loop3A_1405 = arith.index_cast %parallel_loop3A_1380 : i32 to index
      %parallel_loop3A_1406 = tpu.vector_load %arg8[%parallel_loop3A_1404, %parallel_loop3A_1405] {strides = array<i32>} : memref<32x768xf32, #tpu.memory_space<vmem>>, vector<1x16xf32>,
      %parallel_loop3A_1407 = vector.shape_cast %parallel_loop3A_1406 : vector<1x16xf32> to vector<16xf32>
      %parallel_loop3A_1408 = vector.shape_cast %parallel_loop3A_1403 : vector<16xf32> to vector<1x16xf32>
      tpu.vector_store %arg8[%parallel_loop3A_1404, %parallel_loop3A_1405], %parallel_loop3A_1408 {strides = array<i32>} : memref<32x768xf32, #tpu.memory_space<vmem>>, vector<1x16xf32>,
      %parallel_loop3A_1409 = arith.constant 16 : i32
      %parallel_loop3A_1410 = arith.addi %parallel_loop3A_1409, %parallel_loop3A_1376 : i32
      %parallel_loop3A_1411 = arith.index_cast %parallel_loop3A_1410 : i32 to index
      %parallel_loop3A_1412 = arith.index_cast %parallel_loop3A_1380 : i32 to index
      %parallel_loop3A_1413 = tpu.vector_load %arg8[%parallel_loop3A_1411, %parallel_loop3A_1412] {strides = array<i32>} : memref<32x768xf32, #tpu.memory_space<vmem>>, vector<1x16xf32>,
      %parallel_loop3A_1414 = vector.shape_cast %parallel_loop3A_1413 : vector<1x16xf32> to vector<16xf32>
      %parallel_loop3A_1415 = arith.addf %parallel_loop3A_1414, %parallel_loop3A_1384 : vector<16xf32>
      %parallel_loop3A_1416 = arith.index_cast %parallel_loop3A_1410 : i32 to index
      %parallel_loop3A_1417 = arith.index_cast %parallel_loop3A_1380 : i32 to index
      %parallel_loop3A_1418 = tpu.vector_load %arg8[%parallel_loop3A_1416, %parallel_loop3A_1417] {strides = array<i32>} : memref<32x768xf32, #tpu.memory_space<vmem>>, vector<1x16xf32>,
      %parallel_loop3A_1419 = vector.shape_cast %parallel_loop3A_1418 : vector<1x16xf32> to vector<16xf32>
      %parallel_loop3A_1420 = vector.shape_cast %parallel_loop3A_1415 : vector<16xf32> to vector<1x16xf32>
      tpu.vector_store %arg8[%parallel_loop3A_1416, %parallel_loop3A_1417], %parallel_loop3A_1420 {strides = array<i32>} : memref<32x768xf32, #tpu.memory_space<vmem>>, vector<1x16xf32>,
      %parallel_loop3A_1421 = arith.constant 24 : i32
      %parallel_loop3A_1422 = arith.addi %parallel_loop3A_1421, %parallel_loop3A_1376 : i32
      %parallel_loop3A_1423 = arith.index_cast %parallel_loop3A_1422 : i32 to index
      %parallel_loop3A_1424 = arith.index_cast %parallel_loop3A_1380 : i32 to index
      %parallel_loop3A_1425 = tpu.vector_load %arg8[%parallel_loop3A_1423, %parallel_loop3A_1424] {strides = array<i32>} : memref<32x768xf32, #tpu.memory_space<vmem>>, vector<1x16xf32>,
      %parallel_loop3A_1426 = vector.shape_cast %parallel_loop3A_1425 : vector<1x16xf32> to vector<16xf32>
      %parallel_loop3A_1427 = arith.addf %parallel_loop3A_1426, %parallel_loop3A_1384 : vector<16xf32>
      %parallel_loop3A_1428 = arith.index_cast %parallel_loop3A_1422 : i32 to index
      %parallel_loop3A_1429 = arith.index_cast %parallel_loop3A_1380 : i32 to index
      %parallel_loop3A_1430 = tpu.vector_load %arg8[%parallel_loop3A_1428, %parallel_loop3A_1429] {strides = array<i32>} : memref<32x768xf32, #tpu.memory_space<vmem>>, vector<1x16xf32>,
      %parallel_loop3A_1431 = vector.shape_cast %parallel_loop3A_1430 : vector<1x16xf32> to vector<16xf32>
      %parallel_loop3A_1432 = vector.shape_cast %parallel_loop3A_1427 : vector<16xf32> to vector<1x16xf32>
      tpu.vector_store %arg8[%parallel_loop3A_1428, %parallel_loop3A_1429], %parallel_loop3A_1432 {strides = array<i32>} : memref<32x768xf32, #tpu.memory_space<vmem>>, vector<1x16xf32>,
    } {sc.loop_unroll_factor = 2 : i64, sc.parallel_access}
    %add3A_890 = arith.constant 32 : i32
    %add3A_891 = arith.addi %mul3A_2, %add3A_890 : i32
    %dma_start3A_892 = arith.constant 0 : i32
    %dma_start3A_893 = arith.constant 0 : i32
    %dma_start3A_894 = arith.constant 0 : i32
    %dma_start3A_895 = tpu.memref_slice %arg8[%dma_start3A_893, %dma_start3A_894] : memref<32x768xf32, #tpu.memory_space<vmem>> -> memref<8x768xf32, #tpu.memory_space<vmem>>
    %dma_start3A_896 = arith.constant 0 : i32
    %dma_start3A_897 = tpu.memref_slice %arg5[%dma_start3A_892, %add3A_891, %dma_start3A_896] : memref<4x2048x768xf32, #tpu.memory_space<hbm>> -> memref<1x8x768xf32, #tpu.memory_space<hbm>>
    %dma_start3A_898 = tpu.memref_squeeze %dma_start3A_897 : memref<1x8x768xf32, #tpu.memory_space<hbm>> -> memref<8x768xf32, #tpu.memory_space<hbm>>
    %dma_start3A_899 = arith.constant 0 : i32
    %dma_start3A_900 = tpu.memref_slice %arg5[%dma_start3A_892, %add3A_891, %dma_start3A_899] : memref<4x2048x768xf32, #tpu.memory_space<hbm>> -> memref<1x8x768xf32, #tpu.memory_space<hbm>>
    %dma_start3A_901 = tpu.memref_squeeze %dma_start3A_900 : memref<1x8x768xf32, #tpu.memory_space<hbm>> -> memref<8x768xf32, #tpu.memory_space<hbm>>
    %dma_start3A_902 = arith.constant 0 : i32
    %dma_start3A_903 = arith.constant 0 : i32
    %dma_start3A_904 = tpu.memref_slice %arg8[%dma_start3A_902, %dma_start3A_903] : memref<32x768xf32, #tpu.memory_space<vmem>> -> memref<8x768xf32, #tpu.memory_space<vmem>>
    tpu.enqueue_dma source(%dma_start3A_904 : memref<8x768xf32, #tpu.memory_space<vmem>>) target(%dma_start3A_901 : memref<8x768xf32, #tpu.memory_space<hbm>>) target_semaphore(%arg20 : memref<!tpu.dma_semaphore, #tpu.memory_space<semaphore_mem>>)
    %add3A_905 = arith.constant 32 : i32
    %add3A_906 = arith.addi %mul3A_2, %add3A_905 : i32
    %dma_start3A_907 = arith.constant 1 : i32
    %dma_start3A_908 = arith.constant 8 : i32
    %dma_start3A_909 = arith.constant 0 : i32
    %dma_start3A_910 = tpu.memref_slice %arg8[%dma_start3A_908, %dma_start3A_909] : memref<32x768xf32, #tpu.memory_space<vmem>> -> memref<8x768xf32, #tpu.memory_space<vmem>>
    %dma_start3A_911 = arith.constant 0 : i32
    %dma_start3A_912 = tpu.memref_slice %arg5[%dma_start3A_907, %add3A_906, %dma_start3A_911] : memref<4x2048x768xf32, #tpu.memory_space<hbm>> -> memref<1x8x768xf32, #tpu.memory_space<hbm>>
    %dma_start3A_913 = tpu.memref_squeeze %dma_start3A_912 : memref<1x8x768xf32, #tpu.memory_space<hbm>> -> memref<8x768xf32, #tpu.memory_space<hbm>>
    %dma_start3A_914 = arith.constant 0 : i32
    %dma_start3A_915 = tpu.memref_slice %arg5[%dma_start3A_907, %add3A_906, %dma_start3A_914] : memref<4x2048x768xf32, #tpu.memory_space<hbm>> -> memref<1x8x768xf32, #tpu.memory_space<hbm>>
    %dma_start3A_916 = tpu.memref_squeeze %dma_start3A_915 : memref<1x8x768xf32, #tpu.memory_space<hbm>> -> memref<8x768xf32, #tpu.memory_space<hbm>>
    %dma_start3A_917 = arith.constant 8 : i32
    %dma_start3A_918 = arith.constant 0 : i32
    %dma_start3A_919 = tpu.memref_slice %arg8[%dma_start3A_917, %dma_start3A_918] : memref<32x768xf32, #tpu.memory_space<vmem>> -> memref<8x768xf32, #tpu.memory_space<vmem>>
    tpu.enqueue_dma source(%dma_start3A_919 : memref<8x768xf32, #tpu.memory_space<vmem>>) target(%dma_start3A_916 : memref<8x768xf32, #tpu.memory_space<hbm>>) target_semaphore(%arg20 : memref<!tpu.dma_semaphore, #tpu.memory_space<semaphore_mem>>)
    %add3A_920 = arith.constant 32 : i32
    %add3A_921 = arith.addi %mul3A_2, %add3A_920 : i32
    %dma_start3A_922 = arith.constant 2 : i32
    %dma_start3A_923 = arith.constant 16 : i32
    %dma_start3A_924 = arith.constant 0 : i32
    %dma_start3A_925 = tpu.memref_slice %arg8[%dma_start3A_923, %dma_start3A_924] : memref<32x768xf32, #tpu.memory_space<vmem>> -> memref<8x768xf32, #tpu.memory_space<vmem>>
    %dma_start3A_926 = arith.constant 0 : i32
    %dma_start3A_927 = tpu.memref_slice %arg5[%dma_start3A_922, %add3A_921, %dma_start3A_926] : memref<4x2048x768xf32, #tpu.memory_space<hbm>> -> memref<1x8x768xf32, #tpu.memory_space<hbm>>
    %dma_start3A_928 = tpu.memref_squeeze %dma_start3A_927 : memref<1x8x768xf32, #tpu.memory_space<hbm>> -> memref<8x768xf32, #tpu.memory_space<hbm>>
    %dma_start3A_929 = arith.constant 0 : i32
    %dma_start3A_930 = tpu.memref_slice %arg5[%dma_start3A_922, %add3A_921, %dma_start3A_929] : memref<4x2048x768xf32, #tpu.memory_space<hbm>> -> memref<1x8x768xf32, #tpu.memory_space<hbm>>
    %dma_start3A_931 = tpu.memref_squeeze %dma_start3A_930 : memref<1x8x768xf32, #tpu.memory_space<hbm>> -> memref<8x768xf32, #tpu.memory_space<hbm>>
    %dma_start3A_932 = arith.constant 16 : i32
    %dma_start3A_933 = arith.constant 0 : i32
    %dma_start3A_934 = tpu.memref_slice %arg8[%dma_start3A_932, %dma_start3A_933] : memref<32x768xf32, #tpu.memory_space<vmem>> -> memref<8x768xf32, #tpu.memory_space<vmem>>
    tpu.enqueue_dma source(%dma_start3A_934 : memref<8x768xf32, #tpu.memory_space<vmem>>) target(%dma_start3A_931 : memref<8x768xf32, #tpu.memory_space<hbm>>) target_semaphore(%arg20 : memref<!tpu.dma_semaphore, #tpu.memory_space<semaphore_mem>>)
    %add3A_935 = arith.constant 32 : i32
    %add3A_936 = arith.addi %mul3A_2, %add3A_935 : i32
    %dma_start3A_937 = arith.constant 3 : i32
    %dma_start3A_938 = arith.constant 24 : i32
    %dma_start3A_939 = arith.constant 0 : i32
    %dma_start3A_940 = tpu.memref_slice %arg8[%dma_start3A_938, %dma_start3A_939] : memref<32x768xf32, #tpu.memory_space<vmem>> -> memref<8x768xf32, #tpu.memory_space<vmem>>
    %dma_start3A_941 = arith.constant 0 : i32
    %dma_start3A_942 = tpu.memref_slice %arg5[%dma_start3A_937, %add3A_936, %dma_start3A_941] : memref<4x2048x768xf32, #tpu.memory_space<hbm>> -> memref<1x8x768xf32, #tpu.memory_space<hbm>>
    %dma_start3A_943 = tpu.memref_squeeze %dma_start3A_942 : memref<1x8x768xf32, #tpu.memory_space<hbm>> -> memref<8x768xf32, #tpu.memory_space<hbm>>
    %dma_start3A_944 = arith.constant 0 : i32
    %dma_start3A_945 = tpu.memref_slice %arg5[%dma_start3A_937, %add3A_936, %dma_start3A_944] : memref<4x2048x768xf32, #tpu.memory_space<hbm>> -> memref<1x8x768xf32, #tpu.memory_space<hbm>>
    %dma_start3A_946 = tpu.memref_squeeze %dma_start3A_945 : memref<1x8x768xf32, #tpu.memory_space<hbm>> -> memref<8x768xf32, #tpu.memory_space<hbm>>
    %dma_start3A_947 = arith.constant 24 : i32
    %dma_start3A_948 = arith.constant 0 : i32
    %dma_start3A_949 = tpu.memref_slice %arg8[%dma_start3A_947, %dma_start3A_948] : memref<32x768xf32, #tpu.memory_space<vmem>> -> memref<8x768xf32, #tpu.memory_space<vmem>>
    tpu.enqueue_dma source(%dma_start3A_949 : memref<8x768xf32, #tpu.memory_space<vmem>>) target(%dma_start3A_946 : memref<8x768xf32, #tpu.memory_space<hbm>>) target_semaphore(%arg20 : memref<!tpu.dma_semaphore, #tpu.memory_space<semaphore_mem>>)
    %dma_wait3A_950 = arith.constant 160 : i32
    %dma_wait3A_951 = tpu.memref_slice %arg7[%dma_wait3A_950] : memref<256xi32, #tpu.memory_space<vmem>> -> memref<32xi32, #tpu.memory_space<vmem>>
    %dma_wait3A_952 = arith.constant 0 : i32
    %dma_wait3A_953 = arith.constant 0 : i32
    %dma_wait3A_954 = tpu.memref_slice %arg3[%dma_wait3A_952, %dma_wait3A_953] : memref<100000x768xf32, #tpu.memory_space<hbm>> -> memref<100000x768xf32, #tpu.memory_space<hbm>>
    tpu.wait_indirect_dma semaphore(%arg17 : memref<!tpu.dma_semaphore, #tpu.memory_space<semaphore_mem>>) src(%dma_wait3A_954 : memref<100000x768xf32, #tpu.memory_space<hbm>>) dst(%arg9 : memref<32x768xf32, #tpu.memory_space<vmem>>)
    %dma_wait3A_955 = arith.constant 0 : i32
    %dma_wait3A_956 = tpu.memref_slice %arg4[%add3A_603, %dma_wait3A_955] : memref<2048x768xf32, #tpu.memory_space<hbm>> -> memref<8x768xf32, #tpu.memory_space<hbm>>
    %dma_wait3A_957 = arith.constant 0 : i32
    %dma_wait3A_958 = tpu.memref_slice %arg4[%add3A_603, %dma_wait3A_957] : memref<2048x768xf32, #tpu.memory_space<hbm>> -> memref<8x768xf32, #tpu.memory_space<hbm>>
    tpu.wait_dma2 semaphore(%arg17 : memref<!tpu.dma_semaphore, #tpu.memory_space<semaphore_mem>>) src(%dma_wait3A_958 : memref<8x768xf32, #tpu.memory_space<hbm>>) dst(%arg13 : memref<8x768xf32, #tpu.memory_space<vmem>>)
    %parallel_loop3A_959 = arith.constant 0 : i32
    %parallel_loop3A_960 = arith.constant 384 : i32
    %parallel_loop3A_961 = arith.constant 1 : i32
    scf.for %parallel_loop3A_1374 = %parallel_loop3A_959 to %parallel_loop3A_960 step %parallel_loop3A_961  : i32 {
      %parallel_loop3A_1375 = arith.constant 7 : i32
      %parallel_loop3A_1376 = arith.andi %parallel_loop3A_1374, %parallel_loop3A_1375 : i32
      %parallel_loop3A_1377 = arith.constant 3 : i32
      %parallel_loop3A_1378 = arith.shrsi %parallel_loop3A_1374, %parallel_loop3A_1377 : i32
      %parallel_loop3A_1379 = arith.constant 16 : i32
      %parallel_loop3A_1380 = arith.muli %parallel_loop3A_1378, %parallel_loop3A_1379 : i32
      %parallel_loop3A_1381 = arith.index_cast %parallel_loop3A_1376 : i32 to index
      %parallel_loop3A_1382 = arith.index_cast %parallel_loop3A_1380 : i32 to index
      %parallel_loop3A_1383 = tpu.vector_load %arg13[%parallel_loop3A_1381, %parallel_loop3A_1382] {strides = array<i32>} : memref<8x768xf32, #tpu.memory_space<vmem>>, vector<1x16xf32>,
      %parallel_loop3A_1384 = vector.shape_cast %parallel_loop3A_1383 : vector<1x16xf32> to vector<16xf32>
      %parallel_loop3A_1385 = arith.constant 0 : i32
      %parallel_loop3A_1386 = arith.addi %parallel_loop3A_1385, %parallel_loop3A_1376 : i32
      %parallel_loop3A_1387 = arith.index_cast %parallel_loop3A_1386 : i32 to index
      %parallel_loop3A_1388 = arith.index_cast %parallel_loop3A_1380 : i32 to index
      %parallel_loop3A_1389 = tpu.vector_load %arg9[%parallel_loop3A_1387, %parallel_loop3A_1388] {strides = array<i32>} : memref<32x768xf32, #tpu.memory_space<vmem>>, vector<1x16xf32>,
      %parallel_loop3A_1390 = vector.shape_cast %parallel_loop3A_1389 : vector<1x16xf32> to vector<16xf32>
      %parallel_loop3A_1391 = arith.addf %parallel_loop3A_1390, %parallel_loop3A_1384 : vector<16xf32>
      %parallel_loop3A_1392 = arith.index_cast %parallel_loop3A_1386 : i32 to index
      %parallel_loop3A_1393 = arith.index_cast %parallel_loop3A_1380 : i32 to index
      %parallel_loop3A_1394 = tpu.vector_load %arg9[%parallel_loop3A_1392, %parallel_loop3A_1393] {strides = array<i32>} : memref<32x768xf32, #tpu.memory_space<vmem>>, vector<1x16xf32>,
      %parallel_loop3A_1395 = vector.shape_cast %parallel_loop3A_1394 : vector<1x16xf32> to vector<16xf32>
      %parallel_loop3A_1396 = vector.shape_cast %parallel_loop3A_1391 : vector<16xf32> to vector<1x16xf32>
      tpu.vector_store %arg9[%parallel_loop3A_1392, %parallel_loop3A_1393], %parallel_loop3A_1396 {strides = array<i32>} : memref<32x768xf32, #tpu.memory_space<vmem>>, vector<1x16xf32>,
      %parallel_loop3A_1397 = arith.constant 8 : i32
      %parallel_loop3A_1398 = arith.addi %parallel_loop3A_1397, %parallel_loop3A_1376 : i32
      %parallel_loop3A_1399 = arith.index_cast %parallel_loop3A_1398 : i32 to index
      %parallel_loop3A_1400 = arith.index_cast %parallel_loop3A_1380 : i32 to index
      %parallel_loop3A_1401 = tpu.vector_load %arg9[%parallel_loop3A_1399, %parallel_loop3A_1400] {strides = array<i32>} : memref<32x768xf32, #tpu.memory_space<vmem>>, vector<1x16xf32>,
      %parallel_loop3A_1402 = vector.shape_cast %parallel_loop3A_1401 : vector<1x16xf32> to vector<16xf32>
      %parallel_loop3A_1403 = arith.addf %parallel_loop3A_1402, %parallel_loop3A_1384 : vector<16xf32>
      %parallel_loop3A_1404 = arith.index_cast %parallel_loop3A_1398 : i32 to index
      %parallel_loop3A_1405 = arith.index_cast %parallel_loop3A_1380 : i32 to index
      %parallel_loop3A_1406 = tpu.vector_load %arg9[%parallel_loop3A_1404, %parallel_loop3A_1405] {strides = array<i32>} : memref<32x768xf32, #tpu.memory_space<vmem>>, vector<1x16xf32>,
      %parallel_loop3A_1407 = vector.shape_cast %parallel_loop3A_1406 : vector<1x16xf32> to vector<16xf32>
      %parallel_loop3A_1408 = vector.shape_cast %parallel_loop3A_1403 : vector<16xf32> to vector<1x16xf32>
      tpu.vector_store %arg9[%parallel_loop3A_1404, %parallel_loop3A_1405], %parallel_loop3A_1408 {strides = array<i32>} : memref<32x768xf32, #tpu.memory_space<vmem>>, vector<1x16xf32>,
      %parallel_loop3A_1409 = arith.constant 16 : i32
      %parallel_loop3A_1410 = arith.addi %parallel_loop3A_1409, %parallel_loop3A_1376 : i32
      %parallel_loop3A_1411 = arith.index_cast %parallel_loop3A_1410 : i32 to index
      %parallel_loop3A_1412 = arith.index_cast %parallel_loop3A_1380 : i32 to index
      %parallel_loop3A_1413 = tpu.vector_load %arg9[%parallel_loop3A_1411, %parallel_loop3A_1412] {strides = array<i32>} : memref<32x768xf32, #tpu.memory_space<vmem>>, vector<1x16xf32>,
      %parallel_loop3A_1414 = vector.shape_cast %parallel_loop3A_1413 : vector<1x16xf32> to vector<16xf32>
      %parallel_loop3A_1415 = arith.addf %parallel_loop3A_1414, %parallel_loop3A_1384 : vector<16xf32>
      %parallel_loop3A_1416 = arith.index_cast %parallel_loop3A_1410 : i32 to index
      %parallel_loop3A_1417 = arith.index_cast %parallel_loop3A_1380 : i32 to index
      %parallel_loop3A_1418 = tpu.vector_load %arg9[%parallel_loop3A_1416, %parallel_loop3A_1417] {strides = array<i32>} : memref<32x768xf32, #tpu.memory_space<vmem>>, vector<1x16xf32>,
      %parallel_loop3A_1419 = vector.shape_cast %parallel_loop3A_1418 : vector<1x16xf32> to vector<16xf32>
      %parallel_loop3A_1420 = vector.shape_cast %parallel_loop3A_1415 : vector<16xf32> to vector<1x16xf32>
      tpu.vector_store %arg9[%parallel_loop3A_1416, %parallel_loop3A_1417], %parallel_loop3A_1420 {strides = array<i32>} : memref<32x768xf32, #tpu.memory_space<vmem>>, vector<1x16xf32>,
      %parallel_loop3A_1421 = arith.constant 24 : i32
      %parallel_loop3A_1422 = arith.addi %parallel_loop3A_1421, %parallel_loop3A_1376 : i32
      %parallel_loop3A_1423 = arith.index_cast %parallel_loop3A_1422 : i32 to index
      %parallel_loop3A_1424 = arith.index_cast %parallel_loop3A_1380 : i32 to index
      %parallel_loop3A_1425 = tpu.vector_load %arg9[%parallel_loop3A_1423, %parallel_loop3A_1424] {strides = array<i32>} : memref<32x768xf32, #tpu.memory_space<vmem>>, vector<1x16xf32>,
      %parallel_loop3A_1426 = vector.shape_cast %parallel_loop3A_1425 : vector<1x16xf32> to vector<16xf32>
      %parallel_loop3A_1427 = arith.addf %parallel_loop3A_1426, %parallel_loop3A_1384 : vector<16xf32>
      %parallel_loop3A_1428 = arith.index_cast %parallel_loop3A_1422 : i32 to index
      %parallel_loop3A_1429 = arith.index_cast %parallel_loop3A_1380 : i32 to index
      %parallel_loop3A_1430 = tpu.vector_load %arg9[%parallel_loop3A_1428, %parallel_loop3A_1429] {strides = array<i32>} : memref<32x768xf32, #tpu.memory_space<vmem>>, vector<1x16xf32>,
      %parallel_loop3A_1431 = vector.shape_cast %parallel_loop3A_1430 : vector<1x16xf32> to vector<16xf32>
      %parallel_loop3A_1432 = vector.shape_cast %parallel_loop3A_1427 : vector<16xf32> to vector<1x16xf32>
      tpu.vector_store %arg9[%parallel_loop3A_1428, %parallel_loop3A_1429], %parallel_loop3A_1432 {strides = array<i32>} : memref<32x768xf32, #tpu.memory_space<vmem>>, vector<1x16xf32>,
    } {sc.loop_unroll_factor = 2 : i64, sc.parallel_access}
    %add3A_962 = arith.constant 40 : i32
    %add3A_963 = arith.addi %mul3A_2, %add3A_962 : i32
    %dma_start3A_964 = arith.constant 0 : i32
    %dma_start3A_965 = arith.constant 0 : i32
    %dma_start3A_966 = arith.constant 0 : i32
    %dma_start3A_967 = tpu.memref_slice %arg9[%dma_start3A_965, %dma_start3A_966] : memref<32x768xf32, #tpu.memory_space<vmem>> -> memref<8x768xf32, #tpu.memory_space<vmem>>
    %dma_start3A_968 = arith.constant 0 : i32
    %dma_start3A_969 = tpu.memref_slice %arg5[%dma_start3A_964, %add3A_963, %dma_start3A_968] : memref<4x2048x768xf32, #tpu.memory_space<hbm>> -> memref<1x8x768xf32, #tpu.memory_space<hbm>>
    %dma_start3A_970 = tpu.memref_squeeze %dma_start3A_969 : memref<1x8x768xf32, #tpu.memory_space<hbm>> -> memref<8x768xf32, #tpu.memory_space<hbm>>
    %dma_start3A_971 = arith.constant 0 : i32
    %dma_start3A_972 = tpu.memref_slice %arg5[%dma_start3A_964, %add3A_963, %dma_start3A_971] : memref<4x2048x768xf32, #tpu.memory_space<hbm>> -> memref<1x8x768xf32, #tpu.memory_space<hbm>>
    %dma_start3A_973 = tpu.memref_squeeze %dma_start3A_972 : memref<1x8x768xf32, #tpu.memory_space<hbm>> -> memref<8x768xf32, #tpu.memory_space<hbm>>
    %dma_start3A_974 = arith.constant 0 : i32
    %dma_start3A_975 = arith.constant 0 : i32
    %dma_start3A_976 = tpu.memref_slice %arg9[%dma_start3A_974, %dma_start3A_975] : memref<32x768xf32, #tpu.memory_space<vmem>> -> memref<8x768xf32, #tpu.memory_space<vmem>>
    tpu.enqueue_dma source(%dma_start3A_976 : memref<8x768xf32, #tpu.memory_space<vmem>>) target(%dma_start3A_973 : memref<8x768xf32, #tpu.memory_space<hbm>>) target_semaphore(%arg21 : memref<!tpu.dma_semaphore, #tpu.memory_space<semaphore_mem>>)
    %add3A_977 = arith.constant 40 : i32
    %add3A_978 = arith.addi %mul3A_2, %add3A_977 : i32
    %dma_start3A_979 = arith.constant 1 : i32
    %dma_start3A_980 = arith.constant 8 : i32
    %dma_start3A_981 = arith.constant 0 : i32
    %dma_start3A_982 = tpu.memref_slice %arg9[%dma_start3A_980, %dma_start3A_981] : memref<32x768xf32, #tpu.memory_space<vmem>> -> memref<8x768xf32, #tpu.memory_space<vmem>>
    %dma_start3A_983 = arith.constant 0 : i32
    %dma_start3A_984 = tpu.memref_slice %arg5[%dma_start3A_979, %add3A_978, %dma_start3A_983] : memref<4x2048x768xf32, #tpu.memory_space<hbm>> -> memref<1x8x768xf32, #tpu.memory_space<hbm>>
    %dma_start3A_985 = tpu.memref_squeeze %dma_start3A_984 : memref<1x8x768xf32, #tpu.memory_space<hbm>> -> memref<8x768xf32, #tpu.memory_space<hbm>>
    %dma_start3A_986 = arith.constant 0 : i32
    %dma_start3A_987 = tpu.memref_slice %arg5[%dma_start3A_979, %add3A_978, %dma_start3A_986] : memref<4x2048x768xf32, #tpu.memory_space<hbm>> -> memref<1x8x768xf32, #tpu.memory_space<hbm>>
    %dma_start3A_988 = tpu.memref_squeeze %dma_start3A_987 : memref<1x8x768xf32, #tpu.memory_space<hbm>> -> memref<8x768xf32, #tpu.memory_space<hbm>>
    %dma_start3A_989 = arith.constant 8 : i32
    %dma_start3A_990 = arith.constant 0 : i32
    %dma_start3A_991 = tpu.memref_slice %arg9[%dma_start3A_989, %dma_start3A_990] : memref<32x768xf32, #tpu.memory_space<vmem>> -> memref<8x768xf32, #tpu.memory_space<vmem>>
    tpu.enqueue_dma source(%dma_start3A_991 : memref<8x768xf32, #tpu.memory_space<vmem>>) target(%dma_start3A_988 : memref<8x768xf32, #tpu.memory_space<hbm>>) target_semaphore(%arg21 : memref<!tpu.dma_semaphore, #tpu.memory_space<semaphore_mem>>)
    %add3A_992 = arith.constant 40 : i32
    %add3A_993 = arith.addi %mul3A_2, %add3A_992 : i32
    %dma_start3A_994 = arith.constant 2 : i32
    %dma_start3A_995 = arith.constant 16 : i32
    %dma_start3A_996 = arith.constant 0 : i32
    %dma_start3A_997 = tpu.memref_slice %arg9[%dma_start3A_995, %dma_start3A_996] : memref<32x768xf32, #tpu.memory_space<vmem>> -> memref<8x768xf32, #tpu.memory_space<vmem>>
    %dma_start3A_998 = arith.constant 0 : i32
    %dma_start3A_999 = tpu.memref_slice %arg5[%dma_start3A_994, %add3A_993, %dma_start3A_998] : memref<4x2048x768xf32, #tpu.memory_space<hbm>> -> memref<1x8x768xf32, #tpu.memory_space<hbm>>
    %dma_start3A_1000 = tpu.memref_squeeze %dma_start3A_999 : memref<1x8x768xf32, #tpu.memory_space<hbm>> -> memref<8x768xf32, #tpu.memory_space<hbm>>
    %dma_start3A_1001 = arith.constant 0 : i32
    %dma_start3A_1002 = tpu.memref_slice %arg5[%dma_start3A_994, %add3A_993, %dma_start3A_1001] : memref<4x2048x768xf32, #tpu.memory_space<hbm>> -> memref<1x8x768xf32, #tpu.memory_space<hbm>>
    %dma_start3A_1003 = tpu.memref_squeeze %dma_start3A_1002 : memref<1x8x768xf32, #tpu.memory_space<hbm>> -> memref<8x768xf32, #tpu.memory_space<hbm>>
    %dma_start3A_1004 = arith.constant 16 : i32
    %dma_start3A_1005 = arith.constant 0 : i32
    %dma_start3A_1006 = tpu.memref_slice %arg9[%dma_start3A_1004, %dma_start3A_1005] : memref<32x768xf32, #tpu.memory_space<vmem>> -> memref<8x768xf32, #tpu.memory_space<vmem>>
    tpu.enqueue_dma source(%dma_start3A_1006 : memref<8x768xf32, #tpu.memory_space<vmem>>) target(%dma_start3A_1003 : memref<8x768xf32, #tpu.memory_space<hbm>>) target_semaphore(%arg21 : memref<!tpu.dma_semaphore, #tpu.memory_space<semaphore_mem>>)
    %add3A_1007 = arith.constant 40 : i32
    %add3A_1008 = arith.addi %mul3A_2, %add3A_1007 : i32
    %dma_start3A_1009 = arith.constant 3 : i32
    %dma_start3A_1010 = arith.constant 24 : i32
    %dma_start3A_1011 = arith.constant 0 : i32
    %dma_start3A_1012 = tpu.memref_slice %arg9[%dma_start3A_1010, %dma_start3A_1011] : memref<32x768xf32, #tpu.memory_space<vmem>> -> memref<8x768xf32, #tpu.memory_space<vmem>>
    %dma_start3A_1013 = arith.constant 0 : i32
    %dma_start3A_1014 = tpu.memref_slice %arg5[%dma_start3A_1009, %add3A_1008, %dma_start3A_1013] : memref<4x2048x768xf32, #tpu.memory_space<hbm>> -> memref<1x8x768xf32, #tpu.memory_space<hbm>>
    %dma_start3A_1015 = tpu.memref_squeeze %dma_start3A_1014 : memref<1x8x768xf32, #tpu.memory_space<hbm>> -> memref<8x768xf32, #tpu.memory_space<hbm>>
    %dma_start3A_1016 = arith.constant 0 : i32
    %dma_start3A_1017 = tpu.memref_slice %arg5[%dma_start3A_1009, %add3A_1008, %dma_start3A_1016] : memref<4x2048x768xf32, #tpu.memory_space<hbm>> -> memref<1x8x768xf32, #tpu.memory_space<hbm>>
    %dma_start3A_1018 = tpu.memref_squeeze %dma_start3A_1017 : memref<1x8x768xf32, #tpu.memory_space<hbm>> -> memref<8x768xf32, #tpu.memory_space<hbm>>
    %dma_start3A_1019 = arith.constant 24 : i32
    %dma_start3A_1020 = arith.constant 0 : i32
    %dma_start3A_1021 = tpu.memref_slice %arg9[%dma_start3A_1019, %dma_start3A_1020] : memref<32x768xf32, #tpu.memory_space<vmem>> -> memref<8x768xf32, #tpu.memory_space<vmem>>
    tpu.enqueue_dma source(%dma_start3A_1021 : memref<8x768xf32, #tpu.memory_space<vmem>>) target(%dma_start3A_1018 : memref<8x768xf32, #tpu.memory_space<hbm>>) target_semaphore(%arg21 : memref<!tpu.dma_semaphore, #tpu.memory_space<semaphore_mem>>)
    %dma_wait3A_1022 = arith.constant 192 : i32
    %dma_wait3A_1023 = tpu.memref_slice %arg7[%dma_wait3A_1022] : memref<256xi32, #tpu.memory_space<vmem>> -> memref<32xi32, #tpu.memory_space<vmem>>
    %dma_wait3A_1024 = arith.constant 0 : i32
    %dma_wait3A_1025 = arith.constant 0 : i32
    %dma_wait3A_1026 = tpu.memref_slice %arg3[%dma_wait3A_1024, %dma_wait3A_1025] : memref<100000x768xf32, #tpu.memory_space<hbm>> -> memref<100000x768xf32, #tpu.memory_space<hbm>>
    tpu.wait_indirect_dma semaphore(%arg18 : memref<!tpu.dma_semaphore, #tpu.memory_space<semaphore_mem>>) src(%dma_wait3A_1026 : memref<100000x768xf32, #tpu.memory_space<hbm>>) dst(%arg10 : memref<32x768xf32, #tpu.memory_space<vmem>>)
    %dma_wait3A_1027 = arith.constant 0 : i32
    %dma_wait3A_1028 = tpu.memref_slice %arg4[%add3A_738, %dma_wait3A_1027] : memref<2048x768xf32, #tpu.memory_space<hbm>> -> memref<8x768xf32, #tpu.memory_space<hbm>>
    %dma_wait3A_1029 = arith.constant 0 : i32
    %dma_wait3A_1030 = tpu.memref_slice %arg4[%add3A_738, %dma_wait3A_1029] : memref<2048x768xf32, #tpu.memory_space<hbm>> -> memref<8x768xf32, #tpu.memory_space<hbm>>
    tpu.wait_dma2 semaphore(%arg18 : memref<!tpu.dma_semaphore, #tpu.memory_space<semaphore_mem>>) src(%dma_wait3A_1030 : memref<8x768xf32, #tpu.memory_space<hbm>>) dst(%arg14 : memref<8x768xf32, #tpu.memory_space<vmem>>)
    %parallel_loop3A_1031 = arith.constant 0 : i32
    %parallel_loop3A_1032 = arith.constant 384 : i32
    %parallel_loop3A_1033 = arith.constant 1 : i32
    scf.for %parallel_loop3A_1374 = %parallel_loop3A_1031 to %parallel_loop3A_1032 step %parallel_loop3A_1033  : i32 {
      %parallel_loop3A_1375 = arith.constant 7 : i32
      %parallel_loop3A_1376 = arith.andi %parallel_loop3A_1374, %parallel_loop3A_1375 : i32
      %parallel_loop3A_1377 = arith.constant 3 : i32
      %parallel_loop3A_1378 = arith.shrsi %parallel_loop3A_1374, %parallel_loop3A_1377 : i32
      %parallel_loop3A_1379 = arith.constant 16 : i32
      %parallel_loop3A_1380 = arith.muli %parallel_loop3A_1378, %parallel_loop3A_1379 : i32
      %parallel_loop3A_1381 = arith.index_cast %parallel_loop3A_1376 : i32 to index
      %parallel_loop3A_1382 = arith.index_cast %parallel_loop3A_1380 : i32 to index
      %parallel_loop3A_1383 = tpu.vector_load %arg14[%parallel_loop3A_1381, %parallel_loop3A_1382] {strides = array<i32>} : memref<8x768xf32, #tpu.memory_space<vmem>>, vector<1x16xf32>,
      %parallel_loop3A_1384 = vector.shape_cast %parallel_loop3A_1383 : vector<1x16xf32> to vector<16xf32>
      %parallel_loop3A_1385 = arith.constant 0 : i32
      %parallel_loop3A_1386 = arith.addi %parallel_loop3A_1385, %parallel_loop3A_1376 : i32
      %parallel_loop3A_1387 = arith.index_cast %parallel_loop3A_1386 : i32 to index
      %parallel_loop3A_1388 = arith.index_cast %parallel_loop3A_1380 : i32 to index
      %parallel_loop3A_1389 = tpu.vector_load %arg10[%parallel_loop3A_1387, %parallel_loop3A_1388] {strides = array<i32>} : memref<32x768xf32, #tpu.memory_space<vmem>>, vector<1x16xf32>,
      %parallel_loop3A_1390 = vector.shape_cast %parallel_loop3A_1389 : vector<1x16xf32> to vector<16xf32>
      %parallel_loop3A_1391 = arith.addf %parallel_loop3A_1390, %parallel_loop3A_1384 : vector<16xf32>
      %parallel_loop3A_1392 = arith.index_cast %parallel_loop3A_1386 : i32 to index
      %parallel_loop3A_1393 = arith.index_cast %parallel_loop3A_1380 : i32 to index
      %parallel_loop3A_1394 = tpu.vector_load %arg10[%parallel_loop3A_1392, %parallel_loop3A_1393] {strides = array<i32>} : memref<32x768xf32, #tpu.memory_space<vmem>>, vector<1x16xf32>,
      %parallel_loop3A_1395 = vector.shape_cast %parallel_loop3A_1394 : vector<1x16xf32> to vector<16xf32>
      %parallel_loop3A_1396 = vector.shape_cast %parallel_loop3A_1391 : vector<16xf32> to vector<1x16xf32>
      tpu.vector_store %arg10[%parallel_loop3A_1392, %parallel_loop3A_1393], %parallel_loop3A_1396 {strides = array<i32>} : memref<32x768xf32, #tpu.memory_space<vmem>>, vector<1x16xf32>,
      %parallel_loop3A_1397 = arith.constant 8 : i32
      %parallel_loop3A_1398 = arith.addi %parallel_loop3A_1397, %parallel_loop3A_1376 : i32
      %parallel_loop3A_1399 = arith.index_cast %parallel_loop3A_1398 : i32 to index
      %parallel_loop3A_1400 = arith.index_cast %parallel_loop3A_1380 : i32 to index
      %parallel_loop3A_1401 = tpu.vector_load %arg10[%parallel_loop3A_1399, %parallel_loop3A_1400] {strides = array<i32>} : memref<32x768xf32, #tpu.memory_space<vmem>>, vector<1x16xf32>,
      %parallel_loop3A_1402 = vector.shape_cast %parallel_loop3A_1401 : vector<1x16xf32> to vector<16xf32>
      %parallel_loop3A_1403 = arith.addf %parallel_loop3A_1402, %parallel_loop3A_1384 : vector<16xf32>
      %parallel_loop3A_1404 = arith.index_cast %parallel_loop3A_1398 : i32 to index
      %parallel_loop3A_1405 = arith.index_cast %parallel_loop3A_1380 : i32 to index
      %parallel_loop3A_1406 = tpu.vector_load %arg10[%parallel_loop3A_1404, %parallel_loop3A_1405] {strides = array<i32>} : memref<32x768xf32, #tpu.memory_space<vmem>>, vector<1x16xf32>,
      %parallel_loop3A_1407 = vector.shape_cast %parallel_loop3A_1406 : vector<1x16xf32> to vector<16xf32>
      %parallel_loop3A_1408 = vector.shape_cast %parallel_loop3A_1403 : vector<16xf32> to vector<1x16xf32>
      tpu.vector_store %arg10[%parallel_loop3A_1404, %parallel_loop3A_1405], %parallel_loop3A_1408 {strides = array<i32>} : memref<32x768xf32, #tpu.memory_space<vmem>>, vector<1x16xf32>,
      %parallel_loop3A_1409 = arith.constant 16 : i32
      %parallel_loop3A_1410 = arith.addi %parallel_loop3A_1409, %parallel_loop3A_1376 : i32
      %parallel_loop3A_1411 = arith.index_cast %parallel_loop3A_1410 : i32 to index
      %parallel_loop3A_1412 = arith.index_cast %parallel_loop3A_1380 : i32 to index
      %parallel_loop3A_1413 = tpu.vector_load %arg10[%parallel_loop3A_1411, %parallel_loop3A_1412] {strides = array<i32>} : memref<32x768xf32, #tpu.memory_space<vmem>>, vector<1x16xf32>,
      %parallel_loop3A_1414 = vector.shape_cast %parallel_loop3A_1413 : vector<1x16xf32> to vector<16xf32>
      %parallel_loop3A_1415 = arith.addf %parallel_loop3A_1414, %parallel_loop3A_1384 : vector<16xf32>
      %parallel_loop3A_1416 = arith.index_cast %parallel_loop3A_1410 : i32 to index
      %parallel_loop3A_1417 = arith.index_cast %parallel_loop3A_1380 : i32 to index
      %parallel_loop3A_1418 = tpu.vector_load %arg10[%parallel_loop3A_1416, %parallel_loop3A_1417] {strides = array<i32>} : memref<32x768xf32, #tpu.memory_space<vmem>>, vector<1x16xf32>,
      %parallel_loop3A_1419 = vector.shape_cast %parallel_loop3A_1418 : vector<1x16xf32> to vector<16xf32>
      %parallel_loop3A_1420 = vector.shape_cast %parallel_loop3A_1415 : vector<16xf32> to vector<1x16xf32>
      tpu.vector_store %arg10[%parallel_loop3A_1416, %parallel_loop3A_1417], %parallel_loop3A_1420 {strides = array<i32>} : memref<32x768xf32, #tpu.memory_space<vmem>>, vector<1x16xf32>,
      %parallel_loop3A_1421 = arith.constant 24 : i32
      %parallel_loop3A_1422 = arith.addi %parallel_loop3A_1421, %parallel_loop3A_1376 : i32
      %parallel_loop3A_1423 = arith.index_cast %parallel_loop3A_1422 : i32 to index
      %parallel_loop3A_1424 = arith.index_cast %parallel_loop3A_1380 : i32 to index
      %parallel_loop3A_1425 = tpu.vector_load %arg10[%parallel_loop3A_1423, %parallel_loop3A_1424] {strides = array<i32>} : memref<32x768xf32, #tpu.memory_space<vmem>>, vector<1x16xf32>,
      %parallel_loop3A_1426 = vector.shape_cast %parallel_loop3A_1425 : vector<1x16xf32> to vector<16xf32>
      %parallel_loop3A_1427 = arith.addf %parallel_loop3A_1426, %parallel_loop3A_1384 : vector<16xf32>
      %parallel_loop3A_1428 = arith.index_cast %parallel_loop3A_1422 : i32 to index
      %parallel_loop3A_1429 = arith.index_cast %parallel_loop3A_1380 : i32 to index
      %parallel_loop3A_1430 = tpu.vector_load %arg10[%parallel_loop3A_1428, %parallel_loop3A_1429] {strides = array<i32>} : memref<32x768xf32, #tpu.memory_space<vmem>>, vector<1x16xf32>,
      %parallel_loop3A_1431 = vector.shape_cast %parallel_loop3A_1430 : vector<1x16xf32> to vector<16xf32>
      %parallel_loop3A_1432 = vector.shape_cast %parallel_loop3A_1427 : vector<16xf32> to vector<1x16xf32>
      tpu.vector_store %arg10[%parallel_loop3A_1428, %parallel_loop3A_1429], %parallel_loop3A_1432 {strides = array<i32>} : memref<32x768xf32, #tpu.memory_space<vmem>>, vector<1x16xf32>,
    } {sc.loop_unroll_factor = 2 : i64, sc.parallel_access}
    %add3A_1034 = arith.constant 48 : i32
    %add3A_1035 = arith.addi %mul3A_2, %add3A_1034 : i32
    %dma_start3A_1036 = arith.constant 0 : i32
    %dma_start3A_1037 = arith.constant 0 : i32
    %dma_start3A_1038 = arith.constant 0 : i32
    %dma_start3A_1039 = tpu.memref_slice %arg10[%dma_start3A_1037, %dma_start3A_1038] : memref<32x768xf32, #tpu.memory_space<vmem>> -> memref<8x768xf32, #tpu.memory_space<vmem>>
    %dma_start3A_1040 = arith.constant 0 : i32
    %dma_start3A_1041 = tpu.memref_slice %arg5[%dma_start3A_1036, %add3A_1035, %dma_start3A_1040] : memref<4x2048x768xf32, #tpu.memory_space<hbm>> -> memref<1x8x768xf32, #tpu.memory_space<hbm>>
    %dma_start3A_1042 = tpu.memref_squeeze %dma_start3A_1041 : memref<1x8x768xf32, #tpu.memory_space<hbm>> -> memref<8x768xf32, #tpu.memory_space<hbm>>
    %dma_start3A_1043 = arith.constant 0 : i32
    %dma_start3A_1044 = tpu.memref_slice %arg5[%dma_start3A_1036, %add3A_1035, %dma_start3A_1043] : memref<4x2048x768xf32, #tpu.memory_space<hbm>> -> memref<1x8x768xf32, #tpu.memory_space<hbm>>
    %dma_start3A_1045 = tpu.memref_squeeze %dma_start3A_1044 : memref<1x8x768xf32, #tpu.memory_space<hbm>> -> memref<8x768xf32, #tpu.memory_space<hbm>>
    %dma_start3A_1046 = arith.constant 0 : i32
    %dma_start3A_1047 = arith.constant 0 : i32
    %dma_start3A_1048 = tpu.memref_slice %arg10[%dma_start3A_1046, %dma_start3A_1047] : memref<32x768xf32, #tpu.memory_space<vmem>> -> memref<8x768xf32, #tpu.memory_space<vmem>>
    tpu.enqueue_dma source(%dma_start3A_1048 : memref<8x768xf32, #tpu.memory_space<vmem>>) target(%dma_start3A_1045 : memref<8x768xf32, #tpu.memory_space<hbm>>) target_semaphore(%arg22 : memref<!tpu.dma_semaphore, #tpu.memory_space<semaphore_mem>>)
    %add3A_1049 = arith.constant 48 : i32
    %add3A_1050 = arith.addi %mul3A_2, %add3A_1049 : i32
    %dma_start3A_1051 = arith.constant 1 : i32
    %dma_start3A_1052 = arith.constant 8 : i32
    %dma_start3A_1053 = arith.constant 0 : i32
    %dma_start3A_1054 = tpu.memref_slice %arg10[%dma_start3A_1052, %dma_start3A_1053] : memref<32x768xf32, #tpu.memory_space<vmem>> -> memref<8x768xf32, #tpu.memory_space<vmem>>
    %dma_start3A_1055 = arith.constant 0 : i32
    %dma_start3A_1056 = tpu.memref_slice %arg5[%dma_start3A_1051, %add3A_1050, %dma_start3A_1055] : memref<4x2048x768xf32, #tpu.memory_space<hbm>> -> memref<1x8x768xf32, #tpu.memory_space<hbm>>
    %dma_start3A_1057 = tpu.memref_squeeze %dma_start3A_1056 : memref<1x8x768xf32, #tpu.memory_space<hbm>> -> memref<8x768xf32, #tpu.memory_space<hbm>>
    %dma_start3A_1058 = arith.constant 0 : i32
    %dma_start3A_1059 = tpu.memref_slice %arg5[%dma_start3A_1051, %add3A_1050, %dma_start3A_1058] : memref<4x2048x768xf32, #tpu.memory_space<hbm>> -> memref<1x8x768xf32, #tpu.memory_space<hbm>>
    %dma_start3A_1060 = tpu.memref_squeeze %dma_start3A_1059 : memref<1x8x768xf32, #tpu.memory_space<hbm>> -> memref<8x768xf32, #tpu.memory_space<hbm>>
    %dma_start3A_1061 = arith.constant 8 : i32
    %dma_start3A_1062 = arith.constant 0 : i32
    %dma_start3A_1063 = tpu.memref_slice %arg10[%dma_start3A_1061, %dma_start3A_1062] : memref<32x768xf32, #tpu.memory_space<vmem>> -> memref<8x768xf32, #tpu.memory_space<vmem>>
    tpu.enqueue_dma source(%dma_start3A_1063 : memref<8x768xf32, #tpu.memory_space<vmem>>) target(%dma_start3A_1060 : memref<8x768xf32, #tpu.memory_space<hbm>>) target_semaphore(%arg22 : memref<!tpu.dma_semaphore, #tpu.memory_space<semaphore_mem>>)
    %add3A_1064 = arith.constant 48 : i32
    %add3A_1065 = arith.addi %mul3A_2, %add3A_1064 : i32
    %dma_start3A_1066 = arith.constant 2 : i32
    %dma_start3A_1067 = arith.constant 16 : i32
    %dma_start3A_1068 = arith.constant 0 : i32
    %dma_start3A_1069 = tpu.memref_slice %arg10[%dma_start3A_1067, %dma_start3A_1068] : memref<32x768xf32, #tpu.memory_space<vmem>> -> memref<8x768xf32, #tpu.memory_space<vmem>>
    %dma_start3A_1070 = arith.constant 0 : i32
    %dma_start3A_1071 = tpu.memref_slice %arg5[%dma_start3A_1066, %add3A_1065, %dma_start3A_1070] : memref<4x2048x768xf32, #tpu.memory_space<hbm>> -> memref<1x8x768xf32, #tpu.memory_space<hbm>>
    %dma_start3A_1072 = tpu.memref_squeeze %dma_start3A_1071 : memref<1x8x768xf32, #tpu.memory_space<hbm>> -> memref<8x768xf32, #tpu.memory_space<hbm>>
    %dma_start3A_1073 = arith.constant 0 : i32
    %dma_start3A_1074 = tpu.memref_slice %arg5[%dma_start3A_1066, %add3A_1065, %dma_start3A_1073] : memref<4x2048x768xf32, #tpu.memory_space<hbm>> -> memref<1x8x768xf32, #tpu.memory_space<hbm>>
    %dma_start3A_1075 = tpu.memref_squeeze %dma_start3A_1074 : memref<1x8x768xf32, #tpu.memory_space<hbm>> -> memref<8x768xf32, #tpu.memory_space<hbm>>
    %dma_start3A_1076 = arith.constant 16 : i32
    %dma_start3A_1077 = arith.constant 0 : i32
    %dma_start3A_1078 = tpu.memref_slice %arg10[%dma_start3A_1076, %dma_start3A_1077] : memref<32x768xf32, #tpu.memory_space<vmem>> -> memref<8x768xf32, #tpu.memory_space<vmem>>
    tpu.enqueue_dma source(%dma_start3A_1078 : memref<8x768xf32, #tpu.memory_space<vmem>>) target(%dma_start3A_1075 : memref<8x768xf32, #tpu.memory_space<hbm>>) target_semaphore(%arg22 : memref<!tpu.dma_semaphore, #tpu.memory_space<semaphore_mem>>)
    %add3A_1079 = arith.constant 48 : i32
    %add3A_1080 = arith.addi %mul3A_2, %add3A_1079 : i32
    %dma_start3A_1081 = arith.constant 3 : i32
    %dma_start3A_1082 = arith.constant 24 : i32
    %dma_start3A_1083 = arith.constant 0 : i32
    %dma_start3A_1084 = tpu.memref_slice %arg10[%dma_start3A_1082, %dma_start3A_1083] : memref<32x768xf32, #tpu.memory_space<vmem>> -> memref<8x768xf32, #tpu.memory_space<vmem>>
    %dma_start3A_1085 = arith.constant 0 : i32
    %dma_start3A_1086 = tpu.memref_slice %arg5[%dma_start3A_1081, %add3A_1080, %dma_start3A_1085] : memref<4x2048x768xf32, #tpu.memory_space<hbm>> -> memref<1x8x768xf32, #tpu.memory_space<hbm>>
    %dma_start3A_1087 = tpu.memref_squeeze %dma_start3A_1086 : memref<1x8x768xf32, #tpu.memory_space<hbm>> -> memref<8x768xf32, #tpu.memory_space<hbm>>
    %dma_start3A_1088 = arith.constant 0 : i32
    %dma_start3A_1089 = tpu.memref_slice %arg5[%dma_start3A_1081, %add3A_1080, %dma_start3A_1088] : memref<4x2048x768xf32, #tpu.memory_space<hbm>> -> memref<1x8x768xf32, #tpu.memory_space<hbm>>
    %dma_start3A_1090 = tpu.memref_squeeze %dma_start3A_1089 : memref<1x8x768xf32, #tpu.memory_space<hbm>> -> memref<8x768xf32, #tpu.memory_space<hbm>>
    %dma_start3A_1091 = arith.constant 24 : i32
    %dma_start3A_1092 = arith.constant 0 : i32
    %dma_start3A_1093 = tpu.memref_slice %arg10[%dma_start3A_1091, %dma_start3A_1092] : memref<32x768xf32, #tpu.memory_space<vmem>> -> memref<8x768xf32, #tpu.memory_space<vmem>>
    tpu.enqueue_dma source(%dma_start3A_1093 : memref<8x768xf32, #tpu.memory_space<vmem>>) target(%dma_start3A_1090 : memref<8x768xf32, #tpu.memory_space<hbm>>) target_semaphore(%arg22 : memref<!tpu.dma_semaphore, #tpu.memory_space<semaphore_mem>>)
    %dma_wait3A_1094 = arith.constant 224 : i32
    %dma_wait3A_1095 = tpu.memref_slice %arg7[%dma_wait3A_1094] : memref<256xi32, #tpu.memory_space<vmem>> -> memref<32xi32, #tpu.memory_space<vmem>>
    %dma_wait3A_1096 = arith.constant 0 : i32
    %dma_wait3A_1097 = arith.constant 0 : i32
    %dma_wait3A_1098 = tpu.memref_slice %arg3[%dma_wait3A_1096, %dma_wait3A_1097] : memref<100000x768xf32, #tpu.memory_space<hbm>> -> memref<100000x768xf32, #tpu.memory_space<hbm>>
    tpu.wait_indirect_dma semaphore(%arg19 : memref<!tpu.dma_semaphore, #tpu.memory_space<semaphore_mem>>) src(%dma_wait3A_1098 : memref<100000x768xf32, #tpu.memory_space<hbm>>) dst(%arg11 : memref<32x768xf32, #tpu.memory_space<vmem>>)
    %dma_wait3A_1099 = arith.constant 0 : i32
    %dma_wait3A_1100 = tpu.memref_slice %arg4[%add3A_873, %dma_wait3A_1099] : memref<2048x768xf32, #tpu.memory_space<hbm>> -> memref<8x768xf32, #tpu.memory_space<hbm>>
    %dma_wait3A_1101 = arith.constant 0 : i32
    %dma_wait3A_1102 = tpu.memref_slice %arg4[%add3A_873, %dma_wait3A_1101] : memref<2048x768xf32, #tpu.memory_space<hbm>> -> memref<8x768xf32, #tpu.memory_space<hbm>>
    tpu.wait_dma2 semaphore(%arg19 : memref<!tpu.dma_semaphore, #tpu.memory_space<semaphore_mem>>) src(%dma_wait3A_1102 : memref<8x768xf32, #tpu.memory_space<hbm>>) dst(%arg15 : memref<8x768xf32, #tpu.memory_space<vmem>>)
    %parallel_loop3A_1103 = arith.constant 0 : i32
    %parallel_loop3A_1104 = arith.constant 384 : i32
    %parallel_loop3A_1105 = arith.constant 1 : i32
    scf.for %parallel_loop3A_1374 = %parallel_loop3A_1103 to %parallel_loop3A_1104 step %parallel_loop3A_1105  : i32 {
      %parallel_loop3A_1375 = arith.constant 7 : i32
      %parallel_loop3A_1376 = arith.andi %parallel_loop3A_1374, %parallel_loop3A_1375 : i32
      %parallel_loop3A_1377 = arith.constant 3 : i32
      %parallel_loop3A_1378 = arith.shrsi %parallel_loop3A_1374, %parallel_loop3A_1377 : i32
      %parallel_loop3A_1379 = arith.constant 16 : i32
      %parallel_loop3A_1380 = arith.muli %parallel_loop3A_1378, %parallel_loop3A_1379 : i32
      %parallel_loop3A_1381 = arith.index_cast %parallel_loop3A_1376 : i32 to index
      %parallel_loop3A_1382 = arith.index_cast %parallel_loop3A_1380 : i32 to index
      %parallel_loop3A_1383 = tpu.vector_load %arg15[%parallel_loop3A_1381, %parallel_loop3A_1382] {strides = array<i32>} : memref<8x768xf32, #tpu.memory_space<vmem>>, vector<1x16xf32>,
      %parallel_loop3A_1384 = vector.shape_cast %parallel_loop3A_1383 : vector<1x16xf32> to vector<16xf32>
      %parallel_loop3A_1385 = arith.constant 0 : i32
      %parallel_loop3A_1386 = arith.addi %parallel_loop3A_1385, %parallel_loop3A_1376 : i32
      %parallel_loop3A_1387 = arith.index_cast %parallel_loop3A_1386 : i32 to index
      %parallel_loop3A_1388 = arith.index_cast %parallel_loop3A_1380 : i32 to index
      %parallel_loop3A_1389 = tpu.vector_load %arg11[%parallel_loop3A_1387, %parallel_loop3A_1388] {strides = array<i32>} : memref<32x768xf32, #tpu.memory_space<vmem>>, vector<1x16xf32>,
      %parallel_loop3A_1390 = vector.shape_cast %parallel_loop3A_1389 : vector<1x16xf32> to vector<16xf32>
      %parallel_loop3A_1391 = arith.addf %parallel_loop3A_1390, %parallel_loop3A_1384 : vector<16xf32>
      %parallel_loop3A_1392 = arith.index_cast %parallel_loop3A_1386 : i32 to index
      %parallel_loop3A_1393 = arith.index_cast %parallel_loop3A_1380 : i32 to index
      %parallel_loop3A_1394 = tpu.vector_load %arg11[%parallel_loop3A_1392, %parallel_loop3A_1393] {strides = array<i32>} : memref<32x768xf32, #tpu.memory_space<vmem>>, vector<1x16xf32>,
      %parallel_loop3A_1395 = vector.shape_cast %parallel_loop3A_1394 : vector<1x16xf32> to vector<16xf32>
      %parallel_loop3A_1396 = vector.shape_cast %parallel_loop3A_1391 : vector<16xf32> to vector<1x16xf32>
      tpu.vector_store %arg11[%parallel_loop3A_1392, %parallel_loop3A_1393], %parallel_loop3A_1396 {strides = array<i32>} : memref<32x768xf32, #tpu.memory_space<vmem>>, vector<1x16xf32>,
      %parallel_loop3A_1397 = arith.constant 8 : i32
      %parallel_loop3A_1398 = arith.addi %parallel_loop3A_1397, %parallel_loop3A_1376 : i32
      %parallel_loop3A_1399 = arith.index_cast %parallel_loop3A_1398 : i32 to index
      %parallel_loop3A_1400 = arith.index_cast %parallel_loop3A_1380 : i32 to index
      %parallel_loop3A_1401 = tpu.vector_load %arg11[%parallel_loop3A_1399, %parallel_loop3A_1400] {strides = array<i32>} : memref<32x768xf32, #tpu.memory_space<vmem>>, vector<1x16xf32>,
      %parallel_loop3A_1402 = vector.shape_cast %parallel_loop3A_1401 : vector<1x16xf32> to vector<16xf32>
      %parallel_loop3A_1403 = arith.addf %parallel_loop3A_1402, %parallel_loop3A_1384 : vector<16xf32>
      %parallel_loop3A_1404 = arith.index_cast %parallel_loop3A_1398 : i32 to index
      %parallel_loop3A_1405 = arith.index_cast %parallel_loop3A_1380 : i32 to index
      %parallel_loop3A_1406 = tpu.vector_load %arg11[%parallel_loop3A_1404, %parallel_loop3A_1405] {strides = array<i32>} : memref<32x768xf32, #tpu.memory_space<vmem>>, vector<1x16xf32>,
      %parallel_loop3A_1407 = vector.shape_cast %parallel_loop3A_1406 : vector<1x16xf32> to vector<16xf32>
      %parallel_loop3A_1408 = vector.shape_cast %parallel_loop3A_1403 : vector<16xf32> to vector<1x16xf32>
      tpu.vector_store %arg11[%parallel_loop3A_1404, %parallel_loop3A_1405], %parallel_loop3A_1408 {strides = array<i32>} : memref<32x768xf32, #tpu.memory_space<vmem>>, vector<1x16xf32>,
      %parallel_loop3A_1409 = arith.constant 16 : i32
      %parallel_loop3A_1410 = arith.addi %parallel_loop3A_1409, %parallel_loop3A_1376 : i32
      %parallel_loop3A_1411 = arith.index_cast %parallel_loop3A_1410 : i32 to index
      %parallel_loop3A_1412 = arith.index_cast %parallel_loop3A_1380 : i32 to index
      %parallel_loop3A_1413 = tpu.vector_load %arg11[%parallel_loop3A_1411, %parallel_loop3A_1412] {strides = array<i32>} : memref<32x768xf32, #tpu.memory_space<vmem>>, vector<1x16xf32>,
      %parallel_loop3A_1414 = vector.shape_cast %parallel_loop3A_1413 : vector<1x16xf32> to vector<16xf32>
      %parallel_loop3A_1415 = arith.addf %parallel_loop3A_1414, %parallel_loop3A_1384 : vector<16xf32>
      %parallel_loop3A_1416 = arith.index_cast %parallel_loop3A_1410 : i32 to index
      %parallel_loop3A_1417 = arith.index_cast %parallel_loop3A_1380 : i32 to index
      %parallel_loop3A_1418 = tpu.vector_load %arg11[%parallel_loop3A_1416, %parallel_loop3A_1417] {strides = array<i32>} : memref<32x768xf32, #tpu.memory_space<vmem>>, vector<1x16xf32>,
      %parallel_loop3A_1419 = vector.shape_cast %parallel_loop3A_1418 : vector<1x16xf32> to vector<16xf32>
      %parallel_loop3A_1420 = vector.shape_cast %parallel_loop3A_1415 : vector<16xf32> to vector<1x16xf32>
      tpu.vector_store %arg11[%parallel_loop3A_1416, %parallel_loop3A_1417], %parallel_loop3A_1420 {strides = array<i32>} : memref<32x768xf32, #tpu.memory_space<vmem>>, vector<1x16xf32>,
      %parallel_loop3A_1421 = arith.constant 24 : i32
      %parallel_loop3A_1422 = arith.addi %parallel_loop3A_1421, %parallel_loop3A_1376 : i32
      %parallel_loop3A_1423 = arith.index_cast %parallel_loop3A_1422 : i32 to index
      %parallel_loop3A_1424 = arith.index_cast %parallel_loop3A_1380 : i32 to index
      %parallel_loop3A_1425 = tpu.vector_load %arg11[%parallel_loop3A_1423, %parallel_loop3A_1424] {strides = array<i32>} : memref<32x768xf32, #tpu.memory_space<vmem>>, vector<1x16xf32>,
      %parallel_loop3A_1426 = vector.shape_cast %parallel_loop3A_1425 : vector<1x16xf32> to vector<16xf32>
      %parallel_loop3A_1427 = arith.addf %parallel_loop3A_1426, %parallel_loop3A_1384 : vector<16xf32>
      %parallel_loop3A_1428 = arith.index_cast %parallel_loop3A_1422 : i32 to index
      %parallel_loop3A_1429 = arith.index_cast %parallel_loop3A_1380 : i32 to index
      %parallel_loop3A_1430 = tpu.vector_load %arg11[%parallel_loop3A_1428, %parallel_loop3A_1429] {strides = array<i32>} : memref<32x768xf32, #tpu.memory_space<vmem>>, vector<1x16xf32>,
      %parallel_loop3A_1431 = vector.shape_cast %parallel_loop3A_1430 : vector<1x16xf32> to vector<16xf32>
      %parallel_loop3A_1432 = vector.shape_cast %parallel_loop3A_1427 : vector<16xf32> to vector<1x16xf32>
      tpu.vector_store %arg11[%parallel_loop3A_1428, %parallel_loop3A_1429], %parallel_loop3A_1432 {strides = array<i32>} : memref<32x768xf32, #tpu.memory_space<vmem>>, vector<1x16xf32>,
    } {sc.loop_unroll_factor = 2 : i64, sc.parallel_access}
    %add3A_1106 = arith.constant 56 : i32
    %add3A_1107 = arith.addi %mul3A_2, %add3A_1106 : i32
    %dma_start3A_1108 = arith.constant 0 : i32
    %dma_start3A_1109 = arith.constant 0 : i32
    %dma_start3A_1110 = arith.constant 0 : i32
    %dma_start3A_1111 = tpu.memref_slice %arg11[%dma_start3A_1109, %dma_start3A_1110] : memref<32x768xf32, #tpu.memory_space<vmem>> -> memref<8x768xf32, #tpu.memory_space<vmem>>
    %dma_start3A_1112 = arith.constant 0 : i32
    %dma_start3A_1113 = tpu.memref_slice %arg5[%dma_start3A_1108, %add3A_1107, %dma_start3A_1112] : memref<4x2048x768xf32, #tpu.memory_space<hbm>> -> memref<1x8x768xf32, #tpu.memory_space<hbm>>
    %dma_start3A_1114 = tpu.memref_squeeze %dma_start3A_1113 : memref<1x8x768xf32, #tpu.memory_space<hbm>> -> memref<8x768xf32, #tpu.memory_space<hbm>>
    %dma_start3A_1115 = arith.constant 0 : i32
    %dma_start3A_1116 = tpu.memref_slice %arg5[%dma_start3A_1108, %add3A_1107, %dma_start3A_1115] : memref<4x2048x768xf32, #tpu.memory_space<hbm>> -> memref<1x8x768xf32, #tpu.memory_space<hbm>>
    %dma_start3A_1117 = tpu.memref_squeeze %dma_start3A_1116 : memref<1x8x768xf32, #tpu.memory_space<hbm>> -> memref<8x768xf32, #tpu.memory_space<hbm>>
    %dma_start3A_1118 = arith.constant 0 : i32
    %dma_start3A_1119 = arith.constant 0 : i32
    %dma_start3A_1120 = tpu.memref_slice %arg11[%dma_start3A_1118, %dma_start3A_1119] : memref<32x768xf32, #tpu.memory_space<vmem>> -> memref<8x768xf32, #tpu.memory_space<vmem>>
    tpu.enqueue_dma source(%dma_start3A_1120 : memref<8x768xf32, #tpu.memory_space<vmem>>) target(%dma_start3A_1117 : memref<8x768xf32, #tpu.memory_space<hbm>>) target_semaphore(%arg23 : memref<!tpu.dma_semaphore, #tpu.memory_space<semaphore_mem>>)
    %add3A_1121 = arith.constant 56 : i32
    %add3A_1122 = arith.addi %mul3A_2, %add3A_1121 : i32
    %dma_start3A_1123 = arith.constant 1 : i32
    %dma_start3A_1124 = arith.constant 8 : i32
    %dma_start3A_1125 = arith.constant 0 : i32
    %dma_start3A_1126 = tpu.memref_slice %arg11[%dma_start3A_1124, %dma_start3A_1125] : memref<32x768xf32, #tpu.memory_space<vmem>> -> memref<8x768xf32, #tpu.memory_space<vmem>>
    %dma_start3A_1127 = arith.constant 0 : i32
    %dma_start3A_1128 = tpu.memref_slice %arg5[%dma_start3A_1123, %add3A_1122, %dma_start3A_1127] : memref<4x2048x768xf32, #tpu.memory_space<hbm>> -> memref<1x8x768xf32, #tpu.memory_space<hbm>>
    %dma_start3A_1129 = tpu.memref_squeeze %dma_start3A_1128 : memref<1x8x768xf32, #tpu.memory_space<hbm>> -> memref<8x768xf32, #tpu.memory_space<hbm>>
    %dma_start3A_1130 = arith.constant 0 : i32
    %dma_start3A_1131 = tpu.memref_slice %arg5[%dma_start3A_1123, %add3A_1122, %dma_start3A_1130] : memref<4x2048x768xf32, #tpu.memory_space<hbm>> -> memref<1x8x768xf32, #tpu.memory_space<hbm>>
    %dma_start3A_1132 = tpu.memref_squeeze %dma_start3A_1131 : memref<1x8x768xf32, #tpu.memory_space<hbm>> -> memref<8x768xf32, #tpu.memory_space<hbm>>
    %dma_start3A_1133 = arith.constant 8 : i32
    %dma_start3A_1134 = arith.constant 0 : i32
    %dma_start3A_1135 = tpu.memref_slice %arg11[%dma_start3A_1133, %dma_start3A_1134] : memref<32x768xf32, #tpu.memory_space<vmem>> -> memref<8x768xf32, #tpu.memory_space<vmem>>
    tpu.enqueue_dma source(%dma_start3A_1135 : memref<8x768xf32, #tpu.memory_space<vmem>>) target(%dma_start3A_1132 : memref<8x768xf32, #tpu.memory_space<hbm>>) target_semaphore(%arg23 : memref<!tpu.dma_semaphore, #tpu.memory_space<semaphore_mem>>)
    %add3A_1136 = arith.constant 56 : i32
    %add3A_1137 = arith.addi %mul3A_2, %add3A_1136 : i32
    %dma_start3A_1138 = arith.constant 2 : i32
    %dma_start3A_1139 = arith.constant 16 : i32
    %dma_start3A_1140 = arith.constant 0 : i32
    %dma_start3A_1141 = tpu.memref_slice %arg11[%dma_start3A_1139, %dma_start3A_1140] : memref<32x768xf32, #tpu.memory_space<vmem>> -> memref<8x768xf32, #tpu.memory_space<vmem>>
    %dma_start3A_1142 = arith.constant 0 : i32
    %dma_start3A_1143 = tpu.memref_slice %arg5[%dma_start3A_1138, %add3A_1137, %dma_start3A_1142] : memref<4x2048x768xf32, #tpu.memory_space<hbm>> -> memref<1x8x768xf32, #tpu.memory_space<hbm>>
    %dma_start3A_1144 = tpu.memref_squeeze %dma_start3A_1143 : memref<1x8x768xf32, #tpu.memory_space<hbm>> -> memref<8x768xf32, #tpu.memory_space<hbm>>
    %dma_start3A_1145 = arith.constant 0 : i32
    %dma_start3A_1146 = tpu.memref_slice %arg5[%dma_start3A_1138, %add3A_1137, %dma_start3A_1145] : memref<4x2048x768xf32, #tpu.memory_space<hbm>> -> memref<1x8x768xf32, #tpu.memory_space<hbm>>
    %dma_start3A_1147 = tpu.memref_squeeze %dma_start3A_1146 : memref<1x8x768xf32, #tpu.memory_space<hbm>> -> memref<8x768xf32, #tpu.memory_space<hbm>>
    %dma_start3A_1148 = arith.constant 16 : i32
    %dma_start3A_1149 = arith.constant 0 : i32
    %dma_start3A_1150 = tpu.memref_slice %arg11[%dma_start3A_1148, %dma_start3A_1149] : memref<32x768xf32, #tpu.memory_space<vmem>> -> memref<8x768xf32, #tpu.memory_space<vmem>>
    tpu.enqueue_dma source(%dma_start3A_1150 : memref<8x768xf32, #tpu.memory_space<vmem>>) target(%dma_start3A_1147 : memref<8x768xf32, #tpu.memory_space<hbm>>) target_semaphore(%arg23 : memref<!tpu.dma_semaphore, #tpu.memory_space<semaphore_mem>>)
    %add3A_1151 = arith.constant 56 : i32
    %add3A_1152 = arith.addi %mul3A_2, %add3A_1151 : i32
    %dma_start3A_1153 = arith.constant 3 : i32
    %dma_start3A_1154 = arith.constant 24 : i32
    %dma_start3A_1155 = arith.constant 0 : i32
    %dma_start3A_1156 = tpu.memref_slice %arg11[%dma_start3A_1154, %dma_start3A_1155] : memref<32x768xf32, #tpu.memory_space<vmem>> -> memref<8x768xf32, #tpu.memory_space<vmem>>
    %dma_start3A_1157 = arith.constant 0 : i32
    %dma_start3A_1158 = tpu.memref_slice %arg5[%dma_start3A_1153, %add3A_1152, %dma_start3A_1157] : memref<4x2048x768xf32, #tpu.memory_space<hbm>> -> memref<1x8x768xf32, #tpu.memory_space<hbm>>
    %dma_start3A_1159 = tpu.memref_squeeze %dma_start3A_1158 : memref<1x8x768xf32, #tpu.memory_space<hbm>> -> memref<8x768xf32, #tpu.memory_space<hbm>>
    %dma_start3A_1160 = arith.constant 0 : i32
    %dma_start3A_1161 = tpu.memref_slice %arg5[%dma_start3A_1153, %add3A_1152, %dma_start3A_1160] : memref<4x2048x768xf32, #tpu.memory_space<hbm>> -> memref<1x8x768xf32, #tpu.memory_space<hbm>>
    %dma_start3A_1162 = tpu.memref_squeeze %dma_start3A_1161 : memref<1x8x768xf32, #tpu.memory_space<hbm>> -> memref<8x768xf32, #tpu.memory_space<hbm>>
    %dma_start3A_1163 = arith.constant 24 : i32
    %dma_start3A_1164 = arith.constant 0 : i32
    %dma_start3A_1165 = tpu.memref_slice %arg11[%dma_start3A_1163, %dma_start3A_1164] : memref<32x768xf32, #tpu.memory_space<vmem>> -> memref<8x768xf32, #tpu.memory_space<vmem>>
    tpu.enqueue_dma source(%dma_start3A_1165 : memref<8x768xf32, #tpu.memory_space<vmem>>) target(%dma_start3A_1162 : memref<8x768xf32, #tpu.memory_space<hbm>>) target_semaphore(%arg23 : memref<!tpu.dma_semaphore, #tpu.memory_space<semaphore_mem>>)
    %dma_wait3A_1166 = arith.constant 0 : i32
    %dma_wait3A_1167 = arith.constant 0 : i32
    %dma_wait3A_1168 = arith.constant 0 : i32
    %dma_wait3A_1169 = tpu.memref_slice %arg8[%dma_wait3A_1167, %dma_wait3A_1168] : memref<32x768xf32, #tpu.memory_space<vmem>> -> memref<8x768xf32, #tpu.memory_space<vmem>>
    %dma_wait3A_1170 = arith.constant 0 : i32
    %dma_wait3A_1171 = tpu.memref_slice %arg5[%dma_wait3A_1166, %add3A_891, %dma_wait3A_1170] : memref<4x2048x768xf32, #tpu.memory_space<hbm>> -> memref<1x8x768xf32, #tpu.memory_space<hbm>>
    %dma_wait3A_1172 = tpu.memref_squeeze %dma_wait3A_1171 : memref<1x8x768xf32, #tpu.memory_space<hbm>> -> memref<8x768xf32, #tpu.memory_space<hbm>>
    %dma_wait3A_1173 = arith.constant 0 : i32
    %dma_wait3A_1174 = tpu.memref_slice %arg5[%dma_wait3A_1166, %add3A_891, %dma_wait3A_1173] : memref<4x2048x768xf32, #tpu.memory_space<hbm>> -> memref<1x8x768xf32, #tpu.memory_space<hbm>>
    %dma_wait3A_1175 = tpu.memref_squeeze %dma_wait3A_1174 : memref<1x8x768xf32, #tpu.memory_space<hbm>> -> memref<8x768xf32, #tpu.memory_space<hbm>>
    %dma_wait3A_1176 = arith.constant 0 : i32
    %dma_wait3A_1177 = arith.constant 0 : i32
    %dma_wait3A_1178 = tpu.memref_slice %arg8[%dma_wait3A_1176, %dma_wait3A_1177] : memref<32x768xf32, #tpu.memory_space<vmem>> -> memref<8x768xf32, #tpu.memory_space<vmem>>
    tpu.wait_dma2 semaphore(%arg20 : memref<!tpu.dma_semaphore, #tpu.memory_space<semaphore_mem>>) src(%dma_wait3A_1178 : memref<8x768xf32, #tpu.memory_space<vmem>>) dst(%dma_wait3A_1175 : memref<8x768xf32, #tpu.memory_space<hbm>>)
    %dma_wait3A_1179 = arith.constant 1 : i32
    %dma_wait3A_1180 = arith.constant 8 : i32
    %dma_wait3A_1181 = arith.constant 0 : i32
    %dma_wait3A_1182 = tpu.memref_slice %arg8[%dma_wait3A_1180, %dma_wait3A_1181] : memref<32x768xf32, #tpu.memory_space<vmem>> -> memref<8x768xf32, #tpu.memory_space<vmem>>
    %dma_wait3A_1183 = arith.constant 0 : i32
    %dma_wait3A_1184 = tpu.memref_slice %arg5[%dma_wait3A_1179, %add3A_906, %dma_wait3A_1183] : memref<4x2048x768xf32, #tpu.memory_space<hbm>> -> memref<1x8x768xf32, #tpu.memory_space<hbm>>
    %dma_wait3A_1185 = tpu.memref_squeeze %dma_wait3A_1184 : memref<1x8x768xf32, #tpu.memory_space<hbm>> -> memref<8x768xf32, #tpu.memory_space<hbm>>
    %dma_wait3A_1186 = arith.constant 0 : i32
    %dma_wait3A_1187 = tpu.memref_slice %arg5[%dma_wait3A_1179, %add3A_906, %dma_wait3A_1186] : memref<4x2048x768xf32, #tpu.memory_space<hbm>> -> memref<1x8x768xf32, #tpu.memory_space<hbm>>
    %dma_wait3A_1188 = tpu.memref_squeeze %dma_wait3A_1187 : memref<1x8x768xf32, #tpu.memory_space<hbm>> -> memref<8x768xf32, #tpu.memory_space<hbm>>
    %dma_wait3A_1189 = arith.constant 8 : i32
    %dma_wait3A_1190 = arith.constant 0 : i32
    %dma_wait3A_1191 = tpu.memref_slice %arg8[%dma_wait3A_1189, %dma_wait3A_1190] : memref<32x768xf32, #tpu.memory_space<vmem>> -> memref<8x768xf32, #tpu.memory_space<vmem>>
    tpu.wait_dma2 semaphore(%arg20 : memref<!tpu.dma_semaphore, #tpu.memory_space<semaphore_mem>>) src(%dma_wait3A_1191 : memref<8x768xf32, #tpu.memory_space<vmem>>) dst(%dma_wait3A_1188 : memref<8x768xf32, #tpu.memory_space<hbm>>)
    %dma_wait3A_1192 = arith.constant 2 : i32
    %dma_wait3A_1193 = arith.constant 16 : i32
    %dma_wait3A_1194 = arith.constant 0 : i32
    %dma_wait3A_1195 = tpu.memref_slice %arg8[%dma_wait3A_1193, %dma_wait3A_1194] : memref<32x768xf32, #tpu.memory_space<vmem>> -> memref<8x768xf32, #tpu.memory_space<vmem>>
    %dma_wait3A_1196 = arith.constant 0 : i32
    %dma_wait3A_1197 = tpu.memref_slice %arg5[%dma_wait3A_1192, %add3A_921, %dma_wait3A_1196] : memref<4x2048x768xf32, #tpu.memory_space<hbm>> -> memref<1x8x768xf32, #tpu.memory_space<hbm>>
    %dma_wait3A_1198 = tpu.memref_squeeze %dma_wait3A_1197 : memref<1x8x768xf32, #tpu.memory_space<hbm>> -> memref<8x768xf32, #tpu.memory_space<hbm>>
    %dma_wait3A_1199 = arith.constant 0 : i32
    %dma_wait3A_1200 = tpu.memref_slice %arg5[%dma_wait3A_1192, %add3A_921, %dma_wait3A_1199] : memref<4x2048x768xf32, #tpu.memory_space<hbm>> -> memref<1x8x768xf32, #tpu.memory_space<hbm>>
    %dma_wait3A_1201 = tpu.memref_squeeze %dma_wait3A_1200 : memref<1x8x768xf32, #tpu.memory_space<hbm>> -> memref<8x768xf32, #tpu.memory_space<hbm>>
    %dma_wait3A_1202 = arith.constant 16 : i32
    %dma_wait3A_1203 = arith.constant 0 : i32
    %dma_wait3A_1204 = tpu.memref_slice %arg8[%dma_wait3A_1202, %dma_wait3A_1203] : memref<32x768xf32, #tpu.memory_space<vmem>> -> memref<8x768xf32, #tpu.memory_space<vmem>>
    tpu.wait_dma2 semaphore(%arg20 : memref<!tpu.dma_semaphore, #tpu.memory_space<semaphore_mem>>) src(%dma_wait3A_1204 : memref<8x768xf32, #tpu.memory_space<vmem>>) dst(%dma_wait3A_1201 : memref<8x768xf32, #tpu.memory_space<hbm>>)
    %dma_wait3A_1205 = arith.constant 3 : i32
    %dma_wait3A_1206 = arith.constant 24 : i32
    %dma_wait3A_1207 = arith.constant 0 : i32
    %dma_wait3A_1208 = tpu.memref_slice %arg8[%dma_wait3A_1206, %dma_wait3A_1207] : memref<32x768xf32, #tpu.memory_space<vmem>> -> memref<8x768xf32, #tpu.memory_space<vmem>>
    %dma_wait3A_1209 = arith.constant 0 : i32
    %dma_wait3A_1210 = tpu.memref_slice %arg5[%dma_wait3A_1205, %add3A_936, %dma_wait3A_1209] : memref<4x2048x768xf32, #tpu.memory_space<hbm>> -> memref<1x8x768xf32, #tpu.memory_space<hbm>>
    %dma_wait3A_1211 = tpu.memref_squeeze %dma_wait3A_1210 : memref<1x8x768xf32, #tpu.memory_space<hbm>> -> memref<8x768xf32, #tpu.memory_space<hbm>>
    %dma_wait3A_1212 = arith.constant 0 : i32
    %dma_wait3A_1213 = tpu.memref_slice %arg5[%dma_wait3A_1205, %add3A_936, %dma_wait3A_1212] : memref<4x2048x768xf32, #tpu.memory_space<hbm>> -> memref<1x8x768xf32, #tpu.memory_space<hbm>>
    %dma_wait3A_1214 = tpu.memref_squeeze %dma_wait3A_1213 : memref<1x8x768xf32, #tpu.memory_space<hbm>> -> memref<8x768xf32, #tpu.memory_space<hbm>>
    %dma_wait3A_1215 = arith.constant 24 : i32
    %dma_wait3A_1216 = arith.constant 0 : i32
    %dma_wait3A_1217 = tpu.memref_slice %arg8[%dma_wait3A_1215, %dma_wait3A_1216] : memref<32x768xf32, #tpu.memory_space<vmem>> -> memref<8x768xf32, #tpu.memory_space<vmem>>
    tpu.wait_dma2 semaphore(%arg20 : memref<!tpu.dma_semaphore, #tpu.memory_space<semaphore_mem>>) src(%dma_wait3A_1217 : memref<8x768xf32, #tpu.memory_space<vmem>>) dst(%dma_wait3A_1214 : memref<8x768xf32, #tpu.memory_space<hbm>>)
    %dma_wait3A_1218 = arith.constant 0 : i32
    %dma_wait3A_1219 = arith.constant 0 : i32
    %dma_wait3A_1220 = arith.constant 0 : i32
    %dma_wait3A_1221 = tpu.memref_slice %arg9[%dma_wait3A_1219, %dma_wait3A_1220] : memref<32x768xf32, #tpu.memory_space<vmem>> -> memref<8x768xf32, #tpu.memory_space<vmem>>
    %dma_wait3A_1222 = arith.constant 0 : i32
    %dma_wait3A_1223 = tpu.memref_slice %arg5[%dma_wait3A_1218, %add3A_963, %dma_wait3A_1222] : memref<4x2048x768xf32, #tpu.memory_space<hbm>> -> memref<1x8x768xf32, #tpu.memory_space<hbm>>
    %dma_wait3A_1224 = tpu.memref_squeeze %dma_wait3A_1223 : memref<1x8x768xf32, #tpu.memory_space<hbm>> -> memref<8x768xf32, #tpu.memory_space<hbm>>
    %dma_wait3A_1225 = arith.constant 0 : i32
    %dma_wait3A_1226 = tpu.memref_slice %arg5[%dma_wait3A_1218, %add3A_963, %dma_wait3A_1225] : memref<4x2048x768xf32, #tpu.memory_space<hbm>> -> memref<1x8x768xf32, #tpu.memory_space<hbm>>
    %dma_wait3A_1227 = tpu.memref_squeeze %dma_wait3A_1226 : memref<1x8x768xf32, #tpu.memory_space<hbm>> -> memref<8x768xf32, #tpu.memory_space<hbm>>
    %dma_wait3A_1228 = arith.constant 0 : i32
    %dma_wait3A_1229 = arith.constant 0 : i32
    %dma_wait3A_1230 = tpu.memref_slice %arg9[%dma_wait3A_1228, %dma_wait3A_1229] : memref<32x768xf32, #tpu.memory_space<vmem>> -> memref<8x768xf32, #tpu.memory_space<vmem>>
    tpu.wait_dma2 semaphore(%arg21 : memref<!tpu.dma_semaphore, #tpu.memory_space<semaphore_mem>>) src(%dma_wait3A_1230 : memref<8x768xf32, #tpu.memory_space<vmem>>) dst(%dma_wait3A_1227 : memref<8x768xf32, #tpu.memory_space<hbm>>)
    %dma_wait3A_1231 = arith.constant 1 : i32
    %dma_wait3A_1232 = arith.constant 8 : i32
    %dma_wait3A_1233 = arith.constant 0 : i32
    %dma_wait3A_1234 = tpu.memref_slice %arg9[%dma_wait3A_1232, %dma_wait3A_1233] : memref<32x768xf32, #tpu.memory_space<vmem>> -> memref<8x768xf32, #tpu.memory_space<vmem>>
    %dma_wait3A_1235 = arith.constant 0 : i32
    %dma_wait3A_1236 = tpu.memref_slice %arg5[%dma_wait3A_1231, %add3A_978, %dma_wait3A_1235] : memref<4x2048x768xf32, #tpu.memory_space<hbm>> -> memref<1x8x768xf32, #tpu.memory_space<hbm>>
    %dma_wait3A_1237 = tpu.memref_squeeze %dma_wait3A_1236 : memref<1x8x768xf32, #tpu.memory_space<hbm>> -> memref<8x768xf32, #tpu.memory_space<hbm>>
    %dma_wait3A_1238 = arith.constant 0 : i32
    %dma_wait3A_1239 = tpu.memref_slice %arg5[%dma_wait3A_1231, %add3A_978, %dma_wait3A_1238] : memref<4x2048x768xf32, #tpu.memory_space<hbm>> -> memref<1x8x768xf32, #tpu.memory_space<hbm>>
    %dma_wait3A_1240 = tpu.memref_squeeze %dma_wait3A_1239 : memref<1x8x768xf32, #tpu.memory_space<hbm>> -> memref<8x768xf32, #tpu.memory_space<hbm>>
    %dma_wait3A_1241 = arith.constant 8 : i32
    %dma_wait3A_1242 = arith.constant 0 : i32
    %dma_wait3A_1243 = tpu.memref_slice %arg9[%dma_wait3A_1241, %dma_wait3A_1242] : memref<32x768xf32, #tpu.memory_space<vmem>> -> memref<8x768xf32, #tpu.memory_space<vmem>>
    tpu.wait_dma2 semaphore(%arg21 : memref<!tpu.dma_semaphore, #tpu.memory_space<semaphore_mem>>) src(%dma_wait3A_1243 : memref<8x768xf32, #tpu.memory_space<vmem>>) dst(%dma_wait3A_1240 : memref<8x768xf32, #tpu.memory_space<hbm>>)
    %dma_wait3A_1244 = arith.constant 2 : i32
    %dma_wait3A_1245 = arith.constant 16 : i32
    %dma_wait3A_1246 = arith.constant 0 : i32
    %dma_wait3A_1247 = tpu.memref_slice %arg9[%dma_wait3A_1245, %dma_wait3A_1246] : memref<32x768xf32, #tpu.memory_space<vmem>> -> memref<8x768xf32, #tpu.memory_space<vmem>>
    %dma_wait3A_1248 = arith.constant 0 : i32
    %dma_wait3A_1249 = tpu.memref_slice %arg5[%dma_wait3A_1244, %add3A_993, %dma_wait3A_1248] : memref<4x2048x768xf32, #tpu.memory_space<hbm>> -> memref<1x8x768xf32, #tpu.memory_space<hbm>>
    %dma_wait3A_1250 = tpu.memref_squeeze %dma_wait3A_1249 : memref<1x8x768xf32, #tpu.memory_space<hbm>> -> memref<8x768xf32, #tpu.memory_space<hbm>>
    %dma_wait3A_1251 = arith.constant 0 : i32
    %dma_wait3A_1252 = tpu.memref_slice %arg5[%dma_wait3A_1244, %add3A_993, %dma_wait3A_1251] : memref<4x2048x768xf32, #tpu.memory_space<hbm>> -> memref<1x8x768xf32, #tpu.memory_space<hbm>>
    %dma_wait3A_1253 = tpu.memref_squeeze %dma_wait3A_1252 : memref<1x8x768xf32, #tpu.memory_space<hbm>> -> memref<8x768xf32, #tpu.memory_space<hbm>>
    %dma_wait3A_1254 = arith.constant 16 : i32
    %dma_wait3A_1255 = arith.constant 0 : i32
    %dma_wait3A_1256 = tpu.memref_slice %arg9[%dma_wait3A_1254, %dma_wait3A_1255] : memref<32x768xf32, #tpu.memory_space<vmem>> -> memref<8x768xf32, #tpu.memory_space<vmem>>
    tpu.wait_dma2 semaphore(%arg21 : memref<!tpu.dma_semaphore, #tpu.memory_space<semaphore_mem>>) src(%dma_wait3A_1256 : memref<8x768xf32, #tpu.memory_space<vmem>>) dst(%dma_wait3A_1253 : memref<8x768xf32, #tpu.memory_space<hbm>>)
    %dma_wait3A_1257 = arith.constant 3 : i32
    %dma_wait3A_1258 = arith.constant 24 : i32
    %dma_wait3A_1259 = arith.constant 0 : i32
    %dma_wait3A_1260 = tpu.memref_slice %arg9[%dma_wait3A_1258, %dma_wait3A_1259] : memref<32x768xf32, #tpu.memory_space<vmem>> -> memref<8x768xf32, #tpu.memory_space<vmem>>
    %dma_wait3A_1261 = arith.constant 0 : i32
    %dma_wait3A_1262 = tpu.memref_slice %arg5[%dma_wait3A_1257, %add3A_1008, %dma_wait3A_1261] : memref<4x2048x768xf32, #tpu.memory_space<hbm>> -> memref<1x8x768xf32, #tpu.memory_space<hbm>>
    %dma_wait3A_1263 = tpu.memref_squeeze %dma_wait3A_1262 : memref<1x8x768xf32, #tpu.memory_space<hbm>> -> memref<8x768xf32, #tpu.memory_space<hbm>>
    %dma_wait3A_1264 = arith.constant 0 : i32
    %dma_wait3A_1265 = tpu.memref_slice %arg5[%dma_wait3A_1257, %add3A_1008, %dma_wait3A_1264] : memref<4x2048x768xf32, #tpu.memory_space<hbm>> -> memref<1x8x768xf32, #tpu.memory_space<hbm>>
    %dma_wait3A_1266 = tpu.memref_squeeze %dma_wait3A_1265 : memref<1x8x768xf32, #tpu.memory_space<hbm>> -> memref<8x768xf32, #tpu.memory_space<hbm>>
    %dma_wait3A_1267 = arith.constant 24 : i32
    %dma_wait3A_1268 = arith.constant 0 : i32
    %dma_wait3A_1269 = tpu.memref_slice %arg9[%dma_wait3A_1267, %dma_wait3A_1268] : memref<32x768xf32, #tpu.memory_space<vmem>> -> memref<8x768xf32, #tpu.memory_space<vmem>>
    tpu.wait_dma2 semaphore(%arg21 : memref<!tpu.dma_semaphore, #tpu.memory_space<semaphore_mem>>) src(%dma_wait3A_1269 : memref<8x768xf32, #tpu.memory_space<vmem>>) dst(%dma_wait3A_1266 : memref<8x768xf32, #tpu.memory_space<hbm>>)
    %dma_wait3A_1270 = arith.constant 0 : i32
    %dma_wait3A_1271 = arith.constant 0 : i32
    %dma_wait3A_1272 = arith.constant 0 : i32
    %dma_wait3A_1273 = tpu.memref_slice %arg10[%dma_wait3A_1271, %dma_wait3A_1272] : memref<32x768xf32, #tpu.memory_space<vmem>> -> memref<8x768xf32, #tpu.memory_space<vmem>>
    %dma_wait3A_1274 = arith.constant 0 : i32
    %dma_wait3A_1275 = tpu.memref_slice %arg5[%dma_wait3A_1270, %add3A_1035, %dma_wait3A_1274] : memref<4x2048x768xf32, #tpu.memory_space<hbm>> -> memref<1x8x768xf32, #tpu.memory_space<hbm>>
    %dma_wait3A_1276 = tpu.memref_squeeze %dma_wait3A_1275 : memref<1x8x768xf32, #tpu.memory_space<hbm>> -> memref<8x768xf32, #tpu.memory_space<hbm>>
    %dma_wait3A_1277 = arith.constant 0 : i32
    %dma_wait3A_1278 = tpu.memref_slice %arg5[%dma_wait3A_1270, %add3A_1035, %dma_wait3A_1277] : memref<4x2048x768xf32, #tpu.memory_space<hbm>> -> memref<1x8x768xf32, #tpu.memory_space<hbm>>
    %dma_wait3A_1279 = tpu.memref_squeeze %dma_wait3A_1278 : memref<1x8x768xf32, #tpu.memory_space<hbm>> -> memref<8x768xf32, #tpu.memory_space<hbm>>
    %dma_wait3A_1280 = arith.constant 0 : i32
    %dma_wait3A_1281 = arith.constant 0 : i32
    %dma_wait3A_1282 = tpu.memref_slice %arg10[%dma_wait3A_1280, %dma_wait3A_1281] : memref<32x768xf32, #tpu.memory_space<vmem>> -> memref<8x768xf32, #tpu.memory_space<vmem>>
    tpu.wait_dma2 semaphore(%arg22 : memref<!tpu.dma_semaphore, #tpu.memory_space<semaphore_mem>>) src(%dma_wait3A_1282 : memref<8x768xf32, #tpu.memory_space<vmem>>) dst(%dma_wait3A_1279 : memref<8x768xf32, #tpu.memory_space<hbm>>)
    %dma_wait3A_1283 = arith.constant 1 : i32
    %dma_wait3A_1284 = arith.constant 8 : i32
    %dma_wait3A_1285 = arith.constant 0 : i32
    %dma_wait3A_1286 = tpu.memref_slice %arg10[%dma_wait3A_1284, %dma_wait3A_1285] : memref<32x768xf32, #tpu.memory_space<vmem>> -> memref<8x768xf32, #tpu.memory_space<vmem>>
    %dma_wait3A_1287 = arith.constant 0 : i32
    %dma_wait3A_1288 = tpu.memref_slice %arg5[%dma_wait3A_1283, %add3A_1050, %dma_wait3A_1287] : memref<4x2048x768xf32, #tpu.memory_space<hbm>> -> memref<1x8x768xf32, #tpu.memory_space<hbm>>
    %dma_wait3A_1289 = tpu.memref_squeeze %dma_wait3A_1288 : memref<1x8x768xf32, #tpu.memory_space<hbm>> -> memref<8x768xf32, #tpu.memory_space<hbm>>
    %dma_wait3A_1290 = arith.constant 0 : i32
    %dma_wait3A_1291 = tpu.memref_slice %arg5[%dma_wait3A_1283, %add3A_1050, %dma_wait3A_1290] : memref<4x2048x768xf32, #tpu.memory_space<hbm>> -> memref<1x8x768xf32, #tpu.memory_space<hbm>>
    %dma_wait3A_1292 = tpu.memref_squeeze %dma_wait3A_1291 : memref<1x8x768xf32, #tpu.memory_space<hbm>> -> memref<8x768xf32, #tpu.memory_space<hbm>>
    %dma_wait3A_1293 = arith.constant 8 : i32
    %dma_wait3A_1294 = arith.constant 0 : i32
    %dma_wait3A_1295 = tpu.memref_slice %arg10[%dma_wait3A_1293, %dma_wait3A_1294] : memref<32x768xf32, #tpu.memory_space<vmem>> -> memref<8x768xf32, #tpu.memory_space<vmem>>
    tpu.wait_dma2 semaphore(%arg22 : memref<!tpu.dma_semaphore, #tpu.memory_space<semaphore_mem>>) src(%dma_wait3A_1295 : memref<8x768xf32, #tpu.memory_space<vmem>>) dst(%dma_wait3A_1292 : memref<8x768xf32, #tpu.memory_space<hbm>>)
    %dma_wait3A_1296 = arith.constant 2 : i32
    %dma_wait3A_1297 = arith.constant 16 : i32
    %dma_wait3A_1298 = arith.constant 0 : i32
    %dma_wait3A_1299 = tpu.memref_slice %arg10[%dma_wait3A_1297, %dma_wait3A_1298] : memref<32x768xf32, #tpu.memory_space<vmem>> -> memref<8x768xf32, #tpu.memory_space<vmem>>
    %dma_wait3A_1300 = arith.constant 0 : i32
    %dma_wait3A_1301 = tpu.memref_slice %arg5[%dma_wait3A_1296, %add3A_1065, %dma_wait3A_1300] : memref<4x2048x768xf32, #tpu.memory_space<hbm>> -> memref<1x8x768xf32, #tpu.memory_space<hbm>>
    %dma_wait3A_1302 = tpu.memref_squeeze %dma_wait3A_1301 : memref<1x8x768xf32, #tpu.memory_space<hbm>> -> memref<8x768xf32, #tpu.memory_space<hbm>>
    %dma_wait3A_1303 = arith.constant 0 : i32
    %dma_wait3A_1304 = tpu.memref_slice %arg5[%dma_wait3A_1296, %add3A_1065, %dma_wait3A_1303] : memref<4x2048x768xf32, #tpu.memory_space<hbm>> -> memref<1x8x768xf32, #tpu.memory_space<hbm>>
    %dma_wait3A_1305 = tpu.memref_squeeze %dma_wait3A_1304 : memref<1x8x768xf32, #tpu.memory_space<hbm>> -> memref<8x768xf32, #tpu.memory_space<hbm>>
    %dma_wait3A_1306 = arith.constant 16 : i32
    %dma_wait3A_1307 = arith.constant 0 : i32
    %dma_wait3A_1308 = tpu.memref_slice %arg10[%dma_wait3A_1306, %dma_wait3A_1307] : memref<32x768xf32, #tpu.memory_space<vmem>> -> memref<8x768xf32, #tpu.memory_space<vmem>>
    tpu.wait_dma2 semaphore(%arg22 : memref<!tpu.dma_semaphore, #tpu.memory_space<semaphore_mem>>) src(%dma_wait3A_1308 : memref<8x768xf32, #tpu.memory_space<vmem>>) dst(%dma_wait3A_1305 : memref<8x768xf32, #tpu.memory_space<hbm>>)
    %dma_wait3A_1309 = arith.constant 3 : i32
    %dma_wait3A_1310 = arith.constant 24 : i32
    %dma_wait3A_1311 = arith.constant 0 : i32
    %dma_wait3A_1312 = tpu.memref_slice %arg10[%dma_wait3A_1310, %dma_wait3A_1311] : memref<32x768xf32, #tpu.memory_space<vmem>> -> memref<8x768xf32, #tpu.memory_space<vmem>>
    %dma_wait3A_1313 = arith.constant 0 : i32
    %dma_wait3A_1314 = tpu.memref_slice %arg5[%dma_wait3A_1309, %add3A_1080, %dma_wait3A_1313] : memref<4x2048x768xf32, #tpu.memory_space<hbm>> -> memref<1x8x768xf32, #tpu.memory_space<hbm>>
    %dma_wait3A_1315 = tpu.memref_squeeze %dma_wait3A_1314 : memref<1x8x768xf32, #tpu.memory_space<hbm>> -> memref<8x768xf32, #tpu.memory_space<hbm>>
    %dma_wait3A_1316 = arith.constant 0 : i32
    %dma_wait3A_1317 = tpu.memref_slice %arg5[%dma_wait3A_1309, %add3A_1080, %dma_wait3A_1316] : memref<4x2048x768xf32, #tpu.memory_space<hbm>> -> memref<1x8x768xf32, #tpu.memory_space<hbm>>
    %dma_wait3A_1318 = tpu.memref_squeeze %dma_wait3A_1317 : memref<1x8x768xf32, #tpu.memory_space<hbm>> -> memref<8x768xf32, #tpu.memory_space<hbm>>
    %dma_wait3A_1319 = arith.constant 24 : i32
    %dma_wait3A_1320 = arith.constant 0 : i32
    %dma_wait3A_1321 = tpu.memref_slice %arg10[%dma_wait3A_1319, %dma_wait3A_1320] : memref<32x768xf32, #tpu.memory_space<vmem>> -> memref<8x768xf32, #tpu.memory_space<vmem>>
    tpu.wait_dma2 semaphore(%arg22 : memref<!tpu.dma_semaphore, #tpu.memory_space<semaphore_mem>>) src(%dma_wait3A_1321 : memref<8x768xf32, #tpu.memory_space<vmem>>) dst(%dma_wait3A_1318 : memref<8x768xf32, #tpu.memory_space<hbm>>)
    %dma_wait3A_1322 = arith.constant 0 : i32
    %dma_wait3A_1323 = arith.constant 0 : i32
    %dma_wait3A_1324 = arith.constant 0 : i32
    %dma_wait3A_1325 = tpu.memref_slice %arg11[%dma_wait3A_1323, %dma_wait3A_1324] : memref<32x768xf32, #tpu.memory_space<vmem>> -> memref<8x768xf32, #tpu.memory_space<vmem>>
    %dma_wait3A_1326 = arith.constant 0 : i32
    %dma_wait3A_1327 = tpu.memref_slice %arg5[%dma_wait3A_1322, %add3A_1107, %dma_wait3A_1326] : memref<4x2048x768xf32, #tpu.memory_space<hbm>> -> memref<1x8x768xf32, #tpu.memory_space<hbm>>
    %dma_wait3A_1328 = tpu.memref_squeeze %dma_wait3A_1327 : memref<1x8x768xf32, #tpu.memory_space<hbm>> -> memref<8x768xf32, #tpu.memory_space<hbm>>
    %dma_wait3A_1329 = arith.constant 0 : i32
    %dma_wait3A_1330 = tpu.memref_slice %arg5[%dma_wait3A_1322, %add3A_1107, %dma_wait3A_1329] : memref<4x2048x768xf32, #tpu.memory_space<hbm>> -> memref<1x8x768xf32, #tpu.memory_space<hbm>>
    %dma_wait3A_1331 = tpu.memref_squeeze %dma_wait3A_1330 : memref<1x8x768xf32, #tpu.memory_space<hbm>> -> memref<8x768xf32, #tpu.memory_space<hbm>>
    %dma_wait3A_1332 = arith.constant 0 : i32
    %dma_wait3A_1333 = arith.constant 0 : i32
    %dma_wait3A_1334 = tpu.memref_slice %arg11[%dma_wait3A_1332, %dma_wait3A_1333] : memref<32x768xf32, #tpu.memory_space<vmem>> -> memref<8x768xf32, #tpu.memory_space<vmem>>
    tpu.wait_dma2 semaphore(%arg23 : memref<!tpu.dma_semaphore, #tpu.memory_space<semaphore_mem>>) src(%dma_wait3A_1334 : memref<8x768xf32, #tpu.memory_space<vmem>>) dst(%dma_wait3A_1331 : memref<8x768xf32, #tpu.memory_space<hbm>>)
    %dma_wait3A_1335 = arith.constant 1 : i32
    %dma_wait3A_1336 = arith.constant 8 : i32
    %dma_wait3A_1337 = arith.constant 0 : i32
    %dma_wait3A_1338 = tpu.memref_slice %arg11[%dma_wait3A_1336, %dma_wait3A_1337] : memref<32x768xf32, #tpu.memory_space<vmem>> -> memref<8x768xf32, #tpu.memory_space<vmem>>
    %dma_wait3A_1339 = arith.constant 0 : i32
    %dma_wait3A_1340 = tpu.memref_slice %arg5[%dma_wait3A_1335, %add3A_1122, %dma_wait3A_1339] : memref<4x2048x768xf32, #tpu.memory_space<hbm>> -> memref<1x8x768xf32, #tpu.memory_space<hbm>>
    %dma_wait3A_1341 = tpu.memref_squeeze %dma_wait3A_1340 : memref<1x8x768xf32, #tpu.memory_space<hbm>> -> memref<8x768xf32, #tpu.memory_space<hbm>>
    %dma_wait3A_1342 = arith.constant 0 : i32
    %dma_wait3A_1343 = tpu.memref_slice %arg5[%dma_wait3A_1335, %add3A_1122, %dma_wait3A_1342] : memref<4x2048x768xf32, #tpu.memory_space<hbm>> -> memref<1x8x768xf32, #tpu.memory_space<hbm>>
    %dma_wait3A_1344 = tpu.memref_squeeze %dma_wait3A_1343 : memref<1x8x768xf32, #tpu.memory_space<hbm>> -> memref<8x768xf32, #tpu.memory_space<hbm>>
    %dma_wait3A_1345 = arith.constant 8 : i32
    %dma_wait3A_1346 = arith.constant 0 : i32
    %dma_wait3A_1347 = tpu.memref_slice %arg11[%dma_wait3A_1345, %dma_wait3A_1346] : memref<32x768xf32, #tpu.memory_space<vmem>> -> memref<8x768xf32, #tpu.memory_space<vmem>>
    tpu.wait_dma2 semaphore(%arg23 : memref<!tpu.dma_semaphore, #tpu.memory_space<semaphore_mem>>) src(%dma_wait3A_1347 : memref<8x768xf32, #tpu.memory_space<vmem>>) dst(%dma_wait3A_1344 : memref<8x768xf32, #tpu.memory_space<hbm>>)
    %dma_wait3A_1348 = arith.constant 2 : i32
    %dma_wait3A_1349 = arith.constant 16 : i32
    %dma_wait3A_1350 = arith.constant 0 : i32
    %dma_wait3A_1351 = tpu.memref_slice %arg11[%dma_wait3A_1349, %dma_wait3A_1350] : memref<32x768xf32, #tpu.memory_space<vmem>> -> memref<8x768xf32, #tpu.memory_space<vmem>>
    %dma_wait3A_1352 = arith.constant 0 : i32
    %dma_wait3A_1353 = tpu.memref_slice %arg5[%dma_wait3A_1348, %add3A_1137, %dma_wait3A_1352] : memref<4x2048x768xf32, #tpu.memory_space<hbm>> -> memref<1x8x768xf32, #tpu.memory_space<hbm>>
    %dma_wait3A_1354 = tpu.memref_squeeze %dma_wait3A_1353 : memref<1x8x768xf32, #tpu.memory_space<hbm>> -> memref<8x768xf32, #tpu.memory_space<hbm>>
    %dma_wait3A_1355 = arith.constant 0 : i32
    %dma_wait3A_1356 = tpu.memref_slice %arg5[%dma_wait3A_1348, %add3A_1137, %dma_wait3A_1355] : memref<4x2048x768xf32, #tpu.memory_space<hbm>> -> memref<1x8x768xf32, #tpu.memory_space<hbm>>
    %dma_wait3A_1357 = tpu.memref_squeeze %dma_wait3A_1356 : memref<1x8x768xf32, #tpu.memory_space<hbm>> -> memref<8x768xf32, #tpu.memory_space<hbm>>
    %dma_wait3A_1358 = arith.constant 16 : i32
    %dma_wait3A_1359 = arith.constant 0 : i32
    %dma_wait3A_1360 = tpu.memref_slice %arg11[%dma_wait3A_1358, %dma_wait3A_1359] : memref<32x768xf32, #tpu.memory_space<vmem>> -> memref<8x768xf32, #tpu.memory_space<vmem>>
    tpu.wait_dma2 semaphore(%arg23 : memref<!tpu.dma_semaphore, #tpu.memory_space<semaphore_mem>>) src(%dma_wait3A_1360 : memref<8x768xf32, #tpu.memory_space<vmem>>) dst(%dma_wait3A_1357 : memref<8x768xf32, #tpu.memory_space<hbm>>)
    %dma_wait3A_1361 = arith.constant 3 : i32
    %dma_wait3A_1362 = arith.constant 24 : i32
    %dma_wait3A_1363 = arith.constant 0 : i32
    %dma_wait3A_1364 = tpu.memref_slice %arg11[%dma_wait3A_1362, %dma_wait3A_1363] : memref<32x768xf32, #tpu.memory_space<vmem>> -> memref<8x768xf32, #tpu.memory_space<vmem>>
    %dma_wait3A_1365 = arith.constant 0 : i32
    %dma_wait3A_1366 = tpu.memref_slice %arg5[%dma_wait3A_1361, %add3A_1152, %dma_wait3A_1365] : memref<4x2048x768xf32, #tpu.memory_space<hbm>> -> memref<1x8x768xf32, #tpu.memory_space<hbm>>
    %dma_wait3A_1367 = tpu.memref_squeeze %dma_wait3A_1366 : memref<1x8x768xf32, #tpu.memory_space<hbm>> -> memref<8x768xf32, #tpu.memory_space<hbm>>
    %dma_wait3A_1368 = arith.constant 0 : i32
    %dma_wait3A_1369 = tpu.memref_slice %arg5[%dma_wait3A_1361, %add3A_1152, %dma_wait3A_1368] : memref<4x2048x768xf32, #tpu.memory_space<hbm>> -> memref<1x8x768xf32, #tpu.memory_space<hbm>>
    %dma_wait3A_1370 = tpu.memref_squeeze %dma_wait3A_1369 : memref<1x8x768xf32, #tpu.memory_space<hbm>> -> memref<8x768xf32, #tpu.memory_space<hbm>>
    %dma_wait3A_1371 = arith.constant 24 : i32
    %dma_wait3A_1372 = arith.constant 0 : i32
    %dma_wait3A_1373 = tpu.memref_slice %arg11[%dma_wait3A_1371, %dma_wait3A_1372] : memref<32x768xf32, #tpu.memory_space<vmem>> -> memref<8x768xf32, #tpu.memory_space<vmem>>
    tpu.wait_dma2 semaphore(%arg23 : memref<!tpu.dma_semaphore, #tpu.memory_space<semaphore_mem>>) src(%dma_wait3A_1373 : memref<8x768xf32, #tpu.memory_space<vmem>>) dst(%dma_wait3A_1370 : memref<8x768xf32, #tpu.memory_space<hbm>>)
    return
  }
}

</mosaic_0001>

<sc_bundles>
// kernel: _emb.3.cloned.1.call-start
scs
__scs_entry_jumppad:
0x0: {  	(pc) =	sbr.rel $0x88, $3  }
0x1: {  	(tag) =	ssettag $0x0;
	lr =	simm.s32 $0x1  }
0x2: {  	[smem:$0x3F9E] =	sst lr;
	_ =	strace $0xD0000000  }
0x3: {  	_ = 	snop  }
0x4: {  	_ = 	snop  }
0x5: {  	_ = 	snop  }
0x6: {  	_ = 	snop  }
0x7: {  	_ = 	snop  }
__scs_overlays_trampoline_lowered:
0x8: {  	[smem:$0x3FAD] =	sst s0  }
0x9: {  	[smem:$0x3FAE] =	sst s1  }
0xa: {  	[smem:$0x3FAF] =	sst s2  }
0xb: {  	[smem:$0x3FB0] =	sst s3  }
0xc: {  	[smem:$0x3FB1] =	sst s4  }
0xd: {  	[smem:$0x3FB2] =	sst s5  }
0xe: {  	[smem:$0x3FB3] =	sst s6  }
0xf: {  	[smem:$0x3FB4] =	sst s7  }
0x10: {  	[smem:$0x3FB5] =	sst s8  }
0x11: {  	[smem:$0x3FB6] =	sst s9;
	s0 =	simm.s32 @!p0 $0x0  }
0x12: {  	s1 =	sld [smem:$0x3F9C];
	s0 =	simm.s32 @p0 $0x1  }
0x13: {  	[smem:$0x3FB7] =	sst s0;
	s0 =	simm.s32 @!p1 $0x0  }
0x14: {  	s2 =	sld [smem:$0x3F9B];
	s0 =	simm.s32 @p1 $0x1  }
0x15: {  	[smem:$0x3FB8] =	sst s0;
	s0 =	simm.s32 @!p2 $0x0  }
0x16: {  	s3 =	sld [smem:$0x3FDB];
	s0 =	simm.s32 @p2 $0x1  }
0x17: {  	s4 =	simm.s32 $0x1BF5;
	[smem:$0x3FBA] =	sst s0  }
0x18: {  	s0 =	sld [smem:$0x3F9D];
	_ =	swait.ge [sflag:s4], $0x0  }
0x19: {  	s7 =	sld [smem:$0x3F9E]  }
0x1a: {  	s8 =	sadd.s32 $0xFFFFE003, lr  }
0x1b: {  	s9 =	sadd.s32 $0xFFFFFEF7, lr;
	s5 =	simm.s32 $0xFFFFFFFF;
	p2 =	slt.u32 s8, $0xFFFFF086  }
0x1c: {  	p1 =	slt.u32 s9, $0xF7A;
	s5 =	simm.s32 @!p2 $0x0  }
0x1d: {  	s5 =	simm.s32 @p1 $0x1;
	p0 =	seq.s32 s7, s2  }
0x1e: {  	s7 =	smul.u32 @!p0 $0xF7A, s2;
	p2 =	seq.s32 @!p0 s5, $0x0  }
0x1f: {  	s9 =	smul.u32 $0xF7A, s1;
	s8 =	simm.s32 @!p0 $0x1BF5;
	p2 =	por !p2, p0  }
0x20: {  	[sflag:s8] =	ssyncset.s32 @!p0 $0xFFFFF086;
	s6 =	sadd.s32 @!p0 s3, s7;
	s7 =	simm.s32 @!p0 $0x108  }
0x21: {  	s3 =	sadd.s32 s3, s9;
	s6 =	sadd.s32 @!p0 $0x88, s6;
	s7 =	simm.s32 @p2 $0x1082  }
0x22: {  	[simem:s7], [sflag:s8] =	dma.local @!p0 [hbm:s6], $0xF7A  }
0x23: {  	s9 =	sor.u32 $0xD0000000, s2;
	s6 =	simm.s32 $0x108;
	_ =	swait.ge @!p0 [sflag:s8], $0x0  }
0x24: {  	s3 =	sadd.s32 $0x88, s3;
	s6 =	simm.s32 @!p1 $0x1082;
	[sflag:s4] =	ssyncset.s32 $0xFFFFF086  }
0x25: {  	[simem:s6], [sflag:s4] =	dma.local [hbm:s3], $0xF7A  }
0x26: {  	[smem:$0x3F9E] =	sst s1;
	(tag) =	ssettag s2;
	_ =	strace s9  }
0x27: {  	s1 =	sld [smem:$0x3FAE]  }
0x28: {  	s2 =	sld [smem:$0x3FAF]  }
0x29: {  	s4 =	sld [smem:$0x3FB1]  }
0x2a: {  	p0 =	seq.s32 s5, $0x0;
	s5 =	sld [smem:$0x3FB2]  }
0x2b: {  	s6 =	sld [smem:$0x3FB3]  }
0x2c: {  	s7 =	sld [smem:$0x3FB4]  }
0x2d: {  	s3 =	simm.s32 $0x108;
	s8 =	sld [smem:$0x3FB5]  }
0x2e: {  	s3 =	simm.s32 @!p0 $0x1082;
	s9 =	sld [smem:$0x3FB6]  }
0x2f: {  	lr =	sadd.s32 s0, s3;
	s0 =	sld [smem:$0x3FAD]  }
0x30: {  	s3 =	sld [smem:$0x3FB0]  }
0x31: {  	[smem:$0x3FB9] =	sst s10  }
0x32: {  	s10 =	sld [smem:$0x3FB7];
	_ =	sdelay $0x3  }
0x33: {  	p0 =	seq.s32 s10, $0x1;
	s10 =	sld [smem:$0x3FB9];
	_ =	sdelay $0x3  }
0x34: {  	[smem:$0x3FB9] =	sst s10  }
0x35: {  	s10 =	sld [smem:$0x3FB8];
	_ =	sdelay $0x3  }
0x36: {  	p1 =	seq.s32 s10, $0x1;
	s10 =	sld [smem:$0x3FB9];
	_ =	sdelay $0x3  }
0x37: {  	[smem:$0x3FB9] =	sst s10  }
0x38: {  	s10 =	sld [smem:$0x3FBA]  }
0x39: {  	_ = 	snop;
	(pc) =	sbr.ind lr, $3  }
0x3a: {  	_ = 	snop  }
0x3b: {  	_ = 	snop  }
0x3c: {  	p2 =	seq.s32 s10, $0x1;
	s10 =	sld [smem:$0x3FB9]  }
0x3d: {  	_ =	shalt  }
0x3e: {  	_ =	shalt  }
0x3f: {  	_ =	shalt  }
0x40: {  	_ =	shalt  }
0x41: {  	_ =	shalt  }
0x42: {  	_ =	shalt  }
0x43: {  	_ =	shalt  }
0x44: {  	_ =	shalt  }
0x45: {  	_ =	shalt  }
0x46: {  	_ =	shalt  }
0x47: {  	_ =	shalt  }
0x48: {  	_ =	shalt  }
0x49: {  	_ =	shalt  }
0x4a: {  	_ =	shalt  }
0x4b: {  	_ =	shalt  }
0x4c: {  	_ =	shalt  }
0x4d: {  	_ =	shalt  }
0x4e: {  	_ =	shalt  }
0x4f: {  	_ =	shalt  }
0x50: {  	_ =	shalt  }
0x51: {  	_ =	shalt  }
0x52: {  	_ =	shalt  }
0x53: {  	_ =	shalt  }
0x54: {  	_ =	shalt  }
0x55: {  	_ =	shalt  }
0x56: {  	_ =	shalt  }
0x57: {  	_ =	shalt  }
0x58: {  	_ =	shalt  }
0x59: {  	_ =	shalt  }
0x5a: {  	_ =	shalt  }
0x5b: {  	_ =	shalt  }
0x5c: {  	_ =	shalt  }
0x5d: {  	_ =	shalt  }
0x5e: {  	_ =	shalt  }
0x5f: {  	_ =	shalt  }
0x60: {  	_ =	shalt  }
0x61: {  	_ =	shalt  }
0x62: {  	_ =	shalt  }
0x63: {  	_ =	shalt  }
0x64: {  	_ =	shalt  }
0x65: {  	_ =	shalt  }
0x66: {  	_ =	shalt  }
0x67: {  	_ =	shalt  }
0x68: {  	_ =	shalt  }
0x69: {  	_ =	shalt  }
0x6a: {  	_ =	shalt  }
0x6b: {  	_ =	shalt  }
0x6c: {  	_ =	shalt  }
0x6d: {  	_ =	shalt  }
0x6e: {  	_ =	shalt  }
0x6f: {  	_ =	shalt  }
0x70: {  	_ =	shalt  }
0x71: {  	_ =	shalt  }
0x72: {  	_ =	shalt  }
0x73: {  	_ =	shalt  }
0x74: {  	_ =	shalt  }
0x75: {  	_ =	shalt  }
0x76: {  	_ =	shalt  }
0x77: {  	_ =	shalt  }
0x78: {  	_ =	shalt  }
0x79: {  	_ =	shalt  }
0x7a: {  	_ =	shalt  }
0x7b: {  	_ =	shalt  }
0x7c: {  	_ =	shalt  }
0x7d: {  	_ =	shalt  }
0x7e: {  	_ =	shalt  }
0x7f: {  	_ =	shalt  }
0x80: {  	_ =	shalt  }
0x81: {  	_ =	shalt  }
0x82: {  	_ =	shalt  }
0x83: {  	_ =	shalt  }
0x84: {  	_ =	shalt  }
0x85: {  	_ =	shalt  }
0x86: {  	_ =	shalt  }
0x87: {  	_ =	shalt  }
.Lfunc_end0:
.L_simem_size_0:
called_computation_lowered:
.L_overlay_start_0:
0x88: {  	s2 =	sld [smem:$0x3FD9]  }
0x89: {  	s3 =	sld [smem:$0x3FFE];
	_ =	sdelay $0x1  }
0x8a: {  	s1 =	srdreg.scid  }
0x8b: {  	s0 =	sand.u32 $0x1, s1  }
0x8c: {  	s18 =	sshll.u32 s0, $0xA;
	s2 =	sadd.s32 s3, s2  }
0x8d: {  	s2 =	sadd.s32 s2, s18  }
0x8e: {  	[smem:$0x3FC5] =	sst s2  }
0x8f: {  	_ = 	snop  }
0x90: {  	s2 =	sld [smem:$0x3FC9]  }
0x91: {  	s19 =	sld [smem:$0x3FC8]  }
0x92: {  	s4 =	sld [smem:$0x3FC7]  }
0x93: {  	s5 =	sld [smem:$0x3FD0];
	(tm) =	ssettm $0x1  }
0x94: {  	s6 =	sld [smem:$0x3FFB];
	_ =	sdelay $0x3  }
0x95: {  	_ =	strace s6  }
0x96: {  	s6 =	sld [smem:$0x3FFC];
	_ =	sdelay $0x3  }
0x97: {  	_ =	strace s6  }
0x98: {  	s6 =	sld [smem:$0x3FFD];
	_ =	sdelay $0x3  }
0x99: {  	_ =	strace s6  }
0x9a: {  	_ =	strace $0x8FFFFFFF  }
0x9b: {  	s20 =	sld [smem:$0x3FDB];
	_ =	sdelay $0x1  }
0x9c: {  	s7 =	simm.s32 $_scs_section_size  }
0x9d: {  	s8 =	simm.s32 $_size__tile_overlayer_lowered;
	s9 =	simm.s32 $_tile_overlayer_lowered  }
0x9e: {  	s23 =	simm.s32 $0x1BFF;
	s22 =	sshll.u32 s9, $0x1;
	s6 =	sadd.s32 s7, s20  }
0x9f: {  	s10 =	simm.s32 $0x0;
	s21 =	sshll.u32 s8, $0x1;
	s8 =	sadd.s32 s22, s6  }
0xa0: {  	[timem:s10], [sflag:s23] =	dma.local [hbm:s8], s21  }
0xa1: {  	_ =	swait.ge [sflag:s23], s21  }
0xa2: {  	s7 =	ssub.s32 $0x0, s21;
	[sflag:s23] =	ssyncset.done $0x0  }
0xa3: {  	[sflag:s23] =	ssyncadd.s32 s7;
	_ =	sdelay $0x1  }
0xa4: {  	s24 =	simm.s32 $0x1B8B  }
0xa5: {  	_ =	swait.ge [sflag:s24], $0x1  }
0xa6: {  	[sflag:s24] =	ssyncset.done $0x0  }
0xa7: {  	s25 =	simm.s32 $0x1B8E;
	[sflag:s24] =	ssyncadd.s32 $0xFFFFFFFF  }
0xa8: {  	s26 =	simm.s32 $execute0_lowered;
	[smem:$0x3FD2] =	sst s25  }
0xa9: {  	s7 =	sshll.u32 s26, $0x1;
	_ =	strace $0x80000046;
	[dreg:$0x1] =	wrdreg $0xFFFFFFFF  }
0xaa: {  	s28 =	simm.s32 $_size_execute0_lowered;
	s6 =	sadd.s32 s6, s7;
	[dreg:$0x0] =	wrdreg $0x0  }
0xab: {  	s7 =	sshll.u32 s28, $0x1;
	[dreg:$0x2] =	wrdreg s6  }
0xac: {  	[dreg:$0x3] =	wrdreg s7  }
0xad: {  	[dreg:$0x4] =	wrdreg $0xC0  }
0xae: {  	_ =	task [dreg:s10], $0x5FFFF  }
0xaf: {  	[dreg:$0x1] =	wrdreg $0xFFFFFFFF  }
0xb0: {  	[dreg:$0x0] =	wrdreg $0x60  }
0xb1: {  	[dreg:$0x2] =	wrdreg s2  }
0xb2: {  	[dreg:$0x3] =	wrdreg s19  }
0xb3: {  	[dreg:$0x4] =	wrdreg s4  }
0xb4: {  	[dreg:$0x5] =	wrdreg s5  }
0xb5: {  	[dreg:$0x6] =	wrdreg $0x9  }
0xb6: {  	_ =	task.clear_ibuf [dreg:s10], $0x7FFFF;
	_ =	strace $0x90000046  }
0xb7: {  	s29 =	simm.s32 $0x9;
	_ =	strace $0x80000048  }
0xb8: {  	_ =	swait.ge [sflag:s29], $0x1  }
0xb9: {  	[sflag:s29] =	ssyncadd.s32 $0xFFFFFFFF  }
0xba: {  	_ =	strace $0x90000048  }
0xbb: {  	_ =	sfence  }
0xbc: {  	s30 =	sld [smem:$0x0];
	_ =	sdelay $0x2  }
0xbd: {  	s31 =	sshll.u32 s1, $0xD;
	s1 =	sshrl.u32 s1, $0x2  }
0xbe: {  	s3 =	sand.u32 $0x4000, s31;
	s1 =	sadd.s32 s1, s30  }
0xbf: {  	s0 =	sor.u32 s3, s0;
	s1 =	sshll.u32 s1, $0x11  }
0xc0: {  	s0 =	sor.u32 s1, s0  }
0xc1: {  	s0 =	sadd.s32 $0x8F2B, s0  }
0xc2: {  	[sflag:s0] =	ssyncadd.remote.s32 $0x1  }
0xc3: {  	_ =	sfence.sel $0xFFFF  }
0xc4: {  	[dreg:$0x0] =	wrdreg $0xFFFFFFFF;
	(pc) =	sbr.abs _section_cstart, $3  }
0xc5: {  	[dreg:$0x1] =	wrdreg $0xFFFFFFFF  }
0xc6: {  	_ =	task.clear_ibuf [dreg:s10], $0x2FFFF;
	_ =	strace $0x9FFFFFFF  }
0xc7: {  	(tm) =	ssettm $0x7FFFFFFF  }
tec
execute0_lowered:
.L_overlay_start_1:
0x0: {  	(tag) =	ssettag $0x1  }
0x1: {  	s0 =	rddreg [dreg:$0x0]  }
0x2: {  	s1 =	rddreg [dreg:$0x1]  }
0x3: {  	s2 =	srdreg.scid;
	s4 =	rddreg [dreg:$0x2]  }
0x4: {  	s3 =	stileid.u32;
	s5 =	rddreg [dreg:$0x3];
	s2 =	sand.u32 $0x1, s2  }
0x5: {  	s7 =	sshll.u32 s3, $0x6;
	s3 =	simm.s32 $0x0;
	s6 =	sshll.u32 s2, $0xA  }
0x6: {  	[smem:$0x7FF] =	sst s3;
	s6 =	sor.u32 s7, s6  }
0x7: {  	s2 =	ssub.s32 $0x2, s2;
	s7 =	sand.u32 $0x40, s7;
	s8 =	sshll.u32 s6, $0x2  }
0x8: {  	s10 =	sshrl.u32 s2, $0x1;
	s6 =	sshrl.u32 s6, $0x3;
	s9 =	sand.u32 $0x1E00, s8  }
0x9: {  	s2 =	ssub.s32 s2, s10;
	s6 =	smul.u32 $0x1800, s6;
	s9 =	sor.u32 s7, s9  }
0xa: {  	_ =	strace $0x80000047;
	s31 =	smax.u32 s2, $0x1;
	s9 =	sshrl.u32 s9, $0x3  }
0xb: {  	[dreg:$0x19] =	wrdreg s31;
	s6 =	sshrl.u32 s6, $0x3;
	s9 =	sadd.s32 s0, s9  }
0xc: {  	s7 =	sor.u32 s7, s8;
	s12 =	sadd.s32 s4, s6;
	[dreg:$0x5] =	wrdreg s9  }
0xd: {  	s13 =	sor.u32 $0x300, s6;
	s8 =	sadd.s32 $0x10, s9;
	[dreg:$0x9] =	wrdreg s12  }
0xe: {  	s15 =	sor.u32 $0x600, s6;
	s14 =	sadd.s32 s4, s13;
	[dreg:$0x6] =	wrdreg s8  }
0xf: {  	s16 =	sadd.s32 $0x900, s6;
	s17 =	sadd.s32 s4, s15;
	[dreg:$0xa] =	wrdreg s14  }
0x10: {  	s19 =	sadd.s32 $0xC00, s6;
	s18 =	sadd.s32 s4, s16;
	[dreg:$0xb] =	wrdreg s17  }
0x11: {  	s21 =	sadd.s32 $0xF00, s6;
	s20 =	sadd.s32 s4, s19;
	[dreg:$0xc] =	wrdreg s18  }
0x12: {  	s23 =	sadd.s32 $0x1200, s6;
	s22 =	sadd.s32 s4, s21;
	[dreg:$0xe] =	wrdreg s20  }
0x13: {  	s24 =	sadd.s32 s4, s23;
	[dreg:$0x10] =	wrdreg s22  }
0x14: {  	s25 =	sadd.s32 s5, s16;
	[dreg:$0x12] =	wrdreg s24  }
0x15: {  	s7 =	sshrl.u32 s7, $0x3;
	s26 =	sadd.s32 s5, s19;
	[dreg:$0x13] =	wrdreg s25  }
0x16: {  	s11 =	sor.u32 $0x20, s7;
	s28 =	sadd.s32 s5, s21;
	[dreg:$0x15] =	wrdreg s26  }
0x17: {  	s7 =	sor.u32 $0x30, s7;
	s8 =	sadd.s32 s0, s11;
	[dreg:$0x16] =	wrdreg s28  }
0x18: {  	s0 =	sadd.s32 s0, s7;
	[dreg:$0x7] =	wrdreg s8  }
0x19: {  	s7 =	sadd.s32 s5, s15;
	[dreg:$0x8] =	wrdreg s0  }
0x1a: {  	s11 =	sadd.s32 s5, s6;
	[dreg:$0x11] =	wrdreg s7  }
0x1b: {  	s6 =	sadd.s32 $0x1500, s6;
	s0 =	sadd.s32 s5, s13;
	[dreg:$0xd] =	wrdreg s11  }
0x1c: {  	s4 =	sadd.s32 s4, s6;
	[dreg:$0xf] =	wrdreg s0  }
0x1d: {  	s30 =	sadd.s32 s5, s6;
	[dreg:$0x14] =	wrdreg s4  }
0x1e: {  	s2 =	sadd.s32 $0x30000, s11;
	[dreg:$0x18] =	wrdreg s30  }
0x1f: {  	s6 =	sadd.s32 $0x30300, s11;
	[dreg:$0x1a] =	wrdreg s2  }
0x20: {  	s7 =	sadd.s32 $0x60300, s11;
	[dreg:$0x1d] =	wrdreg s6  }
0x21: {  	s8 =	sadd.s32 $0x90300, s11;
	[dreg:$0x1e] =	wrdreg s7  }
0x22: {  	s9 =	sadd.s32 $0x30600, s11;
	[dreg:$0x1f] =	wrdreg s8  }
0x23: {  	s10 =	sadd.s32 $0x60600, s11;
	[smem:$0x7EC] =	sst s9  }
0x24: {  	s12 =	sadd.s32 $0x90600, s11;
	[smem:$0x7ED] =	sst s10  }
0x25: {  	s13 =	sadd.s32 $0x30900, s11;
	[smem:$0x7EE] =	sst s12  }
0x26: {  	s14 =	sadd.s32 $0x60900, s11;
	[smem:$0x7EF] =	sst s13  }
0x27: {  	s15 =	sadd.s32 $0x90900, s11;
	[smem:$0x7F0] =	sst s14  }
0x28: {  	s16 =	sadd.s32 $0x30C00, s11;
	[smem:$0x7F1] =	sst s15  }
0x29: {  	s17 =	sadd.s32 $0x60C00, s11;
	[smem:$0x7F2] =	sst s16  }
0x2a: {  	s29 =	simm.s32 $0xDA00;
	s18 =	sadd.s32 $0x90C00, s11;
	[smem:$0x7F3] =	sst s17  }
0x2b: {  	s24 =	sadd.s32 $0x100, s1;
	s19 =	sadd.s32 $0x30F00, s11;
	[smem:$0x7F4] =	sst s18  }
0x2c: {  	s26 =	sadd.s32 $0x200, s1;
	s20 =	sadd.s32 $0x60F00, s11;
	[smem:$0x7F5] =	sst s19  }
0x2d: {  	s21 =	sadd.s32 $0x90F00, s11;
	s22 =	sadd.s32 $0x31200, s11;
	[smem:$0x7F6] =	sst s20  }
0x2e: {  	s25 =	sadd.s32 $0x91200, s11;
	s28 =	sadd.s32 $0x31500, s11;
	[smem:$0x7F7] =	sst s21  }
0x2f: {  	s31 =	sadd.s32 $0x91500, s11;
	s0 =	sadd.s32 s5, s23;
	[smem:$0x7F8] =	sst s22  }
0x30: {  	s4 =	sadd.s32 $0x60000, s11;
	s5 =	sadd.s32 $0x90000, s11;
	[smem:$0x7FA] =	sst s25  }
0x31: {  	s23 =	sadd.s32 $0x61200, s11;
	[smem:$0x7FB] =	sst s28;
	s30 =	sadd.s32 $0x61500, s11  }
0x32: {  	[smem:$0x7FD] =	sst s31;
	s25 =	simm.s32 $0x1;
	s7 =	simm.s32 $0xF200  }
0x33: {  	s14 =	simm.s32 $0x10A00;
	s8 =	simm.s32 $0x12200;
	[dreg:$0x17] =	wrdreg s0  }
0x34: {  	s10 =	simm.s32 $0x13A00;
	s12 =	simm.s32 $0x15200;
	[dreg:$0x1b] =	wrdreg s4  }
0x35: {  	s13 =	simm.s32 $0x16A00;
	s22 =	simm.s32 $0x5;
	[dreg:$0x1c] =	wrdreg s5  }
0x36: {  	v2 =	vlaneseq.u32;
	s2 =	simm.s32 $0x6;
	s9 =	simm.s32 $0x7;
	[smem:$0x7F9] =	sst s23  }
0x37: {  	vm0 =	vmmov $0xffff;
	v1 =	vshrl.u32 v2, $0x3;
	s11 =	simm.s32 $0x4;
	s17 =	simm.s32 $0x8;
	[smem:$0x7FC] =	sst s30  }
0x38: {  	v0 =	vand.u32 $0x7, v2;
	v2 =	vor.u32 $0x8, v2;
	v1 =	vmul.u32 $0x8, v1;
	s23 =	simm.s32 $0x2;
	s0 =	simm.s32 $0x3;
	s4 =	simm.s32 $0x0  }
.LBB2_1:
0x39: {  	s5 =	rddreg [dreg:$0x5]  }
0x3a: {  	[tilespmem:s3], [sflag:$0x1] =	stream.linear.gather [hbm4b:s5+s3], $0x40, $0x38;
	[tilespmem:$0x1E200] =	vst v63  }
0x3b: {  	s15 =	rddreg [dreg:$0x6];
	s6 =	simm.s32 $0x40  }
0x3c: {  	[tilespmem:s6], [sflag:$0x1] =	stream.linear.gather [hbm4b:s15+s3], $0x40, $0x38;
	[tilespmem:$0x1E200] =	vst v63  }
0x3d: {  	s16 =	rddreg [dreg:$0x7];
	s18 =	simm.s32 $0x80  }
0x3e: {  	[tilespmem:s18], [sflag:$0x1] =	stream.linear.gather [hbm4b:s16+s3], $0x40, $0x38;
	[tilespmem:$0x1E200] =	vst v63  }
0x3f: {  	s19 =	rddreg [dreg:$0x8];
	s20 =	simm.s32 $0xC0  }
0x40: {  	[tilespmem:s20], [sflag:$0x1] =	stream.linear.gather [hbm4b:s19+s3], $0x40, $0x38;
	[tilespmem:$0x1E200] =	vst v63  }
0x41: {  	_ =	swait.ge [sflag:s25], $0x40  }
0x42: {  	[sflag:s25] =	ssyncset.done $0x0  }
0x43: {  	[sflag:s25] =	ssyncadd.s32 $0xFFFFFFC0  }
0x44: {  	_ =	swait.ge [sflag:s25], $0x40  }
0x45: {  	[sflag:s25] =	ssyncset.done $0x0  }
0x46: {  	[sflag:s25] =	ssyncadd.s32 $0xFFFFFFC0  }
0x47: {  	_ =	swait.ge [sflag:s25], $0x40  }
0x48: {  	[sflag:s25] =	ssyncset.done $0x0  }
0x49: {  	[sflag:s25] =	ssyncadd.s32 $0xFFFFFFC0  }
0x4a: {  	_ =	swait.ge [sflag:s25], $0x40  }
0x4b: {  	[sflag:s25] =	ssyncset.done $0x0  }
0x4c: {  	[sflag:s25] =	ssyncadd.s32 $0xFFFFFFC0  }
0x4d: {  	v3 =	vld.msk [tilespmem:$0x0], $0xff;
	_ =	sdelay $0x3  }
0x4e: {  	s21 =	simm.s32 $0x100  }
0x4f: {  	[tilespmem:s21+$0x0] =	vst.msk $0xff, v3  }
0x50: {  	v3 =	vld.msk [tilespmem:$0x40], $0xff;
	_ =	sdelay $0x3  }
0x51: {  	s6 =	simm.s32 $0x108  }
0x52: {  	[tilespmem:s6+$0x0] =	vst.msk $0xff, v3  }
0x53: {  	v3 =	vld.msk [tilespmem:$0x80], $0xff;
	_ =	sdelay $0x3  }
0x54: {  	s15 =	simm.s32 $0x110  }
0x55: {  	[tilespmem:s15+$0x0] =	vst.msk $0xff, v3  }
0x56: {  	v3 =	vld.msk [tilespmem:$0xC0], $0xff;
	_ =	sdelay $0x3  }
0x57: {  	s16 =	simm.s32 $0x118  }
0x58: {  	[tilespmem:s16+$0x0] =	vst.msk $0xff, v3  }
0x59: {  	v3 =	vld.msk [tilespmem:$0x8], $0xff;
	_ =	sdelay $0x3  }
0x5a: {  	s18 =	simm.s32 $0x120  }
0x5b: {  	[tilespmem:s18+$0x0] =	vst.msk $0xff, v3  }
0x5c: {  	v3 =	vld.msk [tilespmem:$0x48], $0xff;
	_ =	sdelay $0x3  }
0x5d: {  	s19 =	simm.s32 $0x128  }
0x5e: {  	[tilespmem:s19+$0x0] =	vst.msk $0xff, v3  }
0x5f: {  	v3 =	vld.msk [tilespmem:$0x88], $0xff;
	_ =	sdelay $0x3  }
0x60: {  	s20 =	simm.s32 $0x130  }
0x61: {  	[tilespmem:s20+$0x0] =	vst.msk $0xff, v3  }
0x62: {  	v3 =	vld.msk [tilespmem:$0xC8], $0xff;
	_ =	sdelay $0x3  }
0x63: {  	s21 =	simm.s32 $0x138  }
0x64: {  	[tilespmem:s21+$0x0] =	vst.msk $0xff, v3  }
0x65: {  	v3 =	vld.msk [tilespmem:$0x10], $0xff;
	_ =	sdelay $0x3  }
0x66: {  	s6 =	simm.s32 $0x140  }
0x67: {  	[tilespmem:s6+$0x0] =	vst.msk $0xff, v3  }
0x68: {  	v3 =	vld.msk [tilespmem:$0x50], $0xff;
	_ =	sdelay $0x3  }
0x69: {  	s15 =	simm.s32 $0x148  }
0x6a: {  	[tilespmem:s15+$0x0] =	vst.msk $0xff, v3  }
0x6b: {  	v3 =	vld.msk [tilespmem:$0x90], $0xff;
	_ =	sdelay $0x3  }
0x6c: {  	s16 =	simm.s32 $0x150  }
0x6d: {  	[tilespmem:s16+$0x0] =	vst.msk $0xff, v3  }
0x6e: {  	v3 =	vld.msk [tilespmem:$0xD0], $0xff;
	_ =	sdelay $0x3  }
0x6f: {  	s18 =	simm.s32 $0x158  }
0x70: {  	[tilespmem:s18+$0x0] =	vst.msk $0xff, v3  }
0x71: {  	v3 =	vld.msk [tilespmem:$0x18], $0xff;
	_ =	sdelay $0x3  }
0x72: {  	s19 =	simm.s32 $0x160  }
0x73: {  	[tilespmem:s19+$0x0] =	vst.msk $0xff, v3  }
0x74: {  	v3 =	vld.msk [tilespmem:$0x58], $0xff;
	_ =	sdelay $0x3  }
0x75: {  	s20 =	simm.s32 $0x168  }
0x76: {  	[tilespmem:s20+$0x0] =	vst.msk $0xff, v3  }
0x77: {  	v3 =	vld.msk [tilespmem:$0x98], $0xff;
	_ =	sdelay $0x3  }
0x78: {  	s21 =	simm.s32 $0x170  }
0x79: {  	[tilespmem:s21+$0x0] =	vst.msk $0xff, v3  }
0x7a: {  	v3 =	vld.msk [tilespmem:$0xD8], $0xff;
	_ =	sdelay $0x3  }
0x7b: {  	s6 =	simm.s32 $0x178  }
0x7c: {  	[tilespmem:s6+$0x0] =	vst.msk $0xff, v3  }
0x7d: {  	v3 =	vld.msk [tilespmem:$0x20], $0xff;
	_ =	sdelay $0x3  }
0x7e: {  	s15 =	simm.s32 $0x180  }
0x7f: {  	[tilespmem:s15+$0x0] =	vst.msk $0xff, v3  }
0x80: {  	v3 =	vld.msk [tilespmem:$0x60], $0xff;
	_ =	sdelay $0x3  }
0x81: {  	s16 =	simm.s32 $0x188  }
0x82: {  	[tilespmem:s16+$0x0] =	vst.msk $0xff, v3  }
0x83: {  	v3 =	vld.msk [tilespmem:$0xA0], $0xff;
	_ =	sdelay $0x3  }
0x84: {  	s18 =	simm.s32 $0x190  }
0x85: {  	[tilespmem:s18+$0x0] =	vst.msk $0xff, v3  }
0x86: {  	v3 =	vld.msk [tilespmem:$0xE0], $0xff;
	_ =	sdelay $0x3  }
0x87: {  	s19 =	simm.s32 $0x198  }
0x88: {  	[tilespmem:s19+$0x0] =	vst.msk $0xff, v3  }
0x89: {  	v3 =	vld.msk [tilespmem:$0x28], $0xff;
	_ =	sdelay $0x3  }
0x8a: {  	s20 =	simm.s32 $0x1A0  }
0x8b: {  	[tilespmem:s20+$0x0] =	vst.msk $0xff, v3  }
0x8c: {  	v3 =	vld.msk [tilespmem:$0x68], $0xff;
	_ =	sdelay $0x3  }
0x8d: {  	s21 =	simm.s32 $0x1A8  }
0x8e: {  	[tilespmem:s21+$0x0] =	vst.msk $0xff, v3  }
0x8f: {  	v3 =	vld.msk [tilespmem:$0xA8], $0xff;
	_ =	sdelay $0x3  }
0x90: {  	s6 =	simm.s32 $0x1B0  }
0x91: {  	[tilespmem:s6+$0x0] =	vst.msk $0xff, v3  }
0x92: {  	v3 =	vld.msk [tilespmem:$0xE8], $0xff;
	_ =	sdelay $0x3  }
0x93: {  	s15 =	simm.s32 $0x1B8  }
0x94: {  	[tilespmem:s15+$0x0] =	vst.msk $0xff, v3  }
0x95: {  	v3 =	vld.msk [tilespmem:$0x30], $0xff;
	_ =	sdelay $0x3  }
0x96: {  	s16 =	simm.s32 $0x1C0  }
0x97: {  	[tilespmem:s16+$0x0] =	vst.msk $0xff, v3  }
0x98: {  	v3 =	vld.msk [tilespmem:$0x70], $0xff;
	_ =	sdelay $0x3  }
0x99: {  	s18 =	simm.s32 $0x1C8  }
0x9a: {  	[tilespmem:s18+$0x0] =	vst.msk $0xff, v3  }
0x9b: {  	v3 =	vld.msk [tilespmem:$0xB0], $0xff;
	_ =	sdelay $0x3  }
0x9c: {  	s19 =	simm.s32 $0x1D0  }
0x9d: {  	[tilespmem:s19+$0x0] =	vst.msk $0xff, v3  }
0x9e: {  	v3 =	vld.msk [tilespmem:$0xF0], $0xff;
	_ =	sdelay $0x3  }
0x9f: {  	s20 =	simm.s32 $0x1D8  }
0xa0: {  	[tilespmem:s20+$0x0] =	vst.msk $0xff, v3  }
0xa1: {  	v3 =	vld.msk [tilespmem:$0x38], $0xff;
	_ =	sdelay $0x3  }
0xa2: {  	s21 =	simm.s32 $0x1E0  }
0xa3: {  	[tilespmem:s21+$0x0] =	vst.msk $0xff, v3  }
0xa4: {  	v3 =	vld.msk [tilespmem:$0x78], $0xff;
	_ =	sdelay $0x3  }
0xa5: {  	s6 =	simm.s32 $0x1E8  }
0xa6: {  	[tilespmem:s6+$0x0] =	vst.msk $0xff, v3  }
0xa7: {  	v3 =	vld.msk [tilespmem:$0xB8], $0xff;
	_ =	sdelay $0x3  }
0xa8: {  	s15 =	simm.s32 $0x1F0  }
0xa9: {  	[tilespmem:s15+$0x0] =	vst.msk $0xff, v3  }
0xaa: {  	v3 =	vld.msk [tilespmem:$0xF8], $0xff;
	_ =	sdelay $0x3  }
0xab: {  	s16 =	simm.s32 $0x1F8  }
0xac: {  	[tilespmem:s16+$0x0] =	vst.msk $0xff, v3  }
0xad: {  	v3 =	vld [tilespmem:$0x100];
	_ =	sdelay $0x4  }
0xae: {  	v4 =	vshrl.u32 v3, $0x3  }
0xaf: {  	v4 =	vmul.u32 $0x30, v4  }
0xb0: {  	v3 =	vand.u32 $0x7, v3  }
0xb1: {  	v3 =	vor.u32 v3, v4  }
0xb2: {  	v4 =	vperm.xlane v3, v0;
	_ =	sdelay $0x1  }
0xb3: {  	v4 =	vadd.s32 v1, v4;
	_ =	sdelay $0x3  }
0xb4: {  	s18 =	simm.s32 $0x200;
	v3 =	vperm.xlane v3, v2  }
0xb5: {  	[tilespmem:s18], [sflag:$0x1] =	stream.indirect_vreg.gather [hbm4b:s1+s3], $0x80, v4, vm0, $0xb8;
	[tilespmem:$0x1E200] =	vst v63  }
0xb6: {  	s19 =	simm.s32 $0xA00;
	v3 =	vadd.s32 v1, v3  }
0xb7: {  	[tilespmem:s19], [sflag:$0x1] =	stream.indirect_vreg.gather [hbm4b:s24+s3], $0x80, v4, vm0, $0xb8;
	[tilespmem:$0x1E200] =	vst v63  }
0xb8: {  	s20 =	simm.s32 $0x1200  }
0xb9: {  	[tilespmem:s20], [sflag:$0x1] =	stream.indirect_vreg.gather [hbm4b:s26+s3], $0x80, v4, vm0, $0xb8;
	[tilespmem:$0x1E200] =	vst v63  }
0xba: {  	s21 =	simm.s32 $0x1A00  }
0xbb: {  	[tilespmem:s21], [sflag:$0x1] =	stream.indirect_vreg.gather [hbm4b:s1+s3], $0x80, v3, vm0, $0xb8;
	[tilespmem:$0x1E200] =	vst v63  }
0xbc: {  	s6 =	simm.s32 $0x2200  }
0xbd: {  	[tilespmem:s6], [sflag:$0x1] =	stream.indirect_vreg.gather [hbm4b:s24+s3], $0x80, v3, vm0, $0xb8;
	[tilespmem:$0x1E200] =	vst v63  }
0xbe: {  	s15 =	simm.s32 $0x2A00  }
0xbf: {  	[tilespmem:s15], [sflag:$0x1] =	stream.indirect_vreg.gather [hbm4b:s26+s3], $0x80, v3, vm0, $0xb8;
	[tilespmem:$0x1E200] =	vst v63  }
0xc0: {  	v3 =	vld [tilespmem:$0x110];
	_ =	sdelay $0x4  }
0xc1: {  	v4 =	vshrl.u32 v3, $0x3  }
0xc2: {  	v4 =	vmul.u32 $0x30, v4  }
0xc3: {  	v3 =	vand.u32 $0x7, v3  }
0xc4: {  	v3 =	vor.u32 v3, v4  }
0xc5: {  	v4 =	vperm.xlane v3, v0;
	_ =	sdelay $0x1  }
0xc6: {  	v4 =	vadd.s32 v1, v4;
	_ =	sdelay $0x3  }
0xc7: {  	s16 =	simm.s32 $0x3200;
	v3 =	vperm.xlane v3, v2  }
0xc8: {  	[tilespmem:s16], [sflag:$0x1] =	stream.indirect_vreg.gather [hbm4b:s1+s3], $0x80, v4, vm0, $0xb8;
	[tilespmem:$0x1E200] =	vst v63  }
0xc9: {  	s18 =	simm.s32 $0x3A00;
	v3 =	vadd.s32 v1, v3  }
0xca: {  	[tilespmem:s18], [sflag:$0x1] =	stream.indirect_vreg.gather [hbm4b:s24+s3], $0x80, v4, vm0, $0xb8;
	[tilespmem:$0x1E200] =	vst v63  }
0xcb: {  	s19 =	simm.s32 $0x4200  }
0xcc: {  	[tilespmem:s19], [sflag:$0x1] =	stream.indirect_vreg.gather [hbm4b:s26+s3], $0x80, v4, vm0, $0xb8;
	[tilespmem:$0x1E200] =	vst v63  }
0xcd: {  	s20 =	simm.s32 $0x4A00  }
0xce: {  	[tilespmem:s20], [sflag:$0x1] =	stream.indirect_vreg.gather [hbm4b:s1+s3], $0x80, v3, vm0, $0xb8;
	[tilespmem:$0x1E200] =	vst v63  }
0xcf: {  	s21 =	simm.s32 $0x5200  }
0xd0: {  	[tilespmem:s21], [sflag:$0x1] =	stream.indirect_vreg.gather [hbm4b:s24+s3], $0x80, v3, vm0, $0xb8;
	[tilespmem:$0x1E200] =	vst v63  }
0xd1: {  	s6 =	simm.s32 $0x5A00  }
0xd2: {  	[tilespmem:s6], [sflag:$0x1] =	stream.indirect_vreg.gather [hbm4b:s26+s3], $0x80, v3, vm0, $0xb8;
	[tilespmem:$0x1E200] =	vst v63  }
0xd3: {  	s15 =	rddreg [dreg:$0x9];
	s16 =	simm.s32 $0x18200  }
0xd4: {  	[tilespmem:s16], [sflag:$0x1] =	stream.linear.gather [hbm4b:s15+s3], $0x1800, $0x38;
	[tilespmem:$0x1E200] =	vst v63  }
0xd5: {  	v3 =	vld [tilespmem:$0x120];
	_ =	sdelay $0x4  }
0xd6: {  	v4 =	vshrl.u32 v3, $0x3  }
0xd7: {  	v4 =	vmul.u32 $0x30, v4  }
0xd8: {  	v3 =	vand.u32 $0x7, v3  }
0xd9: {  	v3 =	vor.u32 v3, v4  }
0xda: {  	v4 =	vperm.xlane v3, v0;
	_ =	sdelay $0x1  }
0xdb: {  	v4 =	vadd.s32 v1, v4;
	_ =	sdelay $0x3  }
0xdc: {  	s18 =	simm.s32 $0x6200;
	v3 =	vperm.xlane v3, v2  }
0xdd: {  	[tilespmem:s18], [sflag:$0x2] =	stream.indirect_vreg.gather [hbm4b:s1+s3], $0x80, v4, vm0, $0xb8;
	[tilespmem:$0x1E200] =	vst v63  }
0xde: {  	s19 =	simm.s32 $0x6A00;
	v3 =	vadd.s32 v1, v3  }
0xdf: {  	[tilespmem:s19], [sflag:$0x2] =	stream.indirect_vreg.gather [hbm4b:s24+s3], $0x80, v4, vm0, $0xb8;
	[tilespmem:$0x1E200] =	vst v63  }
0xe0: {  	s20 =	simm.s32 $0x7200  }
0xe1: {  	[tilespmem:s20], [sflag:$0x2] =	stream.indirect_vreg.gather [hbm4b:s26+s3], $0x80, v4, vm0, $0xb8;
	[tilespmem:$0x1E200] =	vst v63  }
0xe2: {  	s21 =	simm.s32 $0x7A00  }
0xe3: {  	[tilespmem:s21], [sflag:$0x2] =	stream.indirect_vreg.gather [hbm4b:s1+s3], $0x80, v3, vm0, $0xb8;
	[tilespmem:$0x1E200] =	vst v63  }
0xe4: {  	s6 =	simm.s32 $0x8200  }
0xe5: {  	[tilespmem:s6], [sflag:$0x2] =	stream.indirect_vreg.gather [hbm4b:s24+s3], $0x80, v3, vm0, $0xb8;
	[tilespmem:$0x1E200] =	vst v63  }
0xe6: {  	s15 =	simm.s32 $0x8A00  }
0xe7: {  	[tilespmem:s15], [sflag:$0x2] =	stream.indirect_vreg.gather [hbm4b:s26+s3], $0x80, v3, vm0, $0xb8;
	[tilespmem:$0x1E200] =	vst v63  }
0xe8: {  	v3 =	vld [tilespmem:$0x130];
	_ =	sdelay $0x4  }
0xe9: {  	v4 =	vshrl.u32 v3, $0x3  }
0xea: {  	v4 =	vmul.u32 $0x30, v4  }
0xeb: {  	v3 =	vand.u32 $0x7, v3  }
0xec: {  	v3 =	vor.u32 v3, v4  }
0xed: {  	v4 =	vperm.xlane v3, v0;
	_ =	sdelay $0x1  }
0xee: {  	v4 =	vadd.s32 v1, v4;
	_ =	sdelay $0x3  }
0xef: {  	s16 =	simm.s32 $0x9200;
	v3 =	vperm.xlane v3, v2  }
0xf0: {  	[tilespmem:s16], [sflag:$0x2] =	stream.indirect_vreg.gather [hbm4b:s1+s3], $0x80, v4, vm0, $0xb8;
	[tilespmem:$0x1E200] =	vst v63  }
0xf1: {  	s18 =	simm.s32 $0x9A00;
	v3 =	vadd.s32 v1, v3  }
0xf2: {  	[tilespmem:s18], [sflag:$0x2] =	stream.indirect_vreg.gather [hbm4b:s24+s3], $0x80, v4, vm0, $0xb8;
	[tilespmem:$0x1E200] =	vst v63  }
0xf3: {  	s19 =	simm.s32 $0xA200  }
0xf4: {  	[tilespmem:s19], [sflag:$0x2] =	stream.indirect_vreg.gather [hbm4b:s26+s3], $0x80, v4, vm0, $0xb8;
	[tilespmem:$0x1E200] =	vst v63  }
0xf5: {  	s20 =	simm.s32 $0xAA00  }
0xf6: {  	[tilespmem:s20], [sflag:$0x2] =	stream.indirect_vreg.gather [hbm4b:s1+s3], $0x80, v3, vm0, $0xb8;
	[tilespmem:$0x1E200] =	vst v63  }
0xf7: {  	s21 =	simm.s32 $0xB200  }
0xf8: {  	[tilespmem:s21], [sflag:$0x2] =	stream.indirect_vreg.gather [hbm4b:s24+s3], $0x80, v3, vm0, $0xb8;
	[tilespmem:$0x1E200] =	vst v63  }
0xf9: {  	s6 =	simm.s32 $0xBA00  }
0xfa: {  	[tilespmem:s6], [sflag:$0x2] =	stream.indirect_vreg.gather [hbm4b:s26+s3], $0x80, v3, vm0, $0xb8;
	[tilespmem:$0x1E200] =	vst v63  }
0xfb: {  	s15 =	rddreg [dreg:$0xa];
	s16 =	simm.s32 $0x19A00  }
0xfc: {  	[tilespmem:s16], [sflag:$0x2] =	stream.linear.gather [hbm4b:s15+s3], $0x1800, $0x38;
	[tilespmem:$0x1E200] =	vst v63  }
0xfd: {  	v3 =	vld [tilespmem:$0x140];
	_ =	sdelay $0x4  }
0xfe: {  	v4 =	vshrl.u32 v3, $0x3  }
0xff: {  	v4 =	vmul.u32 $0x30, v4  }
0x100: {  	v3 =	vand.u32 $0x7, v3  }
0x101: {  	v3 =	vor.u32 v3, v4  }
0x102: {  	v4 =	vperm.xlane v3, v0;
	_ =	sdelay $0x1  }
0x103: {  	v4 =	vadd.s32 v1, v4;
	_ =	sdelay $0x3  }
0x104: {  	s18 =	simm.s32 $0xC200;
	v3 =	vperm.xlane v3, v2  }
0x105: {  	[tilespmem:s18], [sflag:$0x3] =	stream.indirect_vreg.gather [hbm4b:s1+s3], $0x80, v4, vm0, $0xb8;
	[tilespmem:$0x1E200] =	vst v63  }
0x106: {  	s19 =	simm.s32 $0xCA00;
	v3 =	vadd.s32 v1, v3  }
0x107: {  	[tilespmem:s19], [sflag:$0x3] =	stream.indirect_vreg.gather [hbm4b:s24+s3], $0x80, v4, vm0, $0xb8;
	[tilespmem:$0x1E200] =	vst v63  }
0x108: {  	s20 =	simm.s32 $0xD200  }
0x109: {  	[tilespmem:s20], [sflag:$0x3] =	stream.indirect_vreg.gather [hbm4b:s26+s3], $0x80, v4, vm0, $0xb8;
	[tilespmem:$0x1E200] =	vst v63  }
0x10a: {  	_ = 	snop  }
0x10b: {  	[tilespmem:s29], [sflag:$0x3] =	stream.indirect_vreg.gather [hbm4b:s1+s3], $0x80, v3, vm0, $0xb8;
	[tilespmem:$0x1E200] =	vst v63  }
0x10c: {  	s21 =	simm.s32 $0xE200  }
0x10d: {  	[tilespmem:s21], [sflag:$0x3] =	stream.indirect_vreg.gather [hbm4b:s24+s3], $0x80, v3, vm0, $0xb8;
	[tilespmem:$0x1E200] =	vst v63  }
0x10e: {  	s29 =	simm.s32 $0xEA00  }
0x10f: {  	[tilespmem:s29], [sflag:$0x3] =	stream.indirect_vreg.gather [hbm4b:s26+s3], $0x80, v3, vm0, $0xb8;
	[tilespmem:$0x1E200] =	vst v63  }
0x110: {  	v3 =	vld [tilespmem:$0x150];
	_ =	sdelay $0x4  }
0x111: {  	v4 =	vshrl.u32 v3, $0x3  }
0x112: {  	v4 =	vmul.u32 $0x30, v4  }
0x113: {  	v3 =	vand.u32 $0x7, v3  }
0x114: {  	v3 =	vor.u32 v3, v4  }
0x115: {  	v4 =	vperm.xlane v3, v0;
	_ =	sdelay $0x1  }
0x116: {  	v4 =	vadd.s32 v1, v4;
	_ =	sdelay $0x3  }
0x117: {  	v3 =	vperm.xlane v3, v2  }
0x118: {  	[tilespmem:s7], [sflag:$0x3] =	stream.indirect_vreg.gather [hbm4b:s1+s3], $0x80, v4, vm0, $0xb8;
	[tilespmem:$0x1E200] =	vst v63  }
0x119: {  	s6 =	simm.s32 $0xFA00;
	v3 =	vadd.s32 v1, v3  }
0x11a: {  	[tilespmem:s6], [sflag:$0x3] =	stream.indirect_vreg.gather [hbm4b:s24+s3], $0x80, v4, vm0, $0xb8;
	[tilespmem:$0x1E200] =	vst v63  }
0x11b: {  	s7 =	simm.s32 $0x10200  }
0x11c: {  	[tilespmem:s7], [sflag:$0x3] =	stream.indirect_vreg.gather [hbm4b:s26+s3], $0x80, v4, vm0, $0xb8;
	[tilespmem:$0x1E200] =	vst v63  }
0x11d: {  	_ = 	snop  }
0x11e: {  	[tilespmem:s14], [sflag:$0x3] =	stream.indirect_vreg.gather [hbm4b:s1+s3], $0x80, v3, vm0, $0xb8;
	[tilespmem:$0x1E200] =	vst v63  }
0x11f: {  	s14 =	simm.s32 $0x11200  }
0x120: {  	[tilespmem:s14], [sflag:$0x3] =	stream.indirect_vreg.gather [hbm4b:s24+s3], $0x80, v3, vm0, $0xb8;
	[tilespmem:$0x1E200] =	vst v63  }
0x121: {  	s15 =	simm.s32 $0x11A00  }
0x122: {  	[tilespmem:s15], [sflag:$0x3] =	stream.indirect_vreg.gather [hbm4b:s26+s3], $0x80, v3, vm0, $0xb8;
	[tilespmem:$0x1E200] =	vst v63  }
0x123: {  	s16 =	rddreg [dreg:$0xb];
	s18 =	simm.s32 $0x1B200  }
0x124: {  	[tilespmem:s18], [sflag:$0x3] =	stream.linear.gather [hbm4b:s16+s3], $0x1800, $0x38;
	[tilespmem:$0x1E200] =	vst v63  }
0x125: {  	v3 =	vld [tilespmem:$0x160];
	_ =	sdelay $0x4  }
0x126: {  	v4 =	vshrl.u32 v3, $0x3  }
0x127: {  	v4 =	vmul.u32 $0x30, v4  }
0x128: {  	v3 =	vand.u32 $0x7, v3  }
0x129: {  	v3 =	vor.u32 v3, v4  }
0x12a: {  	v4 =	vperm.xlane v3, v0;
	_ =	sdelay $0x1  }
0x12b: {  	v4 =	vadd.s32 v1, v4;
	_ =	sdelay $0x3  }
0x12c: {  	v3 =	vperm.xlane v3, v2  }
0x12d: {  	[tilespmem:s8], [sflag:$0x4] =	stream.indirect_vreg.gather [hbm4b:s1+s3], $0x80, v4, vm0, $0xb8;
	[tilespmem:$0x1E200] =	vst v63  }
0x12e: {  	s19 =	simm.s32 $0x12A00;
	v3 =	vadd.s32 v1, v3  }
0x12f: {  	[tilespmem:s19], [sflag:$0x4] =	stream.indirect_vreg.gather [hbm4b:s24+s3], $0x80, v4, vm0, $0xb8;
	[tilespmem:$0x1E200] =	vst v63  }
0x130: {  	s20 =	simm.s32 $0x13200  }
0x131: {  	[tilespmem:s20], [sflag:$0x4] =	stream.indirect_vreg.gather [hbm4b:s26+s3], $0x80, v4, vm0, $0xb8;
	[tilespmem:$0x1E200] =	vst v63  }
0x132: {  	_ = 	snop  }
0x133: {  	[tilespmem:s10], [sflag:$0x4] =	stream.indirect_vreg.gather [hbm4b:s1+s3], $0x80, v3, vm0, $0xb8;
	[tilespmem:$0x1E200] =	vst v63  }
0x134: {  	s21 =	simm.s32 $0x14200  }
0x135: {  	[tilespmem:s21], [sflag:$0x4] =	stream.indirect_vreg.gather [hbm4b:s24+s3], $0x80, v3, vm0, $0xb8;
	[tilespmem:$0x1E200] =	vst v63  }
0x136: {  	s29 =	simm.s32 $0x14A00  }
0x137: {  	[tilespmem:s29], [sflag:$0x4] =	stream.indirect_vreg.gather [hbm4b:s26+s3], $0x80, v3, vm0, $0xb8;
	[tilespmem:$0x1E200] =	vst v63  }
0x138: {  	v3 =	vld [tilespmem:$0x170];
	_ =	sdelay $0x4  }
0x139: {  	v4 =	vshrl.u32 v3, $0x3  }
0x13a: {  	v4 =	vmul.u32 $0x30, v4  }
0x13b: {  	v3 =	vand.u32 $0x7, v3  }
0x13c: {  	v3 =	vor.u32 v3, v4  }
0x13d: {  	v4 =	vperm.xlane v3, v0;
	_ =	sdelay $0x1  }
0x13e: {  	v4 =	vadd.s32 v1, v4;
	_ =	sdelay $0x3  }
0x13f: {  	v3 =	vperm.xlane v3, v2  }
0x140: {  	[tilespmem:s12], [sflag:$0x4] =	stream.indirect_vreg.gather [hbm4b:s1+s3], $0x80, v4, vm0, $0xb8;
	[tilespmem:$0x1E200] =	vst v63  }
0x141: {  	s6 =	simm.s32 $0x15A00;
	v3 =	vadd.s32 v1, v3  }
0x142: {  	[tilespmem:s6], [sflag:$0x4] =	stream.indirect_vreg.gather [hbm4b:s24+s3], $0x80, v4, vm0, $0xb8;
	[tilespmem:$0x1E200] =	vst v63  }
0x143: {  	s7 =	simm.s32 $0x16200  }
0x144: {  	[tilespmem:s7], [sflag:$0x4] =	stream.indirect_vreg.gather [hbm4b:s26+s3], $0x80, v4, vm0, $0xb8;
	[tilespmem:$0x1E200] =	vst v63  }
0x145: {  	_ = 	snop  }
0x146: {  	[tilespmem:s13], [sflag:$0x4] =	stream.indirect_vreg.gather [hbm4b:s1+s3], $0x80, v3, vm0, $0xb8;
	[tilespmem:$0x1E200] =	vst v63  }
0x147: {  	s8 =	simm.s32 $0x17200  }
0x148: {  	[tilespmem:s8], [sflag:$0x4] =	stream.indirect_vreg.gather [hbm4b:s24+s3], $0x80, v3, vm0, $0xb8;
	[tilespmem:$0x1E200] =	vst v63  }
0x149: {  	s10 =	simm.s32 $0x17A00  }
0x14a: {  	[tilespmem:s10], [sflag:$0x4] =	stream.indirect_vreg.gather [hbm4b:s26+s3], $0x80, v3, vm0, $0xb8;
	[tilespmem:$0x1E200] =	vst v63  }
0x14b: {  	s12 =	rddreg [dreg:$0xc];
	s13 =	simm.s32 $0x1CA00  }
0x14c: {  	[tilespmem:s13], [sflag:$0x4] =	stream.linear.gather [hbm4b:s12+s3], $0x1800, $0x38;
	[tilespmem:$0x1E200] =	vst v63  }
0x14d: {  	_ =	swait.ge [sflag:s25], $0x6000  }
0x14e: {  	[sflag:s25] =	ssyncset.done $0x0  }
0x14f: {  	[sflag:s25] =	ssyncadd.s32 $0xFFFFA000  }
0x150: {  	s14 =	sand.u32 $0x70, s3;
	s15 =	sand.u32 $0x1C00, s3;
	_ =	swait.ge [sflag:s25], $0x1800  }
0x151: {  	s18 =	sor.u32 s15, s14;
	s21 =	sand.u32 $0x300, s3;
	[sflag:s25] =	ssyncset.done $0x0  }
0x152: {  	s19 =	simm.s32 $0x0;
	s30 =	sor.u32 s21, s18;
	[sflag:s25] =	ssyncadd.s32 $0xFFFFE800  }
0x153: {  	s20 =	sand.u32 $0x6, s19;
	v3 =	vld [tilespmem:s30+$0x18280]  }
0x154: {  	s8 =	sshll.u32 s20, $0x7;
	v4 =	vld [tilespmem:s30+$0x280]  }
0x155: {  	s8 =	sor.u32 s8, s15  }
0x156: {  	s19 =	sor.u32 s14, s8  }
0x157: {  	v5 =	vld [tilespmem:s19+$0x18200]  }
0x158: {  	s16 =	simm.s32 $0x20;
	v8 =	vld [tilespmem:s19+$0x200]  }
0x159: {  	s31 =	simm.s32 $0x2;
	s28 =	sand.u32 $0x1C00, s16;
	s18 =	simm.s32 $0x4;
	v10 =	vld [tilespmem:s19+$0x1A00];
	v4 =	vadd.f32 v4, v3  }
0x15a: {  	s21 =	sor.u32 s21, s15;
	s8 =	simm.s32 $0x100;
	s13 =	sand.u32 $0x70, s18;
	v12 =	vld [tilespmem:s19+$0x3200]  }
0x15b: {  	s5 =	sand.u32 $0x300, s8;
	s12 =	sor.u32 s14, s21;
	v6 =	vld [tilespmem:s19+$0x4A00];
	[tilespmem:s30+$0x280] =	vst v4;
	s30 =	sor.u32 s28, s13  }
0x15c: {  	s29 =	sand.u32 $0x6, s31;
	s21 =	sor.u32 s5, s30;
	v7 =	vld [tilespmem:s12+$0x4A80]  }
0x15d: {  	s6 =	sshll.u32 s29, $0x7;
	v8 =	vadd.f32 v8, v5;
	v4 =	vld [tilespmem:s21+$0x18280]  }
0x15e: {  	s6 =	sor.u32 s6, s28;
	v11 =	vadd.f32 v10, v5;
	v9 =	vld [tilespmem:s21+$0x280]  }
0x15f: {  	v10 =	vadd.f32 v12, v5;
	[tilespmem:s19+$0x200] =	vst v8;
	s30 =	sor.u32 s13, s6;
	v8 =	vld [tilespmem:s12+$0x1A80]  }
.LBB2_2:
0x160: {  	s31 =	sadd.s32 $0x2, s31;
	[tilespmem:s19+$0x1A00] =	vst v11;
	v6 =	vadd.f32 v6, v5;
	v11 =	vld [tilespmem:s12+$0x3280]  }
0x161: {  	s8 =	sadd.s32 $0x100, s8;
	s6 =	sand.u32 $0x6, s31;
	v5 =	vld [tilespmem:s30+$0x18200];
	[tilespmem:s19+$0x3200] =	vst v10;
	v7 =	vadd.f32 v7, v3  }
0x162: {  	s18 =	sadd.s32 $0x4, s18;
	s6 =	sshll.u32 s6, $0x7;
	v10 =	vld [tilespmem:s30+$0x200];
	[tilespmem:s19+$0x4A00] =	vst v6;
	s19 =	smov.u32 s30  }
0x163: {  	s16 =	sadd.s32 $0x20, s16;
	s10 =	sand.u32 $0x70, s18;
	p0 =	slt.u32 s31, $0x17E;
	v12 =	vld [tilespmem:s19+$0x1A00];
	v9 =	vadd.f32 v9, v4;
	[tilespmem:s12+$0x4A80] =	vst v7  }
0x164: {  	s30 =	sor.u32 s5, s28;
	s28 =	sand.u32 $0x1C00, s16;
	s5 =	sand.u32 $0x300, s8;
	v13 =	vld [tilespmem:s19+$0x3200];
	v8 =	vadd.f32 v8, v3  }
.Ltmp0:
0x165: {  	s15 =	sor.u32 s28, s10;
	s20 =	sor.u32 s13, s30;
	v6 =	vld [tilespmem:s19+$0x4A00];
	[tilespmem:s21+$0x280] =	vst v9;
	v9 =	vadd.f32 v11, v3;
	(pc) =	sbr.rel @p0 .LBB2_2-.Ltmp0, $4  }
0x166: {  	s6 =	sor.u32 s6, s28;
	s21 =	sor.u32 s5, s15;
	v3 =	vmov v4;
	v7 =	vld [tilespmem:s20+$0x4A80];
	[tilespmem:s12+$0x1A80] =	vst v8  }
0x167: {  	s13 =	smov.u32 s10;
	s30 =	sor.u32 s10, s6;
	v4 =	vld [tilespmem:s21+$0x18280];
	v8 =	vadd.f32 v10, v5;
	[tilespmem:s12+$0x3280] =	vst v9;
	s12 =	smov.u32 s20  }
0x168: {  	v9 =	vld [tilespmem:s21+$0x280];
	v11 =	vadd.f32 v12, v5  }
0x169: {  	[tilespmem:s19+$0x200] =	vst v8;
	v10 =	vadd.f32 v13, v5;
	v8 =	vld [tilespmem:s12+$0x1A80]  }
0x16a: {  	v12 =	vld [tilespmem:s12+$0x3280]  }
0x16b: {  	v13 =	vld [tilespmem:s30+$0x18200]  }
0x16c: {  	[tilespmem:s19+$0x1A00] =	vst v11;
	v5 =	vadd.f32 v6, v5;
	v6 =	vld [tilespmem:s30+$0x200]  }
0x16d: {  	[tilespmem:s19+$0x3200] =	vst v10;
	v10 =	vld [tilespmem:s30+$0x1A00];
	v9 =	vadd.f32 v9, v4  }
0x16e: {  	s5 =	sor.u32 s5, s28;
	v7 =	vadd.f32 v7, v3;
	[tilespmem:s19+$0x4A00] =	vst v5;
	v5 =	vld [tilespmem:s30+$0x3200]  }
0x16f: {  	s5 =	sor.u32 s13, s5;
	v8 =	vadd.f32 v8, v3;
	[tilespmem:s21+$0x280] =	vst v9;
	v9 =	vld [tilespmem:s30+$0x4A00]  }
0x170: {  	[tilespmem:s12+$0x4A80] =	vst v7;
	v3 =	vadd.f32 v12, v3;
	v7 =	vld [tilespmem:s5+$0x4A80]  }
0x171: {  	v6 =	vadd.f32 v6, v13;
	[tilespmem:s12+$0x1A80] =	vst v8;
	v8 =	vld [tilespmem:s5+$0x1A80]  }
0x172: {  	[tilespmem:s12+$0x3280] =	vst v3;
	v3 =	vadd.f32 v10, v13;
	v10 =	vld [tilespmem:s5+$0x3280]  }
0x173: {  	[tilespmem:s30+$0x200] =	vst v6;
	v5 =	vadd.f32 v5, v13  }
0x174: {  	[tilespmem:s30+$0x1A00] =	vst v3;
	v3 =	vadd.f32 v9, v13  }
0x175: {  	[tilespmem:s30+$0x3200] =	vst v5;
	v5 =	vadd.f32 v7, v4  }
0x176: {  	[tilespmem:s30+$0x4A00] =	vst v3;
	v3 =	vadd.f32 v8, v4  }
0x177: {  	v4 =	vadd.f32 v10, v4;
	[tilespmem:s5+$0x4A80] =	vst v5  }
0x178: {  	[tilespmem:s5+$0x1A80] =	vst v3  }
0x179: {  	[tilespmem:s5+$0x3280] =	vst v4  }
0x17a: {  	s8 =	simm.s32 $0x200;
	s5 =	simm.s32 $0x0;
	s6 =	rddreg [dreg:$0xd]  }
0x17b: {  	[hbm4b:s6+s5] =	stream.linear.scatter [tilespmem:s8], [sflag:$0x5], $0x1800, $0x38;
	[tilespmem:$0x1E200] =	vst v63  }
0x17c: {  	s10 =	simm.s32 $0x1A00;
	s18 =	rddreg [dreg:$0x1a]  }
0x17d: {  	[hbm4b:s18+s5] =	stream.linear.scatter [tilespmem:s10], [sflag:$0x5], $0x1800, $0x38;
	[tilespmem:$0x1E200] =	vst v63  }
0x17e: {  	s20 =	simm.s32 $0x3200;
	s19 =	rddreg [dreg:$0x1b]  }
0x17f: {  	[hbm4b:s19+s5] =	stream.linear.scatter [tilespmem:s20], [sflag:$0x5], $0x1800, $0x38;
	[tilespmem:$0x1E200] =	vst v63  }
0x180: {  	s29 =	simm.s32 $0x4A00;
	s21 =	rddreg [dreg:$0x1c]  }
0x181: {  	[hbm4b:s21+s5] =	stream.linear.scatter [tilespmem:s29], [sflag:$0x5], $0x1800, $0x38;
	[tilespmem:$0x1E200] =	vst v63  }
0x182: {  	_ =	swait.ge [sflag:s22], $0x1800  }
0x183: {  	[sflag:s22] =	ssyncset.done $0x0  }
0x184: {  	[sflag:s22] =	ssyncadd.s32 $0xFFFFE800  }
0x185: {  	_ =	swait.ge [sflag:s22], $0x1800  }
0x186: {  	[sflag:s22] =	ssyncset.done $0x0  }
0x187: {  	[sflag:s22] =	ssyncadd.s32 $0xFFFFE800  }
0x188: {  	_ =	swait.ge [sflag:s22], $0x1800  }
0x189: {  	[sflag:s22] =	ssyncset.done $0x0  }
0x18a: {  	[sflag:s22] =	ssyncadd.s32 $0xFFFFE800  }
0x18b: {  	_ =	swait.ge [sflag:s22], $0x1800  }
0x18c: {  	[sflag:s22] =	ssyncset.done $0x0  }
0x18d: {  	[sflag:s22] =	ssyncadd.s32 $0xFFFFE800  }
0x18e: {  	v3 =	vld [tilespmem:$0x180];
	_ =	sdelay $0x4  }
0x18f: {  	v4 =	vshrl.u32 v3, $0x3  }
0x190: {  	v4 =	vmul.u32 $0x30, v4  }
0x191: {  	v3 =	vand.u32 $0x7, v3  }
0x192: {  	v3 =	vor.u32 v3, v4  }
0x193: {  	v4 =	vperm.xlane v3, v0;
	_ =	sdelay $0x1  }
0x194: {  	v4 =	vadd.s32 v1, v4;
	_ =	sdelay $0x3  }
0x195: {  	v3 =	vperm.xlane v3, v2  }
0x196: {  	[tilespmem:s8], [sflag:$0x1] =	stream.indirect_vreg.gather [hbm4b:s1+s5], $0x80, v4, vm0, $0xb8;
	[tilespmem:$0x1E200] =	vst v63  }
0x197: {  	s7 =	simm.s32 $0xA00;
	v3 =	vadd.s32 v1, v3  }
0x198: {  	[tilespmem:s7], [sflag:$0x1] =	stream.indirect_vreg.gather [hbm4b:s24+s5], $0x80, v4, vm0, $0xb8;
	[tilespmem:$0x1E200] =	vst v63  }
0x199: {  	s8 =	simm.s32 $0x1200  }
0x19a: {  	[tilespmem:s8], [sflag:$0x1] =	stream.indirect_vreg.gather [hbm4b:s26+s5], $0x80, v4, vm0, $0xb8;
	[tilespmem:$0x1E200] =	vst v63  }
0x19b: {  	_ = 	snop  }
0x19c: {  	[tilespmem:s10], [sflag:$0x1] =	stream.indirect_vreg.gather [hbm4b:s1+s5], $0x80, v3, vm0, $0xb8;
	[tilespmem:$0x1E200] =	vst v63  }
0x19d: {  	s14 =	simm.s32 $0x2200  }
0x19e: {  	[tilespmem:s14], [sflag:$0x1] =	stream.indirect_vreg.gather [hbm4b:s24+s5], $0x80, v3, vm0, $0xb8;
	[tilespmem:$0x1E200] =	vst v63  }
0x19f: {  	s15 =	simm.s32 $0x2A00  }
0x1a0: {  	[tilespmem:s15], [sflag:$0x1] =	stream.indirect_vreg.gather [hbm4b:s26+s5], $0x80, v3, vm0, $0xb8;
	[tilespmem:$0x1E200] =	vst v63  }
0x1a1: {  	v3 =	vld [tilespmem:$0x190];
	_ =	sdelay $0x4  }
0x1a2: {  	v4 =	vshrl.u32 v3, $0x3  }
0x1a3: {  	v4 =	vmul.u32 $0x30, v4  }
0x1a4: {  	v3 =	vand.u32 $0x7, v3  }
0x1a5: {  	v3 =	vor.u32 v3, v4  }
0x1a6: {  	v4 =	vperm.xlane v3, v0;
	_ =	sdelay $0x1  }
0x1a7: {  	v4 =	vadd.s32 v1, v4;
	_ =	sdelay $0x3  }
0x1a8: {  	v3 =	vperm.xlane v3, v2  }
0x1a9: {  	[tilespmem:s20], [sflag:$0x1] =	stream.indirect_vreg.gather [hbm4b:s1+s5], $0x80, v4, vm0, $0xb8;
	[tilespmem:$0x1E200] =	vst v63  }
0x1aa: {  	s16 =	simm.s32 $0x3A00;
	v3 =	vadd.s32 v1, v3  }
0x1ab: {  	[tilespmem:s16], [sflag:$0x1] =	stream.indirect_vreg.gather [hbm4b:s24+s5], $0x80, v4, vm0, $0xb8;
	[tilespmem:$0x1E200] =	vst v63  }
0x1ac: {  	s18 =	simm.s32 $0x4200  }
0x1ad: {  	[tilespmem:s18], [sflag:$0x1] =	stream.indirect_vreg.gather [hbm4b:s26+s5], $0x80, v4, vm0, $0xb8;
	[tilespmem:$0x1E200] =	vst v63  }
0x1ae: {  	_ = 	snop  }
0x1af: {  	[tilespmem:s29], [sflag:$0x1] =	stream.indirect_vreg.gather [hbm4b:s1+s5], $0x80, v3, vm0, $0xb8;
	[tilespmem:$0x1E200] =	vst v63  }
0x1b0: {  	s19 =	simm.s32 $0x5200  }
0x1b1: {  	[tilespmem:s19], [sflag:$0x1] =	stream.indirect_vreg.gather [hbm4b:s24+s5], $0x80, v3, vm0, $0xb8;
	[tilespmem:$0x1E200] =	vst v63  }
0x1b2: {  	s20 =	simm.s32 $0x5A00  }
0x1b3: {  	[tilespmem:s20], [sflag:$0x1] =	stream.indirect_vreg.gather [hbm4b:s26+s5], $0x80, v3, vm0, $0xb8;
	[tilespmem:$0x1E200] =	vst v63  }
0x1b4: {  	s21 =	rddreg [dreg:$0xe];
	s29 =	simm.s32 $0x18200  }
0x1b5: {  	[tilespmem:s29], [sflag:$0x1] =	stream.linear.gather [hbm4b:s21+s5], $0x1800, $0x38;
	[tilespmem:$0x1E200] =	vst v63  }
0x1b6: {  	_ =	swait.ge [sflag:s23], $0x6000  }
0x1b7: {  	[sflag:s23] =	ssyncset.done $0x0  }
0x1b8: {  	[sflag:s23] =	ssyncadd.s32 $0xFFFFA000  }
0x1b9: {  	s7 =	sand.u32 $0x70, s5;
	s14 =	sand.u32 $0x1C00, s5;
	_ =	swait.ge [sflag:s23], $0x1800  }
0x1ba: {  	s18 =	sor.u32 s14, s7;
	s5 =	sand.u32 $0x300, s5;
	[sflag:s23] =	ssyncset.done $0x0  }
0x1bb: {  	s19 =	simm.s32 $0x0;
	s15 =	sor.u32 s5, s18;
	[sflag:s23] =	ssyncadd.s32 $0xFFFFE800  }
0x1bc: {  	s20 =	sand.u32 $0x6, s19;
	v3 =	vld [tilespmem:s15+$0x19A80]  }
0x1bd: {  	s8 =	sshll.u32 s20, $0x7;
	v4 =	vld [tilespmem:s15+$0x6280]  }
0x1be: {  	s8 =	sor.u32 s8, s14  }
0x1bf: {  	s19 =	sor.u32 s7, s8  }
0x1c0: {  	v5 =	vld [tilespmem:s19+$0x19A00]  }
0x1c1: {  	s16 =	simm.s32 $0x20;
	v8 =	vld [tilespmem:s19+$0x6200]  }
0x1c2: {  	s31 =	simm.s32 $0x2;
	s28 =	sand.u32 $0x1C00, s16;
	s18 =	simm.s32 $0x4;
	v10 =	vld [tilespmem:s19+$0x7A00];
	v4 =	vadd.f32 v4, v3  }
0x1c3: {  	s8 =	simm.s32 $0x100;
	s10 =	sor.u32 s5, s14;
	s13 =	sand.u32 $0x70, s18;
	v63 =	vld [tilespmem:s19+$0x9200]  }
0x1c4: {  	s5 =	sand.u32 $0x300, s8;
	s12 =	sor.u32 s7, s10;
	s21 =	sor.u32 s28, s13;
	v6 =	vld [tilespmem:s19+$0xAA00];
	[tilespmem:s15+$0x6280] =	vst v4  }
0x1c5: {  	s29 =	sand.u32 $0x6, s31;
	s21 =	sor.u32 s5, s21;
	v7 =	vld [tilespmem:s12+$0xAA80]  }
0x1c6: {  	s6 =	sshll.u32 s29, $0x7;
	v9 =	vld [tilespmem:s21+$0x6280];
	v8 =	vadd.f32 v8, v5  }
0x1c7: {  	s6 =	sor.u32 s6, s28;
	v11 =	vadd.f32 v10, v5;
	v4 =	vld [tilespmem:s21+$0x19A80]  }
0x1c8: {  	s30 =	sor.u32 s13, s6;
	v10 =	vadd.f32 v63, v5;
	[tilespmem:s19+$0x6200] =	vst v8;
	v8 =	vld [tilespmem:s12+$0x7A80]  }
.LBB2_4:
0x1c9: {  	s31 =	sadd.s32 $0x2, s31;
	[tilespmem:s19+$0x7A00] =	vst v11;
	v6 =	vadd.f32 v6, v5;
	v11 =	vld [tilespmem:s12+$0x9280]  }
0x1ca: {  	s8 =	sadd.s32 $0x100, s8;
	s6 =	sand.u32 $0x6, s31;
	v5 =	vld [tilespmem:s30+$0x19A00];
	[tilespmem:s19+$0x9200] =	vst v10;
	v7 =	vadd.f32 v7, v3  }
0x1cb: {  	s18 =	sadd.s32 $0x4, s18;
	s6 =	sshll.u32 s6, $0x7;
	v10 =	vld [tilespmem:s30+$0x6200];
	[tilespmem:s19+$0xAA00] =	vst v6;
	s19 =	smov.u32 s30  }
0x1cc: {  	s16 =	sadd.s32 $0x20, s16;
	s15 =	sor.u32 s5, s28;
	s10 =	sand.u32 $0x70, s18;
	v12 =	vld [tilespmem:s19+$0x7A00];
	v9 =	vadd.f32 v9, v4;
	[tilespmem:s12+$0xAA80] =	vst v7  }
0x1cd: {  	s28 =	sand.u32 $0x1C00, s16;
	s5 =	sand.u32 $0x300, s8;
	p0 =	slt.u32 s31, $0x17E;
	v13 =	vld [tilespmem:s19+$0x9200];
	v8 =	vadd.f32 v8, v3  }
.Ltmp1:
0x1ce: {  	s15 =	sor.u32 s13, s15;
	s20 =	sor.u32 s28, s10;
	v6 =	vld [tilespmem:s19+$0xAA00];
	[tilespmem:s21+$0x6280] =	vst v9;
	v9 =	vadd.f32 v11, v3;
	(pc) =	sbr.rel @p0 .LBB2_4-.Ltmp1, $4  }
0x1cf: {  	s6 =	sor.u32 s6, s28;
	s21 =	sor.u32 s5, s20;
	v3 =	vmov v4;
	v7 =	vld [tilespmem:s15+$0xAA80];
	[tilespmem:s12+$0x7A80] =	vst v8  }
0x1d0: {  	s13 =	smov.u32 s10;
	s30 =	sor.u32 s10, s6;
	v4 =	vld [tilespmem:s21+$0x19A80];
	v8 =	vadd.f32 v10, v5;
	[tilespmem:s12+$0x9280] =	vst v9;
	s12 =	smov.u32 s15  }
0x1d1: {  	v9 =	vld [tilespmem:s21+$0x6280];
	v11 =	vadd.f32 v12, v5  }
0x1d2: {  	[tilespmem:s19+$0x6200] =	vst v8;
	v10 =	vadd.f32 v13, v5;
	v8 =	vld [tilespmem:s12+$0x7A80]  }
0x1d3: {  	v12 =	vld [tilespmem:s12+$0x9280]  }
0x1d4: {  	v13 =	vld [tilespmem:s30+$0x19A00]  }
0x1d5: {  	[tilespmem:s19+$0x7A00] =	vst v11;
	v5 =	vadd.f32 v6, v5;
	v6 =	vld [tilespmem:s30+$0x6200]  }
0x1d6: {  	[tilespmem:s19+$0x9200] =	vst v10;
	v10 =	vld [tilespmem:s30+$0x7A00];
	v9 =	vadd.f32 v9, v4  }
0x1d7: {  	s5 =	sor.u32 s5, s28;
	v7 =	vadd.f32 v7, v3;
	[tilespmem:s19+$0xAA00] =	vst v5;
	v5 =	vld [tilespmem:s30+$0x9200]  }
0x1d8: {  	s5 =	sor.u32 s13, s5;
	v8 =	vadd.f32 v8, v3;
	[tilespmem:s21+$0x6280] =	vst v9;
	v9 =	vld [tilespmem:s30+$0xAA00]  }
0x1d9: {  	[tilespmem:s12+$0xAA80] =	vst v7;
	v3 =	vadd.f32 v12, v3;
	v7 =	vld [tilespmem:s5+$0xAA80]  }
0x1da: {  	v6 =	vadd.f32 v6, v13;
	[tilespmem:s12+$0x7A80] =	vst v8;
	v8 =	vld [tilespmem:s5+$0x7A80]  }
0x1db: {  	[tilespmem:s12+$0x9280] =	vst v3;
	v3 =	vadd.f32 v10, v13;
	v10 =	vld [tilespmem:s5+$0x9280]  }
0x1dc: {  	[tilespmem:s30+$0x6200] =	vst v6;
	v5 =	vadd.f32 v5, v13  }
0x1dd: {  	[tilespmem:s30+$0x7A00] =	vst v3;
	v3 =	vadd.f32 v9, v13  }
0x1de: {  	[tilespmem:s30+$0x9200] =	vst v5;
	v5 =	vadd.f32 v7, v4  }
0x1df: {  	[tilespmem:s30+$0xAA00] =	vst v3;
	v3 =	vadd.f32 v8, v4  }
0x1e0: {  	v4 =	vadd.f32 v10, v4;
	[tilespmem:s5+$0xAA80] =	vst v5  }
0x1e1: {  	[tilespmem:s5+$0x7A80] =	vst v3  }
0x1e2: {  	[tilespmem:s5+$0x9280] =	vst v4  }
0x1e3: {  	s8 =	simm.s32 $0x6200;
	s5 =	simm.s32 $0x0;
	s6 =	rddreg [dreg:$0xf]  }
0x1e4: {  	[hbm4b:s6+s5] =	stream.linear.scatter [tilespmem:s8], [sflag:$0x6], $0x1800, $0x38;
	[tilespmem:$0x1E200] =	vst v63  }
0x1e5: {  	s10 =	simm.s32 $0x7A00;
	s18 =	rddreg [dreg:$0x1d]  }
0x1e6: {  	[hbm4b:s18+s5] =	stream.linear.scatter [tilespmem:s10], [sflag:$0x6], $0x1800, $0x38;
	[tilespmem:$0x1E200] =	vst v63  }
0x1e7: {  	s20 =	simm.s32 $0x9200;
	s19 =	rddreg [dreg:$0x1e]  }
0x1e8: {  	[hbm4b:s19+s5] =	stream.linear.scatter [tilespmem:s20], [sflag:$0x6], $0x1800, $0x38;
	[tilespmem:$0x1E200] =	vst v63  }
0x1e9: {  	s29 =	simm.s32 $0xAA00;
	s21 =	rddreg [dreg:$0x1f]  }
0x1ea: {  	[hbm4b:s21+s5] =	stream.linear.scatter [tilespmem:s29], [sflag:$0x6], $0x1800, $0x38;
	[tilespmem:$0x1E200] =	vst v63  }
0x1eb: {  	_ =	swait.ge [sflag:s2], $0x1800  }
0x1ec: {  	[sflag:s2] =	ssyncset.done $0x0  }
0x1ed: {  	[sflag:s2] =	ssyncadd.s32 $0xFFFFE800  }
0x1ee: {  	_ =	swait.ge [sflag:s2], $0x1800  }
0x1ef: {  	[sflag:s2] =	ssyncset.done $0x0  }
0x1f0: {  	[sflag:s2] =	ssyncadd.s32 $0xFFFFE800  }
0x1f1: {  	_ =	swait.ge [sflag:s2], $0x1800  }
0x1f2: {  	[sflag:s2] =	ssyncset.done $0x0  }
0x1f3: {  	[sflag:s2] =	ssyncadd.s32 $0xFFFFE800  }
0x1f4: {  	_ =	swait.ge [sflag:s2], $0x1800  }
0x1f5: {  	[sflag:s2] =	ssyncset.done $0x0  }
0x1f6: {  	[sflag:s2] =	ssyncadd.s32 $0xFFFFE800  }
0x1f7: {  	v3 =	vld [tilespmem:$0x1A0];
	_ =	sdelay $0x4  }
0x1f8: {  	v4 =	vshrl.u32 v3, $0x3  }
0x1f9: {  	v4 =	vmul.u32 $0x30, v4  }
0x1fa: {  	v3 =	vand.u32 $0x7, v3  }
0x1fb: {  	v3 =	vor.u32 v3, v4  }
0x1fc: {  	v4 =	vperm.xlane v3, v0;
	_ =	sdelay $0x1  }
0x1fd: {  	v4 =	vadd.s32 v1, v4;
	_ =	sdelay $0x3  }
0x1fe: {  	v3 =	vperm.xlane v3, v2  }
0x1ff: {  	[tilespmem:s8], [sflag:$0x2] =	stream.indirect_vreg.gather [hbm4b:s1+s5], $0x80, v4, vm0, $0xb8;
	[tilespmem:$0x1E200] =	vst v63  }
0x200: {  	s7 =	simm.s32 $0x6A00;
	v3 =	vadd.s32 v1, v3  }
0x201: {  	[tilespmem:s7], [sflag:$0x2] =	stream.indirect_vreg.gather [hbm4b:s24+s5], $0x80, v4, vm0, $0xb8;
	[tilespmem:$0x1E200] =	vst v63  }
0x202: {  	s8 =	simm.s32 $0x7200  }
0x203: {  	[tilespmem:s8], [sflag:$0x2] =	stream.indirect_vreg.gather [hbm4b:s26+s5], $0x80, v4, vm0, $0xb8;
	[tilespmem:$0x1E200] =	vst v63  }
0x204: {  	_ = 	snop  }
0x205: {  	[tilespmem:s10], [sflag:$0x2] =	stream.indirect_vreg.gather [hbm4b:s1+s5], $0x80, v3, vm0, $0xb8;
	[tilespmem:$0x1E200] =	vst v63  }
0x206: {  	s14 =	simm.s32 $0x8200  }
0x207: {  	[tilespmem:s14], [sflag:$0x2] =	stream.indirect_vreg.gather [hbm4b:s24+s5], $0x80, v3, vm0, $0xb8;
	[tilespmem:$0x1E200] =	vst v63  }
0x208: {  	s15 =	simm.s32 $0x8A00  }
0x209: {  	[tilespmem:s15], [sflag:$0x2] =	stream.indirect_vreg.gather [hbm4b:s26+s5], $0x80, v3, vm0, $0xb8;
	[tilespmem:$0x1E200] =	vst v63  }
0x20a: {  	v3 =	vld [tilespmem:$0x1B0];
	_ =	sdelay $0x4  }
0x20b: {  	v4 =	vshrl.u32 v3, $0x3  }
0x20c: {  	v4 =	vmul.u32 $0x30, v4  }
0x20d: {  	v3 =	vand.u32 $0x7, v3  }
0x20e: {  	v3 =	vor.u32 v3, v4  }
0x20f: {  	v4 =	vperm.xlane v3, v0;
	_ =	sdelay $0x1  }
0x210: {  	v4 =	vadd.s32 v1, v4;
	_ =	sdelay $0x3  }
0x211: {  	v3 =	vperm.xlane v3, v2  }
0x212: {  	[tilespmem:s20], [sflag:$0x2] =	stream.indirect_vreg.gather [hbm4b:s1+s5], $0x80, v4, vm0, $0xb8;
	[tilespmem:$0x1E200] =	vst v63  }
0x213: {  	s16 =	simm.s32 $0x9A00;
	v3 =	vadd.s32 v1, v3  }
0x214: {  	[tilespmem:s16], [sflag:$0x2] =	stream.indirect_vreg.gather [hbm4b:s24+s5], $0x80, v4, vm0, $0xb8;
	[tilespmem:$0x1E200] =	vst v63  }
0x215: {  	s18 =	simm.s32 $0xA200  }
0x216: {  	[tilespmem:s18], [sflag:$0x2] =	stream.indirect_vreg.gather [hbm4b:s26+s5], $0x80, v4, vm0, $0xb8;
	[tilespmem:$0x1E200] =	vst v63  }
0x217: {  	_ = 	snop  }
0x218: {  	[tilespmem:s29], [sflag:$0x2] =	stream.indirect_vreg.gather [hbm4b:s1+s5], $0x80, v3, vm0, $0xb8;
	[tilespmem:$0x1E200] =	vst v63  }
0x219: {  	s19 =	simm.s32 $0xB200  }
0x21a: {  	[tilespmem:s19], [sflag:$0x2] =	stream.indirect_vreg.gather [hbm4b:s24+s5], $0x80, v3, vm0, $0xb8;
	[tilespmem:$0x1E200] =	vst v63  }
0x21b: {  	s20 =	simm.s32 $0xBA00  }
0x21c: {  	[tilespmem:s20], [sflag:$0x2] =	stream.indirect_vreg.gather [hbm4b:s26+s5], $0x80, v3, vm0, $0xb8;
	[tilespmem:$0x1E200] =	vst v63  }
0x21d: {  	s21 =	rddreg [dreg:$0x10];
	s29 =	simm.s32 $0x19A00  }
0x21e: {  	[tilespmem:s29], [sflag:$0x2] =	stream.linear.gather [hbm4b:s21+s5], $0x1800, $0x38;
	[tilespmem:$0x1E200] =	vst v63  }
0x21f: {  	_ =	swait.ge [sflag:s0], $0x6000  }
0x220: {  	[sflag:s0] =	ssyncset.done $0x0  }
0x221: {  	[sflag:s0] =	ssyncadd.s32 $0xFFFFA000  }
0x222: {  	s7 =	sand.u32 $0x70, s5;
	s14 =	sand.u32 $0x1C00, s5;
	_ =	swait.ge [sflag:s0], $0x1800  }
0x223: {  	s18 =	sor.u32 s14, s7;
	s5 =	sand.u32 $0x300, s5;
	[sflag:s0] =	ssyncset.done $0x0  }
0x224: {  	s19 =	simm.s32 $0x0;
	s15 =	sor.u32 s5, s18;
	[sflag:s0] =	ssyncadd.s32 $0xFFFFE800  }
0x225: {  	s20 =	sand.u32 $0x6, s19;
	v3 =	vld [tilespmem:s15+$0x1B280]  }
0x226: {  	s8 =	sshll.u32 s20, $0x7;
	v4 =	vld [tilespmem:s15+$0xC280]  }
0x227: {  	s8 =	sor.u32 s8, s14  }
0x228: {  	s19 =	sor.u32 s7, s8  }
0x229: {  	v5 =	vld [tilespmem:s19+$0x1B200]  }
0x22a: {  	s16 =	simm.s32 $0x20;
	v8 =	vld [tilespmem:s19+$0xC200]  }
0x22b: {  	s31 =	simm.s32 $0x2;
	s28 =	sand.u32 $0x1C00, s16;
	s18 =	simm.s32 $0x4;
	v10 =	vld [tilespmem:s19+$0xDA00];
	v4 =	vadd.f32 v4, v3  }
0x22c: {  	s8 =	simm.s32 $0x100;
	s10 =	sor.u32 s5, s14;
	s13 =	sand.u32 $0x70, s18;
	v63 =	vld [tilespmem:s19+$0xF200]  }
0x22d: {  	s5 =	sand.u32 $0x300, s8;
	s12 =	sor.u32 s7, s10;
	s21 =	sor.u32 s28, s13;
	v6 =	vld [tilespmem:s19+$0x10A00];
	[tilespmem:s15+$0xC280] =	vst v4  }
0x22e: {  	s29 =	sand.u32 $0x6, s31;
	s21 =	sor.u32 s5, s21;
	v7 =	vld [tilespmem:s12+$0x10A80]  }
0x22f: {  	s6 =	sshll.u32 s29, $0x7;
	v9 =	vld [tilespmem:s21+$0xC280];
	v8 =	vadd.f32 v8, v5  }
0x230: {  	s6 =	sor.u32 s6, s28;
	v11 =	vadd.f32 v10, v5;
	v4 =	vld [tilespmem:s21+$0x1B280]  }
0x231: {  	s30 =	sor.u32 s13, s6;
	v10 =	vadd.f32 v63, v5;
	[tilespmem:s19+$0xC200] =	vst v8;
	v8 =	vld [tilespmem:s12+$0xDA80]  }
.LBB2_6:
0x232: {  	s31 =	sadd.s32 $0x2, s31;
	[tilespmem:s19+$0xDA00] =	vst v11;
	v6 =	vadd.f32 v6, v5;
	v11 =	vld [tilespmem:s12+$0xF280]  }
0x233: {  	s8 =	sadd.s32 $0x100, s8;
	s6 =	sand.u32 $0x6, s31;
	v5 =	vld [tilespmem:s30+$0x1B200];
	[tilespmem:s19+$0xF200] =	vst v10;
	v7 =	vadd.f32 v7, v3  }
0x234: {  	s18 =	sadd.s32 $0x4, s18;
	s6 =	sshll.u32 s6, $0x7;
	v10 =	vld [tilespmem:s30+$0xC200];
	[tilespmem:s19+$0x10A00] =	vst v6;
	s19 =	smov.u32 s30  }
0x235: {  	s16 =	sadd.s32 $0x20, s16;
	s15 =	sor.u32 s5, s28;
	s10 =	sand.u32 $0x70, s18;
	v12 =	vld [tilespmem:s19+$0xDA00];
	v9 =	vadd.f32 v9, v4;
	[tilespmem:s12+$0x10A80] =	vst v7  }
0x236: {  	s28 =	sand.u32 $0x1C00, s16;
	s5 =	sand.u32 $0x300, s8;
	p0 =	slt.u32 s31, $0x17E;
	v13 =	vld [tilespmem:s19+$0xF200];
	v8 =	vadd.f32 v8, v3  }
.Ltmp2:
0x237: {  	s15 =	sor.u32 s13, s15;
	s20 =	sor.u32 s28, s10;
	v6 =	vld [tilespmem:s19+$0x10A00];
	[tilespmem:s21+$0xC280] =	vst v9;
	v9 =	vadd.f32 v11, v3;
	(pc) =	sbr.rel @p0 .LBB2_6-.Ltmp2, $4  }
0x238: {  	s6 =	sor.u32 s6, s28;
	s21 =	sor.u32 s5, s20;
	v3 =	vmov v4;
	v7 =	vld [tilespmem:s15+$0x10A80];
	[tilespmem:s12+$0xDA80] =	vst v8  }
0x239: {  	s13 =	smov.u32 s10;
	s30 =	sor.u32 s10, s6;
	v4 =	vld [tilespmem:s21+$0x1B280];
	v8 =	vadd.f32 v10, v5;
	[tilespmem:s12+$0xF280] =	vst v9;
	s12 =	smov.u32 s15  }
0x23a: {  	v9 =	vld [tilespmem:s21+$0xC280];
	v11 =	vadd.f32 v12, v5  }
0x23b: {  	[tilespmem:s19+$0xC200] =	vst v8;
	v10 =	vadd.f32 v13, v5;
	v8 =	vld [tilespmem:s12+$0xDA80]  }
0x23c: {  	v12 =	vld [tilespmem:s12+$0xF280]  }
0x23d: {  	v13 =	vld [tilespmem:s30+$0x1B200]  }
0x23e: {  	[tilespmem:s19+$0xDA00] =	vst v11;
	v5 =	vadd.f32 v6, v5;
	v6 =	vld [tilespmem:s30+$0xC200]  }
0x23f: {  	[tilespmem:s19+$0xF200] =	vst v10;
	v10 =	vld [tilespmem:s30+$0xDA00];
	v9 =	vadd.f32 v9, v4  }
0x240: {  	s5 =	sor.u32 s5, s28;
	v7 =	vadd.f32 v7, v3;
	[tilespmem:s19+$0x10A00] =	vst v5;
	v5 =	vld [tilespmem:s30+$0xF200]  }
0x241: {  	s5 =	sor.u32 s13, s5;
	v8 =	vadd.f32 v8, v3;
	[tilespmem:s21+$0xC280] =	vst v9;
	v9 =	vld [tilespmem:s30+$0x10A00]  }
0x242: {  	[tilespmem:s12+$0x10A80] =	vst v7;
	v3 =	vadd.f32 v12, v3;
	v7 =	vld [tilespmem:s5+$0x10A80]  }
0x243: {  	v6 =	vadd.f32 v6, v13;
	[tilespmem:s12+$0xDA80] =	vst v8;
	v8 =	vld [tilespmem:s5+$0xDA80]  }
0x244: {  	[tilespmem:s12+$0xF280] =	vst v3;
	v3 =	vadd.f32 v10, v13;
	v10 =	vld [tilespmem:s5+$0xF280]  }
0x245: {  	[tilespmem:s30+$0xC200] =	vst v6;
	v5 =	vadd.f32 v5, v13  }
0x246: {  	[tilespmem:s30+$0xDA00] =	vst v3;
	v3 =	vadd.f32 v9, v13  }
0x247: {  	[tilespmem:s30+$0xF200] =	vst v5;
	v5 =	vadd.f32 v7, v4  }
0x248: {  	[tilespmem:s30+$0x10A00] =	vst v3;
	v3 =	vadd.f32 v8, v4  }
0x249: {  	v4 =	vadd.f32 v10, v4;
	[tilespmem:s5+$0x10A80] =	vst v5  }
0x24a: {  	[tilespmem:s5+$0xDA80] =	vst v3  }
0x24b: {  	[tilespmem:s5+$0xF280] =	vst v4  }
0x24c: {  	s6 =	rddreg [dreg:$0x11]  }
0x24d: {  	s8 =	simm.s32 $0xC200;
	s5 =	simm.s32 $0x0;
	s15 =	sld [smem:$0x7EC]  }
0x24e: {  	[hbm4b:s6+s5] =	stream.linear.scatter [tilespmem:s8], [sflag:$0x7], $0x1800, $0x38;
	[tilespmem:$0x1E200] =	vst v63  }
0x24f: {  	s10 =	simm.s32 $0xDA00;
	s16 =	sld [smem:$0x7ED]  }
0x250: {  	[hbm4b:s15+s5] =	stream.linear.scatter [tilespmem:s10], [sflag:$0x7], $0x1800, $0x38;
	[tilespmem:$0x1E200] =	vst v63  }
0x251: {  	s18 =	simm.s32 $0xF200;
	s19 =	sld [smem:$0x7EE]  }
0x252: {  	[hbm4b:s16+s5] =	stream.linear.scatter [tilespmem:s18], [sflag:$0x7], $0x1800, $0x38;
	[tilespmem:$0x1E200] =	vst v63  }
0x253: {  	s20 =	simm.s32 $0x10A00  }
0x254: {  	[hbm4b:s19+s5] =	stream.linear.scatter [tilespmem:s20], [sflag:$0x7], $0x1800, $0x38;
	[tilespmem:$0x1E200] =	vst v63  }
0x255: {  	_ =	swait.ge [sflag:s9], $0x1800  }
0x256: {  	[sflag:s9] =	ssyncset.done $0x0  }
0x257: {  	[sflag:s9] =	ssyncadd.s32 $0xFFFFE800  }
0x258: {  	_ =	swait.ge [sflag:s9], $0x1800  }
0x259: {  	[sflag:s9] =	ssyncset.done $0x0  }
0x25a: {  	[sflag:s9] =	ssyncadd.s32 $0xFFFFE800  }
0x25b: {  	_ =	swait.ge [sflag:s9], $0x1800  }
0x25c: {  	[sflag:s9] =	ssyncset.done $0x0  }
0x25d: {  	[sflag:s9] =	ssyncadd.s32 $0xFFFFE800  }
0x25e: {  	_ =	swait.ge [sflag:s9], $0x1800  }
0x25f: {  	[sflag:s9] =	ssyncset.done $0x0  }
0x260: {  	[sflag:s9] =	ssyncadd.s32 $0xFFFFE800  }
0x261: {  	v3 =	vld [tilespmem:$0x1C0];
	_ =	sdelay $0x4  }
0x262: {  	v4 =	vshrl.u32 v3, $0x3  }
0x263: {  	v4 =	vmul.u32 $0x30, v4  }
0x264: {  	v3 =	vand.u32 $0x7, v3  }
0x265: {  	v3 =	vor.u32 v3, v4  }
0x266: {  	v4 =	vperm.xlane v3, v0;
	_ =	sdelay $0x1  }
0x267: {  	v4 =	vadd.s32 v1, v4;
	_ =	sdelay $0x3  }
0x268: {  	v3 =	vperm.xlane v3, v2  }
0x269: {  	[tilespmem:s8], [sflag:$0x3] =	stream.indirect_vreg.gather [hbm4b:s1+s5], $0x80, v4, vm0, $0xb8;
	[tilespmem:$0x1E200] =	vst v63  }
0x26a: {  	s21 =	simm.s32 $0xCA00;
	v3 =	vadd.s32 v1, v3  }
0x26b: {  	[tilespmem:s21], [sflag:$0x3] =	stream.indirect_vreg.gather [hbm4b:s24+s5], $0x80, v4, vm0, $0xb8;
	[tilespmem:$0x1E200] =	vst v63  }
0x26c: {  	s7 =	simm.s32 $0xD200  }
0x26d: {  	[tilespmem:s7], [sflag:$0x3] =	stream.indirect_vreg.gather [hbm4b:s26+s5], $0x80, v4, vm0, $0xb8;
	[tilespmem:$0x1E200] =	vst v63  }
0x26e: {  	_ = 	snop  }
0x26f: {  	[tilespmem:s10], [sflag:$0x3] =	stream.indirect_vreg.gather [hbm4b:s1+s5], $0x80, v3, vm0, $0xb8;
	[tilespmem:$0x1E200] =	vst v63  }
0x270: {  	s8 =	simm.s32 $0xE200  }
0x271: {  	[tilespmem:s8], [sflag:$0x3] =	stream.indirect_vreg.gather [hbm4b:s24+s5], $0x80, v3, vm0, $0xb8;
	[tilespmem:$0x1E200] =	vst v63  }
0x272: {  	s10 =	simm.s32 $0xEA00  }
0x273: {  	[tilespmem:s10], [sflag:$0x3] =	stream.indirect_vreg.gather [hbm4b:s26+s5], $0x80, v3, vm0, $0xb8;
	[tilespmem:$0x1E200] =	vst v63  }
0x274: {  	v3 =	vld [tilespmem:$0x1D0];
	_ =	sdelay $0x4  }
0x275: {  	v4 =	vshrl.u32 v3, $0x3  }
0x276: {  	v4 =	vmul.u32 $0x30, v4  }
0x277: {  	v3 =	vand.u32 $0x7, v3  }
0x278: {  	v3 =	vor.u32 v3, v4  }
0x279: {  	v4 =	vperm.xlane v3, v0;
	_ =	sdelay $0x1  }
0x27a: {  	v4 =	vadd.s32 v1, v4;
	_ =	sdelay $0x3  }
0x27b: {  	v3 =	vperm.xlane v3, v2  }
0x27c: {  	[tilespmem:s18], [sflag:$0x3] =	stream.indirect_vreg.gather [hbm4b:s1+s5], $0x80, v4, vm0, $0xb8;
	[tilespmem:$0x1E200] =	vst v63  }
0x27d: {  	s14 =	simm.s32 $0xFA00;
	v3 =	vadd.s32 v1, v3  }
0x27e: {  	[tilespmem:s14], [sflag:$0x3] =	stream.indirect_vreg.gather [hbm4b:s24+s5], $0x80, v4, vm0, $0xb8;
	[tilespmem:$0x1E200] =	vst v63  }
0x27f: {  	s15 =	simm.s32 $0x10200  }
0x280: {  	[tilespmem:s15], [sflag:$0x3] =	stream.indirect_vreg.gather [hbm4b:s26+s5], $0x80, v4, vm0, $0xb8;
	[tilespmem:$0x1E200] =	vst v63  }
0x281: {  	_ = 	snop  }
0x282: {  	[tilespmem:s20], [sflag:$0x3] =	stream.indirect_vreg.gather [hbm4b:s1+s5], $0x80, v3, vm0, $0xb8;
	[tilespmem:$0x1E200] =	vst v63  }
0x283: {  	s16 =	simm.s32 $0x11200  }
0x284: {  	[tilespmem:s16], [sflag:$0x3] =	stream.indirect_vreg.gather [hbm4b:s24+s5], $0x80, v3, vm0, $0xb8;
	[tilespmem:$0x1E200] =	vst v63  }
0x285: {  	s18 =	simm.s32 $0x11A00  }
0x286: {  	[tilespmem:s18], [sflag:$0x3] =	stream.indirect_vreg.gather [hbm4b:s26+s5], $0x80, v3, vm0, $0xb8;
	[tilespmem:$0x1E200] =	vst v63  }
0x287: {  	s19 =	rddreg [dreg:$0x12];
	s20 =	simm.s32 $0x1B200  }
0x288: {  	[tilespmem:s20], [sflag:$0x3] =	stream.linear.gather [hbm4b:s19+s5], $0x1800, $0x38;
	[tilespmem:$0x1E200] =	vst v63  }
0x289: {  	_ =	swait.ge [sflag:s11], $0x6000  }
0x28a: {  	[sflag:s11] =	ssyncset.done $0x0  }
0x28b: {  	[sflag:s11] =	ssyncadd.s32 $0xFFFFA000  }
0x28c: {  	s6 =	sand.u32 $0x70, s5;
	s21 =	sand.u32 $0x1C00, s5;
	_ =	swait.ge [sflag:s11], $0x1800  }
0x28d: {  	s18 =	sor.u32 s21, s6;
	s5 =	sand.u32 $0x300, s5;
	[sflag:s11] =	ssyncset.done $0x0  }
0x28e: {  	s19 =	simm.s32 $0x0;
	s15 =	sor.u32 s5, s18;
	[sflag:s11] =	ssyncadd.s32 $0xFFFFE800  }
0x28f: {  	s20 =	sand.u32 $0x6, s19;
	v3 =	vld [tilespmem:s15+$0x1CA80]  }
0x290: {  	s8 =	sshll.u32 s20, $0x7;
	v4 =	vld [tilespmem:s15+$0x12280]  }
0x291: {  	s8 =	sor.u32 s8, s21  }
0x292: {  	s19 =	sor.u32 s6, s8  }
0x293: {  	v5 =	vld [tilespmem:s19+$0x1CA00]  }
0x294: {  	s16 =	simm.s32 $0x20;
	v8 =	vld [tilespmem:s19+$0x12200]  }
0x295: {  	s31 =	simm.s32 $0x2;
	s28 =	sand.u32 $0x1C00, s16;
	s18 =	simm.s32 $0x4;
	v10 =	vld [tilespmem:s19+$0x13A00];
	v4 =	vadd.f32 v4, v3  }
0x296: {  	s10 =	sor.u32 s5, s21;
	s13 =	sand.u32 $0x70, s18;
	s8 =	simm.s32 $0x100;
	v63 =	vld [tilespmem:s19+$0x15200]  }
0x297: {  	s12 =	sor.u32 s6, s10;
	s21 =	sor.u32 s28, s13;
	s5 =	sand.u32 $0x300, s8;
	v6 =	vld [tilespmem:s19+$0x16A00];
	[tilespmem:s15+$0x12280] =	vst v4  }
0x298: {  	s20 =	sand.u32 $0x6, s31;
	s21 =	sor.u32 s5, s21;
	v7 =	vld [tilespmem:s12+$0x16A80]  }
0x299: {  	s6 =	sshll.u32 s20, $0x7;
	v9 =	vld [tilespmem:s21+$0x12280];
	v8 =	vadd.f32 v8, v5  }
0x29a: {  	s29 =	simm.s32 $0xDA00;
	s6 =	sor.u32 s6, s28;
	v11 =	vadd.f32 v10, v5;
	v4 =	vld [tilespmem:s21+$0x1CA80]  }
0x29b: {  	s7 =	simm.s32 $0xF200;
	s14 =	simm.s32 $0x10A00;
	s30 =	sor.u32 s13, s6;
	v10 =	vadd.f32 v63, v5;
	[tilespmem:s19+$0x12200] =	vst v8;
	v8 =	vld [tilespmem:s12+$0x13A80]  }
.LBB2_8:
0x29c: {  	s31 =	sadd.s32 $0x2, s31;
	[tilespmem:s19+$0x13A00] =	vst v11;
	v6 =	vadd.f32 v6, v5;
	v11 =	vld [tilespmem:s12+$0x15280]  }
0x29d: {  	s8 =	sadd.s32 $0x100, s8;
	s6 =	sand.u32 $0x6, s31;
	v5 =	vld [tilespmem:s30+$0x1CA00];
	[tilespmem:s19+$0x15200] =	vst v10;
	v7 =	vadd.f32 v7, v3  }
0x29e: {  	s18 =	sadd.s32 $0x4, s18;
	s6 =	sshll.u32 s6, $0x7;
	v10 =	vld [tilespmem:s30+$0x12200];
	[tilespmem:s19+$0x16A00] =	vst v6;
	s19 =	smov.u32 s30  }
0x29f: {  	s16 =	sadd.s32 $0x20, s16;
	s15 =	sor.u32 s5, s28;
	s10 =	sand.u32 $0x70, s18;
	v12 =	vld [tilespmem:s19+$0x13A00];
	v9 =	vadd.f32 v9, v4;
	[tilespmem:s12+$0x16A80] =	vst v7  }
0x2a0: {  	s28 =	sand.u32 $0x1C00, s16;
	s5 =	sand.u32 $0x300, s8;
	p0 =	slt.u32 s31, $0x17E;
	v13 =	vld [tilespmem:s19+$0x15200];
	v8 =	vadd.f32 v8, v3  }
.Ltmp3:
0x2a1: {  	s15 =	sor.u32 s13, s15;
	s20 =	sor.u32 s28, s10;
	v6 =	vld [tilespmem:s19+$0x16A00];
	[tilespmem:s21+$0x12280] =	vst v9;
	v9 =	vadd.f32 v11, v3;
	(pc) =	sbr.rel @p0 .LBB2_8-.Ltmp3, $4  }
0x2a2: {  	s6 =	sor.u32 s6, s28;
	s21 =	sor.u32 s5, s20;
	v3 =	vmov v4;
	v7 =	vld [tilespmem:s15+$0x16A80];
	[tilespmem:s12+$0x13A80] =	vst v8  }
0x2a3: {  	s13 =	smov.u32 s10;
	s30 =	sor.u32 s10, s6;
	v4 =	vld [tilespmem:s21+$0x1CA80];
	v8 =	vadd.f32 v10, v5;
	[tilespmem:s12+$0x15280] =	vst v9;
	s12 =	smov.u32 s15  }
0x2a4: {  	v9 =	vld [tilespmem:s21+$0x12280];
	v11 =	vadd.f32 v12, v5  }
0x2a5: {  	[tilespmem:s19+$0x12200] =	vst v8;
	v10 =	vadd.f32 v13, v5;
	v8 =	vld [tilespmem:s12+$0x13A80]  }
0x2a6: {  	v12 =	vld [tilespmem:s12+$0x15280]  }
0x2a7: {  	v13 =	vld [tilespmem:s30+$0x1CA00]  }
0x2a8: {  	[tilespmem:s19+$0x13A00] =	vst v11;
	v5 =	vadd.f32 v6, v5;
	v6 =	vld [tilespmem:s30+$0x12200]  }
0x2a9: {  	[tilespmem:s19+$0x15200] =	vst v10;
	v10 =	vld [tilespmem:s30+$0x13A00];
	v9 =	vadd.f32 v9, v4  }
0x2aa: {  	s5 =	sor.u32 s5, s28;
	v7 =	vadd.f32 v7, v3;
	[tilespmem:s19+$0x16A00] =	vst v5;
	v5 =	vld [tilespmem:s30+$0x15200]  }
0x2ab: {  	s5 =	sor.u32 s13, s5;
	v8 =	vadd.f32 v8, v3;
	[tilespmem:s21+$0x12280] =	vst v9;
	v9 =	vld [tilespmem:s30+$0x16A00]  }
0x2ac: {  	[tilespmem:s12+$0x16A80] =	vst v7;
	v3 =	vadd.f32 v12, v3;
	v7 =	vld [tilespmem:s5+$0x16A80]  }
0x2ad: {  	v6 =	vadd.f32 v6, v13;
	[tilespmem:s12+$0x13A80] =	vst v8;
	v8 =	vld [tilespmem:s5+$0x13A80]  }
0x2ae: {  	[tilespmem:s12+$0x15280] =	vst v3;
	v3 =	vadd.f32 v10, v13;
	v10 =	vld [tilespmem:s5+$0x15280]  }
0x2af: {  	[tilespmem:s30+$0x12200] =	vst v6;
	v5 =	vadd.f32 v5, v13  }
0x2b0: {  	[tilespmem:s30+$0x13A00] =	vst v3;
	v3 =	vadd.f32 v9, v13  }
0x2b1: {  	[tilespmem:s30+$0x15200] =	vst v5;
	v5 =	vadd.f32 v7, v4  }
0x2b2: {  	[tilespmem:s30+$0x16A00] =	vst v3;
	v3 =	vadd.f32 v8, v4  }
0x2b3: {  	v4 =	vadd.f32 v10, v4;
	[tilespmem:s5+$0x16A80] =	vst v5  }
0x2b4: {  	[tilespmem:s5+$0x13A80] =	vst v3  }
0x2b5: {  	[tilespmem:s5+$0x15280] =	vst v4  }
0x2b6: {  	s6 =	rddreg [dreg:$0x13]  }
0x2b7: {  	s8 =	simm.s32 $0x12200;
	s5 =	simm.s32 $0x0;
	s13 =	sld [smem:$0x7EF]  }
0x2b8: {  	[hbm4b:s6+s5] =	stream.linear.scatter [tilespmem:s8], [sflag:$0x8], $0x1800, $0x38;
	[tilespmem:$0x1E200] =	vst v63  }
0x2b9: {  	s10 =	simm.s32 $0x13A00;
	s15 =	sld [smem:$0x7F0]  }
0x2ba: {  	[hbm4b:s13+s5] =	stream.linear.scatter [tilespmem:s10], [sflag:$0x8], $0x1800, $0x38;
	[tilespmem:$0x1E200] =	vst v63  }
0x2bb: {  	s16 =	simm.s32 $0x15200;
	s18 =	sld [smem:$0x7F1]  }
0x2bc: {  	[hbm4b:s15+s5] =	stream.linear.scatter [tilespmem:s16], [sflag:$0x8], $0x1800, $0x38;
	[tilespmem:$0x1E200] =	vst v63  }
0x2bd: {  	s19 =	simm.s32 $0x16A00  }
0x2be: {  	[hbm4b:s18+s5] =	stream.linear.scatter [tilespmem:s19], [sflag:$0x8], $0x1800, $0x38;
	[tilespmem:$0x1E200] =	vst v63  }
0x2bf: {  	_ =	swait.ge [sflag:s17], $0x1800  }
0x2c0: {  	[sflag:s17] =	ssyncset.done $0x0  }
0x2c1: {  	[sflag:s17] =	ssyncadd.s32 $0xFFFFE800  }
0x2c2: {  	_ =	swait.ge [sflag:s17], $0x1800  }
0x2c3: {  	[sflag:s17] =	ssyncset.done $0x0  }
0x2c4: {  	[sflag:s17] =	ssyncadd.s32 $0xFFFFE800  }
0x2c5: {  	_ =	swait.ge [sflag:s17], $0x1800  }
0x2c6: {  	[sflag:s17] =	ssyncset.done $0x0  }
0x2c7: {  	[sflag:s17] =	ssyncadd.s32 $0xFFFFE800  }
0x2c8: {  	_ =	swait.ge [sflag:s17], $0x1800  }
0x2c9: {  	[sflag:s17] =	ssyncset.done $0x0  }
0x2ca: {  	[sflag:s17] =	ssyncadd.s32 $0xFFFFE800  }
0x2cb: {  	v3 =	vld [tilespmem:$0x1E0];
	_ =	sdelay $0x4  }
0x2cc: {  	v4 =	vshrl.u32 v3, $0x3  }
0x2cd: {  	v4 =	vmul.u32 $0x30, v4  }
0x2ce: {  	v3 =	vand.u32 $0x7, v3  }
0x2cf: {  	v3 =	vor.u32 v3, v4  }
0x2d0: {  	v4 =	vperm.xlane v3, v0;
	_ =	sdelay $0x1  }
0x2d1: {  	v4 =	vadd.s32 v1, v4;
	_ =	sdelay $0x3  }
0x2d2: {  	v3 =	vperm.xlane v3, v2  }
0x2d3: {  	[tilespmem:s8], [sflag:$0x4] =	stream.indirect_vreg.gather [hbm4b:s1+s5], $0x80, v4, vm0, $0xb8;
	[tilespmem:$0x1E200] =	vst v63  }
0x2d4: {  	s20 =	simm.s32 $0x12A00;
	v3 =	vadd.s32 v1, v3  }
0x2d5: {  	[tilespmem:s20], [sflag:$0x4] =	stream.indirect_vreg.gather [hbm4b:s24+s5], $0x80, v4, vm0, $0xb8;
	[tilespmem:$0x1E200] =	vst v63  }
0x2d6: {  	s21 =	simm.s32 $0x13200  }
0x2d7: {  	[tilespmem:s21], [sflag:$0x4] =	stream.indirect_vreg.gather [hbm4b:s26+s5], $0x80, v4, vm0, $0xb8;
	[tilespmem:$0x1E200] =	vst v63  }
0x2d8: {  	_ = 	snop  }
0x2d9: {  	[tilespmem:s10], [sflag:$0x4] =	stream.indirect_vreg.gather [hbm4b:s1+s5], $0x80, v3, vm0, $0xb8;
	[tilespmem:$0x1E200] =	vst v63  }
0x2da: {  	s8 =	simm.s32 $0x14200  }
0x2db: {  	[tilespmem:s8], [sflag:$0x4] =	stream.indirect_vreg.gather [hbm4b:s24+s5], $0x80, v3, vm0, $0xb8;
	[tilespmem:$0x1E200] =	vst v63  }
0x2dc: {  	s10 =	simm.s32 $0x14A00  }
0x2dd: {  	[tilespmem:s10], [sflag:$0x4] =	stream.indirect_vreg.gather [hbm4b:s26+s5], $0x80, v3, vm0, $0xb8;
	[tilespmem:$0x1E200] =	vst v63  }
0x2de: {  	v3 =	vld [tilespmem:$0x1F0];
	_ =	sdelay $0x4  }
0x2df: {  	v4 =	vshrl.u32 v3, $0x3  }
0x2e0: {  	v4 =	vmul.u32 $0x30, v4  }
0x2e1: {  	v3 =	vand.u32 $0x7, v3  }
0x2e2: {  	v3 =	vor.u32 v3, v4  }
0x2e3: {  	v4 =	vperm.xlane v3, v0;
	_ =	sdelay $0x1  }
0x2e4: {  	v4 =	vadd.s32 v1, v4;
	_ =	sdelay $0x3  }
0x2e5: {  	v3 =	vperm.xlane v3, v2  }
0x2e6: {  	[tilespmem:s16], [sflag:$0x4] =	stream.indirect_vreg.gather [hbm4b:s1+s5], $0x80, v4, vm0, $0xb8;
	[tilespmem:$0x1E200] =	vst v63  }
0x2e7: {  	s12 =	simm.s32 $0x15A00;
	v3 =	vadd.s32 v1, v3  }
0x2e8: {  	[tilespmem:s12], [sflag:$0x4] =	stream.indirect_vreg.gather [hbm4b:s24+s5], $0x80, v4, vm0, $0xb8;
	[tilespmem:$0x1E200] =	vst v63  }
0x2e9: {  	s15 =	simm.s32 $0x16200  }
0x2ea: {  	[tilespmem:s15], [sflag:$0x4] =	stream.indirect_vreg.gather [hbm4b:s26+s5], $0x80, v4, vm0, $0xb8;
	[tilespmem:$0x1E200] =	vst v63  }
0x2eb: {  	_ = 	snop  }
0x2ec: {  	[tilespmem:s19], [sflag:$0x4] =	stream.indirect_vreg.gather [hbm4b:s1+s5], $0x80, v3, vm0, $0xb8;
	[tilespmem:$0x1E200] =	vst v63  }
0x2ed: {  	s16 =	simm.s32 $0x17200  }
0x2ee: {  	[tilespmem:s16], [sflag:$0x4] =	stream.indirect_vreg.gather [hbm4b:s24+s5], $0x80, v3, vm0, $0xb8;
	[tilespmem:$0x1E200] =	vst v63  }
0x2ef: {  	s18 =	simm.s32 $0x17A00  }
0x2f0: {  	[tilespmem:s18], [sflag:$0x4] =	stream.indirect_vreg.gather [hbm4b:s26+s5], $0x80, v3, vm0, $0xb8;
	[tilespmem:$0x1E200] =	vst v63  }
0x2f1: {  	s20 =	simm.s32 $0x1CA00;
	s19 =	rddreg [dreg:$0x14]  }
0x2f2: {  	[tilespmem:s20], [sflag:$0x4] =	stream.linear.gather [hbm4b:s19+s5], $0x1800, $0x38;
	[tilespmem:$0x1E200] =	vst v63  }
0x2f3: {  	_ =	swait.ge [sflag:s25], $0x6000  }
0x2f4: {  	[sflag:s25] =	ssyncset.done $0x0  }
0x2f5: {  	[sflag:s25] =	ssyncadd.s32 $0xFFFFA000  }
0x2f6: {  	s6 =	sand.u32 $0x70, s5;
	s21 =	sand.u32 $0x1C00, s5;
	_ =	swait.ge [sflag:s25], $0x1800  }
0x2f7: {  	s18 =	sor.u32 s21, s6;
	s5 =	sand.u32 $0x300, s5;
	[sflag:s25] =	ssyncset.done $0x0  }
0x2f8: {  	s19 =	simm.s32 $0x0;
	s15 =	sor.u32 s5, s18;
	[sflag:s25] =	ssyncadd.s32 $0xFFFFE800  }
0x2f9: {  	s20 =	sand.u32 $0x6, s19;
	v3 =	vld [tilespmem:s15+$0x18280]  }
0x2fa: {  	s8 =	sshll.u32 s20, $0x7;
	v4 =	vld [tilespmem:s15+$0x280]  }
0x2fb: {  	s8 =	sor.u32 s8, s21  }
0x2fc: {  	s19 =	sor.u32 s6, s8  }
0x2fd: {  	v5 =	vld [tilespmem:s19+$0x18200]  }
0x2fe: {  	s16 =	simm.s32 $0x20;
	v8 =	vld [tilespmem:s19+$0x200]  }
0x2ff: {  	s31 =	simm.s32 $0x2;
	s28 =	sand.u32 $0x1C00, s16;
	s18 =	simm.s32 $0x4;
	v10 =	vld [tilespmem:s19+$0x1A00];
	v4 =	vadd.f32 v4, v3  }
0x300: {  	s10 =	sor.u32 s5, s21;
	s13 =	sand.u32 $0x70, s18;
	s8 =	simm.s32 $0x100;
	v63 =	vld [tilespmem:s19+$0x3200]  }
0x301: {  	s12 =	sor.u32 s6, s10;
	s21 =	sor.u32 s28, s13;
	s5 =	sand.u32 $0x300, s8;
	v6 =	vld [tilespmem:s19+$0x4A00];
	[tilespmem:s15+$0x280] =	vst v4  }
0x302: {  	s20 =	sand.u32 $0x6, s31;
	s21 =	sor.u32 s5, s21;
	v7 =	vld [tilespmem:s12+$0x4A80]  }
0x303: {  	s6 =	sshll.u32 s20, $0x7;
	v9 =	vld [tilespmem:s21+$0x280];
	v8 =	vadd.f32 v8, v5  }
0x304: {  	s6 =	sor.u32 s6, s28;
	v11 =	vadd.f32 v10, v5;
	v4 =	vld [tilespmem:s21+$0x18280]  }
0x305: {  	s30 =	sor.u32 s13, s6;
	v10 =	vadd.f32 v63, v5;
	[tilespmem:s19+$0x200] =	vst v8;
	v8 =	vld [tilespmem:s12+$0x1A80]  }
.LBB2_10:
0x306: {  	s31 =	sadd.s32 $0x2, s31;
	[tilespmem:s19+$0x1A00] =	vst v11;
	v6 =	vadd.f32 v6, v5;
	v11 =	vld [tilespmem:s12+$0x3280]  }
0x307: {  	s8 =	sadd.s32 $0x100, s8;
	s6 =	sand.u32 $0x6, s31;
	v5 =	vld [tilespmem:s30+$0x18200];
	[tilespmem:s19+$0x3200] =	vst v10;
	v7 =	vadd.f32 v7, v3  }
0x308: {  	s18 =	sadd.s32 $0x4, s18;
	s6 =	sshll.u32 s6, $0x7;
	v10 =	vld [tilespmem:s30+$0x200];
	[tilespmem:s19+$0x4A00] =	vst v6;
	s19 =	smov.u32 s30  }
0x309: {  	s16 =	sadd.s32 $0x20, s16;
	s15 =	sor.u32 s5, s28;
	s10 =	sand.u32 $0x70, s18;
	v12 =	vld [tilespmem:s19+$0x1A00];
	v9 =	vadd.f32 v9, v4;
	[tilespmem:s12+$0x4A80] =	vst v7  }
0x30a: {  	s28 =	sand.u32 $0x1C00, s16;
	s5 =	sand.u32 $0x300, s8;
	p0 =	slt.u32 s31, $0x17E;
	v13 =	vld [tilespmem:s19+$0x3200];
	v8 =	vadd.f32 v8, v3  }
.Ltmp4:
0x30b: {  	s15 =	sor.u32 s13, s15;
	s20 =	sor.u32 s28, s10;
	v6 =	vld [tilespmem:s19+$0x4A00];
	[tilespmem:s21+$0x280] =	vst v9;
	v9 =	vadd.f32 v11, v3;
	(pc) =	sbr.rel @p0 .LBB2_10-.Ltmp4, $4  }
0x30c: {  	s6 =	sor.u32 s6, s28;
	s21 =	sor.u32 s5, s20;
	v3 =	vmov v4;
	v7 =	vld [tilespmem:s15+$0x4A80];
	[tilespmem:s12+$0x1A80] =	vst v8  }
0x30d: {  	s13 =	smov.u32 s10;
	s30 =	sor.u32 s10, s6;
	v4 =	vld [tilespmem:s21+$0x18280];
	v8 =	vadd.f32 v10, v5;
	[tilespmem:s12+$0x3280] =	vst v9;
	s12 =	smov.u32 s15  }
0x30e: {  	v9 =	vld [tilespmem:s21+$0x280];
	v11 =	vadd.f32 v12, v5  }
0x30f: {  	[tilespmem:s19+$0x200] =	vst v8;
	v10 =	vadd.f32 v13, v5;
	v8 =	vld [tilespmem:s12+$0x1A80]  }
0x310: {  	v12 =	vld [tilespmem:s12+$0x3280]  }
0x311: {  	v13 =	vld [tilespmem:s30+$0x18200]  }
0x312: {  	[tilespmem:s19+$0x1A00] =	vst v11;
	v5 =	vadd.f32 v6, v5;
	v6 =	vld [tilespmem:s30+$0x200]  }
0x313: {  	[tilespmem:s19+$0x3200] =	vst v10;
	v10 =	vld [tilespmem:s30+$0x1A00];
	v9 =	vadd.f32 v9, v4  }
0x314: {  	s5 =	sor.u32 s5, s28;
	v7 =	vadd.f32 v7, v3;
	[tilespmem:s19+$0x4A00] =	vst v5;
	v5 =	vld [tilespmem:s30+$0x3200]  }
0x315: {  	s5 =	sor.u32 s13, s5;
	v8 =	vadd.f32 v8, v3;
	[tilespmem:s21+$0x280] =	vst v9;
	v9 =	vld [tilespmem:s30+$0x4A00]  }
0x316: {  	[tilespmem:s12+$0x4A80] =	vst v7;
	v3 =	vadd.f32 v12, v3;
	v7 =	vld [tilespmem:s5+$0x4A80]  }
0x317: {  	v6 =	vadd.f32 v6, v13;
	[tilespmem:s12+$0x1A80] =	vst v8;
	v8 =	vld [tilespmem:s5+$0x1A80]  }
0x318: {  	[tilespmem:s12+$0x3280] =	vst v3;
	v3 =	vadd.f32 v10, v13;
	v10 =	vld [tilespmem:s5+$0x3280]  }
0x319: {  	[tilespmem:s30+$0x200] =	vst v6;
	v5 =	vadd.f32 v5, v13  }
0x31a: {  	[tilespmem:s30+$0x1A00] =	vst v3;
	v3 =	vadd.f32 v9, v13  }
0x31b: {  	[tilespmem:s30+$0x3200] =	vst v5;
	v5 =	vadd.f32 v7, v4  }
0x31c: {  	[tilespmem:s30+$0x4A00] =	vst v3;
	v3 =	vadd.f32 v8, v4  }
0x31d: {  	v4 =	vadd.f32 v10, v4;
	[tilespmem:s5+$0x4A80] =	vst v5  }
0x31e: {  	[tilespmem:s5+$0x1A80] =	vst v3  }
0x31f: {  	[tilespmem:s5+$0x3280] =	vst v4  }
0x320: {  	s6 =	rddreg [dreg:$0x15]  }
0x321: {  	s8 =	simm.s32 $0x200;
	s21 =	simm.s32 $0x0;
	s12 =	sld [smem:$0x7F2]  }
0x322: {  	[hbm4b:s6+s21] =	stream.linear.scatter [tilespmem:s8], [sflag:$0x5], $0x1800, $0x38;
	[tilespmem:$0x1E200] =	vst v63  }
0x323: {  	s13 =	simm.s32 $0x1A00;
	s15 =	sld [smem:$0x7F3]  }
0x324: {  	[hbm4b:s12+s21] =	stream.linear.scatter [tilespmem:s13], [sflag:$0x5], $0x1800, $0x38;
	[tilespmem:$0x1E200] =	vst v63  }
0x325: {  	s16 =	simm.s32 $0x3200;
	s18 =	sld [smem:$0x7F4]  }
0x326: {  	[hbm4b:s15+s21] =	stream.linear.scatter [tilespmem:s16], [sflag:$0x5], $0x1800, $0x38;
	[tilespmem:$0x1E200] =	vst v63  }
0x327: {  	s19 =	simm.s32 $0x4A00  }
0x328: {  	[hbm4b:s18+s21] =	stream.linear.scatter [tilespmem:s19], [sflag:$0x5], $0x1800, $0x38;
	[tilespmem:$0x1E200] =	vst v63  }
0x329: {  	_ =	swait.ge [sflag:s23], $0x6000  }
0x32a: {  	[sflag:s23] =	ssyncset.done $0x0  }
0x32b: {  	[sflag:s23] =	ssyncadd.s32 $0xFFFFA000  }
0x32c: {  	s10 =	sand.u32 $0x1C00, s21;
	s6 =	sand.u32 $0x70, s21;
	_ =	swait.ge [sflag:s23], $0x1800  }
0x32d: {  	s5 =	sand.u32 $0x300, s21;
	s20 =	sor.u32 s10, s6;
	[sflag:s23] =	ssyncset.done $0x0  }
0x32e: {  	s15 =	sor.u32 s5, s20;
	s21 =	simm.s32 $0x0;
	[sflag:s23] =	ssyncadd.s32 $0xFFFFE800  }
0x32f: {  	s13 =	sand.u32 $0x6, s21;
	v3 =	vld [tilespmem:s15+$0x19A80]  }
0x330: {  	s8 =	sshll.u32 s13, $0x7;
	v4 =	vld [tilespmem:s15+$0x6280]  }
0x331: {  	s8 =	sor.u32 s8, s10  }
0x332: {  	s19 =	sor.u32 s6, s8  }
0x333: {  	v5 =	vld [tilespmem:s19+$0x19A00]  }
0x334: {  	s16 =	simm.s32 $0x20;
	v8 =	vld [tilespmem:s19+$0x6200]  }
0x335: {  	s31 =	simm.s32 $0x2;
	s28 =	sand.u32 $0x1C00, s16;
	s18 =	simm.s32 $0x4;
	v10 =	vld [tilespmem:s19+$0x7A00];
	v4 =	vadd.f32 v4, v3  }
0x336: {  	s13 =	sand.u32 $0x70, s18;
	s10 =	sor.u32 s5, s10;
	s8 =	simm.s32 $0x100;
	v63 =	vld [tilespmem:s19+$0x9200]  }
0x337: {  	s20 =	sor.u32 s28, s13;
	s12 =	sor.u32 s6, s10;
	s5 =	sand.u32 $0x300, s8;
	v6 =	vld [tilespmem:s19+$0xAA00];
	[tilespmem:s15+$0x6280] =	vst v4  }
0x338: {  	s21 =	sor.u32 s5, s20;
	s15 =	sand.u32 $0x6, s31;
	v7 =	vld [tilespmem:s12+$0xAA80]  }
0x339: {  	v9 =	vld [tilespmem:s21+$0x6280];
	v8 =	vadd.f32 v8, v5;
	s6 =	sshll.u32 s15, $0x7  }
0x33a: {  	v11 =	vadd.f32 v10, v5;
	v4 =	vld [tilespmem:s21+$0x19A80];
	s6 =	sor.u32 s6, s28  }
0x33b: {  	v10 =	vadd.f32 v63, v5;
	[tilespmem:s19+$0x6200] =	vst v8;
	v8 =	vld [tilespmem:s12+$0x7A80];
	s30 =	sor.u32 s13, s6  }
.LBB2_12:
0x33c: {  	s31 =	sadd.s32 $0x2, s31;
	[tilespmem:s19+$0x7A00] =	vst v11;
	v6 =	vadd.f32 v6, v5;
	v11 =	vld [tilespmem:s12+$0x9280]  }
0x33d: {  	s8 =	sadd.s32 $0x100, s8;
	s6 =	sand.u32 $0x6, s31;
	v5 =	vld [tilespmem:s30+$0x19A00];
	[tilespmem:s19+$0x9200] =	vst v10;
	v7 =	vadd.f32 v7, v3  }
0x33e: {  	s18 =	sadd.s32 $0x4, s18;
	s6 =	sshll.u32 s6, $0x7;
	v10 =	vld [tilespmem:s30+$0x6200];
	[tilespmem:s19+$0xAA00] =	vst v6;
	s19 =	smov.u32 s30  }
0x33f: {  	s16 =	sadd.s32 $0x20, s16;
	s15 =	sor.u32 s5, s28;
	s10 =	sand.u32 $0x70, s18;
	v12 =	vld [tilespmem:s19+$0x7A00];
	v9 =	vadd.f32 v9, v4;
	[tilespmem:s12+$0xAA80] =	vst v7  }
0x340: {  	s28 =	sand.u32 $0x1C00, s16;
	s5 =	sand.u32 $0x300, s8;
	p0 =	slt.u32 s31, $0x17E;
	v13 =	vld [tilespmem:s19+$0x9200];
	v8 =	vadd.f32 v8, v3  }
.Ltmp5:
0x341: {  	s15 =	sor.u32 s13, s15;
	s20 =	sor.u32 s28, s10;
	v6 =	vld [tilespmem:s19+$0xAA00];
	[tilespmem:s21+$0x6280] =	vst v9;
	v9 =	vadd.f32 v11, v3;
	(pc) =	sbr.rel @p0 .LBB2_12-.Ltmp5, $4  }
0x342: {  	s6 =	sor.u32 s6, s28;
	s21 =	sor.u32 s5, s20;
	v3 =	vmov v4;
	v7 =	vld [tilespmem:s15+$0xAA80];
	[tilespmem:s12+$0x7A80] =	vst v8  }
0x343: {  	s13 =	smov.u32 s10;
	s30 =	sor.u32 s10, s6;
	v4 =	vld [tilespmem:s21+$0x19A80];
	v8 =	vadd.f32 v10, v5;
	[tilespmem:s12+$0x9280] =	vst v9;
	s12 =	smov.u32 s15  }
0x344: {  	v9 =	vld [tilespmem:s21+$0x6280];
	v11 =	vadd.f32 v12, v5  }
0x345: {  	[tilespmem:s19+$0x6200] =	vst v8;
	v10 =	vadd.f32 v13, v5;
	v8 =	vld [tilespmem:s12+$0x7A80]  }
0x346: {  	v12 =	vld [tilespmem:s12+$0x9280]  }
0x347: {  	v13 =	vld [tilespmem:s30+$0x19A00]  }
0x348: {  	[tilespmem:s19+$0x7A00] =	vst v11;
	v5 =	vadd.f32 v6, v5;
	v6 =	vld [tilespmem:s30+$0x6200]  }
0x349: {  	[tilespmem:s19+$0x9200] =	vst v10;
	v10 =	vld [tilespmem:s30+$0x7A00];
	v9 =	vadd.f32 v9, v4  }
0x34a: {  	s5 =	sor.u32 s5, s28;
	v7 =	vadd.f32 v7, v3;
	[tilespmem:s19+$0xAA00] =	vst v5;
	v5 =	vld [tilespmem:s30+$0x9200]  }
0x34b: {  	s5 =	sor.u32 s13, s5;
	v8 =	vadd.f32 v8, v3;
	[tilespmem:s21+$0x6280] =	vst v9;
	v9 =	vld [tilespmem:s30+$0xAA00]  }
0x34c: {  	[tilespmem:s12+$0xAA80] =	vst v7;
	v3 =	vadd.f32 v12, v3;
	v7 =	vld [tilespmem:s5+$0xAA80]  }
0x34d: {  	v6 =	vadd.f32 v6, v13;
	[tilespmem:s12+$0x7A80] =	vst v8;
	v8 =	vld [tilespmem:s5+$0x7A80]  }
0x34e: {  	[tilespmem:s12+$0x9280] =	vst v3;
	v3 =	vadd.f32 v10, v13;
	v10 =	vld [tilespmem:s5+$0x9280]  }
0x34f: {  	[tilespmem:s30+$0x6200] =	vst v6;
	v5 =	vadd.f32 v5, v13  }
0x350: {  	[tilespmem:s30+$0x7A00] =	vst v3;
	v3 =	vadd.f32 v9, v13  }
0x351: {  	[tilespmem:s30+$0x9200] =	vst v5;
	v5 =	vadd.f32 v7, v4  }
0x352: {  	[tilespmem:s30+$0xAA00] =	vst v3;
	v3 =	vadd.f32 v8, v4  }
0x353: {  	v4 =	vadd.f32 v10, v4;
	[tilespmem:s5+$0xAA80] =	vst v5  }
0x354: {  	[tilespmem:s5+$0x7A80] =	vst v3  }
0x355: {  	[tilespmem:s5+$0x9280] =	vst v4  }
0x356: {  	s6 =	rddreg [dreg:$0x16]  }
0x357: {  	s8 =	simm.s32 $0x6200;
	s21 =	simm.s32 $0x0;
	s12 =	sld [smem:$0x7F5]  }
0x358: {  	[hbm4b:s6+s21] =	stream.linear.scatter [tilespmem:s8], [sflag:$0x6], $0x1800, $0x38;
	[tilespmem:$0x1E200] =	vst v63  }
0x359: {  	s13 =	simm.s32 $0x7A00;
	s15 =	sld [smem:$0x7F6]  }
0x35a: {  	[hbm4b:s12+s21] =	stream.linear.scatter [tilespmem:s13], [sflag:$0x6], $0x1800, $0x38;
	[tilespmem:$0x1E200] =	vst v63  }
0x35b: {  	s16 =	simm.s32 $0x9200;
	s18 =	sld [smem:$0x7F7]  }
0x35c: {  	[hbm4b:s15+s21] =	stream.linear.scatter [tilespmem:s16], [sflag:$0x6], $0x1800, $0x38;
	[tilespmem:$0x1E200] =	vst v63  }
0x35d: {  	s19 =	simm.s32 $0xAA00  }
0x35e: {  	[hbm4b:s18+s21] =	stream.linear.scatter [tilespmem:s19], [sflag:$0x6], $0x1800, $0x38;
	[tilespmem:$0x1E200] =	vst v63  }
0x35f: {  	_ =	swait.ge [sflag:s0], $0x6000  }
0x360: {  	[sflag:s0] =	ssyncset.done $0x0  }
0x361: {  	[sflag:s0] =	ssyncadd.s32 $0xFFFFA000  }
0x362: {  	s10 =	sand.u32 $0x1C00, s21;
	s6 =	sand.u32 $0x70, s21;
	_ =	swait.ge [sflag:s0], $0x1800  }
0x363: {  	s5 =	sand.u32 $0x300, s21;
	s20 =	sor.u32 s10, s6;
	[sflag:s0] =	ssyncset.done $0x0  }
0x364: {  	s15 =	sor.u32 s5, s20;
	s21 =	simm.s32 $0x0;
	[sflag:s0] =	ssyncadd.s32 $0xFFFFE800  }
0x365: {  	s13 =	sand.u32 $0x6, s21;
	v3 =	vld [tilespmem:s15+$0x1B280]  }
0x366: {  	s8 =	sshll.u32 s13, $0x7;
	v4 =	vld [tilespmem:s15+$0xC280]  }
0x367: {  	s8 =	sor.u32 s8, s10  }
0x368: {  	s19 =	sor.u32 s6, s8  }
0x369: {  	v5 =	vld [tilespmem:s19+$0x1B200]  }
0x36a: {  	s16 =	simm.s32 $0x20;
	v8 =	vld [tilespmem:s19+$0xC200]  }
0x36b: {  	s31 =	simm.s32 $0x2;
	s28 =	sand.u32 $0x1C00, s16;
	s18 =	simm.s32 $0x4;
	v10 =	vld [tilespmem:s19+$0xDA00];
	v4 =	vadd.f32 v4, v3  }
0x36c: {  	s13 =	sand.u32 $0x70, s18;
	s10 =	sor.u32 s5, s10;
	s8 =	simm.s32 $0x100;
	v63 =	vld [tilespmem:s19+$0xF200]  }
0x36d: {  	s20 =	sor.u32 s28, s13;
	s12 =	sor.u32 s6, s10;
	s5 =	sand.u32 $0x300, s8;
	v6 =	vld [tilespmem:s19+$0x10A00];
	[tilespmem:s15+$0xC280] =	vst v4  }
0x36e: {  	s21 =	sor.u32 s5, s20;
	s15 =	sand.u32 $0x6, s31;
	v7 =	vld [tilespmem:s12+$0x10A80]  }
0x36f: {  	v9 =	vld [tilespmem:s21+$0xC280];
	v8 =	vadd.f32 v8, v5;
	s6 =	sshll.u32 s15, $0x7  }
0x370: {  	v11 =	vadd.f32 v10, v5;
	v4 =	vld [tilespmem:s21+$0x1B280];
	s6 =	sor.u32 s6, s28  }
0x371: {  	v10 =	vadd.f32 v63, v5;
	[tilespmem:s19+$0xC200] =	vst v8;
	v8 =	vld [tilespmem:s12+$0xDA80];
	s30 =	sor.u32 s13, s6  }
.LBB2_14:
0x372: {  	s31 =	sadd.s32 $0x2, s31;
	[tilespmem:s19+$0xDA00] =	vst v11;
	v6 =	vadd.f32 v6, v5;
	v11 =	vld [tilespmem:s12+$0xF280]  }
0x373: {  	s8 =	sadd.s32 $0x100, s8;
	s6 =	sand.u32 $0x6, s31;
	v5 =	vld [tilespmem:s30+$0x1B200];
	[tilespmem:s19+$0xF200] =	vst v10;
	v7 =	vadd.f32 v7, v3  }
0x374: {  	s18 =	sadd.s32 $0x4, s18;
	s6 =	sshll.u32 s6, $0x7;
	v10 =	vld [tilespmem:s30+$0xC200];
	[tilespmem:s19+$0x10A00] =	vst v6;
	s19 =	smov.u32 s30  }
0x375: {  	s16 =	sadd.s32 $0x20, s16;
	s15 =	sor.u32 s5, s28;
	s10 =	sand.u32 $0x70, s18;
	v12 =	vld [tilespmem:s19+$0xDA00];
	v9 =	vadd.f32 v9, v4;
	[tilespmem:s12+$0x10A80] =	vst v7  }
0x376: {  	s28 =	sand.u32 $0x1C00, s16;
	s5 =	sand.u32 $0x300, s8;
	p0 =	slt.u32 s31, $0x17E;
	v13 =	vld [tilespmem:s19+$0xF200];
	v8 =	vadd.f32 v8, v3  }
.Ltmp6:
0x377: {  	s15 =	sor.u32 s13, s15;
	s20 =	sor.u32 s28, s10;
	v6 =	vld [tilespmem:s19+$0x10A00];
	[tilespmem:s21+$0xC280] =	vst v9;
	v9 =	vadd.f32 v11, v3;
	(pc) =	sbr.rel @p0 .LBB2_14-.Ltmp6, $4  }
0x378: {  	s6 =	sor.u32 s6, s28;
	s21 =	sor.u32 s5, s20;
	v3 =	vmov v4;
	v7 =	vld [tilespmem:s15+$0x10A80];
	[tilespmem:s12+$0xDA80] =	vst v8  }
0x379: {  	s13 =	smov.u32 s10;
	s30 =	sor.u32 s10, s6;
	v4 =	vld [tilespmem:s21+$0x1B280];
	v8 =	vadd.f32 v10, v5;
	[tilespmem:s12+$0xF280] =	vst v9;
	s12 =	smov.u32 s15  }
0x37a: {  	v9 =	vld [tilespmem:s21+$0xC280];
	v11 =	vadd.f32 v12, v5  }
0x37b: {  	[tilespmem:s19+$0xC200] =	vst v8;
	v10 =	vadd.f32 v13, v5;
	v8 =	vld [tilespmem:s12+$0xDA80]  }
0x37c: {  	v12 =	vld [tilespmem:s12+$0xF280]  }
0x37d: {  	v13 =	vld [tilespmem:s30+$0x1B200]  }
0x37e: {  	[tilespmem:s19+$0xDA00] =	vst v11;
	v5 =	vadd.f32 v6, v5;
	v6 =	vld [tilespmem:s30+$0xC200]  }
0x37f: {  	[tilespmem:s19+$0xF200] =	vst v10;
	v10 =	vld [tilespmem:s30+$0xDA00];
	v9 =	vadd.f32 v9, v4  }
0x380: {  	s5 =	sor.u32 s5, s28;
	v7 =	vadd.f32 v7, v3;
	[tilespmem:s19+$0x10A00] =	vst v5;
	v5 =	vld [tilespmem:s30+$0xF200]  }
0x381: {  	s5 =	sor.u32 s13, s5;
	v8 =	vadd.f32 v8, v3;
	[tilespmem:s21+$0xC280] =	vst v9;
	v9 =	vld [tilespmem:s30+$0x10A00]  }
0x382: {  	[tilespmem:s12+$0x10A80] =	vst v7;
	v3 =	vadd.f32 v12, v3;
	v7 =	vld [tilespmem:s5+$0x10A80]  }
0x383: {  	v6 =	vadd.f32 v6, v13;
	[tilespmem:s12+$0xDA80] =	vst v8;
	v8 =	vld [tilespmem:s5+$0xDA80]  }
0x384: {  	[tilespmem:s12+$0xF280] =	vst v3;
	v3 =	vadd.f32 v10, v13;
	v10 =	vld [tilespmem:s5+$0xF280]  }
0x385: {  	[tilespmem:s30+$0xC200] =	vst v6;
	v5 =	vadd.f32 v5, v13  }
0x386: {  	[tilespmem:s30+$0xDA00] =	vst v3;
	v3 =	vadd.f32 v9, v13  }
0x387: {  	[tilespmem:s30+$0xF200] =	vst v5;
	v5 =	vadd.f32 v7, v4  }
0x388: {  	[tilespmem:s30+$0x10A00] =	vst v3;
	v3 =	vadd.f32 v8, v4  }
0x389: {  	v4 =	vadd.f32 v10, v4;
	[tilespmem:s5+$0x10A80] =	vst v5  }
0x38a: {  	[tilespmem:s5+$0xDA80] =	vst v3  }
0x38b: {  	[tilespmem:s5+$0xF280] =	vst v4  }
0x38c: {  	s6 =	rddreg [dreg:$0x17]  }
0x38d: {  	s15 =	simm.s32 $0x0;
	s8 =	simm.s32 $0xC200;
	s16 =	sld [smem:$0x7F8]  }
0x38e: {  	[hbm4b:s6+s15] =	stream.linear.scatter [tilespmem:s8], [sflag:$0x7], $0x1800, $0x38;
	[tilespmem:$0x1E200] =	vst v63  }
0x38f: {  	s18 =	sld [smem:$0x7F9]  }
0x390: {  	[hbm4b:s16+s15] =	stream.linear.scatter [tilespmem:s29], [sflag:$0x7], $0x1800, $0x38;
	[tilespmem:$0x1E200] =	vst v63  }
0x391: {  	s19 =	sld [smem:$0x7FA]  }
0x392: {  	[hbm4b:s18+s15] =	stream.linear.scatter [tilespmem:s7], [sflag:$0x7], $0x1800, $0x38;
	[tilespmem:$0x1E200] =	vst v63  }
0x393: {  	_ = 	snop  }
0x394: {  	[hbm4b:s19+s15] =	stream.linear.scatter [tilespmem:s14], [sflag:$0x7], $0x1800, $0x38;
	[tilespmem:$0x1E200] =	vst v63  }
0x395: {  	_ =	swait.ge [sflag:s11], $0x6000  }
0x396: {  	[sflag:s11] =	ssyncset.done $0x0  }
0x397: {  	[sflag:s11] =	ssyncadd.s32 $0xFFFFA000  }
0x398: {  	s10 =	sand.u32 $0x1C00, s15;
	s6 =	sand.u32 $0x70, s15;
	_ =	swait.ge [sflag:s11], $0x1800  }
0x399: {  	s5 =	sand.u32 $0x300, s15;
	s20 =	sor.u32 s10, s6;
	[sflag:s11] =	ssyncset.done $0x0  }
0x39a: {  	s21 =	simm.s32 $0x0;
	s15 =	sor.u32 s5, s20;
	[sflag:s11] =	ssyncadd.s32 $0xFFFFE800  }
0x39b: {  	s13 =	sand.u32 $0x6, s21;
	v3 =	vld [tilespmem:s15+$0x1CA80]  }
0x39c: {  	s8 =	sshll.u32 s13, $0x7;
	v4 =	vld [tilespmem:s15+$0x12280]  }
0x39d: {  	s8 =	sor.u32 s8, s10  }
0x39e: {  	s19 =	sor.u32 s6, s8  }
0x39f: {  	v5 =	vld [tilespmem:s19+$0x1CA00]  }
0x3a0: {  	s31 =	simm.s32 $0x2;
	v8 =	vld [tilespmem:s19+$0x12200]  }
0x3a1: {  	s10 =	sor.u32 s5, s10;
	s16 =	simm.s32 $0x20;
	s18 =	simm.s32 $0x4;
	v10 =	vld [tilespmem:s19+$0x13A00];
	v4 =	vadd.f32 v4, v3  }
0x3a2: {  	s28 =	sand.u32 $0x1C00, s16;
	s13 =	sand.u32 $0x70, s18;
	s8 =	simm.s32 $0x100;
	v63 =	vld [tilespmem:s19+$0x15200]  }
0x3a3: {  	s12 =	sor.u32 s6, s10;
	s20 =	sor.u32 s28, s13;
	s5 =	sand.u32 $0x300, s8;
	v6 =	vld [tilespmem:s19+$0x16A00];
	[tilespmem:s15+$0x12280] =	vst v4  }
0x3a4: {  	s21 =	sor.u32 s5, s20;
	s15 =	sand.u32 $0x6, s31;
	v7 =	vld [tilespmem:s12+$0x16A80]  }
0x3a5: {  	v9 =	vld [tilespmem:s21+$0x12280];
	v8 =	vadd.f32 v8, v5;
	s6 =	sshll.u32 s15, $0x7  }
0x3a6: {  	v11 =	vadd.f32 v10, v5;
	v4 =	vld [tilespmem:s21+$0x1CA80];
	s6 =	sor.u32 s6, s28  }
0x3a7: {  	v10 =	vadd.f32 v63, v5;
	[tilespmem:s19+$0x12200] =	vst v8;
	v8 =	vld [tilespmem:s12+$0x13A80];
	s30 =	sor.u32 s13, s6  }
.LBB2_16:
0x3a8: {  	s31 =	sadd.s32 $0x2, s31;
	[tilespmem:s19+$0x13A00] =	vst v11;
	v6 =	vadd.f32 v6, v5;
	v11 =	vld [tilespmem:s12+$0x15280]  }
0x3a9: {  	s8 =	sadd.s32 $0x100, s8;
	s6 =	sand.u32 $0x6, s31;
	v5 =	vld [tilespmem:s30+$0x1CA00];
	[tilespmem:s19+$0x15200] =	vst v10;
	v7 =	vadd.f32 v7, v3  }
0x3aa: {  	s18 =	sadd.s32 $0x4, s18;
	s6 =	sshll.u32 s6, $0x7;
	v10 =	vld [tilespmem:s30+$0x12200];
	[tilespmem:s19+$0x16A00] =	vst v6;
	s19 =	smov.u32 s30  }
0x3ab: {  	s16 =	sadd.s32 $0x20, s16;
	s15 =	sor.u32 s5, s28;
	s10 =	sand.u32 $0x70, s18;
	v12 =	vld [tilespmem:s19+$0x13A00];
	v9 =	vadd.f32 v9, v4;
	[tilespmem:s12+$0x16A80] =	vst v7  }
0x3ac: {  	s28 =	sand.u32 $0x1C00, s16;
	s5 =	sand.u32 $0x300, s8;
	p0 =	slt.u32 s31, $0x17E;
	v13 =	vld [tilespmem:s19+$0x15200];
	v8 =	vadd.f32 v8, v3  }
.Ltmp7:
0x3ad: {  	s15 =	sor.u32 s13, s15;
	s20 =	sor.u32 s28, s10;
	v6 =	vld [tilespmem:s19+$0x16A00];
	[tilespmem:s21+$0x12280] =	vst v9;
	v9 =	vadd.f32 v11, v3;
	(pc) =	sbr.rel @p0 .LBB2_16-.Ltmp7, $4  }
0x3ae: {  	s6 =	sor.u32 s6, s28;
	s21 =	sor.u32 s5, s20;
	v3 =	vmov v4;
	v7 =	vld [tilespmem:s15+$0x16A80];
	[tilespmem:s12+$0x13A80] =	vst v8  }
0x3af: {  	s13 =	smov.u32 s10;
	s30 =	sor.u32 s10, s6;
	v4 =	vld [tilespmem:s21+$0x1CA80];
	v8 =	vadd.f32 v10, v5;
	[tilespmem:s12+$0x15280] =	vst v9;
	s12 =	smov.u32 s15  }
0x3b0: {  	v9 =	vld [tilespmem:s21+$0x12280];
	v11 =	vadd.f32 v12, v5  }
0x3b1: {  	[tilespmem:s19+$0x12200] =	vst v8;
	v10 =	vadd.f32 v13, v5;
	v8 =	vld [tilespmem:s12+$0x13A80]  }
0x3b2: {  	v12 =	vld [tilespmem:s12+$0x15280]  }
0x3b3: {  	v13 =	vld [tilespmem:s30+$0x1CA00]  }
0x3b4: {  	[tilespmem:s19+$0x13A00] =	vst v11;
	v5 =	vadd.f32 v6, v5;
	v55 =	vld [tilespmem:s30+$0x12200]  }
0x3b5: {  	v56 =	vld [tilespmem:s30+$0x13A00];
	[tilespmem:s19+$0x15200] =	vst v10;
	v9 =	vadd.f32 v9, v4  }
0x3b6: {  	v57 =	vld [tilespmem:s30+$0x15200];
	s5 =	sor.u32 s5, s28;
	v7 =	vadd.f32 v7, v3;
	[tilespmem:s19+$0x16A00] =	vst v5  }
0x3b7: {  	v58 =	vld [tilespmem:s30+$0x16A00];
	s5 =	sor.u32 s13, s5;
	v8 =	vadd.f32 v8, v3;
	[tilespmem:s21+$0x12280] =	vst v9  }
0x3b8: {  	[tilespmem:s12+$0x16A80] =	vst v7;
	v3 =	vadd.f32 v12, v3;
	v59 =	vld [tilespmem:s5+$0x16A80]  }
0x3b9: {  	v6 =	vadd.f32 v55, v13;
	[tilespmem:s12+$0x13A80] =	vst v8;
	v60 =	vld [tilespmem:s5+$0x13A80]  }
0x3ba: {  	v61 =	vld [tilespmem:s5+$0x15280];
	[tilespmem:s12+$0x15280] =	vst v3;
	v3 =	vadd.f32 v56, v13  }
0x3bb: {  	v5 =	vadd.f32 v57, v13;
	[tilespmem:s30+$0x12200] =	vst v6  }
0x3bc: {  	[tilespmem:s30+$0x13A00] =	vst v3;
	v3 =	vadd.f32 v58, v13  }
0x3bd: {  	[tilespmem:s30+$0x15200] =	vst v5;
	v62 =	vadd.f32 v59, v4  }
0x3be: {  	[tilespmem:s30+$0x16A00] =	vst v3;
	v3 =	vadd.f32 v60, v4  }
0x3bf: {  	v63 =	vadd.f32 v61, v4;
	[tilespmem:s5+$0x16A80] =	vst v62  }
0x3c0: {  	[tilespmem:s5+$0x13A80] =	vst v3  }
0x3c1: {  	[tilespmem:s5+$0x15280] =	vst v63  }
0x3c2: {  	s5 =	rddreg [dreg:$0x18]  }
0x3c3: {  	s8 =	simm.s32 $0x12200;
	s21 =	sld [smem:$0x7FB]  }
0x3c4: {  	[hbm4b:s5+s3] =	stream.linear.scatter [tilespmem:s8], [sflag:$0x8], $0x1800, $0x38;
	[tilespmem:$0x1E200] =	vst v63  }
0x3c5: {  	s10 =	simm.s32 $0x13A00;
	s28 =	sld [smem:$0x7FC]  }
0x3c6: {  	[hbm4b:s21+s3] =	stream.linear.scatter [tilespmem:s10], [sflag:$0x8], $0x1800, $0x38;
	[tilespmem:$0x1E200] =	vst v63  }
0x3c7: {  	s12 =	simm.s32 $0x15200;
	s30 =	sld [smem:$0x7FD]  }
0x3c8: {  	[hbm4b:s28+s3] =	stream.linear.scatter [tilespmem:s12], [sflag:$0x8], $0x1800, $0x38;
	[tilespmem:$0x1E200] =	vst v63  }
0x3c9: {  	s13 =	simm.s32 $0x16A00  }
0x3ca: {  	[hbm4b:s30+s3] =	stream.linear.scatter [tilespmem:s13], [sflag:$0x8], $0x1800, $0x38;
	[tilespmem:$0x1E200] =	vst v63  }
0x3cb: {  	_ =	swait.ge [sflag:s22], $0x1800  }
0x3cc: {  	[sflag:s22] =	ssyncset.done $0x0  }
0x3cd: {  	[sflag:s22] =	ssyncadd.s32 $0xFFFFE800  }
0x3ce: {  	_ =	swait.ge [sflag:s22], $0x1800  }
0x3cf: {  	[sflag:s22] =	ssyncset.done $0x0  }
0x3d0: {  	[sflag:s22] =	ssyncadd.s32 $0xFFFFE800  }
0x3d1: {  	_ =	swait.ge [sflag:s22], $0x1800  }
0x3d2: {  	[sflag:s22] =	ssyncset.done $0x0  }
0x3d3: {  	[sflag:s22] =	ssyncadd.s32 $0xFFFFE800  }
0x3d4: {  	_ =	swait.ge [sflag:s22], $0x1800  }
0x3d5: {  	[sflag:s22] =	ssyncset.done $0x0  }
0x3d6: {  	[sflag:s22] =	ssyncadd.s32 $0xFFFFE800  }
0x3d7: {  	_ =	swait.ge [sflag:s2], $0x1800  }
0x3d8: {  	[sflag:s2] =	ssyncset.done $0x0  }
0x3d9: {  	[sflag:s2] =	ssyncadd.s32 $0xFFFFE800  }
0x3da: {  	_ =	swait.ge [sflag:s2], $0x1800  }
0x3db: {  	[sflag:s2] =	ssyncset.done $0x0  }
0x3dc: {  	[sflag:s2] =	ssyncadd.s32 $0xFFFFE800  }
0x3dd: {  	_ =	swait.ge [sflag:s2], $0x1800  }
0x3de: {  	[sflag:s2] =	ssyncset.done $0x0  }
0x3df: {  	[sflag:s2] =	ssyncadd.s32 $0xFFFFE800  }
0x3e0: {  	_ =	swait.ge [sflag:s2], $0x1800  }
0x3e1: {  	[sflag:s2] =	ssyncset.done $0x0  }
0x3e2: {  	[sflag:s2] =	ssyncadd.s32 $0xFFFFE800  }
0x3e3: {  	_ =	swait.ge [sflag:s9], $0x1800  }
0x3e4: {  	[sflag:s9] =	ssyncset.done $0x0  }
0x3e5: {  	[sflag:s9] =	ssyncadd.s32 $0xFFFFE800  }
0x3e6: {  	_ =	swait.ge [sflag:s9], $0x1800  }
0x3e7: {  	[sflag:s9] =	ssyncset.done $0x0  }
0x3e8: {  	[sflag:s9] =	ssyncadd.s32 $0xFFFFE800  }
0x3e9: {  	_ =	swait.ge [sflag:s9], $0x1800  }
0x3ea: {  	[sflag:s9] =	ssyncset.done $0x0  }
0x3eb: {  	[sflag:s9] =	ssyncadd.s32 $0xFFFFE800  }
0x3ec: {  	_ =	swait.ge [sflag:s9], $0x1800  }
0x3ed: {  	[sflag:s9] =	ssyncset.done $0x0  }
0x3ee: {  	[sflag:s9] =	ssyncadd.s32 $0xFFFFE800  }
0x3ef: {  	_ =	swait.ge [sflag:s17], $0x1800  }
0x3f0: {  	[sflag:s17] =	ssyncset.done $0x0  }
0x3f1: {  	[sflag:s17] =	ssyncadd.s32 $0xFFFFE800  }
0x3f2: {  	_ =	swait.ge [sflag:s17], $0x1800  }
0x3f3: {  	[sflag:s17] =	ssyncset.done $0x0  }
0x3f4: {  	[sflag:s17] =	ssyncadd.s32 $0xFFFFE800  }
0x3f5: {  	_ =	swait.ge [sflag:s17], $0x1800  }
0x3f6: {  	[sflag:s17] =	ssyncset.done $0x0  }
0x3f7: {  	[sflag:s17] =	ssyncadd.s32 $0xFFFFE800  }
0x3f8: {  	_ =	swait.ge [sflag:s17], $0x1800  }
0x3f9: {  	s4 =	sadd.s32 $0x1, s4;
	s31 =	rddreg [dreg:$0x19]  }
0x3fa: {  	p0 =	sne.s32 s4, s31  }
.Ltmp8:
0x3fb: {  	_ = 	snop;
	(pc) =	sbr.rel @p0 .LBB2_1-.Ltmp8, $3  }
0x3fc: {  	_ =	sdelay $0x1  }
0x3fd: {  	[sflag:s17] =	ssyncset.done $0x0  }
0x3fe: {  	[sflag:s17] =	ssyncadd.s32 $0xFFFFE800  }
0x3ff: {  	_ =	sfence.sel $0x180000  }
0x400: {  	[bflag:$0x0] =	sbarrier.arrive $0xFFFF  }
0x401: {  	_ =	strace $0x90000047  }
0x402: {  	s0 =	stileid.u32;
	[bflag:$0x2] =	sbarrier.arrive $0xFFFF  }
0x403: {  	p0 =	sne.s32 s0, $0x0;
	s0 =	rddreg [dreg:$0x4]  }
0x404: {  	s0 =	sadd.s32 @!p0 $0x100000, s0  }
0x405: {  	[sflag:s0] =	ssyncadd.tile.s32 @!p0 $0x1;
	_ =	shalt  }
.Lfunc_end2:
_tile_overlayer_lowered:
.L_overlay_start_2:
0x406: {  	(tag) =	ssettag $0x2  }
0x407: {  	s0 =	rddreg [dreg:$0x0];
	s2 =	stileid.u32  }
0x408: {  	s1 =	rddreg [dreg:$0x1];
	p0 =	sne.s32 s2, $0x0  }
0x409: {  	s3 =	rddreg [dreg:$0x2];
	[bflag:$0x3] =	sbarrier.arrive $0xFFFF;
	s2 =	simm.s32 @!p0 $0x1C09  }
0x40a: {  	[timem:s3], [sflag:s2] =	dma.local @!p0 [hbm:s0], s1  }
0x40b: {  	s0 =	simm.s32 @!p0 $0x9  }
0x40c: {  	_ =	swait.ge @!p0 [sflag:s0], s1  }
0x40d: {  	s1 =	ssub.s32 @!p0 $0x0, s1;
	[sflag:s0] =	ssyncset.done @!p0 $0x0  }
0x40e: {  	[sflag:s0] =	ssyncadd.s32 @!p0 s1  }
0x40f: {  	[bflag:$0x3] =	sbarrier.arrive $0xFFFF  }
0x410: {  	_ =	shalt  }

</sc_bundles>
